<compile_context>
chip_gen: v7x
topology: tpu7x:2x2x1
jax: 0.10.2.dev20260603
libtpu: 0.0.44.dev20260713+nightly
codegen_flags: <defaults>
</compile_context>

<pallas_src>
import functools

import jax
import jax.numpy as jnp
import numpy as np
from jax import lax
from jax.experimental import pallas as pl
from jax.experimental.pallas import tpu as pltpu
from jax.experimental.pallas import tpu_sc as plsc

D = 256
NH = 8
NL = 4
NP = 4
HD = D // NH
SPATIAL = [(64, 64), (32, 32), (16, 16), (8, 8)]
STARTS = [0, 4096, 5120, 5376]
LEN_IN = 5440
LQ = 5440
B = 2

QB = 544
M = B * LQ * NH
K = NL * NP * 4
CH = 16
NW = 32
CPW = (M // CH) // NW


def _mm_body(x_ref, wt_ref, b_ref, o_ref):
    o_ref[...] = (
        jnp.dot(x_ref[...], wt_ref[...], preferred_element_type=jnp.float32)
        + b_ref[...]
    )


def _matmul(x, wt, b):
    m, k = x.shape
    n = wt.shape[1]
    grid = m // QB
    return pl.pallas_call(
        _mm_body,
        grid=(grid,),
        in_specs=[
            pl.BlockSpec((QB, k), lambda i: (i, 0)),
            pl.BlockSpec((k, n), lambda i: (0, 0)),
            pl.BlockSpec((1, n), lambda i: (0, 0)),
        ],
        out_specs=pl.BlockSpec((QB, n), lambda i: (i, 0)),
        out_shape=jax.ShapeDtypeStruct((m, n), jnp.float32),
    )(x, wt, b.reshape(1, n))


def _samp_body(q_ref, rpx_ref, rpy_ref, wt_ref, bc_ref, mask_ref,
               sc_ref, wm1_ref, st_ref, hd_ref, idx_ref, w_ref):
    i = pl.program_id(0)
    b = i // (LQ // QB)
    so_aw = (
        jnp.dot(q_ref[...], wt_ref[...], preferred_element_type=jnp.float32)
        + bc_ref[...]
    )
    sox = so_aw[:, 0:128]
    soy = so_aw[:, 128:256]
    ex = jnp.exp(so_aw[:, 256:384])
    attn = ex / jnp.dot(ex, mask_ref[...], preferred_element_type=jnp.float32)

    scale = sc_ref[...]
    wm1 = wm1_ref[...]
    st = st_ref[...]
    hd = hd_ref[...]
    xx = jnp.clip(rpx_ref[...] + sox, 0.0, 1.0) * scale - 0.5
    yy = jnp.clip(rpy_ref[...] + soy, 0.0, 1.0) * scale - 0.5
    xfi = jnp.floor(xx).astype(jnp.int32)
    yfi = jnp.floor(yy).astype(jnp.int32)
    x0 = jnp.clip(xfi, 0, wm1)
    x1 = jnp.clip(xfi + 1, 0, wm1)
    y0 = jnp.clip(yfi, 0, wm1)
    y1 = jnp.clip(yfi + 1, 0, wm1)
    x0f = x0.astype(jnp.float32)
    x1f = x1.astype(jnp.float32)
    y0f = y0.astype(jnp.float32)
    y1f = y1.astype(jnp.float32)
    wa = (x1f - xx) * (y1f - yy) * attn
    wb = (x1f - xx) * (yy - y0f) * attn
    wc = (xx - x0f) * (y1f - yy) * attn
    wd = (xx - x0f) * (yy - y0f) * attn

    wint = wm1 + 1
    base = b * (LEN_IN * NH)

    def gid(yi, xi):
        return (st + yi * wint + xi) * NH + hd + base

    idx_ref[...] = jnp.concatenate(
        [gid(y0, x0), gid(y1, x0), gid(y0, x1), gid(y1, x1)], axis=1)
    w_ref[...] = jnp.concatenate([wa, wb, wc, wd], axis=1)


def _samp_params(qf, rpx, rpy, wt, bc, mask, lane_consts):
    grid = (B * LQ) // QB
    return pl.pallas_call(
        _samp_body,
        grid=(grid,),
        in_specs=[
            pl.BlockSpec((QB, D), lambda i: (i, 0)),
            pl.BlockSpec((QB, 128), lambda i: (i, 0)),
            pl.BlockSpec((QB, 128), lambda i: (i, 0)),
            pl.BlockSpec((D, 384), lambda i: (0, 0)),
            pl.BlockSpec((1, 384), lambda i: (0, 0)),
            pl.BlockSpec((128, 128), lambda i: (0, 0)),
            pl.BlockSpec((1, 128), lambda i: (0, 0)),
            pl.BlockSpec((1, 128), lambda i: (0, 0)),
            pl.BlockSpec((1, 128), lambda i: (0, 0)),
            pl.BlockSpec((1, 128), lambda i: (0, 0)),
        ],
        out_specs=[
            pl.BlockSpec((QB, 512), lambda i: (i, 0)),
            pl.BlockSpec((QB, 512), lambda i: (i, 0)),
        ],
        out_shape=[
            jax.ShapeDtypeStruct((B * LQ, 512), jnp.int32),
            jax.ShapeDtypeStruct((B * LQ, 512), jnp.float32),
        ],
    )(qf, rpx, rpy, wt, bc, mask, *lane_consts)


def _sc_gather(table, idx3, w3):
    mesh = plsc.VectorSubcoreMesh(core_axis_name="c", subcore_axis_name="s")

    @functools.partial(
        pl.kernel,
        out_type=jax.ShapeDtypeStruct((M, HD), jnp.float32),
        mesh=mesh,
        scratch_types=[
            pltpu.VMEM((2, 8, 128), jnp.int32),
            pltpu.VMEM((2, 8, 128), jnp.float32),
            pltpu.VMEM((2, 4, 128, 2 * HD), jnp.float32),
            pltpu.VMEM((CH, HD), jnp.float32),
            pltpu.SemaphoreType.DMA,
            pltpu.SemaphoreType.DMA,
        ],
        compiler_params=pltpu.CompilerParams(use_tc_tiling_on_sc=False),
    )
    def body(table_hbm, idx_hbm, w_hbm, out_hbm, idx_v, w_v, rows_v, out_v,
             sem0, sem1):
        wid = lax.axis_index("s") * 2 + lax.axis_index("c")
        sems = [sem0, sem1]

        def fetch(c, buf):
            pltpu.sync_copy(idx_hbm.at[c], idx_v.at[buf])
            pltpu.sync_copy(w_hbm.at[c], w_v.at[buf])
            for j in range(4):
                pltpu.async_copy(table_hbm.at[idx_v.at[buf, j]],
                                 rows_v.at[buf, j], sems[buf])

        def drain(buf):
            for j in range(4):
                pltpu.make_async_copy(table_hbm.at[idx_v.at[buf, j]],
                                      rows_v.at[buf, j], sems[buf]).wait()

        def compute(c, buf):
            @plsc.parallel_loop(0, 0, 1, unroll=2)
            def row_body(r):
                j = r // 2
                m0 = (r % 2) * 64
                z = jnp.zeros((16,), jnp.float32)
                a0 = [z, z, z, z]
                a1 = [z, z, z, z]
                for g in range(K // 16):
                    w16 = w_v[buf, j, pl.ds(m0 + g * 16, 16)]
                    for t in range(16):
                        k = g * 16 + t
                        ws = w16[t]
                        p = t % 4
                        a0[p] = a0[p] + ws * rows_v[buf, j, m0 + k,
                                                    pl.ds(0, 16)]
                        a1[p] = a1[p] + ws * rows_v[buf, j, m0 + k,
                                                    pl.ds(16, 16)]
                out_v[r, pl.ds(0, 16)] = (a0[0] + a0[1]) + (a0[2] + a0[3])
                out_v[r, pl.ds(16, 16)] = (a1[0] + a1[1]) + (a1[2] + a1[3])

            pltpu.sync_copy(out_v, out_hbm.at[pl.ds(c * CH, CH)])

        c0 = wid * CPW
        fetch(c0, 0)

        def pair_body(i2, carry):
            c = c0 + i2 * 2

            @pl.when(i2 * 2 + 1 < CPW)
            def _():
                fetch(c + 1, 1)

            drain(0)
            compute(c, 0)

            @pl.when(i2 * 2 + 2 < CPW)
            def _():
                fetch(c + 2, 0)

            @pl.when(i2 * 2 + 1 < CPW)
            def _():
                drain(1)
                compute(c + 1, 1)

            return carry

        lax.fori_loop(0, (CPW + 1) // 2, pair_body, 0)

    return body(table, idx3, w3)


def kernel(query, reference_points, input_flatten, input_spatial_shapes,
           input_level_start_index, W_so, b_so, W_aw, b_aw, W_v, b_v, W_o,
           b_o):
    qf = query.reshape(B * LQ, D)

    vf = _matmul(input_flatten.reshape(B * LEN_IN, D), W_v.T, b_v)
    table = vf.reshape(B * LEN_IN * NH, HD)

    wt = jnp.concatenate([W_so[0::2], W_so[1::2], W_aw], axis=0).T
    bc = jnp.concatenate([b_so[0::2], b_so[1::2], b_aw]).reshape(1, 384)
    lane = np.arange(128)
    lvl = (lane % 16) // 4
    wvals = np.array([s[1] for s in SPATIAL], np.float32)
    mask = (lane[:, None] // 16 == lane[None, :] // 16).astype(np.float32)
    lane_consts = (
        jnp.asarray(wvals[lvl].reshape(1, 128)),
        jnp.asarray((wvals[lvl].astype(np.int32) - 1).reshape(1, 128)),
        jnp.asarray(np.array(STARTS, np.int32)[lvl].reshape(1, 128)),
        jnp.asarray((lane // 16).astype(np.int32).reshape(1, 128)),
    )
    rp = reference_points.astype(jnp.float32)
    rpx = jnp.tile(jnp.repeat(rp[..., 0], NP, axis=-1), (1, 1, NH))
    rpy = jnp.tile(jnp.repeat(rp[..., 1], NP, axis=-1), (1, 1, NH))
    idxc, wc_ = _samp_params(
        qf, rpx.reshape(B * LQ, 128), rpy.reshape(B * LQ, 128), wt, bc,
        jnp.asarray(mask), lane_consts)

    idx4 = idxc.reshape(B * LQ, 4, NH, 16).transpose(0, 2, 1, 3)
    w4 = wc_.reshape(B * LQ, 4, NH, 16).transpose(0, 2, 1, 3)
    idx3 = idx4.reshape(M // CH, 8, 128)
    w3 = w4.reshape(M // CH, 8, 128)

    sampled = _sc_gather(table.reshape(M // 2, 2 * HD), idx3 // 2, w3)

    out = _matmul(sampled.reshape(B * LQ, D), W_o.T, b_o)
    return out.reshape(B, LQ, D)

# --- scband reference (transcript-rebuilt; emitter-appended) ---
"""Pipeline reference for scband-msdeform-attn-9371618640483 (READ-ONLY COPY).

The authoritative reference and input builder live on the scoring server;
editing this copy changes nothing except your own understanding.
"""

import jax, jax.numpy as jnp
import numpy as np

D = 256; NH = 8; NL = 4; NP = 4; HD = D // NH
SPATIAL = [(64, 64), (32, 32), (16, 16), (8, 8)]
STARTS = [0, 4096, 5120, 5376]
LEN_IN = 5440
B = 2; LQ = 5440

def _grid_bias():
    thetas = np.arange(NH, dtype=np.float64) * (2.0 * np.pi / NH)
    grid = np.stack([np.cos(thetas), np.sin(thetas)], -1)
    grid = grid / np.abs(grid).max(-1, keepdims=True)
    grid = np.tile(grid.reshape(NH, 1, 1, 2), (1, NL, NP, 1))
    for i in range(NP):
        grid[:, :, i, :] *= (i + 1)
    return jnp.asarray(grid.reshape(-1), jnp.float32)

def setup_inputs(seed: int = 0):
    key = jax.random.key(seed)
    ks = jax.random.split(key, 8)
    inp = {}
    inp['query'] = jax.random.normal(ks[0], (B, LQ, D), jnp.float32)
    inp['reference_points'] = jax.random.uniform(ks[1], (B, LQ, NL, 2), dtype=jnp.float32)
    inp['input_flatten'] = jax.random.normal(ks[2], (B, LEN_IN, D), jnp.float32)
    inp['input_spatial_shapes'] = jnp.asarray(np.array(SPATIAL, dtype=np.int32))
    inp['input_level_start_index'] = jnp.asarray(np.array(STARTS, dtype=np.int32))
    inp['W_so'] = jax.random.normal(ks[3], (NH * NL * NP * 2, D), jnp.float32) * 0.01
    inp['b_so'] = _grid_bias()
    inp['W_aw'] = jax.random.normal(ks[4], (NH * NL * NP, D), jnp.float32) * 0.01
    inp['b_aw'] = jnp.zeros((NH * NL * NP,), jnp.float32)
    inp['W_v'] = jax.random.normal(ks[5], (D, D), jnp.float32) * (1.0 / np.sqrt(D))
    inp['b_v'] = jnp.zeros((D,), jnp.float32)
    inp['W_o'] = jax.random.normal(ks[6], (D, D), jnp.float32) * (1.0 / np.sqrt(D))
    inp['b_o'] = jnp.zeros((D,), jnp.float32)
    return inp

def _forward(query, reference_points, input_flatten, spatial_np, starts_np, W_so, b_so, W_aw, b_aw, W_v, b_v, W_o, b_o):
    N, Lq, _ = query.shape
    _, Len_in, _ = input_flatten.shape
    value = (input_flatten @ W_v.T + b_v).reshape(N, Len_in, NH, HD)
    so = (query @ W_so.T + b_so).reshape(N, Lq, NH, NL, NP, 2)
    aw = (query @ W_aw.T + b_aw).reshape(N, Lq, NH, NL * NP)
    aw = jax.nn.softmax(aw, axis=-1)
    loc = reference_points[:, :, None, :, None, :] + so
    loc = jnp.clip(loc.reshape(N, Lq, NH, NL * NP, 2), 0.0, 1.0)
    outs = []
    for level in range(NL):
        h_static, w_static = SPATIAL[level]
        h = spatial_np[level, 0]; w = spatial_np[level, 1]
        s = starts_np[level]
        lv = jax.lax.dynamic_slice_in_dim(value, s, h_static * w_static, axis=1).reshape(N, h_static * w_static, NH, HD)
        vt = jnp.transpose(lv, (0, 2, 1, 3))
        wh = jnp.stack([w, h]).astype(jnp.float32)
        ll = loc[:, :, :, level * NP:(level + 1) * NP, :] * wh - 0.5
        x = ll[..., 0]; y = ll[..., 1]
        x0 = jnp.clip(jnp.floor(x).astype(jnp.int32), 0, w - 1)
        x1 = jnp.clip(jnp.floor(x).astype(jnp.int32) + 1, 0, w - 1)
        y0 = jnp.clip(jnp.floor(y).astype(jnp.int32), 0, h - 1)
        y1 = jnp.clip(jnp.floor(y).astype(jnp.int32) + 1, 0, h - 1)
        x0f = x0.astype(jnp.float32); x1f = x1.astype(jnp.float32)
        y0f = y0.astype(jnp.float32); y1f = y1.astype(jnp.float32)
        wa = ((x1f - x) * (y1f - y))[..., None]
        wb = ((x1f - x) * (y - y0f))[..., None]
        wc = ((x - x0f) * (y1f - y))[..., None]
        wd = ((x - x0f) * (y - y0f))[..., None]
        def gather(yi, xi):
            idx = yi * w + xi
            idx = jnp.transpose(idx, (0, 2, 1, 3)).reshape(N, NH, Lq * NP)
            g = jnp.take_along_axis(vt, idx[..., None], axis=2)
            return jnp.transpose(g.reshape(N, NH, Lq, NP, HD), (0, 2, 1, 3, 4))
        va = gather(y0, x0); vb = gather(y1, x0); vc = gather(y0, x1); vd = gather(y1, x1)
        outs.append(wa * va + wb * vb + wc * vc + wd * vd)
    sampled = jnp.concatenate(outs, axis=3)
    out = jnp.sum(aw[..., None] * sampled, axis=3).reshape(N, Lq, D)
    return out @ W_o.T + b_o

def reference(query, reference_points, input_flatten, input_spatial_shapes, input_level_start_index, W_so, b_so, W_aw, b_aw, W_v, b_v, W_o, b_o):
    return _forward(query, reference_points, input_flatten, input_spatial_shapes, input_level_start_index, W_so, b_so, W_aw, b_aw, W_v, b_v, W_o, b_o)

if __name__ == "__main__":
    import jax
    _d = setup_inputs()
    print(jax.jit(kernel)(*tuple(_d.values())))

</pallas_src>

<mosaic_0001>
#map = affine_map<(d0, d1) -> (0, 0)>
#map1 = affine_map<(d0, d1) -> (0, 0, 0)>
module attributes {stable_mosaic.version = 14 : i64} {
  func.func @body(%arg0: i32, %arg1: i32, %arg2: memref<43520x64xf32, #tpu.memory_space<hbm>>, %arg3: memref<5440x8x128xi32, #tpu.memory_space<hbm>>, %arg4: memref<5440x8x128xf32, #tpu.memory_space<hbm>>, %arg5: memref<87040x32xf32, #tpu.memory_space<hbm>>, %arg6: memref<2x8x128xi32, #tpu.memory_space<vmem>>, %arg7: memref<2x8x128xf32, #tpu.memory_space<vmem>>, %arg8: memref<2x4x128x64xf32, #tpu.memory_space<vmem>>, %arg9: memref<16x32xf32, #tpu.memory_space<vmem>>, %arg10: memref<!tpu.dma_semaphore, #tpu.memory_space<semaphore_mem>>, %arg11: memref<!tpu.dma_semaphore, #tpu.memory_space<semaphore_mem>>) attributes {dimension_semantics = [#tpu.dimension_semantics<core_parallel>, #tpu.dimension_semantics<subcore_parallel>], iteration_bounds = array<i64: 2, 16>, scalar_prefetch = 0 : i64, scratch_operands = 6 : i64, tpu.core_type = #tpu.core_type<sc_vector_subcore>, window_params = [{transform_indices = #map}, {transform_indices = #map1}, {transform_indices = #map1}, {transform_indices = #map}]} {
    %mul3A = arith.constant 2 : i32
    %mul3A_0 = arith.muli %arg1, %mul3A : i32
    %add3A = arith.addi %mul3A_0, %arg0 : i32
    %mul3A_1 = arith.constant 170 : i32
    %mul3A_2 = arith.muli %add3A, %mul3A_1 : i32
    %run_scoped3A = arith.constant 0 : i32
    "tpu.region"() ({
      %run_scoped3A_64 = tpu.sem_alloc : memref<!tpu.dma_semaphore, #tpu.memory_space<semaphore_mem>>
      %dma_start3A_65 = arith.constant 0 : i32
      %dma_start3A_66 = arith.constant 0 : i32
      %dma_start3A_67 = tpu.memref_slice %arg6[%run_scoped3A, %dma_start3A_65, %dma_start3A_66] : memref<2x8x128xi32, #tpu.memory_space<vmem>> -> memref<1x8x128xi32, #tpu.memory_space<vmem>>
      %dma_start3A_68 = tpu.memref_squeeze %dma_start3A_67 : memref<1x8x128xi32, #tpu.memory_space<vmem>> -> memref<8x128xi32, #tpu.memory_space<vmem>>
      %dma_start3A_69 = arith.constant 0 : i32
      %dma_start3A_70 = arith.constant 0 : i32
      %dma_start3A_71 = tpu.memref_slice %arg3[%mul3A_2, %dma_start3A_69, %dma_start3A_70] : memref<5440x8x128xi32, #tpu.memory_space<hbm>> -> memref<1x8x128xi32, #tpu.memory_space<hbm>>
      %dma_start3A_72 = tpu.memref_squeeze %dma_start3A_71 : memref<1x8x128xi32, #tpu.memory_space<hbm>> -> memref<8x128xi32, #tpu.memory_space<hbm>>
      %dma_start3A_73 = arith.constant 0 : i32
      %dma_start3A_74 = arith.constant 0 : i32
      %dma_start3A_75 = tpu.memref_slice %arg6[%run_scoped3A, %dma_start3A_73, %dma_start3A_74] : memref<2x8x128xi32, #tpu.memory_space<vmem>> -> memref<1x8x128xi32, #tpu.memory_space<vmem>>
      %dma_start3A_76 = tpu.memref_squeeze %dma_start3A_75 : memref<1x8x128xi32, #tpu.memory_space<vmem>> -> memref<8x128xi32, #tpu.memory_space<vmem>>
      %dma_start3A_77 = arith.constant 0 : i32
      %dma_start3A_78 = arith.constant 0 : i32
      %dma_start3A_79 = tpu.memref_slice %arg3[%mul3A_2, %dma_start3A_77, %dma_start3A_78] : memref<5440x8x128xi32, #tpu.memory_space<hbm>> -> memref<1x8x128xi32, #tpu.memory_space<hbm>>
      %dma_start3A_80 = tpu.memref_squeeze %dma_start3A_79 : memref<1x8x128xi32, #tpu.memory_space<hbm>> -> memref<8x128xi32, #tpu.memory_space<hbm>>
      tpu.enqueue_dma source(%dma_start3A_80 : memref<8x128xi32, #tpu.memory_space<hbm>>) target(%dma_start3A_76 : memref<8x128xi32, #tpu.memory_space<vmem>>) target_semaphore(%run_scoped3A_64 : memref<!tpu.dma_semaphore, #tpu.memory_space<semaphore_mem>>)
      %dma_wait3A = arith.constant 0 : i32
      %dma_wait3A_81 = arith.constant 0 : i32
      %dma_wait3A_82 = tpu.memref_slice %arg6[%run_scoped3A, %dma_wait3A, %dma_wait3A_81] : memref<2x8x128xi32, #tpu.memory_space<vmem>> -> memref<1x8x128xi32, #tpu.memory_space<vmem>>
      %dma_wait3A_83 = tpu.memref_squeeze %dma_wait3A_82 : memref<1x8x128xi32, #tpu.memory_space<vmem>> -> memref<8x128xi32, #tpu.memory_space<vmem>>
      %dma_wait3A_84 = arith.constant 0 : i32
      %dma_wait3A_85 = arith.constant 0 : i32
      %dma_wait3A_86 = tpu.memref_slice %arg3[%mul3A_2, %dma_wait3A_84, %dma_wait3A_85] : memref<5440x8x128xi32, #tpu.memory_space<hbm>> -> memref<1x8x128xi32, #tpu.memory_space<hbm>>
      %dma_wait3A_87 = tpu.memref_squeeze %dma_wait3A_86 : memref<1x8x128xi32, #tpu.memory_space<hbm>> -> memref<8x128xi32, #tpu.memory_space<hbm>>
      %dma_wait3A_88 = arith.constant 0 : i32
      %dma_wait3A_89 = arith.constant 0 : i32
      %dma_wait3A_90 = tpu.memref_slice %arg6[%run_scoped3A, %dma_wait3A_88, %dma_wait3A_89] : memref<2x8x128xi32, #tpu.memory_space<vmem>> -> memref<1x8x128xi32, #tpu.memory_space<vmem>>
      %dma_wait3A_91 = tpu.memref_squeeze %dma_wait3A_90 : memref<1x8x128xi32, #tpu.memory_space<vmem>> -> memref<8x128xi32, #tpu.memory_space<vmem>>
      %dma_wait3A_92 = arith.constant 0 : i32
      %dma_wait3A_93 = arith.constant 0 : i32
      %dma_wait3A_94 = tpu.memref_slice %arg3[%mul3A_2, %dma_wait3A_92, %dma_wait3A_93] : memref<5440x8x128xi32, #tpu.memory_space<hbm>> -> memref<1x8x128xi32, #tpu.memory_space<hbm>>
      %dma_wait3A_95 = tpu.memref_squeeze %dma_wait3A_94 : memref<1x8x128xi32, #tpu.memory_space<hbm>> -> memref<8x128xi32, #tpu.memory_space<hbm>>
      tpu.wait_dma2 semaphore(%run_scoped3A_64 : memref<!tpu.dma_semaphore, #tpu.memory_space<semaphore_mem>>) src(%dma_wait3A_95 : memref<8x128xi32, #tpu.memory_space<hbm>>) dst(%dma_wait3A_91 : memref<8x128xi32, #tpu.memory_space<vmem>>)
      tpu.yield
    }) : () -> ()
    %run_scoped3A_3 = arith.constant 0 : i32
    "tpu.region"() ({
      %run_scoped3A_64 = tpu.sem_alloc : memref<!tpu.dma_semaphore, #tpu.memory_space<semaphore_mem>>
      %dma_start3A_65 = arith.constant 0 : i32
      %dma_start3A_66 = arith.constant 0 : i32
      %dma_start3A_67 = tpu.memref_slice %arg7[%run_scoped3A_3, %dma_start3A_65, %dma_start3A_66] : memref<2x8x128xf32, #tpu.memory_space<vmem>> -> memref<1x8x128xf32, #tpu.memory_space<vmem>>
      %dma_start3A_68 = tpu.memref_squeeze %dma_start3A_67 : memref<1x8x128xf32, #tpu.memory_space<vmem>> -> memref<8x128xf32, #tpu.memory_space<vmem>>
      %dma_start3A_69 = arith.constant 0 : i32
      %dma_start3A_70 = arith.constant 0 : i32
      %dma_start3A_71 = tpu.memref_slice %arg4[%mul3A_2, %dma_start3A_69, %dma_start3A_70] : memref<5440x8x128xf32, #tpu.memory_space<hbm>> -> memref<1x8x128xf32, #tpu.memory_space<hbm>>
      %dma_start3A_72 = tpu.memref_squeeze %dma_start3A_71 : memref<1x8x128xf32, #tpu.memory_space<hbm>> -> memref<8x128xf32, #tpu.memory_space<hbm>>
      %dma_start3A_73 = arith.constant 0 : i32
      %dma_start3A_74 = arith.constant 0 : i32
      %dma_start3A_75 = tpu.memref_slice %arg7[%run_scoped3A_3, %dma_start3A_73, %dma_start3A_74] : memref<2x8x128xf32, #tpu.memory_space<vmem>> -> memref<1x8x128xf32, #tpu.memory_space<vmem>>
      %dma_start3A_76 = tpu.memref_squeeze %dma_start3A_75 : memref<1x8x128xf32, #tpu.memory_space<vmem>> -> memref<8x128xf32, #tpu.memory_space<vmem>>
      %dma_start3A_77 = arith.constant 0 : i32
      %dma_start3A_78 = arith.constant 0 : i32
      %dma_start3A_79 = tpu.memref_slice %arg4[%mul3A_2, %dma_start3A_77, %dma_start3A_78] : memref<5440x8x128xf32, #tpu.memory_space<hbm>> -> memref<1x8x128xf32, #tpu.memory_space<hbm>>
      %dma_start3A_80 = tpu.memref_squeeze %dma_start3A_79 : memref<1x8x128xf32, #tpu.memory_space<hbm>> -> memref<8x128xf32, #tpu.memory_space<hbm>>
      tpu.enqueue_dma source(%dma_start3A_80 : memref<8x128xf32, #tpu.memory_space<hbm>>) target(%dma_start3A_76 : memref<8x128xf32, #tpu.memory_space<vmem>>) target_semaphore(%run_scoped3A_64 : memref<!tpu.dma_semaphore, #tpu.memory_space<semaphore_mem>>)
      %dma_wait3A = arith.constant 0 : i32
      %dma_wait3A_81 = arith.constant 0 : i32
      %dma_wait3A_82 = tpu.memref_slice %arg7[%run_scoped3A_3, %dma_wait3A, %dma_wait3A_81] : memref<2x8x128xf32, #tpu.memory_space<vmem>> -> memref<1x8x128xf32, #tpu.memory_space<vmem>>
      %dma_wait3A_83 = tpu.memref_squeeze %dma_wait3A_82 : memref<1x8x128xf32, #tpu.memory_space<vmem>> -> memref<8x128xf32, #tpu.memory_space<vmem>>
      %dma_wait3A_84 = arith.constant 0 : i32
      %dma_wait3A_85 = arith.constant 0 : i32
      %dma_wait3A_86 = tpu.memref_slice %arg4[%mul3A_2, %dma_wait3A_84, %dma_wait3A_85] : memref<5440x8x128xf32, #tpu.memory_space<hbm>> -> memref<1x8x128xf32, #tpu.memory_space<hbm>>
      %dma_wait3A_87 = tpu.memref_squeeze %dma_wait3A_86 : memref<1x8x128xf32, #tpu.memory_space<hbm>> -> memref<8x128xf32, #tpu.memory_space<hbm>>
      %dma_wait3A_88 = arith.constant 0 : i32
      %dma_wait3A_89 = arith.constant 0 : i32
      %dma_wait3A_90 = tpu.memref_slice %arg7[%run_scoped3A_3, %dma_wait3A_88, %dma_wait3A_89] : memref<2x8x128xf32, #tpu.memory_space<vmem>> -> memref<1x8x128xf32, #tpu.memory_space<vmem>>
      %dma_wait3A_91 = tpu.memref_squeeze %dma_wait3A_90 : memref<1x8x128xf32, #tpu.memory_space<vmem>> -> memref<8x128xf32, #tpu.memory_space<vmem>>
      %dma_wait3A_92 = arith.constant 0 : i32
      %dma_wait3A_93 = arith.constant 0 : i32
      %dma_wait3A_94 = tpu.memref_slice %arg4[%mul3A_2, %dma_wait3A_92, %dma_wait3A_93] : memref<5440x8x128xf32, #tpu.memory_space<hbm>> -> memref<1x8x128xf32, #tpu.memory_space<hbm>>
      %dma_wait3A_95 = tpu.memref_squeeze %dma_wait3A_94 : memref<1x8x128xf32, #tpu.memory_space<hbm>> -> memref<8x128xf32, #tpu.memory_space<hbm>>
      tpu.wait_dma2 semaphore(%run_scoped3A_64 : memref<!tpu.dma_semaphore, #tpu.memory_space<semaphore_mem>>) src(%dma_wait3A_95 : memref<8x128xf32, #tpu.memory_space<hbm>>) dst(%dma_wait3A_91 : memref<8x128xf32, #tpu.memory_space<vmem>>)
      tpu.yield
    }) : () -> ()
    %dma_start3A = arith.constant 0 : i32
    %dma_start3A_4 = arith.constant 0 : i32
    %dma_start3A_5 = arith.constant 0 : i32
    %dma_start3A_6 = arith.constant 0 : i32
    %dma_start3A_7 = arith.constant 0 : i32
    %dma_start3A_8 = arith.constant 0 : i32
    %dma_start3A_9 = tpu.memref_slice %arg8[%dma_start3A_5, %dma_start3A_6, %dma_start3A_7, %dma_start3A_8] : memref<2x4x128x64xf32, #tpu.memory_space<vmem>> -> memref<1x1x128x64xf32, #tpu.memory_space<vmem>>
    %dma_start3A_10 = tpu.memref_squeeze %dma_start3A_9 : memref<1x1x128x64xf32, #tpu.memory_space<vmem>> -> memref<128x64xf32, #tpu.memory_space<vmem>>
    %dma_start3A_11 = arith.constant 0 : i32
    %dma_start3A_12 = tpu.memref_slice %arg6[%dma_start3A, %dma_start3A_4, %dma_start3A_11] : memref<2x8x128xi32, #tpu.memory_space<vmem>> -> memref<1x1x128xi32, #tpu.memory_space<vmem>>
    %dma_start3A_13 = tpu.memref_squeeze %dma_start3A_12 : memref<1x1x128xi32, #tpu.memory_space<vmem>> -> memref<128xi32, #tpu.memory_space<vmem>>
    %dma_start3A_14 = arith.constant 0 : i32
    %dma_start3A_15 = arith.constant 0 : i32
    %dma_start3A_16 = tpu.memref_slice %arg2[%dma_start3A_14, %dma_start3A_15] : memref<43520x64xf32, #tpu.memory_space<hbm>> -> memref<43520x64xf32, #tpu.memory_space<hbm>>
    tpu.enqueue_indirect_dma source(%dma_start3A_16 : memref<43520x64xf32, #tpu.memory_space<hbm>>) target(%dma_start3A_10 : memref<128x64xf32, #tpu.memory_space<vmem>>) offsets(%dma_start3A_13 : memref<128xi32, #tpu.memory_space<vmem>>) semaphore(%arg10 : memref<!tpu.dma_semaphore, #tpu.memory_space<semaphore_mem>>)
    %dma_start3A_17 = arith.constant 0 : i32
    %dma_start3A_18 = arith.constant 1 : i32
    %dma_start3A_19 = arith.constant 0 : i32
    %dma_start3A_20 = arith.constant 1 : i32
    %dma_start3A_21 = arith.constant 0 : i32
    %dma_start3A_22 = arith.constant 0 : i32
    %dma_start3A_23 = tpu.memref_slice %arg8[%dma_start3A_19, %dma_start3A_20, %dma_start3A_21, %dma_start3A_22] : memref<2x4x128x64xf32, #tpu.memory_space<vmem>> -> memref<1x1x128x64xf32, #tpu.memory_space<vmem>>
    %dma_start3A_24 = tpu.memref_squeeze %dma_start3A_23 : memref<1x1x128x64xf32, #tpu.memory_space<vmem>> -> memref<128x64xf32, #tpu.memory_space<vmem>>
    %dma_start3A_25 = arith.constant 0 : i32
    %dma_start3A_26 = tpu.memref_slice %arg6[%dma_start3A_17, %dma_start3A_18, %dma_start3A_25] : memref<2x8x128xi32, #tpu.memory_space<vmem>> -> memref<1x1x128xi32, #tpu.memory_space<vmem>>
    %dma_start3A_27 = tpu.memref_squeeze %dma_start3A_26 : memref<1x1x128xi32, #tpu.memory_space<vmem>> -> memref<128xi32, #tpu.memory_space<vmem>>
    %dma_start3A_28 = arith.constant 0 : i32
    %dma_start3A_29 = arith.constant 0 : i32
    %dma_start3A_30 = tpu.memref_slice %arg2[%dma_start3A_28, %dma_start3A_29] : memref<43520x64xf32, #tpu.memory_space<hbm>> -> memref<43520x64xf32, #tpu.memory_space<hbm>>
    tpu.enqueue_indirect_dma source(%dma_start3A_30 : memref<43520x64xf32, #tpu.memory_space<hbm>>) target(%dma_start3A_24 : memref<128x64xf32, #tpu.memory_space<vmem>>) offsets(%dma_start3A_27 : memref<128xi32, #tpu.memory_space<vmem>>) semaphore(%arg10 : memref<!tpu.dma_semaphore, #tpu.memory_space<semaphore_mem>>)
    %dma_start3A_31 = arith.constant 0 : i32
    %dma_start3A_32 = arith.constant 2 : i32
    %dma_start3A_33 = arith.constant 0 : i32
    %dma_start3A_34 = arith.constant 2 : i32
    %dma_start3A_35 = arith.constant 0 : i32
    %dma_start3A_36 = arith.constant 0 : i32
    %dma_start3A_37 = tpu.memref_slice %arg8[%dma_start3A_33, %dma_start3A_34, %dma_start3A_35, %dma_start3A_36] : memref<2x4x128x64xf32, #tpu.memory_space<vmem>> -> memref<1x1x128x64xf32, #tpu.memory_space<vmem>>
    %dma_start3A_38 = tpu.memref_squeeze %dma_start3A_37 : memref<1x1x128x64xf32, #tpu.memory_space<vmem>> -> memref<128x64xf32, #tpu.memory_space<vmem>>
    %dma_start3A_39 = arith.constant 0 : i32
    %dma_start3A_40 = tpu.memref_slice %arg6[%dma_start3A_31, %dma_start3A_32, %dma_start3A_39] : memref<2x8x128xi32, #tpu.memory_space<vmem>> -> memref<1x1x128xi32, #tpu.memory_space<vmem>>
    %dma_start3A_41 = tpu.memref_squeeze %dma_start3A_40 : memref<1x1x128xi32, #tpu.memory_space<vmem>> -> memref<128xi32, #tpu.memory_space<vmem>>
    %dma_start3A_42 = arith.constant 0 : i32
    %dma_start3A_43 = arith.constant 0 : i32
    %dma_start3A_44 = tpu.memref_slice %arg2[%dma_start3A_42, %dma_start3A_43] : memref<43520x64xf32, #tpu.memory_space<hbm>> -> memref<43520x64xf32, #tpu.memory_space<hbm>>
    tpu.enqueue_indirect_dma source(%dma_start3A_44 : memref<43520x64xf32, #tpu.memory_space<hbm>>) target(%dma_start3A_38 : memref<128x64xf32, #tpu.memory_space<vmem>>) offsets(%dma_start3A_41 : memref<128xi32, #tpu.memory_space<vmem>>) semaphore(%arg10 : memref<!tpu.dma_semaphore, #tpu.memory_space<semaphore_mem>>)
    %dma_start3A_45 = arith.constant 0 : i32
    %dma_start3A_46 = arith.constant 3 : i32
    %dma_start3A_47 = arith.constant 0 : i32
    %dma_start3A_48 = arith.constant 3 : i32
    %dma_start3A_49 = arith.constant 0 : i32
    %dma_start3A_50 = arith.constant 0 : i32
    %dma_start3A_51 = tpu.memref_slice %arg8[%dma_start3A_47, %dma_start3A_48, %dma_start3A_49, %dma_start3A_50] : memref<2x4x128x64xf32, #tpu.memory_space<vmem>> -> memref<1x1x128x64xf32, #tpu.memory_space<vmem>>
    %dma_start3A_52 = tpu.memref_squeeze %dma_start3A_51 : memref<1x1x128x64xf32, #tpu.memory_space<vmem>> -> memref<128x64xf32, #tpu.memory_space<vmem>>
    %dma_start3A_53 = arith.constant 0 : i32
    %dma_start3A_54 = tpu.memref_slice %arg6[%dma_start3A_45, %dma_start3A_46, %dma_start3A_53] : memref<2x8x128xi32, #tpu.memory_space<vmem>> -> memref<1x1x128xi32, #tpu.memory_space<vmem>>
    %dma_start3A_55 = tpu.memref_squeeze %dma_start3A_54 : memref<1x1x128xi32, #tpu.memory_space<vmem>> -> memref<128xi32, #tpu.memory_space<vmem>>
    %dma_start3A_56 = arith.constant 0 : i32
    %dma_start3A_57 = arith.constant 0 : i32
    %dma_start3A_58 = tpu.memref_slice %arg2[%dma_start3A_56, %dma_start3A_57] : memref<43520x64xf32, #tpu.memory_space<hbm>> -> memref<43520x64xf32, #tpu.memory_space<hbm>>
    tpu.enqueue_indirect_dma source(%dma_start3A_58 : memref<43520x64xf32, #tpu.memory_space<hbm>>) target(%dma_start3A_52 : memref<128x64xf32, #tpu.memory_space<vmem>>) offsets(%dma_start3A_55 : memref<128xi32, #tpu.memory_space<vmem>>) semaphore(%arg10 : memref<!tpu.dma_semaphore, #tpu.memory_space<semaphore_mem>>)
    %scan3A = arith.constant 0 : i32
    %scan3A_59 = arith.constant 0 : i32
    %scan3A_60 = arith.constant 85 : i32
    %scan3A_61 = arith.addi %scan3A_59, %scan3A_60 : i32
    %scan3A_62 = arith.constant 1 : i32
    scf.for %scan3A_64 = %scan3A_59 to %scan3A_61 step %scan3A_62  : i32 {
      %mul3A_65 = arith.constant 2 : i32
      %mul3A_66 = arith.muli %scan3A_64, %mul3A_65 : i32
      %add3A_67 = arith.addi %mul3A_2, %mul3A_66 : i32
      %mul3A_68 = arith.constant 2 : i32
      %mul3A_69 = arith.muli %scan3A_64, %mul3A_68 : i32
      %add3A_70 = arith.constant 1 : i32
      %add3A_71 = arith.addi %mul3A_69, %add3A_70 : i32
      %lt3A = arith.constant 170 : i32
      %lt3A_72 = arith.cmpi slt, %add3A_71, %lt3A : i32
      %convert_element_type3A = arith.extui %lt3A_72 : i1 to i32
      %cond3A = arith.constant 0 : i32
      %cond3A_73 = arith.cmpi ne, %convert_element_type3A, %cond3A : i32
      scf.if %cond3A_73 {
        %add3A_151 = arith.constant 1 : i32
        %add3A_152 = arith.addi %add3A_67, %add3A_151 : i32
        %run_scoped3A_153 = arith.constant 1 : i32
        "tpu.region"() ({
          %run_scoped3A_211 = tpu.sem_alloc : memref<!tpu.dma_semaphore, #tpu.memory_space<semaphore_mem>>
          %dma_start3A_212 = arith.constant 0 : i32
          %dma_start3A_213 = arith.constant 0 : i32
          %dma_start3A_214 = tpu.memref_slice %arg6[%run_scoped3A_153, %dma_start3A_212, %dma_start3A_213] : memref<2x8x128xi32, #tpu.memory_space<vmem>> -> memref<1x8x128xi32, #tpu.memory_space<vmem>>
          %dma_start3A_215 = tpu.memref_squeeze %dma_start3A_214 : memref<1x8x128xi32, #tpu.memory_space<vmem>> -> memref<8x128xi32, #tpu.memory_space<vmem>>
          %dma_start3A_216 = arith.constant 0 : i32
          %dma_start3A_217 = arith.constant 0 : i32
          %dma_start3A_218 = tpu.memref_slice %arg3[%add3A_152, %dma_start3A_216, %dma_start3A_217] : memref<5440x8x128xi32, #tpu.memory_space<hbm>> -> memref<1x8x128xi32, #tpu.memory_space<hbm>>
          %dma_start3A_219 = tpu.memref_squeeze %dma_start3A_218 : memref<1x8x128xi32, #tpu.memory_space<hbm>> -> memref<8x128xi32, #tpu.memory_space<hbm>>
          %dma_start3A_220 = arith.constant 0 : i32
          %dma_start3A_221 = arith.constant 0 : i32
          %dma_start3A_222 = tpu.memref_slice %arg6[%run_scoped3A_153, %dma_start3A_220, %dma_start3A_221] : memref<2x8x128xi32, #tpu.memory_space<vmem>> -> memref<1x8x128xi32, #tpu.memory_space<vmem>>
          %dma_start3A_223 = tpu.memref_squeeze %dma_start3A_222 : memref<1x8x128xi32, #tpu.memory_space<vmem>> -> memref<8x128xi32, #tpu.memory_space<vmem>>
          %dma_start3A_224 = arith.constant 0 : i32
          %dma_start3A_225 = arith.constant 0 : i32
          %dma_start3A_226 = tpu.memref_slice %arg3[%add3A_152, %dma_start3A_224, %dma_start3A_225] : memref<5440x8x128xi32, #tpu.memory_space<hbm>> -> memref<1x8x128xi32, #tpu.memory_space<hbm>>
          %dma_start3A_227 = tpu.memref_squeeze %dma_start3A_226 : memref<1x8x128xi32, #tpu.memory_space<hbm>> -> memref<8x128xi32, #tpu.memory_space<hbm>>
          tpu.enqueue_dma source(%dma_start3A_227 : memref<8x128xi32, #tpu.memory_space<hbm>>) target(%dma_start3A_223 : memref<8x128xi32, #tpu.memory_space<vmem>>) target_semaphore(%run_scoped3A_211 : memref<!tpu.dma_semaphore, #tpu.memory_space<semaphore_mem>>)
          %dma_wait3A_228 = arith.constant 0 : i32
          %dma_wait3A_229 = arith.constant 0 : i32
          %dma_wait3A_230 = tpu.memref_slice %arg6[%run_scoped3A_153, %dma_wait3A_228, %dma_wait3A_229] : memref<2x8x128xi32, #tpu.memory_space<vmem>> -> memref<1x8x128xi32, #tpu.memory_space<vmem>>
          %dma_wait3A_231 = tpu.memref_squeeze %dma_wait3A_230 : memref<1x8x128xi32, #tpu.memory_space<vmem>> -> memref<8x128xi32, #tpu.memory_space<vmem>>
          %dma_wait3A_232 = arith.constant 0 : i32
          %dma_wait3A_233 = arith.constant 0 : i32
          %dma_wait3A_234 = tpu.memref_slice %arg3[%add3A_152, %dma_wait3A_232, %dma_wait3A_233] : memref<5440x8x128xi32, #tpu.memory_space<hbm>> -> memref<1x8x128xi32, #tpu.memory_space<hbm>>
          %dma_wait3A_235 = tpu.memref_squeeze %dma_wait3A_234 : memref<1x8x128xi32, #tpu.memory_space<hbm>> -> memref<8x128xi32, #tpu.memory_space<hbm>>
          %dma_wait3A_236 = arith.constant 0 : i32
          %dma_wait3A_237 = arith.constant 0 : i32
          %dma_wait3A_238 = tpu.memref_slice %arg6[%run_scoped3A_153, %dma_wait3A_236, %dma_wait3A_237] : memref<2x8x128xi32, #tpu.memory_space<vmem>> -> memref<1x8x128xi32, #tpu.memory_space<vmem>>
          %dma_wait3A_239 = tpu.memref_squeeze %dma_wait3A_238 : memref<1x8x128xi32, #tpu.memory_space<vmem>> -> memref<8x128xi32, #tpu.memory_space<vmem>>
          %dma_wait3A_240 = arith.constant 0 : i32
          %dma_wait3A_241 = arith.constant 0 : i32
          %dma_wait3A_242 = tpu.memref_slice %arg3[%add3A_152, %dma_wait3A_240, %dma_wait3A_241] : memref<5440x8x128xi32, #tpu.memory_space<hbm>> -> memref<1x8x128xi32, #tpu.memory_space<hbm>>
          %dma_wait3A_243 = tpu.memref_squeeze %dma_wait3A_242 : memref<1x8x128xi32, #tpu.memory_space<hbm>> -> memref<8x128xi32, #tpu.memory_space<hbm>>
          tpu.wait_dma2 semaphore(%run_scoped3A_211 : memref<!tpu.dma_semaphore, #tpu.memory_space<semaphore_mem>>) src(%dma_wait3A_243 : memref<8x128xi32, #tpu.memory_space<hbm>>) dst(%dma_wait3A_239 : memref<8x128xi32, #tpu.memory_space<vmem>>)
          tpu.yield
        }) : () -> ()
        %run_scoped3A_154 = arith.constant 1 : i32
        "tpu.region"() ({
          %run_scoped3A_211 = tpu.sem_alloc : memref<!tpu.dma_semaphore, #tpu.memory_space<semaphore_mem>>
          %dma_start3A_212 = arith.constant 0 : i32
          %dma_start3A_213 = arith.constant 0 : i32
          %dma_start3A_214 = tpu.memref_slice %arg7[%run_scoped3A_154, %dma_start3A_212, %dma_start3A_213] : memref<2x8x128xf32, #tpu.memory_space<vmem>> -> memref<1x8x128xf32, #tpu.memory_space<vmem>>
          %dma_start3A_215 = tpu.memref_squeeze %dma_start3A_214 : memref<1x8x128xf32, #tpu.memory_space<vmem>> -> memref<8x128xf32, #tpu.memory_space<vmem>>
          %dma_start3A_216 = arith.constant 0 : i32
          %dma_start3A_217 = arith.constant 0 : i32
          %dma_start3A_218 = tpu.memref_slice %arg4[%add3A_152, %dma_start3A_216, %dma_start3A_217] : memref<5440x8x128xf32, #tpu.memory_space<hbm>> -> memref<1x8x128xf32, #tpu.memory_space<hbm>>
          %dma_start3A_219 = tpu.memref_squeeze %dma_start3A_218 : memref<1x8x128xf32, #tpu.memory_space<hbm>> -> memref<8x128xf32, #tpu.memory_space<hbm>>
          %dma_start3A_220 = arith.constant 0 : i32
          %dma_start3A_221 = arith.constant 0 : i32
          %dma_start3A_222 = tpu.memref_slice %arg7[%run_scoped3A_154, %dma_start3A_220, %dma_start3A_221] : memref<2x8x128xf32, #tpu.memory_space<vmem>> -> memref<1x8x128xf32, #tpu.memory_space<vmem>>
          %dma_start3A_223 = tpu.memref_squeeze %dma_start3A_222 : memref<1x8x128xf32, #tpu.memory_space<vmem>> -> memref<8x128xf32, #tpu.memory_space<vmem>>
          %dma_start3A_224 = arith.constant 0 : i32
          %dma_start3A_225 = arith.constant 0 : i32
          %dma_start3A_226 = tpu.memref_slice %arg4[%add3A_152, %dma_start3A_224, %dma_start3A_225] : memref<5440x8x128xf32, #tpu.memory_space<hbm>> -> memref<1x8x128xf32, #tpu.memory_space<hbm>>
          %dma_start3A_227 = tpu.memref_squeeze %dma_start3A_226 : memref<1x8x128xf32, #tpu.memory_space<hbm>> -> memref<8x128xf32, #tpu.memory_space<hbm>>
          tpu.enqueue_dma source(%dma_start3A_227 : memref<8x128xf32, #tpu.memory_space<hbm>>) target(%dma_start3A_223 : memref<8x128xf32, #tpu.memory_space<vmem>>) target_semaphore(%run_scoped3A_211 : memref<!tpu.dma_semaphore, #tpu.memory_space<semaphore_mem>>)
          %dma_wait3A_228 = arith.constant 0 : i32
          %dma_wait3A_229 = arith.constant 0 : i32
          %dma_wait3A_230 = tpu.memref_slice %arg7[%run_scoped3A_154, %dma_wait3A_228, %dma_wait3A_229] : memref<2x8x128xf32, #tpu.memory_space<vmem>> -> memref<1x8x128xf32, #tpu.memory_space<vmem>>
          %dma_wait3A_231 = tpu.memref_squeeze %dma_wait3A_230 : memref<1x8x128xf32, #tpu.memory_space<vmem>> -> memref<8x128xf32, #tpu.memory_space<vmem>>
          %dma_wait3A_232 = arith.constant 0 : i32
          %dma_wait3A_233 = arith.constant 0 : i32
          %dma_wait3A_234 = tpu.memref_slice %arg4[%add3A_152, %dma_wait3A_232, %dma_wait3A_233] : memref<5440x8x128xf32, #tpu.memory_space<hbm>> -> memref<1x8x128xf32, #tpu.memory_space<hbm>>
          %dma_wait3A_235 = tpu.memref_squeeze %dma_wait3A_234 : memref<1x8x128xf32, #tpu.memory_space<hbm>> -> memref<8x128xf32, #tpu.memory_space<hbm>>
          %dma_wait3A_236 = arith.constant 0 : i32
          %dma_wait3A_237 = arith.constant 0 : i32
          %dma_wait3A_238 = tpu.memref_slice %arg7[%run_scoped3A_154, %dma_wait3A_236, %dma_wait3A_237] : memref<2x8x128xf32, #tpu.memory_space<vmem>> -> memref<1x8x128xf32, #tpu.memory_space<vmem>>
          %dma_wait3A_239 = tpu.memref_squeeze %dma_wait3A_238 : memref<1x8x128xf32, #tpu.memory_space<vmem>> -> memref<8x128xf32, #tpu.memory_space<vmem>>
          %dma_wait3A_240 = arith.constant 0 : i32
          %dma_wait3A_241 = arith.constant 0 : i32
          %dma_wait3A_242 = tpu.memref_slice %arg4[%add3A_152, %dma_wait3A_240, %dma_wait3A_241] : memref<5440x8x128xf32, #tpu.memory_space<hbm>> -> memref<1x8x128xf32, #tpu.memory_space<hbm>>
          %dma_wait3A_243 = tpu.memref_squeeze %dma_wait3A_242 : memref<1x8x128xf32, #tpu.memory_space<hbm>> -> memref<8x128xf32, #tpu.memory_space<hbm>>
          tpu.wait_dma2 semaphore(%run_scoped3A_211 : memref<!tpu.dma_semaphore, #tpu.memory_space<semaphore_mem>>) src(%dma_wait3A_243 : memref<8x128xf32, #tpu.memory_space<hbm>>) dst(%dma_wait3A_239 : memref<8x128xf32, #tpu.memory_space<vmem>>)
          tpu.yield
        }) : () -> ()
        %dma_start3A_155 = arith.constant 1 : i32
        %dma_start3A_156 = arith.constant 0 : i32
        %dma_start3A_157 = arith.constant 1 : i32
        %dma_start3A_158 = arith.constant 0 : i32
        %dma_start3A_159 = arith.constant 0 : i32
        %dma_start3A_160 = arith.constant 0 : i32
        %dma_start3A_161 = tpu.memref_slice %arg8[%dma_start3A_157, %dma_start3A_158, %dma_start3A_159, %dma_start3A_160] : memref<2x4x128x64xf32, #tpu.memory_space<vmem>> -> memref<1x1x128x64xf32, #tpu.memory_space<vmem>>
        %dma_start3A_162 = tpu.memref_squeeze %dma_start3A_161 : memref<1x1x128x64xf32, #tpu.memory_space<vmem>> -> memref<128x64xf32, #tpu.memory_space<vmem>>
        %dma_start3A_163 = arith.constant 0 : i32
        %dma_start3A_164 = tpu.memref_slice %arg6[%dma_start3A_155, %dma_start3A_156, %dma_start3A_163] : memref<2x8x128xi32, #tpu.memory_space<vmem>> -> memref<1x1x128xi32, #tpu.memory_space<vmem>>
        %dma_start3A_165 = tpu.memref_squeeze %dma_start3A_164 : memref<1x1x128xi32, #tpu.memory_space<vmem>> -> memref<128xi32, #tpu.memory_space<vmem>>
        %dma_start3A_166 = arith.constant 0 : i32
        %dma_start3A_167 = arith.constant 0 : i32
        %dma_start3A_168 = tpu.memref_slice %arg2[%dma_start3A_166, %dma_start3A_167] : memref<43520x64xf32, #tpu.memory_space<hbm>> -> memref<43520x64xf32, #tpu.memory_space<hbm>>
        tpu.enqueue_indirect_dma source(%dma_start3A_168 : memref<43520x64xf32, #tpu.memory_space<hbm>>) target(%dma_start3A_162 : memref<128x64xf32, #tpu.memory_space<vmem>>) offsets(%dma_start3A_165 : memref<128xi32, #tpu.memory_space<vmem>>) semaphore(%arg11 : memref<!tpu.dma_semaphore, #tpu.memory_space<semaphore_mem>>)
        %dma_start3A_169 = arith.constant 1 : i32
        %dma_start3A_170 = arith.constant 1 : i32
        %dma_start3A_171 = arith.constant 1 : i32
        %dma_start3A_172 = arith.constant 1 : i32
        %dma_start3A_173 = arith.constant 0 : i32
        %dma_start3A_174 = arith.constant 0 : i32
        %dma_start3A_175 = tpu.memref_slice %arg8[%dma_start3A_171, %dma_start3A_172, %dma_start3A_173, %dma_start3A_174] : memref<2x4x128x64xf32, #tpu.memory_space<vmem>> -> memref<1x1x128x64xf32, #tpu.memory_space<vmem>>
        %dma_start3A_176 = tpu.memref_squeeze %dma_start3A_175 : memref<1x1x128x64xf32, #tpu.memory_space<vmem>> -> memref<128x64xf32, #tpu.memory_space<vmem>>
        %dma_start3A_177 = arith.constant 0 : i32
        %dma_start3A_178 = tpu.memref_slice %arg6[%dma_start3A_169, %dma_start3A_170, %dma_start3A_177] : memref<2x8x128xi32, #tpu.memory_space<vmem>> -> memref<1x1x128xi32, #tpu.memory_space<vmem>>
        %dma_start3A_179 = tpu.memref_squeeze %dma_start3A_178 : memref<1x1x128xi32, #tpu.memory_space<vmem>> -> memref<128xi32, #tpu.memory_space<vmem>>
        %dma_start3A_180 = arith.constant 0 : i32
        %dma_start3A_181 = arith.constant 0 : i32
        %dma_start3A_182 = tpu.memref_slice %arg2[%dma_start3A_180, %dma_start3A_181] : memref<43520x64xf32, #tpu.memory_space<hbm>> -> memref<43520x64xf32, #tpu.memory_space<hbm>>
        tpu.enqueue_indirect_dma source(%dma_start3A_182 : memref<43520x64xf32, #tpu.memory_space<hbm>>) target(%dma_start3A_176 : memref<128x64xf32, #tpu.memory_space<vmem>>) offsets(%dma_start3A_179 : memref<128xi32, #tpu.memory_space<vmem>>) semaphore(%arg11 : memref<!tpu.dma_semaphore, #tpu.memory_space<semaphore_mem>>)
        %dma_start3A_183 = arith.constant 1 : i32
        %dma_start3A_184 = arith.constant 2 : i32
        %dma_start3A_185 = arith.constant 1 : i32
        %dma_start3A_186 = arith.constant 2 : i32
        %dma_start3A_187 = arith.constant 0 : i32
        %dma_start3A_188 = arith.constant 0 : i32
        %dma_start3A_189 = tpu.memref_slice %arg8[%dma_start3A_185, %dma_start3A_186, %dma_start3A_187, %dma_start3A_188] : memref<2x4x128x64xf32, #tpu.memory_space<vmem>> -> memref<1x1x128x64xf32, #tpu.memory_space<vmem>>
        %dma_start3A_190 = tpu.memref_squeeze %dma_start3A_189 : memref<1x1x128x64xf32, #tpu.memory_space<vmem>> -> memref<128x64xf32, #tpu.memory_space<vmem>>
        %dma_start3A_191 = arith.constant 0 : i32
        %dma_start3A_192 = tpu.memref_slice %arg6[%dma_start3A_183, %dma_start3A_184, %dma_start3A_191] : memref<2x8x128xi32, #tpu.memory_space<vmem>> -> memref<1x1x128xi32, #tpu.memory_space<vmem>>
        %dma_start3A_193 = tpu.memref_squeeze %dma_start3A_192 : memref<1x1x128xi32, #tpu.memory_space<vmem>> -> memref<128xi32, #tpu.memory_space<vmem>>
        %dma_start3A_194 = arith.constant 0 : i32
        %dma_start3A_195 = arith.constant 0 : i32
        %dma_start3A_196 = tpu.memref_slice %arg2[%dma_start3A_194, %dma_start3A_195] : memref<43520x64xf32, #tpu.memory_space<hbm>> -> memref<43520x64xf32, #tpu.memory_space<hbm>>
        tpu.enqueue_indirect_dma source(%dma_start3A_196 : memref<43520x64xf32, #tpu.memory_space<hbm>>) target(%dma_start3A_190 : memref<128x64xf32, #tpu.memory_space<vmem>>) offsets(%dma_start3A_193 : memref<128xi32, #tpu.memory_space<vmem>>) semaphore(%arg11 : memref<!tpu.dma_semaphore, #tpu.memory_space<semaphore_mem>>)
        %dma_start3A_197 = arith.constant 1 : i32
        %dma_start3A_198 = arith.constant 3 : i32
        %dma_start3A_199 = arith.constant 1 : i32
        %dma_start3A_200 = arith.constant 3 : i32
        %dma_start3A_201 = arith.constant 0 : i32
        %dma_start3A_202 = arith.constant 0 : i32
        %dma_start3A_203 = tpu.memref_slice %arg8[%dma_start3A_199, %dma_start3A_200, %dma_start3A_201, %dma_start3A_202] : memref<2x4x128x64xf32, #tpu.memory_space<vmem>> -> memref<1x1x128x64xf32, #tpu.memory_space<vmem>>
        %dma_start3A_204 = tpu.memref_squeeze %dma_start3A_203 : memref<1x1x128x64xf32, #tpu.memory_space<vmem>> -> memref<128x64xf32, #tpu.memory_space<vmem>>
        %dma_start3A_205 = arith.constant 0 : i32
        %dma_start3A_206 = tpu.memref_slice %arg6[%dma_start3A_197, %dma_start3A_198, %dma_start3A_205] : memref<2x8x128xi32, #tpu.memory_space<vmem>> -> memref<1x1x128xi32, #tpu.memory_space<vmem>>
        %dma_start3A_207 = tpu.memref_squeeze %dma_start3A_206 : memref<1x1x128xi32, #tpu.memory_space<vmem>> -> memref<128xi32, #tpu.memory_space<vmem>>
        %dma_start3A_208 = arith.constant 0 : i32
        %dma_start3A_209 = arith.constant 0 : i32
        %dma_start3A_210 = tpu.memref_slice %arg2[%dma_start3A_208, %dma_start3A_209] : memref<43520x64xf32, #tpu.memory_space<hbm>> -> memref<43520x64xf32, #tpu.memory_space<hbm>>
        tpu.enqueue_indirect_dma source(%dma_start3A_210 : memref<43520x64xf32, #tpu.memory_space<hbm>>) target(%dma_start3A_204 : memref<128x64xf32, #tpu.memory_space<vmem>>) offsets(%dma_start3A_207 : memref<128xi32, #tpu.memory_space<vmem>>) semaphore(%arg11 : memref<!tpu.dma_semaphore, #tpu.memory_space<semaphore_mem>>)
      } else {
      }
      %dma_wait3A = arith.constant 0 : i32
      %dma_wait3A_74 = arith.constant 0 : i32
      %dma_wait3A_75 = arith.constant 0 : i32
      %dma_wait3A_76 = arith.constant 0 : i32
      %dma_wait3A_77 = arith.constant 0 : i32
      %dma_wait3A_78 = arith.constant 0 : i32
      %dma_wait3A_79 = tpu.memref_slice %arg8[%dma_wait3A_75, %dma_wait3A_76, %dma_wait3A_77, %dma_wait3A_78] : memref<2x4x128x64xf32, #tpu.memory_space<vmem>> -> memref<1x1x128x64xf32, #tpu.memory_space<vmem>>
      %dma_wait3A_80 = tpu.memref_squeeze %dma_wait3A_79 : memref<1x1x128x64xf32, #tpu.memory_space<vmem>> -> memref<128x64xf32, #tpu.memory_space<vmem>>
      %dma_wait3A_81 = arith.constant 0 : i32
      %dma_wait3A_82 = tpu.memref_slice %arg6[%dma_wait3A, %dma_wait3A_74, %dma_wait3A_81] : memref<2x8x128xi32, #tpu.memory_space<vmem>> -> memref<1x1x128xi32, #tpu.memory_space<vmem>>
      %dma_wait3A_83 = tpu.memref_squeeze %dma_wait3A_82 : memref<1x1x128xi32, #tpu.memory_space<vmem>> -> memref<128xi32, #tpu.memory_space<vmem>>
      %dma_wait3A_84 = arith.constant 0 : i32
      %dma_wait3A_85 = arith.constant 0 : i32
      %dma_wait3A_86 = tpu.memref_slice %arg2[%dma_wait3A_84, %dma_wait3A_85] : memref<43520x64xf32, #tpu.memory_space<hbm>> -> memref<43520x64xf32, #tpu.memory_space<hbm>>
      tpu.wait_indirect_dma semaphore(%arg10 : memref<!tpu.dma_semaphore, #tpu.memory_space<semaphore_mem>>) src(%dma_wait3A_86 : memref<43520x64xf32, #tpu.memory_space<hbm>>) dst(%dma_wait3A_80 : memref<128x64xf32, #tpu.memory_space<vmem>>)
      %dma_wait3A_87 = arith.constant 0 : i32
      %dma_wait3A_88 = arith.constant 1 : i32
      %dma_wait3A_89 = arith.constant 0 : i32
      %dma_wait3A_90 = arith.constant 1 : i32
      %dma_wait3A_91 = arith.constant 0 : i32
      %dma_wait3A_92 = arith.constant 0 : i32
      %dma_wait3A_93 = tpu.memref_slice %arg8[%dma_wait3A_89, %dma_wait3A_90, %dma_wait3A_91, %dma_wait3A_92] : memref<2x4x128x64xf32, #tpu.memory_space<vmem>> -> memref<1x1x128x64xf32, #tpu.memory_space<vmem>>
      %dma_wait3A_94 = tpu.memref_squeeze %dma_wait3A_93 : memref<1x1x128x64xf32, #tpu.memory_space<vmem>> -> memref<128x64xf32, #tpu.memory_space<vmem>>
      %dma_wait3A_95 = arith.constant 0 : i32
      %dma_wait3A_96 = tpu.memref_slice %arg6[%dma_wait3A_87, %dma_wait3A_88, %dma_wait3A_95] : memref<2x8x128xi32, #tpu.memory_space<vmem>> -> memref<1x1x128xi32, #tpu.memory_space<vmem>>
      %dma_wait3A_97 = tpu.memref_squeeze %dma_wait3A_96 : memref<1x1x128xi32, #tpu.memory_space<vmem>> -> memref<128xi32, #tpu.memory_space<vmem>>
      %dma_wait3A_98 = arith.constant 0 : i32
      %dma_wait3A_99 = arith.constant 0 : i32
      %dma_wait3A_100 = tpu.memref_slice %arg2[%dma_wait3A_98, %dma_wait3A_99] : memref<43520x64xf32, #tpu.memory_space<hbm>> -> memref<43520x64xf32, #tpu.memory_space<hbm>>
      tpu.wait_indirect_dma semaphore(%arg10 : memref<!tpu.dma_semaphore, #tpu.memory_space<semaphore_mem>>) src(%dma_wait3A_100 : memref<43520x64xf32, #tpu.memory_space<hbm>>) dst(%dma_wait3A_94 : memref<128x64xf32, #tpu.memory_space<vmem>>)
      %dma_wait3A_101 = arith.constant 0 : i32
      %dma_wait3A_102 = arith.constant 2 : i32
      %dma_wait3A_103 = arith.constant 0 : i32
      %dma_wait3A_104 = arith.constant 2 : i32
      %dma_wait3A_105 = arith.constant 0 : i32
      %dma_wait3A_106 = arith.constant 0 : i32
      %dma_wait3A_107 = tpu.memref_slice %arg8[%dma_wait3A_103, %dma_wait3A_104, %dma_wait3A_105, %dma_wait3A_106] : memref<2x4x128x64xf32, #tpu.memory_space<vmem>> -> memref<1x1x128x64xf32, #tpu.memory_space<vmem>>
      %dma_wait3A_108 = tpu.memref_squeeze %dma_wait3A_107 : memref<1x1x128x64xf32, #tpu.memory_space<vmem>> -> memref<128x64xf32, #tpu.memory_space<vmem>>
      %dma_wait3A_109 = arith.constant 0 : i32
      %dma_wait3A_110 = tpu.memref_slice %arg6[%dma_wait3A_101, %dma_wait3A_102, %dma_wait3A_109] : memref<2x8x128xi32, #tpu.memory_space<vmem>> -> memref<1x1x128xi32, #tpu.memory_space<vmem>>
      %dma_wait3A_111 = tpu.memref_squeeze %dma_wait3A_110 : memref<1x1x128xi32, #tpu.memory_space<vmem>> -> memref<128xi32, #tpu.memory_space<vmem>>
      %dma_wait3A_112 = arith.constant 0 : i32
      %dma_wait3A_113 = arith.constant 0 : i32
      %dma_wait3A_114 = tpu.memref_slice %arg2[%dma_wait3A_112, %dma_wait3A_113] : memref<43520x64xf32, #tpu.memory_space<hbm>> -> memref<43520x64xf32, #tpu.memory_space<hbm>>
      tpu.wait_indirect_dma semaphore(%arg10 : memref<!tpu.dma_semaphore, #tpu.memory_space<semaphore_mem>>) src(%dma_wait3A_114 : memref<43520x64xf32, #tpu.memory_space<hbm>>) dst(%dma_wait3A_108 : memref<128x64xf32, #tpu.memory_space<vmem>>)
      %dma_wait3A_115 = arith.constant 0 : i32
      %dma_wait3A_116 = arith.constant 3 : i32
      %dma_wait3A_117 = arith.constant 0 : i32
      %dma_wait3A_118 = arith.constant 3 : i32
      %dma_wait3A_119 = arith.constant 0 : i32
      %dma_wait3A_120 = arith.constant 0 : i32
      %dma_wait3A_121 = tpu.memref_slice %arg8[%dma_wait3A_117, %dma_wait3A_118, %dma_wait3A_119, %dma_wait3A_120] : memref<2x4x128x64xf32, #tpu.memory_space<vmem>> -> memref<1x1x128x64xf32, #tpu.memory_space<vmem>>
      %dma_wait3A_122 = tpu.memref_squeeze %dma_wait3A_121 : memref<1x1x128x64xf32, #tpu.memory_space<vmem>> -> memref<128x64xf32, #tpu.memory_space<vmem>>
      %dma_wait3A_123 = arith.constant 0 : i32
      %dma_wait3A_124 = tpu.memref_slice %arg6[%dma_wait3A_115, %dma_wait3A_116, %dma_wait3A_123] : memref<2x8x128xi32, #tpu.memory_space<vmem>> -> memref<1x1x128xi32, #tpu.memory_space<vmem>>
      %dma_wait3A_125 = tpu.memref_squeeze %dma_wait3A_124 : memref<1x1x128xi32, #tpu.memory_space<vmem>> -> memref<128xi32, #tpu.memory_space<vmem>>
      %dma_wait3A_126 = arith.constant 0 : i32
      %dma_wait3A_127 = arith.constant 0 : i32
      %dma_wait3A_128 = tpu.memref_slice %arg2[%dma_wait3A_126, %dma_wait3A_127] : memref<43520x64xf32, #tpu.memory_space<hbm>> -> memref<43520x64xf32, #tpu.memory_space<hbm>>
      tpu.wait_indirect_dma semaphore(%arg10 : memref<!tpu.dma_semaphore, #tpu.memory_space<semaphore_mem>>) src(%dma_wait3A_128 : memref<43520x64xf32, #tpu.memory_space<hbm>>) dst(%dma_wait3A_122 : memref<128x64xf32, #tpu.memory_space<vmem>>)
      %parallel_loop3A = arith.constant 0 : i32
      %parallel_loop3A_129 = arith.constant 0 : i32
      %parallel_loop3A_130 = arith.constant 1 : i32
      scf.for %parallel_loop3A_151 = %parallel_loop3A to %parallel_loop3A_129 step %parallel_loop3A_130  : i32 {
        %parallel_loop3A_152 = arith.constant 2 : i32
        %parallel_loop3A_153 = arith.divsi %parallel_loop3A_151, %parallel_loop3A_152 : i32
        %parallel_loop3A_154 = arith.constant 0 : i32
        %parallel_loop3A_155 = arith.cmpi sgt, %parallel_loop3A_151, %parallel_loop3A_154 : i32
        %parallel_loop3A_156 = arith.extui %parallel_loop3A_155 : i1 to i32
        %parallel_loop3A_157 = arith.constant 0 : i32
        %parallel_loop3A_158 = arith.cmpi slt, %parallel_loop3A_151, %parallel_loop3A_157 : i32
        %parallel_loop3A_159 = arith.extui %parallel_loop3A_158 : i1 to i32
        %parallel_loop3A_160 = arith.subi %parallel_loop3A_156, %parallel_loop3A_159 : i32
        %parallel_loop3A_161 = arith.constant 0 : i32
        %parallel_loop3A_162 = arith.cmpi sgt, %parallel_loop3A_152, %parallel_loop3A_161 : i32
        %parallel_loop3A_163 = arith.extui %parallel_loop3A_162 : i1 to i32
        %parallel_loop3A_164 = arith.constant 0 : i32
        %parallel_loop3A_165 = arith.cmpi slt, %parallel_loop3A_152, %parallel_loop3A_164 : i32
        %parallel_loop3A_166 = arith.extui %parallel_loop3A_165 : i1 to i32
        %parallel_loop3A_167 = arith.subi %parallel_loop3A_163, %parallel_loop3A_166 : i32
        %parallel_loop3A_168 = arith.cmpi ne, %parallel_loop3A_160, %parallel_loop3A_167 : i32
        %parallel_loop3A_169 = arith.remsi %parallel_loop3A_151, %parallel_loop3A_152 : i32
        %parallel_loop3A_170 = arith.constant 0 : i32
        %parallel_loop3A_171 = arith.cmpi ne, %parallel_loop3A_169, %parallel_loop3A_170 : i32
        %parallel_loop3A_172 = arith.andi %parallel_loop3A_168, %parallel_loop3A_171 : i1
        %parallel_loop3A_173 = arith.constant 1 : i32
        %parallel_loop3A_174 = arith.subi %parallel_loop3A_153, %parallel_loop3A_173 : i32
        %parallel_loop3A_175 = arith.select %parallel_loop3A_172, %parallel_loop3A_174, %parallel_loop3A_153 : i32
        %parallel_loop3A_176 = arith.constant 2 : i32
        %parallel_loop3A_177 = arith.constant 0 : i32
        %parallel_loop3A_178 = arith.cmpi eq, %parallel_loop3A_176, %parallel_loop3A_177 : i32
        %parallel_loop3A_179 = arith.constant 1 : i32
        %parallel_loop3A_180 = arith.select %parallel_loop3A_178, %parallel_loop3A_179, %parallel_loop3A_176 : i32
        %parallel_loop3A_181 = arith.remsi %parallel_loop3A_151, %parallel_loop3A_180 : i32
        %parallel_loop3A_182 = arith.constant 0 : i32
        %parallel_loop3A_183 = arith.cmpi ne, %parallel_loop3A_181, %parallel_loop3A_182 : i32
        %parallel_loop3A_184 = arith.constant 0 : i32
        %parallel_loop3A_185 = arith.cmpi slt, %parallel_loop3A_181, %parallel_loop3A_184 : i32
        %parallel_loop3A_186 = arith.constant 0 : i32
        %parallel_loop3A_187 = arith.cmpi slt, %parallel_loop3A_180, %parallel_loop3A_186 : i32
        %parallel_loop3A_188 = arith.xori %parallel_loop3A_185, %parallel_loop3A_187 : i1
        %parallel_loop3A_189 = arith.andi %parallel_loop3A_188, %parallel_loop3A_183 : i1
        %parallel_loop3A_190 = arith.addi %parallel_loop3A_181, %parallel_loop3A_180 : i32
        %parallel_loop3A_191 = arith.select %parallel_loop3A_189, %parallel_loop3A_190, %parallel_loop3A_181 : i32
        %parallel_loop3A_192 = arith.constant 64 : i32
        %parallel_loop3A_193 = arith.muli %parallel_loop3A_191, %parallel_loop3A_192 : i32
        %parallel_loop3A_194 = arith.constant 0.000000e+00 : f32
        %parallel_loop3A_195 = vector.broadcast %parallel_loop3A_194 : f32 to vector<16xf32>
        %parallel_loop3A_196 = arith.constant 0 : i32
        %parallel_loop3A_197 = arith.addi %parallel_loop3A_193, %parallel_loop3A_196 : i32
        %parallel_loop3A_198 = arith.constant 0 : i32
        %parallel_loop3A_199 = arith.index_cast %parallel_loop3A_198 : i32 to index
        %parallel_loop3A_200 = arith.index_cast %parallel_loop3A_175 : i32 to index
        %parallel_loop3A_201 = arith.index_cast %parallel_loop3A_197 : i32 to index
        %parallel_loop3A_202 = tpu.vector_load %arg7[%parallel_loop3A_199, %parallel_loop3A_200, %parallel_loop3A_201] {strides = array<i32>} : memref<2x8x128xf32, #tpu.memory_space<vmem>>, vector<1x1x16xf32>,
        %parallel_loop3A_203 = vector.shape_cast %parallel_loop3A_202 : vector<1x1x16xf32> to vector<16xf32>
        %parallel_loop3A_204 = vector.extract_strided_slice %parallel_loop3A_203 {offsets = [0], sizes = [1], strides = [1]} : vector<16xf32> to vector<1xf32>
        %parallel_loop3A_205 = vector.extract %parallel_loop3A_204[0] : f32 from vector<1xf32>
        %parallel_loop3A_206 = arith.constant 0 : i32
        %parallel_loop3A_207 = arith.addi %parallel_loop3A_193, %parallel_loop3A_206 : i32
        %parallel_loop3A_208 = arith.constant 0 : i32
        %parallel_loop3A_209 = arith.index_cast %parallel_loop3A_208 : i32 to index
        %parallel_loop3A_210 = arith.index_cast %parallel_loop3A_175 : i32 to index
        %parallel_loop3A_211 = arith.index_cast %parallel_loop3A_207 : i32 to index
        %parallel_loop3A_212 = arith.constant 0 : index
        %parallel_loop3A_213 = tpu.vector_load %arg8[%parallel_loop3A_209, %parallel_loop3A_210, %parallel_loop3A_211, %parallel_loop3A_212] {strides = array<i32>} : memref<2x4x128x64xf32, #tpu.memory_space<vmem>>, vector<1x1x1x16xf32>,
        %parallel_loop3A_214 = vector.shape_cast %parallel_loop3A_213 : vector<1x1x1x16xf32> to vector<16xf32>
        %parallel_loop3A_215 = vector.broadcast %parallel_loop3A_205 : f32 to vector<16xf32>
        %parallel_loop3A_216 = arith.mulf %parallel_loop3A_215, %parallel_loop3A_214 : vector<16xf32>
        %parallel_loop3A_217 = arith.addf %parallel_loop3A_195, %parallel_loop3A_216 : vector<16xf32>
        %parallel_loop3A_218 = arith.constant 0 : i32
        %parallel_loop3A_219 = arith.addi %parallel_loop3A_193, %parallel_loop3A_218 : i32
        %parallel_loop3A_220 = arith.constant 0 : i32
        %parallel_loop3A_221 = arith.index_cast %parallel_loop3A_220 : i32 to index
        %parallel_loop3A_222 = arith.index_cast %parallel_loop3A_175 : i32 to index
        %parallel_loop3A_223 = arith.index_cast %parallel_loop3A_219 : i32 to index
        %parallel_loop3A_224 = arith.constant 16 : index
        %parallel_loop3A_225 = tpu.vector_load %arg8[%parallel_loop3A_221, %parallel_loop3A_222, %parallel_loop3A_223, %parallel_loop3A_224] {strides = array<i32>} : memref<2x4x128x64xf32, #tpu.memory_space<vmem>>, vector<1x1x1x16xf32>,
        %parallel_loop3A_226 = vector.shape_cast %parallel_loop3A_225 : vector<1x1x1x16xf32> to vector<16xf32>
        %parallel_loop3A_227 = vector.broadcast %parallel_loop3A_205 : f32 to vector<16xf32>
        %parallel_loop3A_228 = arith.mulf %parallel_loop3A_227, %parallel_loop3A_226 : vector<16xf32>
        %parallel_loop3A_229 = arith.addf %parallel_loop3A_195, %parallel_loop3A_228 : vector<16xf32>
        %parallel_loop3A_230 = vector.extract_strided_slice %parallel_loop3A_203 {offsets = [1], sizes = [1], strides = [1]} : vector<16xf32> to vector<1xf32>
        %parallel_loop3A_231 = vector.extract %parallel_loop3A_230[0] : f32 from vector<1xf32>
        %parallel_loop3A_232 = arith.constant 1 : i32
        %parallel_loop3A_233 = arith.addi %parallel_loop3A_193, %parallel_loop3A_232 : i32
        %parallel_loop3A_234 = arith.constant 0 : i32
        %parallel_loop3A_235 = arith.index_cast %parallel_loop3A_234 : i32 to index
        %parallel_loop3A_236 = arith.index_cast %parallel_loop3A_175 : i32 to index
        %parallel_loop3A_237 = arith.index_cast %parallel_loop3A_233 : i32 to index
        %parallel_loop3A_238 = arith.constant 0 : index
        %parallel_loop3A_239 = tpu.vector_load %arg8[%parallel_loop3A_235, %parallel_loop3A_236, %parallel_loop3A_237, %parallel_loop3A_238] {strides = array<i32>} : memref<2x4x128x64xf32, #tpu.memory_space<vmem>>, vector<1x1x1x16xf32>,
        %parallel_loop3A_240 = vector.shape_cast %parallel_loop3A_239 : vector<1x1x1x16xf32> to vector<16xf32>
        %parallel_loop3A_241 = vector.broadcast %parallel_loop3A_231 : f32 to vector<16xf32>
        %parallel_loop3A_242 = arith.mulf %parallel_loop3A_241, %parallel_loop3A_240 : vector<16xf32>
        %parallel_loop3A_243 = arith.addf %parallel_loop3A_195, %parallel_loop3A_242 : vector<16xf32>
        %parallel_loop3A_244 = arith.constant 1 : i32
        %parallel_loop3A_245 = arith.addi %parallel_loop3A_193, %parallel_loop3A_244 : i32
        %parallel_loop3A_246 = arith.constant 0 : i32
        %parallel_loop3A_247 = arith.index_cast %parallel_loop3A_246 : i32 to index
        %parallel_loop3A_248 = arith.index_cast %parallel_loop3A_175 : i32 to index
        %parallel_loop3A_249 = arith.index_cast %parallel_loop3A_245 : i32 to index
        %parallel_loop3A_250 = arith.constant 16 : index
        %parallel_loop3A_251 = tpu.vector_load %arg8[%parallel_loop3A_247, %parallel_loop3A_248, %parallel_loop3A_249, %parallel_loop3A_250] {strides = array<i32>} : memref<2x4x128x64xf32, #tpu.memory_space<vmem>>, vector<1x1x1x16xf32>,
        %parallel_loop3A_252 = vector.shape_cast %parallel_loop3A_251 : vector<1x1x1x16xf32> to vector<16xf32>
        %parallel_loop3A_253 = vector.broadcast %parallel_loop3A_231 : f32 to vector<16xf32>
        %parallel_loop3A_254 = arith.mulf %parallel_loop3A_253, %parallel_loop3A_252 : vector<16xf32>
        %parallel_loop3A_255 = arith.addf %parallel_loop3A_195, %parallel_loop3A_254 : vector<16xf32>
        %parallel_loop3A_256 = vector.extract_strided_slice %parallel_loop3A_203 {offsets = [2], sizes = [1], strides = [1]} : vector<16xf32> to vector<1xf32>
        %parallel_loop3A_257 = vector.extract %parallel_loop3A_256[0] : f32 from vector<1xf32>
        %parallel_loop3A_258 = arith.constant 2 : i32
        %parallel_loop3A_259 = arith.addi %parallel_loop3A_193, %parallel_loop3A_258 : i32
        %parallel_loop3A_260 = arith.constant 0 : i32
        %parallel_loop3A_261 = arith.index_cast %parallel_loop3A_260 : i32 to index
        %parallel_loop3A_262 = arith.index_cast %parallel_loop3A_175 : i32 to index
        %parallel_loop3A_263 = arith.index_cast %parallel_loop3A_259 : i32 to index
        %parallel_loop3A_264 = arith.constant 0 : index
        %parallel_loop3A_265 = tpu.vector_load %arg8[%parallel_loop3A_261, %parallel_loop3A_262, %parallel_loop3A_263, %parallel_loop3A_264] {strides = array<i32>} : memref<2x4x128x64xf32, #tpu.memory_space<vmem>>, vector<1x1x1x16xf32>,
        %parallel_loop3A_266 = vector.shape_cast %parallel_loop3A_265 : vector<1x1x1x16xf32> to vector<16xf32>
        %parallel_loop3A_267 = vector.broadcast %parallel_loop3A_257 : f32 to vector<16xf32>
        %parallel_loop3A_268 = arith.mulf %parallel_loop3A_267, %parallel_loop3A_266 : vector<16xf32>
        %parallel_loop3A_269 = arith.addf %parallel_loop3A_195, %parallel_loop3A_268 : vector<16xf32>
        %parallel_loop3A_270 = arith.constant 2 : i32
        %parallel_loop3A_271 = arith.addi %parallel_loop3A_193, %parallel_loop3A_270 : i32
        %parallel_loop3A_272 = arith.constant 0 : i32
        %parallel_loop3A_273 = arith.index_cast %parallel_loop3A_272 : i32 to index
        %parallel_loop3A_274 = arith.index_cast %parallel_loop3A_175 : i32 to index
        %parallel_loop3A_275 = arith.index_cast %parallel_loop3A_271 : i32 to index
        %parallel_loop3A_276 = arith.constant 16 : index
        %parallel_loop3A_277 = tpu.vector_load %arg8[%parallel_loop3A_273, %parallel_loop3A_274, %parallel_loop3A_275, %parallel_loop3A_276] {strides = array<i32>} : memref<2x4x128x64xf32, #tpu.memory_space<vmem>>, vector<1x1x1x16xf32>,
        %parallel_loop3A_278 = vector.shape_cast %parallel_loop3A_277 : vector<1x1x1x16xf32> to vector<16xf32>
        %parallel_loop3A_279 = vector.broadcast %parallel_loop3A_257 : f32 to vector<16xf32>
        %parallel_loop3A_280 = arith.mulf %parallel_loop3A_279, %parallel_loop3A_278 : vector<16xf32>
        %parallel_loop3A_281 = arith.addf %parallel_loop3A_195, %parallel_loop3A_280 : vector<16xf32>
        %parallel_loop3A_282 = vector.extract_strided_slice %parallel_loop3A_203 {offsets = [3], sizes = [1], strides = [1]} : vector<16xf32> to vector<1xf32>
        %parallel_loop3A_283 = vector.extract %parallel_loop3A_282[0] : f32 from vector<1xf32>
        %parallel_loop3A_284 = arith.constant 3 : i32
        %parallel_loop3A_285 = arith.addi %parallel_loop3A_193, %parallel_loop3A_284 : i32
        %parallel_loop3A_286 = arith.constant 0 : i32
        %parallel_loop3A_287 = arith.index_cast %parallel_loop3A_286 : i32 to index
        %parallel_loop3A_288 = arith.index_cast %parallel_loop3A_175 : i32 to index
        %parallel_loop3A_289 = arith.index_cast %parallel_loop3A_285 : i32 to index
        %parallel_loop3A_290 = arith.constant 0 : index
        %parallel_loop3A_291 = tpu.vector_load %arg8[%parallel_loop3A_287, %parallel_loop3A_288, %parallel_loop3A_289, %parallel_loop3A_290] {strides = array<i32>} : memref<2x4x128x64xf32, #tpu.memory_space<vmem>>, vector<1x1x1x16xf32>,
        %parallel_loop3A_292 = vector.shape_cast %parallel_loop3A_291 : vector<1x1x1x16xf32> to vector<16xf32>
        %parallel_loop3A_293 = vector.broadcast %parallel_loop3A_283 : f32 to vector<16xf32>
        %parallel_loop3A_294 = arith.mulf %parallel_loop3A_293, %parallel_loop3A_292 : vector<16xf32>
        %parallel_loop3A_295 = arith.addf %parallel_loop3A_195, %parallel_loop3A_294 : vector<16xf32>
        %parallel_loop3A_296 = arith.constant 3 : i32
        %parallel_loop3A_297 = arith.addi %parallel_loop3A_193, %parallel_loop3A_296 : i32
        %parallel_loop3A_298 = arith.constant 0 : i32
        %parallel_loop3A_299 = arith.index_cast %parallel_loop3A_298 : i32 to index
        %parallel_loop3A_300 = arith.index_cast %parallel_loop3A_175 : i32 to index
        %parallel_loop3A_301 = arith.index_cast %parallel_loop3A_297 : i32 to index
        %parallel_loop3A_302 = arith.constant 16 : index
        %parallel_loop3A_303 = tpu.vector_load %arg8[%parallel_loop3A_299, %parallel_loop3A_300, %parallel_loop3A_301, %parallel_loop3A_302] {strides = array<i32>} : memref<2x4x128x64xf32, #tpu.memory_space<vmem>>, vector<1x1x1x16xf32>,
        %parallel_loop3A_304 = vector.shape_cast %parallel_loop3A_303 : vector<1x1x1x16xf32> to vector<16xf32>
        %parallel_loop3A_305 = vector.broadcast %parallel_loop3A_283 : f32 to vector<16xf32>
        %parallel_loop3A_306 = arith.mulf %parallel_loop3A_305, %parallel_loop3A_304 : vector<16xf32>
        %parallel_loop3A_307 = arith.addf %parallel_loop3A_195, %parallel_loop3A_306 : vector<16xf32>
        %parallel_loop3A_308 = vector.extract_strided_slice %parallel_loop3A_203 {offsets = [4], sizes = [1], strides = [1]} : vector<16xf32> to vector<1xf32>
        %parallel_loop3A_309 = vector.extract %parallel_loop3A_308[0] : f32 from vector<1xf32>
        %parallel_loop3A_310 = arith.constant 4 : i32
        %parallel_loop3A_311 = arith.addi %parallel_loop3A_193, %parallel_loop3A_310 : i32
        %parallel_loop3A_312 = arith.constant 0 : i32
        %parallel_loop3A_313 = arith.index_cast %parallel_loop3A_312 : i32 to index
        %parallel_loop3A_314 = arith.index_cast %parallel_loop3A_175 : i32 to index
        %parallel_loop3A_315 = arith.index_cast %parallel_loop3A_311 : i32 to index
        %parallel_loop3A_316 = arith.constant 0 : index
        %parallel_loop3A_317 = tpu.vector_load %arg8[%parallel_loop3A_313, %parallel_loop3A_314, %parallel_loop3A_315, %parallel_loop3A_316] {strides = array<i32>} : memref<2x4x128x64xf32, #tpu.memory_space<vmem>>, vector<1x1x1x16xf32>,
        %parallel_loop3A_318 = vector.shape_cast %parallel_loop3A_317 : vector<1x1x1x16xf32> to vector<16xf32>
        %parallel_loop3A_319 = vector.broadcast %parallel_loop3A_309 : f32 to vector<16xf32>
        %parallel_loop3A_320 = arith.mulf %parallel_loop3A_319, %parallel_loop3A_318 : vector<16xf32>
        %parallel_loop3A_321 = arith.addf %parallel_loop3A_217, %parallel_loop3A_320 : vector<16xf32>
        %parallel_loop3A_322 = arith.constant 4 : i32
        %parallel_loop3A_323 = arith.addi %parallel_loop3A_193, %parallel_loop3A_322 : i32
        %parallel_loop3A_324 = arith.constant 0 : i32
        %parallel_loop3A_325 = arith.index_cast %parallel_loop3A_324 : i32 to index
        %parallel_loop3A_326 = arith.index_cast %parallel_loop3A_175 : i32 to index
        %parallel_loop3A_327 = arith.index_cast %parallel_loop3A_323 : i32 to index
        %parallel_loop3A_328 = arith.constant 16 : index
        %parallel_loop3A_329 = tpu.vector_load %arg8[%parallel_loop3A_325, %parallel_loop3A_326, %parallel_loop3A_327, %parallel_loop3A_328] {strides = array<i32>} : memref<2x4x128x64xf32, #tpu.memory_space<vmem>>, vector<1x1x1x16xf32>,
        %parallel_loop3A_330 = vector.shape_cast %parallel_loop3A_329 : vector<1x1x1x16xf32> to vector<16xf32>
        %parallel_loop3A_331 = vector.broadcast %parallel_loop3A_309 : f32 to vector<16xf32>
        %parallel_loop3A_332 = arith.mulf %parallel_loop3A_331, %parallel_loop3A_330 : vector<16xf32>
        %parallel_loop3A_333 = arith.addf %parallel_loop3A_229, %parallel_loop3A_332 : vector<16xf32>
        %parallel_loop3A_334 = vector.extract_strided_slice %parallel_loop3A_203 {offsets = [5], sizes = [1], strides = [1]} : vector<16xf32> to vector<1xf32>
        %parallel_loop3A_335 = vector.extract %parallel_loop3A_334[0] : f32 from vector<1xf32>
        %parallel_loop3A_336 = arith.constant 5 : i32
        %parallel_loop3A_337 = arith.addi %parallel_loop3A_193, %parallel_loop3A_336 : i32
        %parallel_loop3A_338 = arith.constant 0 : i32
        %parallel_loop3A_339 = arith.index_cast %parallel_loop3A_338 : i32 to index
        %parallel_loop3A_340 = arith.index_cast %parallel_loop3A_175 : i32 to index
        %parallel_loop3A_341 = arith.index_cast %parallel_loop3A_337 : i32 to index
        %parallel_loop3A_342 = arith.constant 0 : index
        %parallel_loop3A_343 = tpu.vector_load %arg8[%parallel_loop3A_339, %parallel_loop3A_340, %parallel_loop3A_341, %parallel_loop3A_342] {strides = array<i32>} : memref<2x4x128x64xf32, #tpu.memory_space<vmem>>, vector<1x1x1x16xf32>,
        %parallel_loop3A_344 = vector.shape_cast %parallel_loop3A_343 : vector<1x1x1x16xf32> to vector<16xf32>
        %parallel_loop3A_345 = vector.broadcast %parallel_loop3A_335 : f32 to vector<16xf32>
        %parallel_loop3A_346 = arith.mulf %parallel_loop3A_345, %parallel_loop3A_344 : vector<16xf32>
        %parallel_loop3A_347 = arith.addf %parallel_loop3A_243, %parallel_loop3A_346 : vector<16xf32>
        %parallel_loop3A_348 = arith.constant 5 : i32
        %parallel_loop3A_349 = arith.addi %parallel_loop3A_193, %parallel_loop3A_348 : i32
        %parallel_loop3A_350 = arith.constant 0 : i32
        %parallel_loop3A_351 = arith.index_cast %parallel_loop3A_350 : i32 to index
        %parallel_loop3A_352 = arith.index_cast %parallel_loop3A_175 : i32 to index
        %parallel_loop3A_353 = arith.index_cast %parallel_loop3A_349 : i32 to index
        %parallel_loop3A_354 = arith.constant 16 : index
        %parallel_loop3A_355 = tpu.vector_load %arg8[%parallel_loop3A_351, %parallel_loop3A_352, %parallel_loop3A_353, %parallel_loop3A_354] {strides = array<i32>} : memref<2x4x128x64xf32, #tpu.memory_space<vmem>>, vector<1x1x1x16xf32>,
        %parallel_loop3A_356 = vector.shape_cast %parallel_loop3A_355 : vector<1x1x1x16xf32> to vector<16xf32>
        %parallel_loop3A_357 = vector.broadcast %parallel_loop3A_335 : f32 to vector<16xf32>
        %parallel_loop3A_358 = arith.mulf %parallel_loop3A_357, %parallel_loop3A_356 : vector<16xf32>
        %parallel_loop3A_359 = arith.addf %parallel_loop3A_255, %parallel_loop3A_358 : vector<16xf32>
        %parallel_loop3A_360 = vector.extract_strided_slice %parallel_loop3A_203 {offsets = [6], sizes = [1], strides = [1]} : vector<16xf32> to vector<1xf32>
        %parallel_loop3A_361 = vector.extract %parallel_loop3A_360[0] : f32 from vector<1xf32>
        %parallel_loop3A_362 = arith.constant 6 : i32
        %parallel_loop3A_363 = arith.addi %parallel_loop3A_193, %parallel_loop3A_362 : i32
        %parallel_loop3A_364 = arith.constant 0 : i32
        %parallel_loop3A_365 = arith.index_cast %parallel_loop3A_364 : i32 to index
        %parallel_loop3A_366 = arith.index_cast %parallel_loop3A_175 : i32 to index
        %parallel_loop3A_367 = arith.index_cast %parallel_loop3A_363 : i32 to index
        %parallel_loop3A_368 = arith.constant 0 : index
        %parallel_loop3A_369 = tpu.vector_load %arg8[%parallel_loop3A_365, %parallel_loop3A_366, %parallel_loop3A_367, %parallel_loop3A_368] {strides = array<i32>} : memref<2x4x128x64xf32, #tpu.memory_space<vmem>>, vector<1x1x1x16xf32>,
        %parallel_loop3A_370 = vector.shape_cast %parallel_loop3A_369 : vector<1x1x1x16xf32> to vector<16xf32>
        %parallel_loop3A_371 = vector.broadcast %parallel_loop3A_361 : f32 to vector<16xf32>
        %parallel_loop3A_372 = arith.mulf %parallel_loop3A_371, %parallel_loop3A_370 : vector<16xf32>
        %parallel_loop3A_373 = arith.addf %parallel_loop3A_269, %parallel_loop3A_372 : vector<16xf32>
        %parallel_loop3A_374 = arith.constant 6 : i32
        %parallel_loop3A_375 = arith.addi %parallel_loop3A_193, %parallel_loop3A_374 : i32
        %parallel_loop3A_376 = arith.constant 0 : i32
        %parallel_loop3A_377 = arith.index_cast %parallel_loop3A_376 : i32 to index
        %parallel_loop3A_378 = arith.index_cast %parallel_loop3A_175 : i32 to index
        %parallel_loop3A_379 = arith.index_cast %parallel_loop3A_375 : i32 to index
        %parallel_loop3A_380 = arith.constant 16 : index
        %parallel_loop3A_381 = tpu.vector_load %arg8[%parallel_loop3A_377, %parallel_loop3A_378, %parallel_loop3A_379, %parallel_loop3A_380] {strides = array<i32>} : memref<2x4x128x64xf32, #tpu.memory_space<vmem>>, vector<1x1x1x16xf32>,
        %parallel_loop3A_382 = vector.shape_cast %parallel_loop3A_381 : vector<1x1x1x16xf32> to vector<16xf32>
        %parallel_loop3A_383 = vector.broadcast %parallel_loop3A_361 : f32 to vector<16xf32>
        %parallel_loop3A_384 = arith.mulf %parallel_loop3A_383, %parallel_loop3A_382 : vector<16xf32>
        %parallel_loop3A_385 = arith.addf %parallel_loop3A_281, %parallel_loop3A_384 : vector<16xf32>
        %parallel_loop3A_386 = vector.extract_strided_slice %parallel_loop3A_203 {offsets = [7], sizes = [1], strides = [1]} : vector<16xf32> to vector<1xf32>
        %parallel_loop3A_387 = vector.extract %parallel_loop3A_386[0] : f32 from vector<1xf32>
        %parallel_loop3A_388 = arith.constant 7 : i32
        %parallel_loop3A_389 = arith.addi %parallel_loop3A_193, %parallel_loop3A_388 : i32
        %parallel_loop3A_390 = arith.constant 0 : i32
        %parallel_loop3A_391 = arith.index_cast %parallel_loop3A_390 : i32 to index
        %parallel_loop3A_392 = arith.index_cast %parallel_loop3A_175 : i32 to index
        %parallel_loop3A_393 = arith.index_cast %parallel_loop3A_389 : i32 to index
        %parallel_loop3A_394 = arith.constant 0 : index
        %parallel_loop3A_395 = tpu.vector_load %arg8[%parallel_loop3A_391, %parallel_loop3A_392, %parallel_loop3A_393, %parallel_loop3A_394] {strides = array<i32>} : memref<2x4x128x64xf32, #tpu.memory_space<vmem>>, vector<1x1x1x16xf32>,
        %parallel_loop3A_396 = vector.shape_cast %parallel_loop3A_395 : vector<1x1x1x16xf32> to vector<16xf32>
        %parallel_loop3A_397 = vector.broadcast %parallel_loop3A_387 : f32 to vector<16xf32>
        %parallel_loop3A_398 = arith.mulf %parallel_loop3A_397, %parallel_loop3A_396 : vector<16xf32>
        %parallel_loop3A_399 = arith.addf %parallel_loop3A_295, %parallel_loop3A_398 : vector<16xf32>
        %parallel_loop3A_400 = arith.constant 7 : i32
        %parallel_loop3A_401 = arith.addi %parallel_loop3A_193, %parallel_loop3A_400 : i32
        %parallel_loop3A_402 = arith.constant 0 : i32
        %parallel_loop3A_403 = arith.index_cast %parallel_loop3A_402 : i32 to index
        %parallel_loop3A_404 = arith.index_cast %parallel_loop3A_175 : i32 to index
        %parallel_loop3A_405 = arith.index_cast %parallel_loop3A_401 : i32 to index
        %parallel_loop3A_406 = arith.constant 16 : index
        %parallel_loop3A_407 = tpu.vector_load %arg8[%parallel_loop3A_403, %parallel_loop3A_404, %parallel_loop3A_405, %parallel_loop3A_406] {strides = array<i32>} : memref<2x4x128x64xf32, #tpu.memory_space<vmem>>, vector<1x1x1x16xf32>,
        %parallel_loop3A_408 = vector.shape_cast %parallel_loop3A_407 : vector<1x1x1x16xf32> to vector<16xf32>
        %parallel_loop3A_409 = vector.broadcast %parallel_loop3A_387 : f32 to vector<16xf32>
        %parallel_loop3A_410 = arith.mulf %parallel_loop3A_409, %parallel_loop3A_408 : vector<16xf32>
        %parallel_loop3A_411 = arith.addf %parallel_loop3A_307, %parallel_loop3A_410 : vector<16xf32>
        %parallel_loop3A_412 = vector.extract_strided_slice %parallel_loop3A_203 {offsets = [8], sizes = [1], strides = [1]} : vector<16xf32> to vector<1xf32>
        %parallel_loop3A_413 = vector.extract %parallel_loop3A_412[0] : f32 from vector<1xf32>
        %parallel_loop3A_414 = arith.constant 8 : i32
        %parallel_loop3A_415 = arith.addi %parallel_loop3A_193, %parallel_loop3A_414 : i32
        %parallel_loop3A_416 = arith.constant 0 : i32
        %parallel_loop3A_417 = arith.index_cast %parallel_loop3A_416 : i32 to index
        %parallel_loop3A_418 = arith.index_cast %parallel_loop3A_175 : i32 to index
        %parallel_loop3A_419 = arith.index_cast %parallel_loop3A_415 : i32 to index
        %parallel_loop3A_420 = arith.constant 0 : index
        %parallel_loop3A_421 = tpu.vector_load %arg8[%parallel_loop3A_417, %parallel_loop3A_418, %parallel_loop3A_419, %parallel_loop3A_420] {strides = array<i32>} : memref<2x4x128x64xf32, #tpu.memory_space<vmem>>, vector<1x1x1x16xf32>,
        %parallel_loop3A_422 = vector.shape_cast %parallel_loop3A_421 : vector<1x1x1x16xf32> to vector<16xf32>
        %parallel_loop3A_423 = vector.broadcast %parallel_loop3A_413 : f32 to vector<16xf32>
        %parallel_loop3A_424 = arith.mulf %parallel_loop3A_423, %parallel_loop3A_422 : vector<16xf32>
        %parallel_loop3A_425 = arith.addf %parallel_loop3A_321, %parallel_loop3A_424 : vector<16xf32>
        %parallel_loop3A_426 = arith.constant 8 : i32
        %parallel_loop3A_427 = arith.addi %parallel_loop3A_193, %parallel_loop3A_426 : i32
        %parallel_loop3A_428 = arith.constant 0 : i32
        %parallel_loop3A_429 = arith.index_cast %parallel_loop3A_428 : i32 to index
        %parallel_loop3A_430 = arith.index_cast %parallel_loop3A_175 : i32 to index
        %parallel_loop3A_431 = arith.index_cast %parallel_loop3A_427 : i32 to index
        %parallel_loop3A_432 = arith.constant 16 : index
        %parallel_loop3A_433 = tpu.vector_load %arg8[%parallel_loop3A_429, %parallel_loop3A_430, %parallel_loop3A_431, %parallel_loop3A_432] {strides = array<i32>} : memref<2x4x128x64xf32, #tpu.memory_space<vmem>>, vector<1x1x1x16xf32>,
        %parallel_loop3A_434 = vector.shape_cast %parallel_loop3A_433 : vector<1x1x1x16xf32> to vector<16xf32>
        %parallel_loop3A_435 = vector.broadcast %parallel_loop3A_413 : f32 to vector<16xf32>
        %parallel_loop3A_436 = arith.mulf %parallel_loop3A_435, %parallel_loop3A_434 : vector<16xf32>
        %parallel_loop3A_437 = arith.addf %parallel_loop3A_333, %parallel_loop3A_436 : vector<16xf32>
        %parallel_loop3A_438 = vector.extract_strided_slice %parallel_loop3A_203 {offsets = [9], sizes = [1], strides = [1]} : vector<16xf32> to vector<1xf32>
        %parallel_loop3A_439 = vector.extract %parallel_loop3A_438[0] : f32 from vector<1xf32>
        %parallel_loop3A_440 = arith.constant 9 : i32
        %parallel_loop3A_441 = arith.addi %parallel_loop3A_193, %parallel_loop3A_440 : i32
        %parallel_loop3A_442 = arith.constant 0 : i32
        %parallel_loop3A_443 = arith.index_cast %parallel_loop3A_442 : i32 to index
        %parallel_loop3A_444 = arith.index_cast %parallel_loop3A_175 : i32 to index
        %parallel_loop3A_445 = arith.index_cast %parallel_loop3A_441 : i32 to index
        %parallel_loop3A_446 = arith.constant 0 : index
        %parallel_loop3A_447 = tpu.vector_load %arg8[%parallel_loop3A_443, %parallel_loop3A_444, %parallel_loop3A_445, %parallel_loop3A_446] {strides = array<i32>} : memref<2x4x128x64xf32, #tpu.memory_space<vmem>>, vector<1x1x1x16xf32>,
        %parallel_loop3A_448 = vector.shape_cast %parallel_loop3A_447 : vector<1x1x1x16xf32> to vector<16xf32>
        %parallel_loop3A_449 = vector.broadcast %parallel_loop3A_439 : f32 to vector<16xf32>
        %parallel_loop3A_450 = arith.mulf %parallel_loop3A_449, %parallel_loop3A_448 : vector<16xf32>
        %parallel_loop3A_451 = arith.addf %parallel_loop3A_347, %parallel_loop3A_450 : vector<16xf32>
        %parallel_loop3A_452 = arith.constant 9 : i32
        %parallel_loop3A_453 = arith.addi %parallel_loop3A_193, %parallel_loop3A_452 : i32
        %parallel_loop3A_454 = arith.constant 0 : i32
        %parallel_loop3A_455 = arith.index_cast %parallel_loop3A_454 : i32 to index
        %parallel_loop3A_456 = arith.index_cast %parallel_loop3A_175 : i32 to index
        %parallel_loop3A_457 = arith.index_cast %parallel_loop3A_453 : i32 to index
        %parallel_loop3A_458 = arith.constant 16 : index
        %parallel_loop3A_459 = tpu.vector_load %arg8[%parallel_loop3A_455, %parallel_loop3A_456, %parallel_loop3A_457, %parallel_loop3A_458] {strides = array<i32>} : memref<2x4x128x64xf32, #tpu.memory_space<vmem>>, vector<1x1x1x16xf32>,
        %parallel_loop3A_460 = vector.shape_cast %parallel_loop3A_459 : vector<1x1x1x16xf32> to vector<16xf32>
        %parallel_loop3A_461 = vector.broadcast %parallel_loop3A_439 : f32 to vector<16xf32>
        %parallel_loop3A_462 = arith.mulf %parallel_loop3A_461, %parallel_loop3A_460 : vector<16xf32>
        %parallel_loop3A_463 = arith.addf %parallel_loop3A_359, %parallel_loop3A_462 : vector<16xf32>
        %parallel_loop3A_464 = vector.extract_strided_slice %parallel_loop3A_203 {offsets = [10], sizes = [1], strides = [1]} : vector<16xf32> to vector<1xf32>
        %parallel_loop3A_465 = vector.extract %parallel_loop3A_464[0] : f32 from vector<1xf32>
        %parallel_loop3A_466 = arith.constant 10 : i32
        %parallel_loop3A_467 = arith.addi %parallel_loop3A_193, %parallel_loop3A_466 : i32
        %parallel_loop3A_468 = arith.constant 0 : i32
        %parallel_loop3A_469 = arith.index_cast %parallel_loop3A_468 : i32 to index
        %parallel_loop3A_470 = arith.index_cast %parallel_loop3A_175 : i32 to index
        %parallel_loop3A_471 = arith.index_cast %parallel_loop3A_467 : i32 to index
        %parallel_loop3A_472 = arith.constant 0 : index
        %parallel_loop3A_473 = tpu.vector_load %arg8[%parallel_loop3A_469, %parallel_loop3A_470, %parallel_loop3A_471, %parallel_loop3A_472] {strides = array<i32>} : memref<2x4x128x64xf32, #tpu.memory_space<vmem>>, vector<1x1x1x16xf32>,
        %parallel_loop3A_474 = vector.shape_cast %parallel_loop3A_473 : vector<1x1x1x16xf32> to vector<16xf32>
        %parallel_loop3A_475 = vector.broadcast %parallel_loop3A_465 : f32 to vector<16xf32>
        %parallel_loop3A_476 = arith.mulf %parallel_loop3A_475, %parallel_loop3A_474 : vector<16xf32>
        %parallel_loop3A_477 = arith.addf %parallel_loop3A_373, %parallel_loop3A_476 : vector<16xf32>
        %parallel_loop3A_478 = arith.constant 10 : i32
        %parallel_loop3A_479 = arith.addi %parallel_loop3A_193, %parallel_loop3A_478 : i32
        %parallel_loop3A_480 = arith.constant 0 : i32
        %parallel_loop3A_481 = arith.index_cast %parallel_loop3A_480 : i32 to index
        %parallel_loop3A_482 = arith.index_cast %parallel_loop3A_175 : i32 to index
        %parallel_loop3A_483 = arith.index_cast %parallel_loop3A_479 : i32 to index
        %parallel_loop3A_484 = arith.constant 16 : index
        %parallel_loop3A_485 = tpu.vector_load %arg8[%parallel_loop3A_481, %parallel_loop3A_482, %parallel_loop3A_483, %parallel_loop3A_484] {strides = array<i32>} : memref<2x4x128x64xf32, #tpu.memory_space<vmem>>, vector<1x1x1x16xf32>,
        %parallel_loop3A_486 = vector.shape_cast %parallel_loop3A_485 : vector<1x1x1x16xf32> to vector<16xf32>
        %parallel_loop3A_487 = vector.broadcast %parallel_loop3A_465 : f32 to vector<16xf32>
        %parallel_loop3A_488 = arith.mulf %parallel_loop3A_487, %parallel_loop3A_486 : vector<16xf32>
        %parallel_loop3A_489 = arith.addf %parallel_loop3A_385, %parallel_loop3A_488 : vector<16xf32>
        %parallel_loop3A_490 = vector.extract_strided_slice %parallel_loop3A_203 {offsets = [11], sizes = [1], strides = [1]} : vector<16xf32> to vector<1xf32>
        %parallel_loop3A_491 = vector.extract %parallel_loop3A_490[0] : f32 from vector<1xf32>
        %parallel_loop3A_492 = arith.constant 11 : i32
        %parallel_loop3A_493 = arith.addi %parallel_loop3A_193, %parallel_loop3A_492 : i32
        %parallel_loop3A_494 = arith.constant 0 : i32
        %parallel_loop3A_495 = arith.index_cast %parallel_loop3A_494 : i32 to index
        %parallel_loop3A_496 = arith.index_cast %parallel_loop3A_175 : i32 to index
        %parallel_loop3A_497 = arith.index_cast %parallel_loop3A_493 : i32 to index
        %parallel_loop3A_498 = arith.constant 0 : index
        %parallel_loop3A_499 = tpu.vector_load %arg8[%parallel_loop3A_495, %parallel_loop3A_496, %parallel_loop3A_497, %parallel_loop3A_498] {strides = array<i32>} : memref<2x4x128x64xf32, #tpu.memory_space<vmem>>, vector<1x1x1x16xf32>,
        %parallel_loop3A_500 = vector.shape_cast %parallel_loop3A_499 : vector<1x1x1x16xf32> to vector<16xf32>
        %parallel_loop3A_501 = vector.broadcast %parallel_loop3A_491 : f32 to vector<16xf32>
        %parallel_loop3A_502 = arith.mulf %parallel_loop3A_501, %parallel_loop3A_500 : vector<16xf32>
        %parallel_loop3A_503 = arith.addf %parallel_loop3A_399, %parallel_loop3A_502 : vector<16xf32>
        %parallel_loop3A_504 = arith.constant 11 : i32
        %parallel_loop3A_505 = arith.addi %parallel_loop3A_193, %parallel_loop3A_504 : i32
        %parallel_loop3A_506 = arith.constant 0 : i32
        %parallel_loop3A_507 = arith.index_cast %parallel_loop3A_506 : i32 to index
        %parallel_loop3A_508 = arith.index_cast %parallel_loop3A_175 : i32 to index
        %parallel_loop3A_509 = arith.index_cast %parallel_loop3A_505 : i32 to index
        %parallel_loop3A_510 = arith.constant 16 : index
        %parallel_loop3A_511 = tpu.vector_load %arg8[%parallel_loop3A_507, %parallel_loop3A_508, %parallel_loop3A_509, %parallel_loop3A_510] {strides = array<i32>} : memref<2x4x128x64xf32, #tpu.memory_space<vmem>>, vector<1x1x1x16xf32>,
        %parallel_loop3A_512 = vector.shape_cast %parallel_loop3A_511 : vector<1x1x1x16xf32> to vector<16xf32>
        %parallel_loop3A_513 = vector.broadcast %parallel_loop3A_491 : f32 to vector<16xf32>
        %parallel_loop3A_514 = arith.mulf %parallel_loop3A_513, %parallel_loop3A_512 : vector<16xf32>
        %parallel_loop3A_515 = arith.addf %parallel_loop3A_411, %parallel_loop3A_514 : vector<16xf32>
        %parallel_loop3A_516 = vector.extract_strided_slice %parallel_loop3A_203 {offsets = [12], sizes = [1], strides = [1]} : vector<16xf32> to vector<1xf32>
        %parallel_loop3A_517 = vector.extract %parallel_loop3A_516[0] : f32 from vector<1xf32>
        %parallel_loop3A_518 = arith.constant 12 : i32
        %parallel_loop3A_519 = arith.addi %parallel_loop3A_193, %parallel_loop3A_518 : i32
        %parallel_loop3A_520 = arith.constant 0 : i32
        %parallel_loop3A_521 = arith.index_cast %parallel_loop3A_520 : i32 to index
        %parallel_loop3A_522 = arith.index_cast %parallel_loop3A_175 : i32 to index
        %parallel_loop3A_523 = arith.index_cast %parallel_loop3A_519 : i32 to index
        %parallel_loop3A_524 = arith.constant 0 : index
        %parallel_loop3A_525 = tpu.vector_load %arg8[%parallel_loop3A_521, %parallel_loop3A_522, %parallel_loop3A_523, %parallel_loop3A_524] {strides = array<i32>} : memref<2x4x128x64xf32, #tpu.memory_space<vmem>>, vector<1x1x1x16xf32>,
        %parallel_loop3A_526 = vector.shape_cast %parallel_loop3A_525 : vector<1x1x1x16xf32> to vector<16xf32>
        %parallel_loop3A_527 = vector.broadcast %parallel_loop3A_517 : f32 to vector<16xf32>
        %parallel_loop3A_528 = arith.mulf %parallel_loop3A_527, %parallel_loop3A_526 : vector<16xf32>
        %parallel_loop3A_529 = arith.addf %parallel_loop3A_425, %parallel_loop3A_528 : vector<16xf32>
        %parallel_loop3A_530 = arith.constant 12 : i32
        %parallel_loop3A_531 = arith.addi %parallel_loop3A_193, %parallel_loop3A_530 : i32
        %parallel_loop3A_532 = arith.constant 0 : i32
        %parallel_loop3A_533 = arith.index_cast %parallel_loop3A_532 : i32 to index
        %parallel_loop3A_534 = arith.index_cast %parallel_loop3A_175 : i32 to index
        %parallel_loop3A_535 = arith.index_cast %parallel_loop3A_531 : i32 to index
        %parallel_loop3A_536 = arith.constant 16 : index
        %parallel_loop3A_537 = tpu.vector_load %arg8[%parallel_loop3A_533, %parallel_loop3A_534, %parallel_loop3A_535, %parallel_loop3A_536] {strides = array<i32>} : memref<2x4x128x64xf32, #tpu.memory_space<vmem>>, vector<1x1x1x16xf32>,
        %parallel_loop3A_538 = vector.shape_cast %parallel_loop3A_537 : vector<1x1x1x16xf32> to vector<16xf32>
        %parallel_loop3A_539 = vector.broadcast %parallel_loop3A_517 : f32 to vector<16xf32>
        %parallel_loop3A_540 = arith.mulf %parallel_loop3A_539, %parallel_loop3A_538 : vector<16xf32>
        %parallel_loop3A_541 = arith.addf %parallel_loop3A_437, %parallel_loop3A_540 : vector<16xf32>
        %parallel_loop3A_542 = vector.extract_strided_slice %parallel_loop3A_203 {offsets = [13], sizes = [1], strides = [1]} : vector<16xf32> to vector<1xf32>
        %parallel_loop3A_543 = vector.extract %parallel_loop3A_542[0] : f32 from vector<1xf32>
        %parallel_loop3A_544 = arith.constant 13 : i32
        %parallel_loop3A_545 = arith.addi %parallel_loop3A_193, %parallel_loop3A_544 : i32
        %parallel_loop3A_546 = arith.constant 0 : i32
        %parallel_loop3A_547 = arith.index_cast %parallel_loop3A_546 : i32 to index
        %parallel_loop3A_548 = arith.index_cast %parallel_loop3A_175 : i32 to index
        %parallel_loop3A_549 = arith.index_cast %parallel_loop3A_545 : i32 to index
        %parallel_loop3A_550 = arith.constant 0 : index
        %parallel_loop3A_551 = tpu.vector_load %arg8[%parallel_loop3A_547, %parallel_loop3A_548, %parallel_loop3A_549, %parallel_loop3A_550] {strides = array<i32>} : memref<2x4x128x64xf32, #tpu.memory_space<vmem>>, vector<1x1x1x16xf32>,
        %parallel_loop3A_552 = vector.shape_cast %parallel_loop3A_551 : vector<1x1x1x16xf32> to vector<16xf32>
        %parallel_loop3A_553 = vector.broadcast %parallel_loop3A_543 : f32 to vector<16xf32>
        %parallel_loop3A_554 = arith.mulf %parallel_loop3A_553, %parallel_loop3A_552 : vector<16xf32>
        %parallel_loop3A_555 = arith.addf %parallel_loop3A_451, %parallel_loop3A_554 : vector<16xf32>
        %parallel_loop3A_556 = arith.constant 13 : i32
        %parallel_loop3A_557 = arith.addi %parallel_loop3A_193, %parallel_loop3A_556 : i32
        %parallel_loop3A_558 = arith.constant 0 : i32
        %parallel_loop3A_559 = arith.index_cast %parallel_loop3A_558 : i32 to index
        %parallel_loop3A_560 = arith.index_cast %parallel_loop3A_175 : i32 to index
        %parallel_loop3A_561 = arith.index_cast %parallel_loop3A_557 : i32 to index
        %parallel_loop3A_562 = arith.constant 16 : index
        %parallel_loop3A_563 = tpu.vector_load %arg8[%parallel_loop3A_559, %parallel_loop3A_560, %parallel_loop3A_561, %parallel_loop3A_562] {strides = array<i32>} : memref<2x4x128x64xf32, #tpu.memory_space<vmem>>, vector<1x1x1x16xf32>,
        %parallel_loop3A_564 = vector.shape_cast %parallel_loop3A_563 : vector<1x1x1x16xf32> to vector<16xf32>
        %parallel_loop3A_565 = vector.broadcast %parallel_loop3A_543 : f32 to vector<16xf32>
        %parallel_loop3A_566 = arith.mulf %parallel_loop3A_565, %parallel_loop3A_564 : vector<16xf32>
        %parallel_loop3A_567 = arith.addf %parallel_loop3A_463, %parallel_loop3A_566 : vector<16xf32>
        %parallel_loop3A_568 = vector.extract_strided_slice %parallel_loop3A_203 {offsets = [14], sizes = [1], strides = [1]} : vector<16xf32> to vector<1xf32>
        %parallel_loop3A_569 = vector.extract %parallel_loop3A_568[0] : f32 from vector<1xf32>
        %parallel_loop3A_570 = arith.constant 14 : i32
        %parallel_loop3A_571 = arith.addi %parallel_loop3A_193, %parallel_loop3A_570 : i32
        %parallel_loop3A_572 = arith.constant 0 : i32
        %parallel_loop3A_573 = arith.index_cast %parallel_loop3A_572 : i32 to index
        %parallel_loop3A_574 = arith.index_cast %parallel_loop3A_175 : i32 to index
        %parallel_loop3A_575 = arith.index_cast %parallel_loop3A_571 : i32 to index
        %parallel_loop3A_576 = arith.constant 0 : index
        %parallel_loop3A_577 = tpu.vector_load %arg8[%parallel_loop3A_573, %parallel_loop3A_574, %parallel_loop3A_575, %parallel_loop3A_576] {strides = array<i32>} : memref<2x4x128x64xf32, #tpu.memory_space<vmem>>, vector<1x1x1x16xf32>,
        %parallel_loop3A_578 = vector.shape_cast %parallel_loop3A_577 : vector<1x1x1x16xf32> to vector<16xf32>
        %parallel_loop3A_579 = vector.broadcast %parallel_loop3A_569 : f32 to vector<16xf32>
        %parallel_loop3A_580 = arith.mulf %parallel_loop3A_579, %parallel_loop3A_578 : vector<16xf32>
        %parallel_loop3A_581 = arith.addf %parallel_loop3A_477, %parallel_loop3A_580 : vector<16xf32>
        %parallel_loop3A_582 = arith.constant 14 : i32
        %parallel_loop3A_583 = arith.addi %parallel_loop3A_193, %parallel_loop3A_582 : i32
        %parallel_loop3A_584 = arith.constant 0 : i32
        %parallel_loop3A_585 = arith.index_cast %parallel_loop3A_584 : i32 to index
        %parallel_loop3A_586 = arith.index_cast %parallel_loop3A_175 : i32 to index
        %parallel_loop3A_587 = arith.index_cast %parallel_loop3A_583 : i32 to index
        %parallel_loop3A_588 = arith.constant 16 : index
        %parallel_loop3A_589 = tpu.vector_load %arg8[%parallel_loop3A_585, %parallel_loop3A_586, %parallel_loop3A_587, %parallel_loop3A_588] {strides = array<i32>} : memref<2x4x128x64xf32, #tpu.memory_space<vmem>>, vector<1x1x1x16xf32>,
        %parallel_loop3A_590 = vector.shape_cast %parallel_loop3A_589 : vector<1x1x1x16xf32> to vector<16xf32>
        %parallel_loop3A_591 = vector.broadcast %parallel_loop3A_569 : f32 to vector<16xf32>
        %parallel_loop3A_592 = arith.mulf %parallel_loop3A_591, %parallel_loop3A_590 : vector<16xf32>
        %parallel_loop3A_593 = arith.addf %parallel_loop3A_489, %parallel_loop3A_592 : vector<16xf32>
        %parallel_loop3A_594 = vector.extract_strided_slice %parallel_loop3A_203 {offsets = [15], sizes = [1], strides = [1]} : vector<16xf32> to vector<1xf32>
        %parallel_loop3A_595 = vector.extract %parallel_loop3A_594[0] : f32 from vector<1xf32>
        %parallel_loop3A_596 = arith.constant 15 : i32
        %parallel_loop3A_597 = arith.addi %parallel_loop3A_193, %parallel_loop3A_596 : i32
        %parallel_loop3A_598 = arith.constant 0 : i32
        %parallel_loop3A_599 = arith.index_cast %parallel_loop3A_598 : i32 to index
        %parallel_loop3A_600 = arith.index_cast %parallel_loop3A_175 : i32 to index
        %parallel_loop3A_601 = arith.index_cast %parallel_loop3A_597 : i32 to index
        %parallel_loop3A_602 = arith.constant 0 : index
        %parallel_loop3A_603 = tpu.vector_load %arg8[%parallel_loop3A_599, %parallel_loop3A_600, %parallel_loop3A_601, %parallel_loop3A_602] {strides = array<i32>} : memref<2x4x128x64xf32, #tpu.memory_space<vmem>>, vector<1x1x1x16xf32>,
        %parallel_loop3A_604 = vector.shape_cast %parallel_loop3A_603 : vector<1x1x1x16xf32> to vector<16xf32>
        %parallel_loop3A_605 = vector.broadcast %parallel_loop3A_595 : f32 to vector<16xf32>
        %parallel_loop3A_606 = arith.mulf %parallel_loop3A_605, %parallel_loop3A_604 : vector<16xf32>
        %parallel_loop3A_607 = arith.addf %parallel_loop3A_503, %parallel_loop3A_606 : vector<16xf32>
        %parallel_loop3A_608 = arith.constant 15 : i32
        %parallel_loop3A_609 = arith.addi %parallel_loop3A_193, %parallel_loop3A_608 : i32
        %parallel_loop3A_610 = arith.constant 0 : i32
        %parallel_loop3A_611 = arith.index_cast %parallel_loop3A_610 : i32 to index
        %parallel_loop3A_612 = arith.index_cast %parallel_loop3A_175 : i32 to index
        %parallel_loop3A_613 = arith.index_cast %parallel_loop3A_609 : i32 to index
        %parallel_loop3A_614 = arith.constant 16 : index
        %parallel_loop3A_615 = tpu.vector_load %arg8[%parallel_loop3A_611, %parallel_loop3A_612, %parallel_loop3A_613, %parallel_loop3A_614] {strides = array<i32>} : memref<2x4x128x64xf32, #tpu.memory_space<vmem>>, vector<1x1x1x16xf32>,
        %parallel_loop3A_616 = vector.shape_cast %parallel_loop3A_615 : vector<1x1x1x16xf32> to vector<16xf32>
        %parallel_loop3A_617 = vector.broadcast %parallel_loop3A_595 : f32 to vector<16xf32>
        %parallel_loop3A_618 = arith.mulf %parallel_loop3A_617, %parallel_loop3A_616 : vector<16xf32>
        %parallel_loop3A_619 = arith.addf %parallel_loop3A_515, %parallel_loop3A_618 : vector<16xf32>
        %parallel_loop3A_620 = arith.constant 16 : i32
        %parallel_loop3A_621 = arith.addi %parallel_loop3A_193, %parallel_loop3A_620 : i32
        %parallel_loop3A_622 = arith.constant 0 : i32
        %parallel_loop3A_623 = arith.index_cast %parallel_loop3A_622 : i32 to index
        %parallel_loop3A_624 = arith.index_cast %parallel_loop3A_175 : i32 to index
        %parallel_loop3A_625 = arith.index_cast %parallel_loop3A_621 : i32 to index
        %parallel_loop3A_626 = tpu.vector_load %arg7[%parallel_loop3A_623, %parallel_loop3A_624, %parallel_loop3A_625] {strides = array<i32>} : memref<2x8x128xf32, #tpu.memory_space<vmem>>, vector<1x1x16xf32>,
        %parallel_loop3A_627 = vector.shape_cast %parallel_loop3A_626 : vector<1x1x16xf32> to vector<16xf32>
        %parallel_loop3A_628 = vector.extract_strided_slice %parallel_loop3A_627 {offsets = [0], sizes = [1], strides = [1]} : vector<16xf32> to vector<1xf32>
        %parallel_loop3A_629 = vector.extract %parallel_loop3A_628[0] : f32 from vector<1xf32>
        %parallel_loop3A_630 = arith.constant 16 : i32
        %parallel_loop3A_631 = arith.addi %parallel_loop3A_193, %parallel_loop3A_630 : i32
        %parallel_loop3A_632 = arith.constant 0 : i32
        %parallel_loop3A_633 = arith.index_cast %parallel_loop3A_632 : i32 to index
        %parallel_loop3A_634 = arith.index_cast %parallel_loop3A_175 : i32 to index
        %parallel_loop3A_635 = arith.index_cast %parallel_loop3A_631 : i32 to index
        %parallel_loop3A_636 = arith.constant 0 : index
        %parallel_loop3A_637 = tpu.vector_load %arg8[%parallel_loop3A_633, %parallel_loop3A_634, %parallel_loop3A_635, %parallel_loop3A_636] {strides = array<i32>} : memref<2x4x128x64xf32, #tpu.memory_space<vmem>>, vector<1x1x1x16xf32>,
        %parallel_loop3A_638 = vector.shape_cast %parallel_loop3A_637 : vector<1x1x1x16xf32> to vector<16xf32>
        %parallel_loop3A_639 = vector.broadcast %parallel_loop3A_629 : f32 to vector<16xf32>
        %parallel_loop3A_640 = arith.mulf %parallel_loop3A_639, %parallel_loop3A_638 : vector<16xf32>
        %parallel_loop3A_641 = arith.addf %parallel_loop3A_529, %parallel_loop3A_640 : vector<16xf32>
        %parallel_loop3A_642 = arith.constant 16 : i32
        %parallel_loop3A_643 = arith.addi %parallel_loop3A_193, %parallel_loop3A_642 : i32
        %parallel_loop3A_644 = arith.constant 0 : i32
        %parallel_loop3A_645 = arith.index_cast %parallel_loop3A_644 : i32 to index
        %parallel_loop3A_646 = arith.index_cast %parallel_loop3A_175 : i32 to index
        %parallel_loop3A_647 = arith.index_cast %parallel_loop3A_643 : i32 to index
        %parallel_loop3A_648 = arith.constant 16 : index
        %parallel_loop3A_649 = tpu.vector_load %arg8[%parallel_loop3A_645, %parallel_loop3A_646, %parallel_loop3A_647, %parallel_loop3A_648] {strides = array<i32>} : memref<2x4x128x64xf32, #tpu.memory_space<vmem>>, vector<1x1x1x16xf32>,
        %parallel_loop3A_650 = vector.shape_cast %parallel_loop3A_649 : vector<1x1x1x16xf32> to vector<16xf32>
        %parallel_loop3A_651 = vector.broadcast %parallel_loop3A_629 : f32 to vector<16xf32>
        %parallel_loop3A_652 = arith.mulf %parallel_loop3A_651, %parallel_loop3A_650 : vector<16xf32>
        %parallel_loop3A_653 = arith.addf %parallel_loop3A_541, %parallel_loop3A_652 : vector<16xf32>
        %parallel_loop3A_654 = vector.extract_strided_slice %parallel_loop3A_627 {offsets = [1], sizes = [1], strides = [1]} : vector<16xf32> to vector<1xf32>
        %parallel_loop3A_655 = vector.extract %parallel_loop3A_654[0] : f32 from vector<1xf32>
        %parallel_loop3A_656 = arith.constant 17 : i32
        %parallel_loop3A_657 = arith.addi %parallel_loop3A_193, %parallel_loop3A_656 : i32
        %parallel_loop3A_658 = arith.constant 0 : i32
        %parallel_loop3A_659 = arith.index_cast %parallel_loop3A_658 : i32 to index
        %parallel_loop3A_660 = arith.index_cast %parallel_loop3A_175 : i32 to index
        %parallel_loop3A_661 = arith.index_cast %parallel_loop3A_657 : i32 to index
        %parallel_loop3A_662 = arith.constant 0 : index
        %parallel_loop3A_663 = tpu.vector_load %arg8[%parallel_loop3A_659, %parallel_loop3A_660, %parallel_loop3A_661, %parallel_loop3A_662] {strides = array<i32>} : memref<2x4x128x64xf32, #tpu.memory_space<vmem>>, vector<1x1x1x16xf32>,
        %parallel_loop3A_664 = vector.shape_cast %parallel_loop3A_663 : vector<1x1x1x16xf32> to vector<16xf32>
        %parallel_loop3A_665 = vector.broadcast %parallel_loop3A_655 : f32 to vector<16xf32>
        %parallel_loop3A_666 = arith.mulf %parallel_loop3A_665, %parallel_loop3A_664 : vector<16xf32>
        %parallel_loop3A_667 = arith.addf %parallel_loop3A_555, %parallel_loop3A_666 : vector<16xf32>
        %parallel_loop3A_668 = arith.constant 17 : i32
        %parallel_loop3A_669 = arith.addi %parallel_loop3A_193, %parallel_loop3A_668 : i32
        %parallel_loop3A_670 = arith.constant 0 : i32
        %parallel_loop3A_671 = arith.index_cast %parallel_loop3A_670 : i32 to index
        %parallel_loop3A_672 = arith.index_cast %parallel_loop3A_175 : i32 to index
        %parallel_loop3A_673 = arith.index_cast %parallel_loop3A_669 : i32 to index
        %parallel_loop3A_674 = arith.constant 16 : index
        %parallel_loop3A_675 = tpu.vector_load %arg8[%parallel_loop3A_671, %parallel_loop3A_672, %parallel_loop3A_673, %parallel_loop3A_674] {strides = array<i32>} : memref<2x4x128x64xf32, #tpu.memory_space<vmem>>, vector<1x1x1x16xf32>,
        %parallel_loop3A_676 = vector.shape_cast %parallel_loop3A_675 : vector<1x1x1x16xf32> to vector<16xf32>
        %parallel_loop3A_677 = vector.broadcast %parallel_loop3A_655 : f32 to vector<16xf32>
        %parallel_loop3A_678 = arith.mulf %parallel_loop3A_677, %parallel_loop3A_676 : vector<16xf32>
        %parallel_loop3A_679 = arith.addf %parallel_loop3A_567, %parallel_loop3A_678 : vector<16xf32>
        %parallel_loop3A_680 = vector.extract_strided_slice %parallel_loop3A_627 {offsets = [2], sizes = [1], strides = [1]} : vector<16xf32> to vector<1xf32>
        %parallel_loop3A_681 = vector.extract %parallel_loop3A_680[0] : f32 from vector<1xf32>
        %parallel_loop3A_682 = arith.constant 18 : i32
        %parallel_loop3A_683 = arith.addi %parallel_loop3A_193, %parallel_loop3A_682 : i32
        %parallel_loop3A_684 = arith.constant 0 : i32
        %parallel_loop3A_685 = arith.index_cast %parallel_loop3A_684 : i32 to index
        %parallel_loop3A_686 = arith.index_cast %parallel_loop3A_175 : i32 to index
        %parallel_loop3A_687 = arith.index_cast %parallel_loop3A_683 : i32 to index
        %parallel_loop3A_688 = arith.constant 0 : index
        %parallel_loop3A_689 = tpu.vector_load %arg8[%parallel_loop3A_685, %parallel_loop3A_686, %parallel_loop3A_687, %parallel_loop3A_688] {strides = array<i32>} : memref<2x4x128x64xf32, #tpu.memory_space<vmem>>, vector<1x1x1x16xf32>,
        %parallel_loop3A_690 = vector.shape_cast %parallel_loop3A_689 : vector<1x1x1x16xf32> to vector<16xf32>
        %parallel_loop3A_691 = vector.broadcast %parallel_loop3A_681 : f32 to vector<16xf32>
        %parallel_loop3A_692 = arith.mulf %parallel_loop3A_691, %parallel_loop3A_690 : vector<16xf32>
        %parallel_loop3A_693 = arith.addf %parallel_loop3A_581, %parallel_loop3A_692 : vector<16xf32>
        %parallel_loop3A_694 = arith.constant 18 : i32
        %parallel_loop3A_695 = arith.addi %parallel_loop3A_193, %parallel_loop3A_694 : i32
        %parallel_loop3A_696 = arith.constant 0 : i32
        %parallel_loop3A_697 = arith.index_cast %parallel_loop3A_696 : i32 to index
        %parallel_loop3A_698 = arith.index_cast %parallel_loop3A_175 : i32 to index
        %parallel_loop3A_699 = arith.index_cast %parallel_loop3A_695 : i32 to index
        %parallel_loop3A_700 = arith.constant 16 : index
        %parallel_loop3A_701 = tpu.vector_load %arg8[%parallel_loop3A_697, %parallel_loop3A_698, %parallel_loop3A_699, %parallel_loop3A_700] {strides = array<i32>} : memref<2x4x128x64xf32, #tpu.memory_space<vmem>>, vector<1x1x1x16xf32>,
        %parallel_loop3A_702 = vector.shape_cast %parallel_loop3A_701 : vector<1x1x1x16xf32> to vector<16xf32>
        %parallel_loop3A_703 = vector.broadcast %parallel_loop3A_681 : f32 to vector<16xf32>
        %parallel_loop3A_704 = arith.mulf %parallel_loop3A_703, %parallel_loop3A_702 : vector<16xf32>
        %parallel_loop3A_705 = arith.addf %parallel_loop3A_593, %parallel_loop3A_704 : vector<16xf32>
        %parallel_loop3A_706 = vector.extract_strided_slice %parallel_loop3A_627 {offsets = [3], sizes = [1], strides = [1]} : vector<16xf32> to vector<1xf32>
        %parallel_loop3A_707 = vector.extract %parallel_loop3A_706[0] : f32 from vector<1xf32>
        %parallel_loop3A_708 = arith.constant 19 : i32
        %parallel_loop3A_709 = arith.addi %parallel_loop3A_193, %parallel_loop3A_708 : i32
        %parallel_loop3A_710 = arith.constant 0 : i32
        %parallel_loop3A_711 = arith.index_cast %parallel_loop3A_710 : i32 to index
        %parallel_loop3A_712 = arith.index_cast %parallel_loop3A_175 : i32 to index
        %parallel_loop3A_713 = arith.index_cast %parallel_loop3A_709 : i32 to index
        %parallel_loop3A_714 = arith.constant 0 : index
        %parallel_loop3A_715 = tpu.vector_load %arg8[%parallel_loop3A_711, %parallel_loop3A_712, %parallel_loop3A_713, %parallel_loop3A_714] {strides = array<i32>} : memref<2x4x128x64xf32, #tpu.memory_space<vmem>>, vector<1x1x1x16xf32>,
        %parallel_loop3A_716 = vector.shape_cast %parallel_loop3A_715 : vector<1x1x1x16xf32> to vector<16xf32>
        %parallel_loop3A_717 = vector.broadcast %parallel_loop3A_707 : f32 to vector<16xf32>
        %parallel_loop3A_718 = arith.mulf %parallel_loop3A_717, %parallel_loop3A_716 : vector<16xf32>
        %parallel_loop3A_719 = arith.addf %parallel_loop3A_607, %parallel_loop3A_718 : vector<16xf32>
        %parallel_loop3A_720 = arith.constant 19 : i32
        %parallel_loop3A_721 = arith.addi %parallel_loop3A_193, %parallel_loop3A_720 : i32
        %parallel_loop3A_722 = arith.constant 0 : i32
        %parallel_loop3A_723 = arith.index_cast %parallel_loop3A_722 : i32 to index
        %parallel_loop3A_724 = arith.index_cast %parallel_loop3A_175 : i32 to index
        %parallel_loop3A_725 = arith.index_cast %parallel_loop3A_721 : i32 to index
        %parallel_loop3A_726 = arith.constant 16 : index
        %parallel_loop3A_727 = tpu.vector_load %arg8[%parallel_loop3A_723, %parallel_loop3A_724, %parallel_loop3A_725, %parallel_loop3A_726] {strides = array<i32>} : memref<2x4x128x64xf32, #tpu.memory_space<vmem>>, vector<1x1x1x16xf32>,
        %parallel_loop3A_728 = vector.shape_cast %parallel_loop3A_727 : vector<1x1x1x16xf32> to vector<16xf32>
        %parallel_loop3A_729 = vector.broadcast %parallel_loop3A_707 : f32 to vector<16xf32>
        %parallel_loop3A_730 = arith.mulf %parallel_loop3A_729, %parallel_loop3A_728 : vector<16xf32>
        %parallel_loop3A_731 = arith.addf %parallel_loop3A_619, %parallel_loop3A_730 : vector<16xf32>
        %parallel_loop3A_732 = vector.extract_strided_slice %parallel_loop3A_627 {offsets = [4], sizes = [1], strides = [1]} : vector<16xf32> to vector<1xf32>
        %parallel_loop3A_733 = vector.extract %parallel_loop3A_732[0] : f32 from vector<1xf32>
        %parallel_loop3A_734 = arith.constant 20 : i32
        %parallel_loop3A_735 = arith.addi %parallel_loop3A_193, %parallel_loop3A_734 : i32
        %parallel_loop3A_736 = arith.constant 0 : i32
        %parallel_loop3A_737 = arith.index_cast %parallel_loop3A_736 : i32 to index
        %parallel_loop3A_738 = arith.index_cast %parallel_loop3A_175 : i32 to index
        %parallel_loop3A_739 = arith.index_cast %parallel_loop3A_735 : i32 to index
        %parallel_loop3A_740 = arith.constant 0 : index
        %parallel_loop3A_741 = tpu.vector_load %arg8[%parallel_loop3A_737, %parallel_loop3A_738, %parallel_loop3A_739, %parallel_loop3A_740] {strides = array<i32>} : memref<2x4x128x64xf32, #tpu.memory_space<vmem>>, vector<1x1x1x16xf32>,
        %parallel_loop3A_742 = vector.shape_cast %parallel_loop3A_741 : vector<1x1x1x16xf32> to vector<16xf32>
        %parallel_loop3A_743 = vector.broadcast %parallel_loop3A_733 : f32 to vector<16xf32>
        %parallel_loop3A_744 = arith.mulf %parallel_loop3A_743, %parallel_loop3A_742 : vector<16xf32>
        %parallel_loop3A_745 = arith.addf %parallel_loop3A_641, %parallel_loop3A_744 : vector<16xf32>
        %parallel_loop3A_746 = arith.constant 20 : i32
        %parallel_loop3A_747 = arith.addi %parallel_loop3A_193, %parallel_loop3A_746 : i32
        %parallel_loop3A_748 = arith.constant 0 : i32
        %parallel_loop3A_749 = arith.index_cast %parallel_loop3A_748 : i32 to index
        %parallel_loop3A_750 = arith.index_cast %parallel_loop3A_175 : i32 to index
        %parallel_loop3A_751 = arith.index_cast %parallel_loop3A_747 : i32 to index
        %parallel_loop3A_752 = arith.constant 16 : index
        %parallel_loop3A_753 = tpu.vector_load %arg8[%parallel_loop3A_749, %parallel_loop3A_750, %parallel_loop3A_751, %parallel_loop3A_752] {strides = array<i32>} : memref<2x4x128x64xf32, #tpu.memory_space<vmem>>, vector<1x1x1x16xf32>,
        %parallel_loop3A_754 = vector.shape_cast %parallel_loop3A_753 : vector<1x1x1x16xf32> to vector<16xf32>
        %parallel_loop3A_755 = vector.broadcast %parallel_loop3A_733 : f32 to vector<16xf32>
        %parallel_loop3A_756 = arith.mulf %parallel_loop3A_755, %parallel_loop3A_754 : vector<16xf32>
        %parallel_loop3A_757 = arith.addf %parallel_loop3A_653, %parallel_loop3A_756 : vector<16xf32>
        %parallel_loop3A_758 = vector.extract_strided_slice %parallel_loop3A_627 {offsets = [5], sizes = [1], strides = [1]} : vector<16xf32> to vector<1xf32>
        %parallel_loop3A_759 = vector.extract %parallel_loop3A_758[0] : f32 from vector<1xf32>
        %parallel_loop3A_760 = arith.constant 21 : i32
        %parallel_loop3A_761 = arith.addi %parallel_loop3A_193, %parallel_loop3A_760 : i32
        %parallel_loop3A_762 = arith.constant 0 : i32
        %parallel_loop3A_763 = arith.index_cast %parallel_loop3A_762 : i32 to index
        %parallel_loop3A_764 = arith.index_cast %parallel_loop3A_175 : i32 to index
        %parallel_loop3A_765 = arith.index_cast %parallel_loop3A_761 : i32 to index
        %parallel_loop3A_766 = arith.constant 0 : index
        %parallel_loop3A_767 = tpu.vector_load %arg8[%parallel_loop3A_763, %parallel_loop3A_764, %parallel_loop3A_765, %parallel_loop3A_766] {strides = array<i32>} : memref<2x4x128x64xf32, #tpu.memory_space<vmem>>, vector<1x1x1x16xf32>,
        %parallel_loop3A_768 = vector.shape_cast %parallel_loop3A_767 : vector<1x1x1x16xf32> to vector<16xf32>
        %parallel_loop3A_769 = vector.broadcast %parallel_loop3A_759 : f32 to vector<16xf32>
        %parallel_loop3A_770 = arith.mulf %parallel_loop3A_769, %parallel_loop3A_768 : vector<16xf32>
        %parallel_loop3A_771 = arith.addf %parallel_loop3A_667, %parallel_loop3A_770 : vector<16xf32>
        %parallel_loop3A_772 = arith.constant 21 : i32
        %parallel_loop3A_773 = arith.addi %parallel_loop3A_193, %parallel_loop3A_772 : i32
        %parallel_loop3A_774 = arith.constant 0 : i32
        %parallel_loop3A_775 = arith.index_cast %parallel_loop3A_774 : i32 to index
        %parallel_loop3A_776 = arith.index_cast %parallel_loop3A_175 : i32 to index
        %parallel_loop3A_777 = arith.index_cast %parallel_loop3A_773 : i32 to index
        %parallel_loop3A_778 = arith.constant 16 : index
        %parallel_loop3A_779 = tpu.vector_load %arg8[%parallel_loop3A_775, %parallel_loop3A_776, %parallel_loop3A_777, %parallel_loop3A_778] {strides = array<i32>} : memref<2x4x128x64xf32, #tpu.memory_space<vmem>>, vector<1x1x1x16xf32>,
        %parallel_loop3A_780 = vector.shape_cast %parallel_loop3A_779 : vector<1x1x1x16xf32> to vector<16xf32>
        %parallel_loop3A_781 = vector.broadcast %parallel_loop3A_759 : f32 to vector<16xf32>
        %parallel_loop3A_782 = arith.mulf %parallel_loop3A_781, %parallel_loop3A_780 : vector<16xf32>
        %parallel_loop3A_783 = arith.addf %parallel_loop3A_679, %parallel_loop3A_782 : vector<16xf32>
        %parallel_loop3A_784 = vector.extract_strided_slice %parallel_loop3A_627 {offsets = [6], sizes = [1], strides = [1]} : vector<16xf32> to vector<1xf32>
        %parallel_loop3A_785 = vector.extract %parallel_loop3A_784[0] : f32 from vector<1xf32>
        %parallel_loop3A_786 = arith.constant 22 : i32
        %parallel_loop3A_787 = arith.addi %parallel_loop3A_193, %parallel_loop3A_786 : i32
        %parallel_loop3A_788 = arith.constant 0 : i32
        %parallel_loop3A_789 = arith.index_cast %parallel_loop3A_788 : i32 to index
        %parallel_loop3A_790 = arith.index_cast %parallel_loop3A_175 : i32 to index
        %parallel_loop3A_791 = arith.index_cast %parallel_loop3A_787 : i32 to index
        %parallel_loop3A_792 = arith.constant 0 : index
        %parallel_loop3A_793 = tpu.vector_load %arg8[%parallel_loop3A_789, %parallel_loop3A_790, %parallel_loop3A_791, %parallel_loop3A_792] {strides = array<i32>} : memref<2x4x128x64xf32, #tpu.memory_space<vmem>>, vector<1x1x1x16xf32>,
        %parallel_loop3A_794 = vector.shape_cast %parallel_loop3A_793 : vector<1x1x1x16xf32> to vector<16xf32>
        %parallel_loop3A_795 = vector.broadcast %parallel_loop3A_785 : f32 to vector<16xf32>
        %parallel_loop3A_796 = arith.mulf %parallel_loop3A_795, %parallel_loop3A_794 : vector<16xf32>
        %parallel_loop3A_797 = arith.addf %parallel_loop3A_693, %parallel_loop3A_796 : vector<16xf32>
        %parallel_loop3A_798 = arith.constant 22 : i32
        %parallel_loop3A_799 = arith.addi %parallel_loop3A_193, %parallel_loop3A_798 : i32
        %parallel_loop3A_800 = arith.constant 0 : i32
        %parallel_loop3A_801 = arith.index_cast %parallel_loop3A_800 : i32 to index
        %parallel_loop3A_802 = arith.index_cast %parallel_loop3A_175 : i32 to index
        %parallel_loop3A_803 = arith.index_cast %parallel_loop3A_799 : i32 to index
        %parallel_loop3A_804 = arith.constant 16 : index
        %parallel_loop3A_805 = tpu.vector_load %arg8[%parallel_loop3A_801, %parallel_loop3A_802, %parallel_loop3A_803, %parallel_loop3A_804] {strides = array<i32>} : memref<2x4x128x64xf32, #tpu.memory_space<vmem>>, vector<1x1x1x16xf32>,
        %parallel_loop3A_806 = vector.shape_cast %parallel_loop3A_805 : vector<1x1x1x16xf32> to vector<16xf32>
        %parallel_loop3A_807 = vector.broadcast %parallel_loop3A_785 : f32 to vector<16xf32>
        %parallel_loop3A_808 = arith.mulf %parallel_loop3A_807, %parallel_loop3A_806 : vector<16xf32>
        %parallel_loop3A_809 = arith.addf %parallel_loop3A_705, %parallel_loop3A_808 : vector<16xf32>
        %parallel_loop3A_810 = vector.extract_strided_slice %parallel_loop3A_627 {offsets = [7], sizes = [1], strides = [1]} : vector<16xf32> to vector<1xf32>
        %parallel_loop3A_811 = vector.extract %parallel_loop3A_810[0] : f32 from vector<1xf32>
        %parallel_loop3A_812 = arith.constant 23 : i32
        %parallel_loop3A_813 = arith.addi %parallel_loop3A_193, %parallel_loop3A_812 : i32
        %parallel_loop3A_814 = arith.constant 0 : i32
        %parallel_loop3A_815 = arith.index_cast %parallel_loop3A_814 : i32 to index
        %parallel_loop3A_816 = arith.index_cast %parallel_loop3A_175 : i32 to index
        %parallel_loop3A_817 = arith.index_cast %parallel_loop3A_813 : i32 to index
        %parallel_loop3A_818 = arith.constant 0 : index
        %parallel_loop3A_819 = tpu.vector_load %arg8[%parallel_loop3A_815, %parallel_loop3A_816, %parallel_loop3A_817, %parallel_loop3A_818] {strides = array<i32>} : memref<2x4x128x64xf32, #tpu.memory_space<vmem>>, vector<1x1x1x16xf32>,
        %parallel_loop3A_820 = vector.shape_cast %parallel_loop3A_819 : vector<1x1x1x16xf32> to vector<16xf32>
        %parallel_loop3A_821 = vector.broadcast %parallel_loop3A_811 : f32 to vector<16xf32>
        %parallel_loop3A_822 = arith.mulf %parallel_loop3A_821, %parallel_loop3A_820 : vector<16xf32>
        %parallel_loop3A_823 = arith.addf %parallel_loop3A_719, %parallel_loop3A_822 : vector<16xf32>
        %parallel_loop3A_824 = arith.constant 23 : i32
        %parallel_loop3A_825 = arith.addi %parallel_loop3A_193, %parallel_loop3A_824 : i32
        %parallel_loop3A_826 = arith.constant 0 : i32
        %parallel_loop3A_827 = arith.index_cast %parallel_loop3A_826 : i32 to index
        %parallel_loop3A_828 = arith.index_cast %parallel_loop3A_175 : i32 to index
        %parallel_loop3A_829 = arith.index_cast %parallel_loop3A_825 : i32 to index
        %parallel_loop3A_830 = arith.constant 16 : index
        %parallel_loop3A_831 = tpu.vector_load %arg8[%parallel_loop3A_827, %parallel_loop3A_828, %parallel_loop3A_829, %parallel_loop3A_830] {strides = array<i32>} : memref<2x4x128x64xf32, #tpu.memory_space<vmem>>, vector<1x1x1x16xf32>,
        %parallel_loop3A_832 = vector.shape_cast %parallel_loop3A_831 : vector<1x1x1x16xf32> to vector<16xf32>
        %parallel_loop3A_833 = vector.broadcast %parallel_loop3A_811 : f32 to vector<16xf32>
        %parallel_loop3A_834 = arith.mulf %parallel_loop3A_833, %parallel_loop3A_832 : vector<16xf32>
        %parallel_loop3A_835 = arith.addf %parallel_loop3A_731, %parallel_loop3A_834 : vector<16xf32>
        %parallel_loop3A_836 = vector.extract_strided_slice %parallel_loop3A_627 {offsets = [8], sizes = [1], strides = [1]} : vector<16xf32> to vector<1xf32>
        %parallel_loop3A_837 = vector.extract %parallel_loop3A_836[0] : f32 from vector<1xf32>
        %parallel_loop3A_838 = arith.constant 24 : i32
        %parallel_loop3A_839 = arith.addi %parallel_loop3A_193, %parallel_loop3A_838 : i32
        %parallel_loop3A_840 = arith.constant 0 : i32
        %parallel_loop3A_841 = arith.index_cast %parallel_loop3A_840 : i32 to index
        %parallel_loop3A_842 = arith.index_cast %parallel_loop3A_175 : i32 to index
        %parallel_loop3A_843 = arith.index_cast %parallel_loop3A_839 : i32 to index
        %parallel_loop3A_844 = arith.constant 0 : index
        %parallel_loop3A_845 = tpu.vector_load %arg8[%parallel_loop3A_841, %parallel_loop3A_842, %parallel_loop3A_843, %parallel_loop3A_844] {strides = array<i32>} : memref<2x4x128x64xf32, #tpu.memory_space<vmem>>, vector<1x1x1x16xf32>,
        %parallel_loop3A_846 = vector.shape_cast %parallel_loop3A_845 : vector<1x1x1x16xf32> to vector<16xf32>
        %parallel_loop3A_847 = vector.broadcast %parallel_loop3A_837 : f32 to vector<16xf32>
        %parallel_loop3A_848 = arith.mulf %parallel_loop3A_847, %parallel_loop3A_846 : vector<16xf32>
        %parallel_loop3A_849 = arith.addf %parallel_loop3A_745, %parallel_loop3A_848 : vector<16xf32>
        %parallel_loop3A_850 = arith.constant 24 : i32
        %parallel_loop3A_851 = arith.addi %parallel_loop3A_193, %parallel_loop3A_850 : i32
        %parallel_loop3A_852 = arith.constant 0 : i32
        %parallel_loop3A_853 = arith.index_cast %parallel_loop3A_852 : i32 to index
        %parallel_loop3A_854 = arith.index_cast %parallel_loop3A_175 : i32 to index
        %parallel_loop3A_855 = arith.index_cast %parallel_loop3A_851 : i32 to index
        %parallel_loop3A_856 = arith.constant 16 : index
        %parallel_loop3A_857 = tpu.vector_load %arg8[%parallel_loop3A_853, %parallel_loop3A_854, %parallel_loop3A_855, %parallel_loop3A_856] {strides = array<i32>} : memref<2x4x128x64xf32, #tpu.memory_space<vmem>>, vector<1x1x1x16xf32>,
        %parallel_loop3A_858 = vector.shape_cast %parallel_loop3A_857 : vector<1x1x1x16xf32> to vector<16xf32>
        %parallel_loop3A_859 = vector.broadcast %parallel_loop3A_837 : f32 to vector<16xf32>
        %parallel_loop3A_860 = arith.mulf %parallel_loop3A_859, %parallel_loop3A_858 : vector<16xf32>
        %parallel_loop3A_861 = arith.addf %parallel_loop3A_757, %parallel_loop3A_860 : vector<16xf32>
        %parallel_loop3A_862 = vector.extract_strided_slice %parallel_loop3A_627 {offsets = [9], sizes = [1], strides = [1]} : vector<16xf32> to vector<1xf32>
        %parallel_loop3A_863 = vector.extract %parallel_loop3A_862[0] : f32 from vector<1xf32>
        %parallel_loop3A_864 = arith.constant 25 : i32
        %parallel_loop3A_865 = arith.addi %parallel_loop3A_193, %parallel_loop3A_864 : i32
        %parallel_loop3A_866 = arith.constant 0 : i32
        %parallel_loop3A_867 = arith.index_cast %parallel_loop3A_866 : i32 to index
        %parallel_loop3A_868 = arith.index_cast %parallel_loop3A_175 : i32 to index
        %parallel_loop3A_869 = arith.index_cast %parallel_loop3A_865 : i32 to index
        %parallel_loop3A_870 = arith.constant 0 : index
        %parallel_loop3A_871 = tpu.vector_load %arg8[%parallel_loop3A_867, %parallel_loop3A_868, %parallel_loop3A_869, %parallel_loop3A_870] {strides = array<i32>} : memref<2x4x128x64xf32, #tpu.memory_space<vmem>>, vector<1x1x1x16xf32>,
        %parallel_loop3A_872 = vector.shape_cast %parallel_loop3A_871 : vector<1x1x1x16xf32> to vector<16xf32>
        %parallel_loop3A_873 = vector.broadcast %parallel_loop3A_863 : f32 to vector<16xf32>
        %parallel_loop3A_874 = arith.mulf %parallel_loop3A_873, %parallel_loop3A_872 : vector<16xf32>
        %parallel_loop3A_875 = arith.addf %parallel_loop3A_771, %parallel_loop3A_874 : vector<16xf32>
        %parallel_loop3A_876 = arith.constant 25 : i32
        %parallel_loop3A_877 = arith.addi %parallel_loop3A_193, %parallel_loop3A_876 : i32
        %parallel_loop3A_878 = arith.constant 0 : i32
        %parallel_loop3A_879 = arith.index_cast %parallel_loop3A_878 : i32 to index
        %parallel_loop3A_880 = arith.index_cast %parallel_loop3A_175 : i32 to index
        %parallel_loop3A_881 = arith.index_cast %parallel_loop3A_877 : i32 to index
        %parallel_loop3A_882 = arith.constant 16 : index
        %parallel_loop3A_883 = tpu.vector_load %arg8[%parallel_loop3A_879, %parallel_loop3A_880, %parallel_loop3A_881, %parallel_loop3A_882] {strides = array<i32>} : memref<2x4x128x64xf32, #tpu.memory_space<vmem>>, vector<1x1x1x16xf32>,
        %parallel_loop3A_884 = vector.shape_cast %parallel_loop3A_883 : vector<1x1x1x16xf32> to vector<16xf32>
        %parallel_loop3A_885 = vector.broadcast %parallel_loop3A_863 : f32 to vector<16xf32>
        %parallel_loop3A_886 = arith.mulf %parallel_loop3A_885, %parallel_loop3A_884 : vector<16xf32>
        %parallel_loop3A_887 = arith.addf %parallel_loop3A_783, %parallel_loop3A_886 : vector<16xf32>
        %parallel_loop3A_888 = vector.extract_strided_slice %parallel_loop3A_627 {offsets = [10], sizes = [1], strides = [1]} : vector<16xf32> to vector<1xf32>
        %parallel_loop3A_889 = vector.extract %parallel_loop3A_888[0] : f32 from vector<1xf32>
        %parallel_loop3A_890 = arith.constant 26 : i32
        %parallel_loop3A_891 = arith.addi %parallel_loop3A_193, %parallel_loop3A_890 : i32
        %parallel_loop3A_892 = arith.constant 0 : i32
        %parallel_loop3A_893 = arith.index_cast %parallel_loop3A_892 : i32 to index
        %parallel_loop3A_894 = arith.index_cast %parallel_loop3A_175 : i32 to index
        %parallel_loop3A_895 = arith.index_cast %parallel_loop3A_891 : i32 to index
        %parallel_loop3A_896 = arith.constant 0 : index
        %parallel_loop3A_897 = tpu.vector_load %arg8[%parallel_loop3A_893, %parallel_loop3A_894, %parallel_loop3A_895, %parallel_loop3A_896] {strides = array<i32>} : memref<2x4x128x64xf32, #tpu.memory_space<vmem>>, vector<1x1x1x16xf32>,
        %parallel_loop3A_898 = vector.shape_cast %parallel_loop3A_897 : vector<1x1x1x16xf32> to vector<16xf32>
        %parallel_loop3A_899 = vector.broadcast %parallel_loop3A_889 : f32 to vector<16xf32>
        %parallel_loop3A_900 = arith.mulf %parallel_loop3A_899, %parallel_loop3A_898 : vector<16xf32>
        %parallel_loop3A_901 = arith.addf %parallel_loop3A_797, %parallel_loop3A_900 : vector<16xf32>
        %parallel_loop3A_902 = arith.constant 26 : i32
        %parallel_loop3A_903 = arith.addi %parallel_loop3A_193, %parallel_loop3A_902 : i32
        %parallel_loop3A_904 = arith.constant 0 : i32
        %parallel_loop3A_905 = arith.index_cast %parallel_loop3A_904 : i32 to index
        %parallel_loop3A_906 = arith.index_cast %parallel_loop3A_175 : i32 to index
        %parallel_loop3A_907 = arith.index_cast %parallel_loop3A_903 : i32 to index
        %parallel_loop3A_908 = arith.constant 16 : index
        %parallel_loop3A_909 = tpu.vector_load %arg8[%parallel_loop3A_905, %parallel_loop3A_906, %parallel_loop3A_907, %parallel_loop3A_908] {strides = array<i32>} : memref<2x4x128x64xf32, #tpu.memory_space<vmem>>, vector<1x1x1x16xf32>,
        %parallel_loop3A_910 = vector.shape_cast %parallel_loop3A_909 : vector<1x1x1x16xf32> to vector<16xf32>
        %parallel_loop3A_911 = vector.broadcast %parallel_loop3A_889 : f32 to vector<16xf32>
        %parallel_loop3A_912 = arith.mulf %parallel_loop3A_911, %parallel_loop3A_910 : vector<16xf32>
        %parallel_loop3A_913 = arith.addf %parallel_loop3A_809, %parallel_loop3A_912 : vector<16xf32>
        %parallel_loop3A_914 = vector.extract_strided_slice %parallel_loop3A_627 {offsets = [11], sizes = [1], strides = [1]} : vector<16xf32> to vector<1xf32>
        %parallel_loop3A_915 = vector.extract %parallel_loop3A_914[0] : f32 from vector<1xf32>
        %parallel_loop3A_916 = arith.constant 27 : i32
        %parallel_loop3A_917 = arith.addi %parallel_loop3A_193, %parallel_loop3A_916 : i32
        %parallel_loop3A_918 = arith.constant 0 : i32
        %parallel_loop3A_919 = arith.index_cast %parallel_loop3A_918 : i32 to index
        %parallel_loop3A_920 = arith.index_cast %parallel_loop3A_175 : i32 to index
        %parallel_loop3A_921 = arith.index_cast %parallel_loop3A_917 : i32 to index
        %parallel_loop3A_922 = arith.constant 0 : index
        %parallel_loop3A_923 = tpu.vector_load %arg8[%parallel_loop3A_919, %parallel_loop3A_920, %parallel_loop3A_921, %parallel_loop3A_922] {strides = array<i32>} : memref<2x4x128x64xf32, #tpu.memory_space<vmem>>, vector<1x1x1x16xf32>,
        %parallel_loop3A_924 = vector.shape_cast %parallel_loop3A_923 : vector<1x1x1x16xf32> to vector<16xf32>
        %parallel_loop3A_925 = vector.broadcast %parallel_loop3A_915 : f32 to vector<16xf32>
        %parallel_loop3A_926 = arith.mulf %parallel_loop3A_925, %parallel_loop3A_924 : vector<16xf32>
        %parallel_loop3A_927 = arith.addf %parallel_loop3A_823, %parallel_loop3A_926 : vector<16xf32>
        %parallel_loop3A_928 = arith.constant 27 : i32
        %parallel_loop3A_929 = arith.addi %parallel_loop3A_193, %parallel_loop3A_928 : i32
        %parallel_loop3A_930 = arith.constant 0 : i32
        %parallel_loop3A_931 = arith.index_cast %parallel_loop3A_930 : i32 to index
        %parallel_loop3A_932 = arith.index_cast %parallel_loop3A_175 : i32 to index
        %parallel_loop3A_933 = arith.index_cast %parallel_loop3A_929 : i32 to index
        %parallel_loop3A_934 = arith.constant 16 : index
        %parallel_loop3A_935 = tpu.vector_load %arg8[%parallel_loop3A_931, %parallel_loop3A_932, %parallel_loop3A_933, %parallel_loop3A_934] {strides = array<i32>} : memref<2x4x128x64xf32, #tpu.memory_space<vmem>>, vector<1x1x1x16xf32>,
        %parallel_loop3A_936 = vector.shape_cast %parallel_loop3A_935 : vector<1x1x1x16xf32> to vector<16xf32>
        %parallel_loop3A_937 = vector.broadcast %parallel_loop3A_915 : f32 to vector<16xf32>
        %parallel_loop3A_938 = arith.mulf %parallel_loop3A_937, %parallel_loop3A_936 : vector<16xf32>
        %parallel_loop3A_939 = arith.addf %parallel_loop3A_835, %parallel_loop3A_938 : vector<16xf32>
        %parallel_loop3A_940 = vector.extract_strided_slice %parallel_loop3A_627 {offsets = [12], sizes = [1], strides = [1]} : vector<16xf32> to vector<1xf32>
        %parallel_loop3A_941 = vector.extract %parallel_loop3A_940[0] : f32 from vector<1xf32>
        %parallel_loop3A_942 = arith.constant 28 : i32
        %parallel_loop3A_943 = arith.addi %parallel_loop3A_193, %parallel_loop3A_942 : i32
        %parallel_loop3A_944 = arith.constant 0 : i32
        %parallel_loop3A_945 = arith.index_cast %parallel_loop3A_944 : i32 to index
        %parallel_loop3A_946 = arith.index_cast %parallel_loop3A_175 : i32 to index
        %parallel_loop3A_947 = arith.index_cast %parallel_loop3A_943 : i32 to index
        %parallel_loop3A_948 = arith.constant 0 : index
        %parallel_loop3A_949 = tpu.vector_load %arg8[%parallel_loop3A_945, %parallel_loop3A_946, %parallel_loop3A_947, %parallel_loop3A_948] {strides = array<i32>} : memref<2x4x128x64xf32, #tpu.memory_space<vmem>>, vector<1x1x1x16xf32>,
        %parallel_loop3A_950 = vector.shape_cast %parallel_loop3A_949 : vector<1x1x1x16xf32> to vector<16xf32>
        %parallel_loop3A_951 = vector.broadcast %parallel_loop3A_941 : f32 to vector<16xf32>
        %parallel_loop3A_952 = arith.mulf %parallel_loop3A_951, %parallel_loop3A_950 : vector<16xf32>
        %parallel_loop3A_953 = arith.addf %parallel_loop3A_849, %parallel_loop3A_952 : vector<16xf32>
        %parallel_loop3A_954 = arith.constant 28 : i32
        %parallel_loop3A_955 = arith.addi %parallel_loop3A_193, %parallel_loop3A_954 : i32
        %parallel_loop3A_956 = arith.constant 0 : i32
        %parallel_loop3A_957 = arith.index_cast %parallel_loop3A_956 : i32 to index
        %parallel_loop3A_958 = arith.index_cast %parallel_loop3A_175 : i32 to index
        %parallel_loop3A_959 = arith.index_cast %parallel_loop3A_955 : i32 to index
        %parallel_loop3A_960 = arith.constant 16 : index
        %parallel_loop3A_961 = tpu.vector_load %arg8[%parallel_loop3A_957, %parallel_loop3A_958, %parallel_loop3A_959, %parallel_loop3A_960] {strides = array<i32>} : memref<2x4x128x64xf32, #tpu.memory_space<vmem>>, vector<1x1x1x16xf32>,
        %parallel_loop3A_962 = vector.shape_cast %parallel_loop3A_961 : vector<1x1x1x16xf32> to vector<16xf32>
        %parallel_loop3A_963 = vector.broadcast %parallel_loop3A_941 : f32 to vector<16xf32>
        %parallel_loop3A_964 = arith.mulf %parallel_loop3A_963, %parallel_loop3A_962 : vector<16xf32>
        %parallel_loop3A_965 = arith.addf %parallel_loop3A_861, %parallel_loop3A_964 : vector<16xf32>
        %parallel_loop3A_966 = vector.extract_strided_slice %parallel_loop3A_627 {offsets = [13], sizes = [1], strides = [1]} : vector<16xf32> to vector<1xf32>
        %parallel_loop3A_967 = vector.extract %parallel_loop3A_966[0] : f32 from vector<1xf32>
        %parallel_loop3A_968 = arith.constant 29 : i32
        %parallel_loop3A_969 = arith.addi %parallel_loop3A_193, %parallel_loop3A_968 : i32
        %parallel_loop3A_970 = arith.constant 0 : i32
        %parallel_loop3A_971 = arith.index_cast %parallel_loop3A_970 : i32 to index
        %parallel_loop3A_972 = arith.index_cast %parallel_loop3A_175 : i32 to index
        %parallel_loop3A_973 = arith.index_cast %parallel_loop3A_969 : i32 to index
        %parallel_loop3A_974 = arith.constant 0 : index
        %parallel_loop3A_975 = tpu.vector_load %arg8[%parallel_loop3A_971, %parallel_loop3A_972, %parallel_loop3A_973, %parallel_loop3A_974] {strides = array<i32>} : memref<2x4x128x64xf32, #tpu.memory_space<vmem>>, vector<1x1x1x16xf32>,
        %parallel_loop3A_976 = vector.shape_cast %parallel_loop3A_975 : vector<1x1x1x16xf32> to vector<16xf32>
        %parallel_loop3A_977 = vector.broadcast %parallel_loop3A_967 : f32 to vector<16xf32>
        %parallel_loop3A_978 = arith.mulf %parallel_loop3A_977, %parallel_loop3A_976 : vector<16xf32>
        %parallel_loop3A_979 = arith.addf %parallel_loop3A_875, %parallel_loop3A_978 : vector<16xf32>
        %parallel_loop3A_980 = arith.constant 29 : i32
        %parallel_loop3A_981 = arith.addi %parallel_loop3A_193, %parallel_loop3A_980 : i32
        %parallel_loop3A_982 = arith.constant 0 : i32
        %parallel_loop3A_983 = arith.index_cast %parallel_loop3A_982 : i32 to index
        %parallel_loop3A_984 = arith.index_cast %parallel_loop3A_175 : i32 to index
        %parallel_loop3A_985 = arith.index_cast %parallel_loop3A_981 : i32 to index
        %parallel_loop3A_986 = arith.constant 16 : index
        %parallel_loop3A_987 = tpu.vector_load %arg8[%parallel_loop3A_983, %parallel_loop3A_984, %parallel_loop3A_985, %parallel_loop3A_986] {strides = array<i32>} : memref<2x4x128x64xf32, #tpu.memory_space<vmem>>, vector<1x1x1x16xf32>,
        %parallel_loop3A_988 = vector.shape_cast %parallel_loop3A_987 : vector<1x1x1x16xf32> to vector<16xf32>
        %parallel_loop3A_989 = vector.broadcast %parallel_loop3A_967 : f32 to vector<16xf32>
        %parallel_loop3A_990 = arith.mulf %parallel_loop3A_989, %parallel_loop3A_988 : vector<16xf32>
        %parallel_loop3A_991 = arith.addf %parallel_loop3A_887, %parallel_loop3A_990 : vector<16xf32>
        %parallel_loop3A_992 = vector.extract_strided_slice %parallel_loop3A_627 {offsets = [14], sizes = [1], strides = [1]} : vector<16xf32> to vector<1xf32>
        %parallel_loop3A_993 = vector.extract %parallel_loop3A_992[0] : f32 from vector<1xf32>
        %parallel_loop3A_994 = arith.constant 30 : i32
        %parallel_loop3A_995 = arith.addi %parallel_loop3A_193, %parallel_loop3A_994 : i32
        %parallel_loop3A_996 = arith.constant 0 : i32
        %parallel_loop3A_997 = arith.index_cast %parallel_loop3A_996 : i32 to index
        %parallel_loop3A_998 = arith.index_cast %parallel_loop3A_175 : i32 to index
        %parallel_loop3A_999 = arith.index_cast %parallel_loop3A_995 : i32 to index
        %parallel_loop3A_1000 = arith.constant 0 : index
        %parallel_loop3A_1001 = tpu.vector_load %arg8[%parallel_loop3A_997, %parallel_loop3A_998, %parallel_loop3A_999, %parallel_loop3A_1000] {strides = array<i32>} : memref<2x4x128x64xf32, #tpu.memory_space<vmem>>, vector<1x1x1x16xf32>,
        %parallel_loop3A_1002 = vector.shape_cast %parallel_loop3A_1001 : vector<1x1x1x16xf32> to vector<16xf32>
        %parallel_loop3A_1003 = vector.broadcast %parallel_loop3A_993 : f32 to vector<16xf32>
        %parallel_loop3A_1004 = arith.mulf %parallel_loop3A_1003, %parallel_loop3A_1002 : vector<16xf32>
        %parallel_loop3A_1005 = arith.addf %parallel_loop3A_901, %parallel_loop3A_1004 : vector<16xf32>
        %parallel_loop3A_1006 = arith.constant 30 : i32
        %parallel_loop3A_1007 = arith.addi %parallel_loop3A_193, %parallel_loop3A_1006 : i32
        %parallel_loop3A_1008 = arith.constant 0 : i32
        %parallel_loop3A_1009 = arith.index_cast %parallel_loop3A_1008 : i32 to index
        %parallel_loop3A_1010 = arith.index_cast %parallel_loop3A_175 : i32 to index
        %parallel_loop3A_1011 = arith.index_cast %parallel_loop3A_1007 : i32 to index
        %parallel_loop3A_1012 = arith.constant 16 : index
        %parallel_loop3A_1013 = tpu.vector_load %arg8[%parallel_loop3A_1009, %parallel_loop3A_1010, %parallel_loop3A_1011, %parallel_loop3A_1012] {strides = array<i32>} : memref<2x4x128x64xf32, #tpu.memory_space<vmem>>, vector<1x1x1x16xf32>,
        %parallel_loop3A_1014 = vector.shape_cast %parallel_loop3A_1013 : vector<1x1x1x16xf32> to vector<16xf32>
        %parallel_loop3A_1015 = vector.broadcast %parallel_loop3A_993 : f32 to vector<16xf32>
        %parallel_loop3A_1016 = arith.mulf %parallel_loop3A_1015, %parallel_loop3A_1014 : vector<16xf32>
        %parallel_loop3A_1017 = arith.addf %parallel_loop3A_913, %parallel_loop3A_1016 : vector<16xf32>
        %parallel_loop3A_1018 = vector.extract_strided_slice %parallel_loop3A_627 {offsets = [15], sizes = [1], strides = [1]} : vector<16xf32> to vector<1xf32>
        %parallel_loop3A_1019 = vector.extract %parallel_loop3A_1018[0] : f32 from vector<1xf32>
        %parallel_loop3A_1020 = arith.constant 31 : i32
        %parallel_loop3A_1021 = arith.addi %parallel_loop3A_193, %parallel_loop3A_1020 : i32
        %parallel_loop3A_1022 = arith.constant 0 : i32
        %parallel_loop3A_1023 = arith.index_cast %parallel_loop3A_1022 : i32 to index
        %parallel_loop3A_1024 = arith.index_cast %parallel_loop3A_175 : i32 to index
        %parallel_loop3A_1025 = arith.index_cast %parallel_loop3A_1021 : i32 to index
        %parallel_loop3A_1026 = arith.constant 0 : index
        %parallel_loop3A_1027 = tpu.vector_load %arg8[%parallel_loop3A_1023, %parallel_loop3A_1024, %parallel_loop3A_1025, %parallel_loop3A_1026] {strides = array<i32>} : memref<2x4x128x64xf32, #tpu.memory_space<vmem>>, vector<1x1x1x16xf32>,
        %parallel_loop3A_1028 = vector.shape_cast %parallel_loop3A_1027 : vector<1x1x1x16xf32> to vector<16xf32>
        %parallel_loop3A_1029 = vector.broadcast %parallel_loop3A_1019 : f32 to vector<16xf32>
        %parallel_loop3A_1030 = arith.mulf %parallel_loop3A_1029, %parallel_loop3A_1028 : vector<16xf32>
        %parallel_loop3A_1031 = arith.addf %parallel_loop3A_927, %parallel_loop3A_1030 : vector<16xf32>
        %parallel_loop3A_1032 = arith.constant 31 : i32
        %parallel_loop3A_1033 = arith.addi %parallel_loop3A_193, %parallel_loop3A_1032 : i32
        %parallel_loop3A_1034 = arith.constant 0 : i32
        %parallel_loop3A_1035 = arith.index_cast %parallel_loop3A_1034 : i32 to index
        %parallel_loop3A_1036 = arith.index_cast %parallel_loop3A_175 : i32 to index
        %parallel_loop3A_1037 = arith.index_cast %parallel_loop3A_1033 : i32 to index
        %parallel_loop3A_1038 = arith.constant 16 : index
        %parallel_loop3A_1039 = tpu.vector_load %arg8[%parallel_loop3A_1035, %parallel_loop3A_1036, %parallel_loop3A_1037, %parallel_loop3A_1038] {strides = array<i32>} : memref<2x4x128x64xf32, #tpu.memory_space<vmem>>, vector<1x1x1x16xf32>,
        %parallel_loop3A_1040 = vector.shape_cast %parallel_loop3A_1039 : vector<1x1x1x16xf32> to vector<16xf32>
        %parallel_loop3A_1041 = vector.broadcast %parallel_loop3A_1019 : f32 to vector<16xf32>
        %parallel_loop3A_1042 = arith.mulf %parallel_loop3A_1041, %parallel_loop3A_1040 : vector<16xf32>
        %parallel_loop3A_1043 = arith.addf %parallel_loop3A_939, %parallel_loop3A_1042 : vector<16xf32>
        %parallel_loop3A_1044 = arith.constant 32 : i32
        %parallel_loop3A_1045 = arith.addi %parallel_loop3A_193, %parallel_loop3A_1044 : i32
        %parallel_loop3A_1046 = arith.constant 0 : i32
        %parallel_loop3A_1047 = arith.index_cast %parallel_loop3A_1046 : i32 to index
        %parallel_loop3A_1048 = arith.index_cast %parallel_loop3A_175 : i32 to index
        %parallel_loop3A_1049 = arith.index_cast %parallel_loop3A_1045 : i32 to index
        %parallel_loop3A_1050 = tpu.vector_load %arg7[%parallel_loop3A_1047, %parallel_loop3A_1048, %parallel_loop3A_1049] {strides = array<i32>} : memref<2x8x128xf32, #tpu.memory_space<vmem>>, vector<1x1x16xf32>,
        %parallel_loop3A_1051 = vector.shape_cast %parallel_loop3A_1050 : vector<1x1x16xf32> to vector<16xf32>
        %parallel_loop3A_1052 = vector.extract_strided_slice %parallel_loop3A_1051 {offsets = [0], sizes = [1], strides = [1]} : vector<16xf32> to vector<1xf32>
        %parallel_loop3A_1053 = vector.extract %parallel_loop3A_1052[0] : f32 from vector<1xf32>
        %parallel_loop3A_1054 = arith.constant 32 : i32
        %parallel_loop3A_1055 = arith.addi %parallel_loop3A_193, %parallel_loop3A_1054 : i32
        %parallel_loop3A_1056 = arith.constant 0 : i32
        %parallel_loop3A_1057 = arith.index_cast %parallel_loop3A_1056 : i32 to index
        %parallel_loop3A_1058 = arith.index_cast %parallel_loop3A_175 : i32 to index
        %parallel_loop3A_1059 = arith.index_cast %parallel_loop3A_1055 : i32 to index
        %parallel_loop3A_1060 = arith.constant 0 : index
        %parallel_loop3A_1061 = tpu.vector_load %arg8[%parallel_loop3A_1057, %parallel_loop3A_1058, %parallel_loop3A_1059, %parallel_loop3A_1060] {strides = array<i32>} : memref<2x4x128x64xf32, #tpu.memory_space<vmem>>, vector<1x1x1x16xf32>,
        %parallel_loop3A_1062 = vector.shape_cast %parallel_loop3A_1061 : vector<1x1x1x16xf32> to vector<16xf32>
        %parallel_loop3A_1063 = vector.broadcast %parallel_loop3A_1053 : f32 to vector<16xf32>
        %parallel_loop3A_1064 = arith.mulf %parallel_loop3A_1063, %parallel_loop3A_1062 : vector<16xf32>
        %parallel_loop3A_1065 = arith.addf %parallel_loop3A_953, %parallel_loop3A_1064 : vector<16xf32>
        %parallel_loop3A_1066 = arith.constant 32 : i32
        %parallel_loop3A_1067 = arith.addi %parallel_loop3A_193, %parallel_loop3A_1066 : i32
        %parallel_loop3A_1068 = arith.constant 0 : i32
        %parallel_loop3A_1069 = arith.index_cast %parallel_loop3A_1068 : i32 to index
        %parallel_loop3A_1070 = arith.index_cast %parallel_loop3A_175 : i32 to index
        %parallel_loop3A_1071 = arith.index_cast %parallel_loop3A_1067 : i32 to index
        %parallel_loop3A_1072 = arith.constant 16 : index
        %parallel_loop3A_1073 = tpu.vector_load %arg8[%parallel_loop3A_1069, %parallel_loop3A_1070, %parallel_loop3A_1071, %parallel_loop3A_1072] {strides = array<i32>} : memref<2x4x128x64xf32, #tpu.memory_space<vmem>>, vector<1x1x1x16xf32>,
        %parallel_loop3A_1074 = vector.shape_cast %parallel_loop3A_1073 : vector<1x1x1x16xf32> to vector<16xf32>
        %parallel_loop3A_1075 = vector.broadcast %parallel_loop3A_1053 : f32 to vector<16xf32>
        %parallel_loop3A_1076 = arith.mulf %parallel_loop3A_1075, %parallel_loop3A_1074 : vector<16xf32>
        %parallel_loop3A_1077 = arith.addf %parallel_loop3A_965, %parallel_loop3A_1076 : vector<16xf32>
        %parallel_loop3A_1078 = vector.extract_strided_slice %parallel_loop3A_1051 {offsets = [1], sizes = [1], strides = [1]} : vector<16xf32> to vector<1xf32>
        %parallel_loop3A_1079 = vector.extract %parallel_loop3A_1078[0] : f32 from vector<1xf32>
        %parallel_loop3A_1080 = arith.constant 33 : i32
        %parallel_loop3A_1081 = arith.addi %parallel_loop3A_193, %parallel_loop3A_1080 : i32
        %parallel_loop3A_1082 = arith.constant 0 : i32
        %parallel_loop3A_1083 = arith.index_cast %parallel_loop3A_1082 : i32 to index
        %parallel_loop3A_1084 = arith.index_cast %parallel_loop3A_175 : i32 to index
        %parallel_loop3A_1085 = arith.index_cast %parallel_loop3A_1081 : i32 to index
        %parallel_loop3A_1086 = arith.constant 0 : index
        %parallel_loop3A_1087 = tpu.vector_load %arg8[%parallel_loop3A_1083, %parallel_loop3A_1084, %parallel_loop3A_1085, %parallel_loop3A_1086] {strides = array<i32>} : memref<2x4x128x64xf32, #tpu.memory_space<vmem>>, vector<1x1x1x16xf32>,
        %parallel_loop3A_1088 = vector.shape_cast %parallel_loop3A_1087 : vector<1x1x1x16xf32> to vector<16xf32>
        %parallel_loop3A_1089 = vector.broadcast %parallel_loop3A_1079 : f32 to vector<16xf32>
        %parallel_loop3A_1090 = arith.mulf %parallel_loop3A_1089, %parallel_loop3A_1088 : vector<16xf32>
        %parallel_loop3A_1091 = arith.addf %parallel_loop3A_979, %parallel_loop3A_1090 : vector<16xf32>
        %parallel_loop3A_1092 = arith.constant 33 : i32
        %parallel_loop3A_1093 = arith.addi %parallel_loop3A_193, %parallel_loop3A_1092 : i32
        %parallel_loop3A_1094 = arith.constant 0 : i32
        %parallel_loop3A_1095 = arith.index_cast %parallel_loop3A_1094 : i32 to index
        %parallel_loop3A_1096 = arith.index_cast %parallel_loop3A_175 : i32 to index
        %parallel_loop3A_1097 = arith.index_cast %parallel_loop3A_1093 : i32 to index
        %parallel_loop3A_1098 = arith.constant 16 : index
        %parallel_loop3A_1099 = tpu.vector_load %arg8[%parallel_loop3A_1095, %parallel_loop3A_1096, %parallel_loop3A_1097, %parallel_loop3A_1098] {strides = array<i32>} : memref<2x4x128x64xf32, #tpu.memory_space<vmem>>, vector<1x1x1x16xf32>,
        %parallel_loop3A_1100 = vector.shape_cast %parallel_loop3A_1099 : vector<1x1x1x16xf32> to vector<16xf32>
        %parallel_loop3A_1101 = vector.broadcast %parallel_loop3A_1079 : f32 to vector<16xf32>
        %parallel_loop3A_1102 = arith.mulf %parallel_loop3A_1101, %parallel_loop3A_1100 : vector<16xf32>
        %parallel_loop3A_1103 = arith.addf %parallel_loop3A_991, %parallel_loop3A_1102 : vector<16xf32>
        %parallel_loop3A_1104 = vector.extract_strided_slice %parallel_loop3A_1051 {offsets = [2], sizes = [1], strides = [1]} : vector<16xf32> to vector<1xf32>
        %parallel_loop3A_1105 = vector.extract %parallel_loop3A_1104[0] : f32 from vector<1xf32>
        %parallel_loop3A_1106 = arith.constant 34 : i32
        %parallel_loop3A_1107 = arith.addi %parallel_loop3A_193, %parallel_loop3A_1106 : i32
        %parallel_loop3A_1108 = arith.constant 0 : i32
        %parallel_loop3A_1109 = arith.index_cast %parallel_loop3A_1108 : i32 to index
        %parallel_loop3A_1110 = arith.index_cast %parallel_loop3A_175 : i32 to index
        %parallel_loop3A_1111 = arith.index_cast %parallel_loop3A_1107 : i32 to index
        %parallel_loop3A_1112 = arith.constant 0 : index
        %parallel_loop3A_1113 = tpu.vector_load %arg8[%parallel_loop3A_1109, %parallel_loop3A_1110, %parallel_loop3A_1111, %parallel_loop3A_1112] {strides = array<i32>} : memref<2x4x128x64xf32, #tpu.memory_space<vmem>>, vector<1x1x1x16xf32>,
        %parallel_loop3A_1114 = vector.shape_cast %parallel_loop3A_1113 : vector<1x1x1x16xf32> to vector<16xf32>
        %parallel_loop3A_1115 = vector.broadcast %parallel_loop3A_1105 : f32 to vector<16xf32>
        %parallel_loop3A_1116 = arith.mulf %parallel_loop3A_1115, %parallel_loop3A_1114 : vector<16xf32>
        %parallel_loop3A_1117 = arith.addf %parallel_loop3A_1005, %parallel_loop3A_1116 : vector<16xf32>
        %parallel_loop3A_1118 = arith.constant 34 : i32
        %parallel_loop3A_1119 = arith.addi %parallel_loop3A_193, %parallel_loop3A_1118 : i32
        %parallel_loop3A_1120 = arith.constant 0 : i32
        %parallel_loop3A_1121 = arith.index_cast %parallel_loop3A_1120 : i32 to index
        %parallel_loop3A_1122 = arith.index_cast %parallel_loop3A_175 : i32 to index
        %parallel_loop3A_1123 = arith.index_cast %parallel_loop3A_1119 : i32 to index
        %parallel_loop3A_1124 = arith.constant 16 : index
        %parallel_loop3A_1125 = tpu.vector_load %arg8[%parallel_loop3A_1121, %parallel_loop3A_1122, %parallel_loop3A_1123, %parallel_loop3A_1124] {strides = array<i32>} : memref<2x4x128x64xf32, #tpu.memory_space<vmem>>, vector<1x1x1x16xf32>,
        %parallel_loop3A_1126 = vector.shape_cast %parallel_loop3A_1125 : vector<1x1x1x16xf32> to vector<16xf32>
        %parallel_loop3A_1127 = vector.broadcast %parallel_loop3A_1105 : f32 to vector<16xf32>
        %parallel_loop3A_1128 = arith.mulf %parallel_loop3A_1127, %parallel_loop3A_1126 : vector<16xf32>
        %parallel_loop3A_1129 = arith.addf %parallel_loop3A_1017, %parallel_loop3A_1128 : vector<16xf32>
        %parallel_loop3A_1130 = vector.extract_strided_slice %parallel_loop3A_1051 {offsets = [3], sizes = [1], strides = [1]} : vector<16xf32> to vector<1xf32>
        %parallel_loop3A_1131 = vector.extract %parallel_loop3A_1130[0] : f32 from vector<1xf32>
        %parallel_loop3A_1132 = arith.constant 35 : i32
        %parallel_loop3A_1133 = arith.addi %parallel_loop3A_193, %parallel_loop3A_1132 : i32
        %parallel_loop3A_1134 = arith.constant 0 : i32
        %parallel_loop3A_1135 = arith.index_cast %parallel_loop3A_1134 : i32 to index
        %parallel_loop3A_1136 = arith.index_cast %parallel_loop3A_175 : i32 to index
        %parallel_loop3A_1137 = arith.index_cast %parallel_loop3A_1133 : i32 to index
        %parallel_loop3A_1138 = arith.constant 0 : index
        %parallel_loop3A_1139 = tpu.vector_load %arg8[%parallel_loop3A_1135, %parallel_loop3A_1136, %parallel_loop3A_1137, %parallel_loop3A_1138] {strides = array<i32>} : memref<2x4x128x64xf32, #tpu.memory_space<vmem>>, vector<1x1x1x16xf32>,
        %parallel_loop3A_1140 = vector.shape_cast %parallel_loop3A_1139 : vector<1x1x1x16xf32> to vector<16xf32>
        %parallel_loop3A_1141 = vector.broadcast %parallel_loop3A_1131 : f32 to vector<16xf32>
        %parallel_loop3A_1142 = arith.mulf %parallel_loop3A_1141, %parallel_loop3A_1140 : vector<16xf32>
        %parallel_loop3A_1143 = arith.addf %parallel_loop3A_1031, %parallel_loop3A_1142 : vector<16xf32>
        %parallel_loop3A_1144 = arith.constant 35 : i32
        %parallel_loop3A_1145 = arith.addi %parallel_loop3A_193, %parallel_loop3A_1144 : i32
        %parallel_loop3A_1146 = arith.constant 0 : i32
        %parallel_loop3A_1147 = arith.index_cast %parallel_loop3A_1146 : i32 to index
        %parallel_loop3A_1148 = arith.index_cast %parallel_loop3A_175 : i32 to index
        %parallel_loop3A_1149 = arith.index_cast %parallel_loop3A_1145 : i32 to index
        %parallel_loop3A_1150 = arith.constant 16 : index
        %parallel_loop3A_1151 = tpu.vector_load %arg8[%parallel_loop3A_1147, %parallel_loop3A_1148, %parallel_loop3A_1149, %parallel_loop3A_1150] {strides = array<i32>} : memref<2x4x128x64xf32, #tpu.memory_space<vmem>>, vector<1x1x1x16xf32>,
        %parallel_loop3A_1152 = vector.shape_cast %parallel_loop3A_1151 : vector<1x1x1x16xf32> to vector<16xf32>
        %parallel_loop3A_1153 = vector.broadcast %parallel_loop3A_1131 : f32 to vector<16xf32>
        %parallel_loop3A_1154 = arith.mulf %parallel_loop3A_1153, %parallel_loop3A_1152 : vector<16xf32>
        %parallel_loop3A_1155 = arith.addf %parallel_loop3A_1043, %parallel_loop3A_1154 : vector<16xf32>
        %parallel_loop3A_1156 = vector.extract_strided_slice %parallel_loop3A_1051 {offsets = [4], sizes = [1], strides = [1]} : vector<16xf32> to vector<1xf32>
        %parallel_loop3A_1157 = vector.extract %parallel_loop3A_1156[0] : f32 from vector<1xf32>
        %parallel_loop3A_1158 = arith.constant 36 : i32
        %parallel_loop3A_1159 = arith.addi %parallel_loop3A_193, %parallel_loop3A_1158 : i32
        %parallel_loop3A_1160 = arith.constant 0 : i32
        %parallel_loop3A_1161 = arith.index_cast %parallel_loop3A_1160 : i32 to index
        %parallel_loop3A_1162 = arith.index_cast %parallel_loop3A_175 : i32 to index
        %parallel_loop3A_1163 = arith.index_cast %parallel_loop3A_1159 : i32 to index
        %parallel_loop3A_1164 = arith.constant 0 : index
        %parallel_loop3A_1165 = tpu.vector_load %arg8[%parallel_loop3A_1161, %parallel_loop3A_1162, %parallel_loop3A_1163, %parallel_loop3A_1164] {strides = array<i32>} : memref<2x4x128x64xf32, #tpu.memory_space<vmem>>, vector<1x1x1x16xf32>,
        %parallel_loop3A_1166 = vector.shape_cast %parallel_loop3A_1165 : vector<1x1x1x16xf32> to vector<16xf32>
        %parallel_loop3A_1167 = vector.broadcast %parallel_loop3A_1157 : f32 to vector<16xf32>
        %parallel_loop3A_1168 = arith.mulf %parallel_loop3A_1167, %parallel_loop3A_1166 : vector<16xf32>
        %parallel_loop3A_1169 = arith.addf %parallel_loop3A_1065, %parallel_loop3A_1168 : vector<16xf32>
        %parallel_loop3A_1170 = arith.constant 36 : i32
        %parallel_loop3A_1171 = arith.addi %parallel_loop3A_193, %parallel_loop3A_1170 : i32
        %parallel_loop3A_1172 = arith.constant 0 : i32
        %parallel_loop3A_1173 = arith.index_cast %parallel_loop3A_1172 : i32 to index
        %parallel_loop3A_1174 = arith.index_cast %parallel_loop3A_175 : i32 to index
        %parallel_loop3A_1175 = arith.index_cast %parallel_loop3A_1171 : i32 to index
        %parallel_loop3A_1176 = arith.constant 16 : index
        %parallel_loop3A_1177 = tpu.vector_load %arg8[%parallel_loop3A_1173, %parallel_loop3A_1174, %parallel_loop3A_1175, %parallel_loop3A_1176] {strides = array<i32>} : memref<2x4x128x64xf32, #tpu.memory_space<vmem>>, vector<1x1x1x16xf32>,
        %parallel_loop3A_1178 = vector.shape_cast %parallel_loop3A_1177 : vector<1x1x1x16xf32> to vector<16xf32>
        %parallel_loop3A_1179 = vector.broadcast %parallel_loop3A_1157 : f32 to vector<16xf32>
        %parallel_loop3A_1180 = arith.mulf %parallel_loop3A_1179, %parallel_loop3A_1178 : vector<16xf32>
        %parallel_loop3A_1181 = arith.addf %parallel_loop3A_1077, %parallel_loop3A_1180 : vector<16xf32>
        %parallel_loop3A_1182 = vector.extract_strided_slice %parallel_loop3A_1051 {offsets = [5], sizes = [1], strides = [1]} : vector<16xf32> to vector<1xf32>
        %parallel_loop3A_1183 = vector.extract %parallel_loop3A_1182[0] : f32 from vector<1xf32>
        %parallel_loop3A_1184 = arith.constant 37 : i32
        %parallel_loop3A_1185 = arith.addi %parallel_loop3A_193, %parallel_loop3A_1184 : i32
        %parallel_loop3A_1186 = arith.constant 0 : i32
        %parallel_loop3A_1187 = arith.index_cast %parallel_loop3A_1186 : i32 to index
        %parallel_loop3A_1188 = arith.index_cast %parallel_loop3A_175 : i32 to index
        %parallel_loop3A_1189 = arith.index_cast %parallel_loop3A_1185 : i32 to index
        %parallel_loop3A_1190 = arith.constant 0 : index
        %parallel_loop3A_1191 = tpu.vector_load %arg8[%parallel_loop3A_1187, %parallel_loop3A_1188, %parallel_loop3A_1189, %parallel_loop3A_1190] {strides = array<i32>} : memref<2x4x128x64xf32, #tpu.memory_space<vmem>>, vector<1x1x1x16xf32>,
        %parallel_loop3A_1192 = vector.shape_cast %parallel_loop3A_1191 : vector<1x1x1x16xf32> to vector<16xf32>
        %parallel_loop3A_1193 = vector.broadcast %parallel_loop3A_1183 : f32 to vector<16xf32>
        %parallel_loop3A_1194 = arith.mulf %parallel_loop3A_1193, %parallel_loop3A_1192 : vector<16xf32>
        %parallel_loop3A_1195 = arith.addf %parallel_loop3A_1091, %parallel_loop3A_1194 : vector<16xf32>
        %parallel_loop3A_1196 = arith.constant 37 : i32
        %parallel_loop3A_1197 = arith.addi %parallel_loop3A_193, %parallel_loop3A_1196 : i32
        %parallel_loop3A_1198 = arith.constant 0 : i32
        %parallel_loop3A_1199 = arith.index_cast %parallel_loop3A_1198 : i32 to index
        %parallel_loop3A_1200 = arith.index_cast %parallel_loop3A_175 : i32 to index
        %parallel_loop3A_1201 = arith.index_cast %parallel_loop3A_1197 : i32 to index
        %parallel_loop3A_1202 = arith.constant 16 : index
        %parallel_loop3A_1203 = tpu.vector_load %arg8[%parallel_loop3A_1199, %parallel_loop3A_1200, %parallel_loop3A_1201, %parallel_loop3A_1202] {strides = array<i32>} : memref<2x4x128x64xf32, #tpu.memory_space<vmem>>, vector<1x1x1x16xf32>,
        %parallel_loop3A_1204 = vector.shape_cast %parallel_loop3A_1203 : vector<1x1x1x16xf32> to vector<16xf32>
        %parallel_loop3A_1205 = vector.broadcast %parallel_loop3A_1183 : f32 to vector<16xf32>
        %parallel_loop3A_1206 = arith.mulf %parallel_loop3A_1205, %parallel_loop3A_1204 : vector<16xf32>
        %parallel_loop3A_1207 = arith.addf %parallel_loop3A_1103, %parallel_loop3A_1206 : vector<16xf32>
        %parallel_loop3A_1208 = vector.extract_strided_slice %parallel_loop3A_1051 {offsets = [6], sizes = [1], strides = [1]} : vector<16xf32> to vector<1xf32>
        %parallel_loop3A_1209 = vector.extract %parallel_loop3A_1208[0] : f32 from vector<1xf32>
        %parallel_loop3A_1210 = arith.constant 38 : i32
        %parallel_loop3A_1211 = arith.addi %parallel_loop3A_193, %parallel_loop3A_1210 : i32
        %parallel_loop3A_1212 = arith.constant 0 : i32
        %parallel_loop3A_1213 = arith.index_cast %parallel_loop3A_1212 : i32 to index
        %parallel_loop3A_1214 = arith.index_cast %parallel_loop3A_175 : i32 to index
        %parallel_loop3A_1215 = arith.index_cast %parallel_loop3A_1211 : i32 to index
        %parallel_loop3A_1216 = arith.constant 0 : index
        %parallel_loop3A_1217 = tpu.vector_load %arg8[%parallel_loop3A_1213, %parallel_loop3A_1214, %parallel_loop3A_1215, %parallel_loop3A_1216] {strides = array<i32>} : memref<2x4x128x64xf32, #tpu.memory_space<vmem>>, vector<1x1x1x16xf32>,
        %parallel_loop3A_1218 = vector.shape_cast %parallel_loop3A_1217 : vector<1x1x1x16xf32> to vector<16xf32>
        %parallel_loop3A_1219 = vector.broadcast %parallel_loop3A_1209 : f32 to vector<16xf32>
        %parallel_loop3A_1220 = arith.mulf %parallel_loop3A_1219, %parallel_loop3A_1218 : vector<16xf32>
        %parallel_loop3A_1221 = arith.addf %parallel_loop3A_1117, %parallel_loop3A_1220 : vector<16xf32>
        %parallel_loop3A_1222 = arith.constant 38 : i32
        %parallel_loop3A_1223 = arith.addi %parallel_loop3A_193, %parallel_loop3A_1222 : i32
        %parallel_loop3A_1224 = arith.constant 0 : i32
        %parallel_loop3A_1225 = arith.index_cast %parallel_loop3A_1224 : i32 to index
        %parallel_loop3A_1226 = arith.index_cast %parallel_loop3A_175 : i32 to index
        %parallel_loop3A_1227 = arith.index_cast %parallel_loop3A_1223 : i32 to index
        %parallel_loop3A_1228 = arith.constant 16 : index
        %parallel_loop3A_1229 = tpu.vector_load %arg8[%parallel_loop3A_1225, %parallel_loop3A_1226, %parallel_loop3A_1227, %parallel_loop3A_1228] {strides = array<i32>} : memref<2x4x128x64xf32, #tpu.memory_space<vmem>>, vector<1x1x1x16xf32>,
        %parallel_loop3A_1230 = vector.shape_cast %parallel_loop3A_1229 : vector<1x1x1x16xf32> to vector<16xf32>
        %parallel_loop3A_1231 = vector.broadcast %parallel_loop3A_1209 : f32 to vector<16xf32>
        %parallel_loop3A_1232 = arith.mulf %parallel_loop3A_1231, %parallel_loop3A_1230 : vector<16xf32>
        %parallel_loop3A_1233 = arith.addf %parallel_loop3A_1129, %parallel_loop3A_1232 : vector<16xf32>
        %parallel_loop3A_1234 = vector.extract_strided_slice %parallel_loop3A_1051 {offsets = [7], sizes = [1], strides = [1]} : vector<16xf32> to vector<1xf32>
        %parallel_loop3A_1235 = vector.extract %parallel_loop3A_1234[0] : f32 from vector<1xf32>
        %parallel_loop3A_1236 = arith.constant 39 : i32
        %parallel_loop3A_1237 = arith.addi %parallel_loop3A_193, %parallel_loop3A_1236 : i32
        %parallel_loop3A_1238 = arith.constant 0 : i32
        %parallel_loop3A_1239 = arith.index_cast %parallel_loop3A_1238 : i32 to index
        %parallel_loop3A_1240 = arith.index_cast %parallel_loop3A_175 : i32 to index
        %parallel_loop3A_1241 = arith.index_cast %parallel_loop3A_1237 : i32 to index
        %parallel_loop3A_1242 = arith.constant 0 : index
        %parallel_loop3A_1243 = tpu.vector_load %arg8[%parallel_loop3A_1239, %parallel_loop3A_1240, %parallel_loop3A_1241, %parallel_loop3A_1242] {strides = array<i32>} : memref<2x4x128x64xf32, #tpu.memory_space<vmem>>, vector<1x1x1x16xf32>,
        %parallel_loop3A_1244 = vector.shape_cast %parallel_loop3A_1243 : vector<1x1x1x16xf32> to vector<16xf32>
        %parallel_loop3A_1245 = vector.broadcast %parallel_loop3A_1235 : f32 to vector<16xf32>
        %parallel_loop3A_1246 = arith.mulf %parallel_loop3A_1245, %parallel_loop3A_1244 : vector<16xf32>
        %parallel_loop3A_1247 = arith.addf %parallel_loop3A_1143, %parallel_loop3A_1246 : vector<16xf32>
        %parallel_loop3A_1248 = arith.constant 39 : i32
        %parallel_loop3A_1249 = arith.addi %parallel_loop3A_193, %parallel_loop3A_1248 : i32
        %parallel_loop3A_1250 = arith.constant 0 : i32
        %parallel_loop3A_1251 = arith.index_cast %parallel_loop3A_1250 : i32 to index
        %parallel_loop3A_1252 = arith.index_cast %parallel_loop3A_175 : i32 to index
        %parallel_loop3A_1253 = arith.index_cast %parallel_loop3A_1249 : i32 to index
        %parallel_loop3A_1254 = arith.constant 16 : index
        %parallel_loop3A_1255 = tpu.vector_load %arg8[%parallel_loop3A_1251, %parallel_loop3A_1252, %parallel_loop3A_1253, %parallel_loop3A_1254] {strides = array<i32>} : memref<2x4x128x64xf32, #tpu.memory_space<vmem>>, vector<1x1x1x16xf32>,
        %parallel_loop3A_1256 = vector.shape_cast %parallel_loop3A_1255 : vector<1x1x1x16xf32> to vector<16xf32>
        %parallel_loop3A_1257 = vector.broadcast %parallel_loop3A_1235 : f32 to vector<16xf32>
        %parallel_loop3A_1258 = arith.mulf %parallel_loop3A_1257, %parallel_loop3A_1256 : vector<16xf32>
        %parallel_loop3A_1259 = arith.addf %parallel_loop3A_1155, %parallel_loop3A_1258 : vector<16xf32>
        %parallel_loop3A_1260 = vector.extract_strided_slice %parallel_loop3A_1051 {offsets = [8], sizes = [1], strides = [1]} : vector<16xf32> to vector<1xf32>
        %parallel_loop3A_1261 = vector.extract %parallel_loop3A_1260[0] : f32 from vector<1xf32>
        %parallel_loop3A_1262 = arith.constant 40 : i32
        %parallel_loop3A_1263 = arith.addi %parallel_loop3A_193, %parallel_loop3A_1262 : i32
        %parallel_loop3A_1264 = arith.constant 0 : i32
        %parallel_loop3A_1265 = arith.index_cast %parallel_loop3A_1264 : i32 to index
        %parallel_loop3A_1266 = arith.index_cast %parallel_loop3A_175 : i32 to index
        %parallel_loop3A_1267 = arith.index_cast %parallel_loop3A_1263 : i32 to index
        %parallel_loop3A_1268 = arith.constant 0 : index
        %parallel_loop3A_1269 = tpu.vector_load %arg8[%parallel_loop3A_1265, %parallel_loop3A_1266, %parallel_loop3A_1267, %parallel_loop3A_1268] {strides = array<i32>} : memref<2x4x128x64xf32, #tpu.memory_space<vmem>>, vector<1x1x1x16xf32>,
        %parallel_loop3A_1270 = vector.shape_cast %parallel_loop3A_1269 : vector<1x1x1x16xf32> to vector<16xf32>
        %parallel_loop3A_1271 = vector.broadcast %parallel_loop3A_1261 : f32 to vector<16xf32>
        %parallel_loop3A_1272 = arith.mulf %parallel_loop3A_1271, %parallel_loop3A_1270 : vector<16xf32>
        %parallel_loop3A_1273 = arith.addf %parallel_loop3A_1169, %parallel_loop3A_1272 : vector<16xf32>
        %parallel_loop3A_1274 = arith.constant 40 : i32
        %parallel_loop3A_1275 = arith.addi %parallel_loop3A_193, %parallel_loop3A_1274 : i32
        %parallel_loop3A_1276 = arith.constant 0 : i32
        %parallel_loop3A_1277 = arith.index_cast %parallel_loop3A_1276 : i32 to index
        %parallel_loop3A_1278 = arith.index_cast %parallel_loop3A_175 : i32 to index
        %parallel_loop3A_1279 = arith.index_cast %parallel_loop3A_1275 : i32 to index
        %parallel_loop3A_1280 = arith.constant 16 : index
        %parallel_loop3A_1281 = tpu.vector_load %arg8[%parallel_loop3A_1277, %parallel_loop3A_1278, %parallel_loop3A_1279, %parallel_loop3A_1280] {strides = array<i32>} : memref<2x4x128x64xf32, #tpu.memory_space<vmem>>, vector<1x1x1x16xf32>,
        %parallel_loop3A_1282 = vector.shape_cast %parallel_loop3A_1281 : vector<1x1x1x16xf32> to vector<16xf32>
        %parallel_loop3A_1283 = vector.broadcast %parallel_loop3A_1261 : f32 to vector<16xf32>
        %parallel_loop3A_1284 = arith.mulf %parallel_loop3A_1283, %parallel_loop3A_1282 : vector<16xf32>
        %parallel_loop3A_1285 = arith.addf %parallel_loop3A_1181, %parallel_loop3A_1284 : vector<16xf32>
        %parallel_loop3A_1286 = vector.extract_strided_slice %parallel_loop3A_1051 {offsets = [9], sizes = [1], strides = [1]} : vector<16xf32> to vector<1xf32>
        %parallel_loop3A_1287 = vector.extract %parallel_loop3A_1286[0] : f32 from vector<1xf32>
        %parallel_loop3A_1288 = arith.constant 41 : i32
        %parallel_loop3A_1289 = arith.addi %parallel_loop3A_193, %parallel_loop3A_1288 : i32
        %parallel_loop3A_1290 = arith.constant 0 : i32
        %parallel_loop3A_1291 = arith.index_cast %parallel_loop3A_1290 : i32 to index
        %parallel_loop3A_1292 = arith.index_cast %parallel_loop3A_175 : i32 to index
        %parallel_loop3A_1293 = arith.index_cast %parallel_loop3A_1289 : i32 to index
        %parallel_loop3A_1294 = arith.constant 0 : index
        %parallel_loop3A_1295 = tpu.vector_load %arg8[%parallel_loop3A_1291, %parallel_loop3A_1292, %parallel_loop3A_1293, %parallel_loop3A_1294] {strides = array<i32>} : memref<2x4x128x64xf32, #tpu.memory_space<vmem>>, vector<1x1x1x16xf32>,
        %parallel_loop3A_1296 = vector.shape_cast %parallel_loop3A_1295 : vector<1x1x1x16xf32> to vector<16xf32>
        %parallel_loop3A_1297 = vector.broadcast %parallel_loop3A_1287 : f32 to vector<16xf32>
        %parallel_loop3A_1298 = arith.mulf %parallel_loop3A_1297, %parallel_loop3A_1296 : vector<16xf32>
        %parallel_loop3A_1299 = arith.addf %parallel_loop3A_1195, %parallel_loop3A_1298 : vector<16xf32>
        %parallel_loop3A_1300 = arith.constant 41 : i32
        %parallel_loop3A_1301 = arith.addi %parallel_loop3A_193, %parallel_loop3A_1300 : i32
        %parallel_loop3A_1302 = arith.constant 0 : i32
        %parallel_loop3A_1303 = arith.index_cast %parallel_loop3A_1302 : i32 to index
        %parallel_loop3A_1304 = arith.index_cast %parallel_loop3A_175 : i32 to index
        %parallel_loop3A_1305 = arith.index_cast %parallel_loop3A_1301 : i32 to index
        %parallel_loop3A_1306 = arith.constant 16 : index
        %parallel_loop3A_1307 = tpu.vector_load %arg8[%parallel_loop3A_1303, %parallel_loop3A_1304, %parallel_loop3A_1305, %parallel_loop3A_1306] {strides = array<i32>} : memref<2x4x128x64xf32, #tpu.memory_space<vmem>>, vector<1x1x1x16xf32>,
        %parallel_loop3A_1308 = vector.shape_cast %parallel_loop3A_1307 : vector<1x1x1x16xf32> to vector<16xf32>
        %parallel_loop3A_1309 = vector.broadcast %parallel_loop3A_1287 : f32 to vector<16xf32>
        %parallel_loop3A_1310 = arith.mulf %parallel_loop3A_1309, %parallel_loop3A_1308 : vector<16xf32>
        %parallel_loop3A_1311 = arith.addf %parallel_loop3A_1207, %parallel_loop3A_1310 : vector<16xf32>
        %parallel_loop3A_1312 = vector.extract_strided_slice %parallel_loop3A_1051 {offsets = [10], sizes = [1], strides = [1]} : vector<16xf32> to vector<1xf32>
        %parallel_loop3A_1313 = vector.extract %parallel_loop3A_1312[0] : f32 from vector<1xf32>
        %parallel_loop3A_1314 = arith.constant 42 : i32
        %parallel_loop3A_1315 = arith.addi %parallel_loop3A_193, %parallel_loop3A_1314 : i32
        %parallel_loop3A_1316 = arith.constant 0 : i32
        %parallel_loop3A_1317 = arith.index_cast %parallel_loop3A_1316 : i32 to index
        %parallel_loop3A_1318 = arith.index_cast %parallel_loop3A_175 : i32 to index
        %parallel_loop3A_1319 = arith.index_cast %parallel_loop3A_1315 : i32 to index
        %parallel_loop3A_1320 = arith.constant 0 : index
        %parallel_loop3A_1321 = tpu.vector_load %arg8[%parallel_loop3A_1317, %parallel_loop3A_1318, %parallel_loop3A_1319, %parallel_loop3A_1320] {strides = array<i32>} : memref<2x4x128x64xf32, #tpu.memory_space<vmem>>, vector<1x1x1x16xf32>,
        %parallel_loop3A_1322 = vector.shape_cast %parallel_loop3A_1321 : vector<1x1x1x16xf32> to vector<16xf32>
        %parallel_loop3A_1323 = vector.broadcast %parallel_loop3A_1313 : f32 to vector<16xf32>
        %parallel_loop3A_1324 = arith.mulf %parallel_loop3A_1323, %parallel_loop3A_1322 : vector<16xf32>
        %parallel_loop3A_1325 = arith.addf %parallel_loop3A_1221, %parallel_loop3A_1324 : vector<16xf32>
        %parallel_loop3A_1326 = arith.constant 42 : i32
        %parallel_loop3A_1327 = arith.addi %parallel_loop3A_193, %parallel_loop3A_1326 : i32
        %parallel_loop3A_1328 = arith.constant 0 : i32
        %parallel_loop3A_1329 = arith.index_cast %parallel_loop3A_1328 : i32 to index
        %parallel_loop3A_1330 = arith.index_cast %parallel_loop3A_175 : i32 to index
        %parallel_loop3A_1331 = arith.index_cast %parallel_loop3A_1327 : i32 to index
        %parallel_loop3A_1332 = arith.constant 16 : index
        %parallel_loop3A_1333 = tpu.vector_load %arg8[%parallel_loop3A_1329, %parallel_loop3A_1330, %parallel_loop3A_1331, %parallel_loop3A_1332] {strides = array<i32>} : memref<2x4x128x64xf32, #tpu.memory_space<vmem>>, vector<1x1x1x16xf32>,
        %parallel_loop3A_1334 = vector.shape_cast %parallel_loop3A_1333 : vector<1x1x1x16xf32> to vector<16xf32>
        %parallel_loop3A_1335 = vector.broadcast %parallel_loop3A_1313 : f32 to vector<16xf32>
        %parallel_loop3A_1336 = arith.mulf %parallel_loop3A_1335, %parallel_loop3A_1334 : vector<16xf32>
        %parallel_loop3A_1337 = arith.addf %parallel_loop3A_1233, %parallel_loop3A_1336 : vector<16xf32>
        %parallel_loop3A_1338 = vector.extract_strided_slice %parallel_loop3A_1051 {offsets = [11], sizes = [1], strides = [1]} : vector<16xf32> to vector<1xf32>
        %parallel_loop3A_1339 = vector.extract %parallel_loop3A_1338[0] : f32 from vector<1xf32>
        %parallel_loop3A_1340 = arith.constant 43 : i32
        %parallel_loop3A_1341 = arith.addi %parallel_loop3A_193, %parallel_loop3A_1340 : i32
        %parallel_loop3A_1342 = arith.constant 0 : i32
        %parallel_loop3A_1343 = arith.index_cast %parallel_loop3A_1342 : i32 to index
        %parallel_loop3A_1344 = arith.index_cast %parallel_loop3A_175 : i32 to index
        %parallel_loop3A_1345 = arith.index_cast %parallel_loop3A_1341 : i32 to index
        %parallel_loop3A_1346 = arith.constant 0 : index
        %parallel_loop3A_1347 = tpu.vector_load %arg8[%parallel_loop3A_1343, %parallel_loop3A_1344, %parallel_loop3A_1345, %parallel_loop3A_1346] {strides = array<i32>} : memref<2x4x128x64xf32, #tpu.memory_space<vmem>>, vector<1x1x1x16xf32>,
        %parallel_loop3A_1348 = vector.shape_cast %parallel_loop3A_1347 : vector<1x1x1x16xf32> to vector<16xf32>
        %parallel_loop3A_1349 = vector.broadcast %parallel_loop3A_1339 : f32 to vector<16xf32>
        %parallel_loop3A_1350 = arith.mulf %parallel_loop3A_1349, %parallel_loop3A_1348 : vector<16xf32>
        %parallel_loop3A_1351 = arith.addf %parallel_loop3A_1247, %parallel_loop3A_1350 : vector<16xf32>
        %parallel_loop3A_1352 = arith.constant 43 : i32
        %parallel_loop3A_1353 = arith.addi %parallel_loop3A_193, %parallel_loop3A_1352 : i32
        %parallel_loop3A_1354 = arith.constant 0 : i32
        %parallel_loop3A_1355 = arith.index_cast %parallel_loop3A_1354 : i32 to index
        %parallel_loop3A_1356 = arith.index_cast %parallel_loop3A_175 : i32 to index
        %parallel_loop3A_1357 = arith.index_cast %parallel_loop3A_1353 : i32 to index
        %parallel_loop3A_1358 = arith.constant 16 : index
        %parallel_loop3A_1359 = tpu.vector_load %arg8[%parallel_loop3A_1355, %parallel_loop3A_1356, %parallel_loop3A_1357, %parallel_loop3A_1358] {strides = array<i32>} : memref<2x4x128x64xf32, #tpu.memory_space<vmem>>, vector<1x1x1x16xf32>,
        %parallel_loop3A_1360 = vector.shape_cast %parallel_loop3A_1359 : vector<1x1x1x16xf32> to vector<16xf32>
        %parallel_loop3A_1361 = vector.broadcast %parallel_loop3A_1339 : f32 to vector<16xf32>
        %parallel_loop3A_1362 = arith.mulf %parallel_loop3A_1361, %parallel_loop3A_1360 : vector<16xf32>
        %parallel_loop3A_1363 = arith.addf %parallel_loop3A_1259, %parallel_loop3A_1362 : vector<16xf32>
        %parallel_loop3A_1364 = vector.extract_strided_slice %parallel_loop3A_1051 {offsets = [12], sizes = [1], strides = [1]} : vector<16xf32> to vector<1xf32>
        %parallel_loop3A_1365 = vector.extract %parallel_loop3A_1364[0] : f32 from vector<1xf32>
        %parallel_loop3A_1366 = arith.constant 44 : i32
        %parallel_loop3A_1367 = arith.addi %parallel_loop3A_193, %parallel_loop3A_1366 : i32
        %parallel_loop3A_1368 = arith.constant 0 : i32
        %parallel_loop3A_1369 = arith.index_cast %parallel_loop3A_1368 : i32 to index
        %parallel_loop3A_1370 = arith.index_cast %parallel_loop3A_175 : i32 to index
        %parallel_loop3A_1371 = arith.index_cast %parallel_loop3A_1367 : i32 to index
        %parallel_loop3A_1372 = arith.constant 0 : index
        %parallel_loop3A_1373 = tpu.vector_load %arg8[%parallel_loop3A_1369, %parallel_loop3A_1370, %parallel_loop3A_1371, %parallel_loop3A_1372] {strides = array<i32>} : memref<2x4x128x64xf32, #tpu.memory_space<vmem>>, vector<1x1x1x16xf32>,
        %parallel_loop3A_1374 = vector.shape_cast %parallel_loop3A_1373 : vector<1x1x1x16xf32> to vector<16xf32>
        %parallel_loop3A_1375 = vector.broadcast %parallel_loop3A_1365 : f32 to vector<16xf32>
        %parallel_loop3A_1376 = arith.mulf %parallel_loop3A_1375, %parallel_loop3A_1374 : vector<16xf32>
        %parallel_loop3A_1377 = arith.addf %parallel_loop3A_1273, %parallel_loop3A_1376 : vector<16xf32>
        %parallel_loop3A_1378 = arith.constant 44 : i32
        %parallel_loop3A_1379 = arith.addi %parallel_loop3A_193, %parallel_loop3A_1378 : i32
        %parallel_loop3A_1380 = arith.constant 0 : i32
        %parallel_loop3A_1381 = arith.index_cast %parallel_loop3A_1380 : i32 to index
        %parallel_loop3A_1382 = arith.index_cast %parallel_loop3A_175 : i32 to index
        %parallel_loop3A_1383 = arith.index_cast %parallel_loop3A_1379 : i32 to index
        %parallel_loop3A_1384 = arith.constant 16 : index
        %parallel_loop3A_1385 = tpu.vector_load %arg8[%parallel_loop3A_1381, %parallel_loop3A_1382, %parallel_loop3A_1383, %parallel_loop3A_1384] {strides = array<i32>} : memref<2x4x128x64xf32, #tpu.memory_space<vmem>>, vector<1x1x1x16xf32>,
        %parallel_loop3A_1386 = vector.shape_cast %parallel_loop3A_1385 : vector<1x1x1x16xf32> to vector<16xf32>
        %parallel_loop3A_1387 = vector.broadcast %parallel_loop3A_1365 : f32 to vector<16xf32>
        %parallel_loop3A_1388 = arith.mulf %parallel_loop3A_1387, %parallel_loop3A_1386 : vector<16xf32>
        %parallel_loop3A_1389 = arith.addf %parallel_loop3A_1285, %parallel_loop3A_1388 : vector<16xf32>
        %parallel_loop3A_1390 = vector.extract_strided_slice %parallel_loop3A_1051 {offsets = [13], sizes = [1], strides = [1]} : vector<16xf32> to vector<1xf32>
        %parallel_loop3A_1391 = vector.extract %parallel_loop3A_1390[0] : f32 from vector<1xf32>
        %parallel_loop3A_1392 = arith.constant 45 : i32
        %parallel_loop3A_1393 = arith.addi %parallel_loop3A_193, %parallel_loop3A_1392 : i32
        %parallel_loop3A_1394 = arith.constant 0 : i32
        %parallel_loop3A_1395 = arith.index_cast %parallel_loop3A_1394 : i32 to index
        %parallel_loop3A_1396 = arith.index_cast %parallel_loop3A_175 : i32 to index
        %parallel_loop3A_1397 = arith.index_cast %parallel_loop3A_1393 : i32 to index
        %parallel_loop3A_1398 = arith.constant 0 : index
        %parallel_loop3A_1399 = tpu.vector_load %arg8[%parallel_loop3A_1395, %parallel_loop3A_1396, %parallel_loop3A_1397, %parallel_loop3A_1398] {strides = array<i32>} : memref<2x4x128x64xf32, #tpu.memory_space<vmem>>, vector<1x1x1x16xf32>,
        %parallel_loop3A_1400 = vector.shape_cast %parallel_loop3A_1399 : vector<1x1x1x16xf32> to vector<16xf32>
        %parallel_loop3A_1401 = vector.broadcast %parallel_loop3A_1391 : f32 to vector<16xf32>
        %parallel_loop3A_1402 = arith.mulf %parallel_loop3A_1401, %parallel_loop3A_1400 : vector<16xf32>
        %parallel_loop3A_1403 = arith.addf %parallel_loop3A_1299, %parallel_loop3A_1402 : vector<16xf32>
        %parallel_loop3A_1404 = arith.constant 45 : i32
        %parallel_loop3A_1405 = arith.addi %parallel_loop3A_193, %parallel_loop3A_1404 : i32
        %parallel_loop3A_1406 = arith.constant 0 : i32
        %parallel_loop3A_1407 = arith.index_cast %parallel_loop3A_1406 : i32 to index
        %parallel_loop3A_1408 = arith.index_cast %parallel_loop3A_175 : i32 to index
        %parallel_loop3A_1409 = arith.index_cast %parallel_loop3A_1405 : i32 to index
        %parallel_loop3A_1410 = arith.constant 16 : index
        %parallel_loop3A_1411 = tpu.vector_load %arg8[%parallel_loop3A_1407, %parallel_loop3A_1408, %parallel_loop3A_1409, %parallel_loop3A_1410] {strides = array<i32>} : memref<2x4x128x64xf32, #tpu.memory_space<vmem>>, vector<1x1x1x16xf32>,
        %parallel_loop3A_1412 = vector.shape_cast %parallel_loop3A_1411 : vector<1x1x1x16xf32> to vector<16xf32>
        %parallel_loop3A_1413 = vector.broadcast %parallel_loop3A_1391 : f32 to vector<16xf32>
        %parallel_loop3A_1414 = arith.mulf %parallel_loop3A_1413, %parallel_loop3A_1412 : vector<16xf32>
        %parallel_loop3A_1415 = arith.addf %parallel_loop3A_1311, %parallel_loop3A_1414 : vector<16xf32>
        %parallel_loop3A_1416 = vector.extract_strided_slice %parallel_loop3A_1051 {offsets = [14], sizes = [1], strides = [1]} : vector<16xf32> to vector<1xf32>
        %parallel_loop3A_1417 = vector.extract %parallel_loop3A_1416[0] : f32 from vector<1xf32>
        %parallel_loop3A_1418 = arith.constant 46 : i32
        %parallel_loop3A_1419 = arith.addi %parallel_loop3A_193, %parallel_loop3A_1418 : i32
        %parallel_loop3A_1420 = arith.constant 0 : i32
        %parallel_loop3A_1421 = arith.index_cast %parallel_loop3A_1420 : i32 to index
        %parallel_loop3A_1422 = arith.index_cast %parallel_loop3A_175 : i32 to index
        %parallel_loop3A_1423 = arith.index_cast %parallel_loop3A_1419 : i32 to index
        %parallel_loop3A_1424 = arith.constant 0 : index
        %parallel_loop3A_1425 = tpu.vector_load %arg8[%parallel_loop3A_1421, %parallel_loop3A_1422, %parallel_loop3A_1423, %parallel_loop3A_1424] {strides = array<i32>} : memref<2x4x128x64xf32, #tpu.memory_space<vmem>>, vector<1x1x1x16xf32>,
        %parallel_loop3A_1426 = vector.shape_cast %parallel_loop3A_1425 : vector<1x1x1x16xf32> to vector<16xf32>
        %parallel_loop3A_1427 = vector.broadcast %parallel_loop3A_1417 : f32 to vector<16xf32>
        %parallel_loop3A_1428 = arith.mulf %parallel_loop3A_1427, %parallel_loop3A_1426 : vector<16xf32>
        %parallel_loop3A_1429 = arith.addf %parallel_loop3A_1325, %parallel_loop3A_1428 : vector<16xf32>
        %parallel_loop3A_1430 = arith.constant 46 : i32
        %parallel_loop3A_1431 = arith.addi %parallel_loop3A_193, %parallel_loop3A_1430 : i32
        %parallel_loop3A_1432 = arith.constant 0 : i32
        %parallel_loop3A_1433 = arith.index_cast %parallel_loop3A_1432 : i32 to index
        %parallel_loop3A_1434 = arith.index_cast %parallel_loop3A_175 : i32 to index
        %parallel_loop3A_1435 = arith.index_cast %parallel_loop3A_1431 : i32 to index
        %parallel_loop3A_1436 = arith.constant 16 : index
        %parallel_loop3A_1437 = tpu.vector_load %arg8[%parallel_loop3A_1433, %parallel_loop3A_1434, %parallel_loop3A_1435, %parallel_loop3A_1436] {strides = array<i32>} : memref<2x4x128x64xf32, #tpu.memory_space<vmem>>, vector<1x1x1x16xf32>,
        %parallel_loop3A_1438 = vector.shape_cast %parallel_loop3A_1437 : vector<1x1x1x16xf32> to vector<16xf32>
        %parallel_loop3A_1439 = vector.broadcast %parallel_loop3A_1417 : f32 to vector<16xf32>
        %parallel_loop3A_1440 = arith.mulf %parallel_loop3A_1439, %parallel_loop3A_1438 : vector<16xf32>
        %parallel_loop3A_1441 = arith.addf %parallel_loop3A_1337, %parallel_loop3A_1440 : vector<16xf32>
        %parallel_loop3A_1442 = vector.extract_strided_slice %parallel_loop3A_1051 {offsets = [15], sizes = [1], strides = [1]} : vector<16xf32> to vector<1xf32>
        %parallel_loop3A_1443 = vector.extract %parallel_loop3A_1442[0] : f32 from vector<1xf32>
        %parallel_loop3A_1444 = arith.constant 47 : i32
        %parallel_loop3A_1445 = arith.addi %parallel_loop3A_193, %parallel_loop3A_1444 : i32
        %parallel_loop3A_1446 = arith.constant 0 : i32
        %parallel_loop3A_1447 = arith.index_cast %parallel_loop3A_1446 : i32 to index
        %parallel_loop3A_1448 = arith.index_cast %parallel_loop3A_175 : i32 to index
        %parallel_loop3A_1449 = arith.index_cast %parallel_loop3A_1445 : i32 to index
        %parallel_loop3A_1450 = arith.constant 0 : index
        %parallel_loop3A_1451 = tpu.vector_load %arg8[%parallel_loop3A_1447, %parallel_loop3A_1448, %parallel_loop3A_1449, %parallel_loop3A_1450] {strides = array<i32>} : memref<2x4x128x64xf32, #tpu.memory_space<vmem>>, vector<1x1x1x16xf32>,
        %parallel_loop3A_1452 = vector.shape_cast %parallel_loop3A_1451 : vector<1x1x1x16xf32> to vector<16xf32>
        %parallel_loop3A_1453 = vector.broadcast %parallel_loop3A_1443 : f32 to vector<16xf32>
        %parallel_loop3A_1454 = arith.mulf %parallel_loop3A_1453, %parallel_loop3A_1452 : vector<16xf32>
        %parallel_loop3A_1455 = arith.addf %parallel_loop3A_1351, %parallel_loop3A_1454 : vector<16xf32>
        %parallel_loop3A_1456 = arith.constant 47 : i32
        %parallel_loop3A_1457 = arith.addi %parallel_loop3A_193, %parallel_loop3A_1456 : i32
        %parallel_loop3A_1458 = arith.constant 0 : i32
        %parallel_loop3A_1459 = arith.index_cast %parallel_loop3A_1458 : i32 to index
        %parallel_loop3A_1460 = arith.index_cast %parallel_loop3A_175 : i32 to index
        %parallel_loop3A_1461 = arith.index_cast %parallel_loop3A_1457 : i32 to index
        %parallel_loop3A_1462 = arith.constant 16 : index
        %parallel_loop3A_1463 = tpu.vector_load %arg8[%parallel_loop3A_1459, %parallel_loop3A_1460, %parallel_loop3A_1461, %parallel_loop3A_1462] {strides = array<i32>} : memref<2x4x128x64xf32, #tpu.memory_space<vmem>>, vector<1x1x1x16xf32>,
        %parallel_loop3A_1464 = vector.shape_cast %parallel_loop3A_1463 : vector<1x1x1x16xf32> to vector<16xf32>
        %parallel_loop3A_1465 = vector.broadcast %parallel_loop3A_1443 : f32 to vector<16xf32>
        %parallel_loop3A_1466 = arith.mulf %parallel_loop3A_1465, %parallel_loop3A_1464 : vector<16xf32>
        %parallel_loop3A_1467 = arith.addf %parallel_loop3A_1363, %parallel_loop3A_1466 : vector<16xf32>
        %parallel_loop3A_1468 = arith.constant 48 : i32
        %parallel_loop3A_1469 = arith.addi %parallel_loop3A_193, %parallel_loop3A_1468 : i32
        %parallel_loop3A_1470 = arith.constant 0 : i32
        %parallel_loop3A_1471 = arith.index_cast %parallel_loop3A_1470 : i32 to index
        %parallel_loop3A_1472 = arith.index_cast %parallel_loop3A_175 : i32 to index
        %parallel_loop3A_1473 = arith.index_cast %parallel_loop3A_1469 : i32 to index
        %parallel_loop3A_1474 = tpu.vector_load %arg7[%parallel_loop3A_1471, %parallel_loop3A_1472, %parallel_loop3A_1473] {strides = array<i32>} : memref<2x8x128xf32, #tpu.memory_space<vmem>>, vector<1x1x16xf32>,
        %parallel_loop3A_1475 = vector.shape_cast %parallel_loop3A_1474 : vector<1x1x16xf32> to vector<16xf32>
        %parallel_loop3A_1476 = vector.extract_strided_slice %parallel_loop3A_1475 {offsets = [0], sizes = [1], strides = [1]} : vector<16xf32> to vector<1xf32>
        %parallel_loop3A_1477 = vector.extract %parallel_loop3A_1476[0] : f32 from vector<1xf32>
        %parallel_loop3A_1478 = arith.constant 48 : i32
        %parallel_loop3A_1479 = arith.addi %parallel_loop3A_193, %parallel_loop3A_1478 : i32
        %parallel_loop3A_1480 = arith.constant 0 : i32
        %parallel_loop3A_1481 = arith.index_cast %parallel_loop3A_1480 : i32 to index
        %parallel_loop3A_1482 = arith.index_cast %parallel_loop3A_175 : i32 to index
        %parallel_loop3A_1483 = arith.index_cast %parallel_loop3A_1479 : i32 to index
        %parallel_loop3A_1484 = arith.constant 0 : index
        %parallel_loop3A_1485 = tpu.vector_load %arg8[%parallel_loop3A_1481, %parallel_loop3A_1482, %parallel_loop3A_1483, %parallel_loop3A_1484] {strides = array<i32>} : memref<2x4x128x64xf32, #tpu.memory_space<vmem>>, vector<1x1x1x16xf32>,
        %parallel_loop3A_1486 = vector.shape_cast %parallel_loop3A_1485 : vector<1x1x1x16xf32> to vector<16xf32>
        %parallel_loop3A_1487 = vector.broadcast %parallel_loop3A_1477 : f32 to vector<16xf32>
        %parallel_loop3A_1488 = arith.mulf %parallel_loop3A_1487, %parallel_loop3A_1486 : vector<16xf32>
        %parallel_loop3A_1489 = arith.addf %parallel_loop3A_1377, %parallel_loop3A_1488 : vector<16xf32>
        %parallel_loop3A_1490 = arith.constant 48 : i32
        %parallel_loop3A_1491 = arith.addi %parallel_loop3A_193, %parallel_loop3A_1490 : i32
        %parallel_loop3A_1492 = arith.constant 0 : i32
        %parallel_loop3A_1493 = arith.index_cast %parallel_loop3A_1492 : i32 to index
        %parallel_loop3A_1494 = arith.index_cast %parallel_loop3A_175 : i32 to index
        %parallel_loop3A_1495 = arith.index_cast %parallel_loop3A_1491 : i32 to index
        %parallel_loop3A_1496 = arith.constant 16 : index
        %parallel_loop3A_1497 = tpu.vector_load %arg8[%parallel_loop3A_1493, %parallel_loop3A_1494, %parallel_loop3A_1495, %parallel_loop3A_1496] {strides = array<i32>} : memref<2x4x128x64xf32, #tpu.memory_space<vmem>>, vector<1x1x1x16xf32>,
        %parallel_loop3A_1498 = vector.shape_cast %parallel_loop3A_1497 : vector<1x1x1x16xf32> to vector<16xf32>
        %parallel_loop3A_1499 = vector.broadcast %parallel_loop3A_1477 : f32 to vector<16xf32>
        %parallel_loop3A_1500 = arith.mulf %parallel_loop3A_1499, %parallel_loop3A_1498 : vector<16xf32>
        %parallel_loop3A_1501 = arith.addf %parallel_loop3A_1389, %parallel_loop3A_1500 : vector<16xf32>
        %parallel_loop3A_1502 = vector.extract_strided_slice %parallel_loop3A_1475 {offsets = [1], sizes = [1], strides = [1]} : vector<16xf32> to vector<1xf32>
        %parallel_loop3A_1503 = vector.extract %parallel_loop3A_1502[0] : f32 from vector<1xf32>
        %parallel_loop3A_1504 = arith.constant 49 : i32
        %parallel_loop3A_1505 = arith.addi %parallel_loop3A_193, %parallel_loop3A_1504 : i32
        %parallel_loop3A_1506 = arith.constant 0 : i32
        %parallel_loop3A_1507 = arith.index_cast %parallel_loop3A_1506 : i32 to index
        %parallel_loop3A_1508 = arith.index_cast %parallel_loop3A_175 : i32 to index
        %parallel_loop3A_1509 = arith.index_cast %parallel_loop3A_1505 : i32 to index
        %parallel_loop3A_1510 = arith.constant 0 : index
        %parallel_loop3A_1511 = tpu.vector_load %arg8[%parallel_loop3A_1507, %parallel_loop3A_1508, %parallel_loop3A_1509, %parallel_loop3A_1510] {strides = array<i32>} : memref<2x4x128x64xf32, #tpu.memory_space<vmem>>, vector<1x1x1x16xf32>,
        %parallel_loop3A_1512 = vector.shape_cast %parallel_loop3A_1511 : vector<1x1x1x16xf32> to vector<16xf32>
        %parallel_loop3A_1513 = vector.broadcast %parallel_loop3A_1503 : f32 to vector<16xf32>
        %parallel_loop3A_1514 = arith.mulf %parallel_loop3A_1513, %parallel_loop3A_1512 : vector<16xf32>
        %parallel_loop3A_1515 = arith.addf %parallel_loop3A_1403, %parallel_loop3A_1514 : vector<16xf32>
        %parallel_loop3A_1516 = arith.constant 49 : i32
        %parallel_loop3A_1517 = arith.addi %parallel_loop3A_193, %parallel_loop3A_1516 : i32
        %parallel_loop3A_1518 = arith.constant 0 : i32
        %parallel_loop3A_1519 = arith.index_cast %parallel_loop3A_1518 : i32 to index
        %parallel_loop3A_1520 = arith.index_cast %parallel_loop3A_175 : i32 to index
        %parallel_loop3A_1521 = arith.index_cast %parallel_loop3A_1517 : i32 to index
        %parallel_loop3A_1522 = arith.constant 16 : index
        %parallel_loop3A_1523 = tpu.vector_load %arg8[%parallel_loop3A_1519, %parallel_loop3A_1520, %parallel_loop3A_1521, %parallel_loop3A_1522] {strides = array<i32>} : memref<2x4x128x64xf32, #tpu.memory_space<vmem>>, vector<1x1x1x16xf32>,
        %parallel_loop3A_1524 = vector.shape_cast %parallel_loop3A_1523 : vector<1x1x1x16xf32> to vector<16xf32>
        %parallel_loop3A_1525 = vector.broadcast %parallel_loop3A_1503 : f32 to vector<16xf32>
        %parallel_loop3A_1526 = arith.mulf %parallel_loop3A_1525, %parallel_loop3A_1524 : vector<16xf32>
        %parallel_loop3A_1527 = arith.addf %parallel_loop3A_1415, %parallel_loop3A_1526 : vector<16xf32>
        %parallel_loop3A_1528 = vector.extract_strided_slice %parallel_loop3A_1475 {offsets = [2], sizes = [1], strides = [1]} : vector<16xf32> to vector<1xf32>
        %parallel_loop3A_1529 = vector.extract %parallel_loop3A_1528[0] : f32 from vector<1xf32>
        %parallel_loop3A_1530 = arith.constant 50 : i32
        %parallel_loop3A_1531 = arith.addi %parallel_loop3A_193, %parallel_loop3A_1530 : i32
        %parallel_loop3A_1532 = arith.constant 0 : i32
        %parallel_loop3A_1533 = arith.index_cast %parallel_loop3A_1532 : i32 to index
        %parallel_loop3A_1534 = arith.index_cast %parallel_loop3A_175 : i32 to index
        %parallel_loop3A_1535 = arith.index_cast %parallel_loop3A_1531 : i32 to index
        %parallel_loop3A_1536 = arith.constant 0 : index
        %parallel_loop3A_1537 = tpu.vector_load %arg8[%parallel_loop3A_1533, %parallel_loop3A_1534, %parallel_loop3A_1535, %parallel_loop3A_1536] {strides = array<i32>} : memref<2x4x128x64xf32, #tpu.memory_space<vmem>>, vector<1x1x1x16xf32>,
        %parallel_loop3A_1538 = vector.shape_cast %parallel_loop3A_1537 : vector<1x1x1x16xf32> to vector<16xf32>
        %parallel_loop3A_1539 = vector.broadcast %parallel_loop3A_1529 : f32 to vector<16xf32>
        %parallel_loop3A_1540 = arith.mulf %parallel_loop3A_1539, %parallel_loop3A_1538 : vector<16xf32>
        %parallel_loop3A_1541 = arith.addf %parallel_loop3A_1429, %parallel_loop3A_1540 : vector<16xf32>
        %parallel_loop3A_1542 = arith.constant 50 : i32
        %parallel_loop3A_1543 = arith.addi %parallel_loop3A_193, %parallel_loop3A_1542 : i32
        %parallel_loop3A_1544 = arith.constant 0 : i32
        %parallel_loop3A_1545 = arith.index_cast %parallel_loop3A_1544 : i32 to index
        %parallel_loop3A_1546 = arith.index_cast %parallel_loop3A_175 : i32 to index
        %parallel_loop3A_1547 = arith.index_cast %parallel_loop3A_1543 : i32 to index
        %parallel_loop3A_1548 = arith.constant 16 : index
        %parallel_loop3A_1549 = tpu.vector_load %arg8[%parallel_loop3A_1545, %parallel_loop3A_1546, %parallel_loop3A_1547, %parallel_loop3A_1548] {strides = array<i32>} : memref<2x4x128x64xf32, #tpu.memory_space<vmem>>, vector<1x1x1x16xf32>,
        %parallel_loop3A_1550 = vector.shape_cast %parallel_loop3A_1549 : vector<1x1x1x16xf32> to vector<16xf32>
        %parallel_loop3A_1551 = vector.broadcast %parallel_loop3A_1529 : f32 to vector<16xf32>
        %parallel_loop3A_1552 = arith.mulf %parallel_loop3A_1551, %parallel_loop3A_1550 : vector<16xf32>
        %parallel_loop3A_1553 = arith.addf %parallel_loop3A_1441, %parallel_loop3A_1552 : vector<16xf32>
        %parallel_loop3A_1554 = vector.extract_strided_slice %parallel_loop3A_1475 {offsets = [3], sizes = [1], strides = [1]} : vector<16xf32> to vector<1xf32>
        %parallel_loop3A_1555 = vector.extract %parallel_loop3A_1554[0] : f32 from vector<1xf32>
        %parallel_loop3A_1556 = arith.constant 51 : i32
        %parallel_loop3A_1557 = arith.addi %parallel_loop3A_193, %parallel_loop3A_1556 : i32
        %parallel_loop3A_1558 = arith.constant 0 : i32
        %parallel_loop3A_1559 = arith.index_cast %parallel_loop3A_1558 : i32 to index
        %parallel_loop3A_1560 = arith.index_cast %parallel_loop3A_175 : i32 to index
        %parallel_loop3A_1561 = arith.index_cast %parallel_loop3A_1557 : i32 to index
        %parallel_loop3A_1562 = arith.constant 0 : index
        %parallel_loop3A_1563 = tpu.vector_load %arg8[%parallel_loop3A_1559, %parallel_loop3A_1560, %parallel_loop3A_1561, %parallel_loop3A_1562] {strides = array<i32>} : memref<2x4x128x64xf32, #tpu.memory_space<vmem>>, vector<1x1x1x16xf32>,
        %parallel_loop3A_1564 = vector.shape_cast %parallel_loop3A_1563 : vector<1x1x1x16xf32> to vector<16xf32>
        %parallel_loop3A_1565 = vector.broadcast %parallel_loop3A_1555 : f32 to vector<16xf32>
        %parallel_loop3A_1566 = arith.mulf %parallel_loop3A_1565, %parallel_loop3A_1564 : vector<16xf32>
        %parallel_loop3A_1567 = arith.addf %parallel_loop3A_1455, %parallel_loop3A_1566 : vector<16xf32>
        %parallel_loop3A_1568 = arith.constant 51 : i32
        %parallel_loop3A_1569 = arith.addi %parallel_loop3A_193, %parallel_loop3A_1568 : i32
        %parallel_loop3A_1570 = arith.constant 0 : i32
        %parallel_loop3A_1571 = arith.index_cast %parallel_loop3A_1570 : i32 to index
        %parallel_loop3A_1572 = arith.index_cast %parallel_loop3A_175 : i32 to index
        %parallel_loop3A_1573 = arith.index_cast %parallel_loop3A_1569 : i32 to index
        %parallel_loop3A_1574 = arith.constant 16 : index
        %parallel_loop3A_1575 = tpu.vector_load %arg8[%parallel_loop3A_1571, %parallel_loop3A_1572, %parallel_loop3A_1573, %parallel_loop3A_1574] {strides = array<i32>} : memref<2x4x128x64xf32, #tpu.memory_space<vmem>>, vector<1x1x1x16xf32>,
        %parallel_loop3A_1576 = vector.shape_cast %parallel_loop3A_1575 : vector<1x1x1x16xf32> to vector<16xf32>
        %parallel_loop3A_1577 = vector.broadcast %parallel_loop3A_1555 : f32 to vector<16xf32>
        %parallel_loop3A_1578 = arith.mulf %parallel_loop3A_1577, %parallel_loop3A_1576 : vector<16xf32>
        %parallel_loop3A_1579 = arith.addf %parallel_loop3A_1467, %parallel_loop3A_1578 : vector<16xf32>
        %parallel_loop3A_1580 = vector.extract_strided_slice %parallel_loop3A_1475 {offsets = [4], sizes = [1], strides = [1]} : vector<16xf32> to vector<1xf32>
        %parallel_loop3A_1581 = vector.extract %parallel_loop3A_1580[0] : f32 from vector<1xf32>
        %parallel_loop3A_1582 = arith.constant 52 : i32
        %parallel_loop3A_1583 = arith.addi %parallel_loop3A_193, %parallel_loop3A_1582 : i32
        %parallel_loop3A_1584 = arith.constant 0 : i32
        %parallel_loop3A_1585 = arith.index_cast %parallel_loop3A_1584 : i32 to index
        %parallel_loop3A_1586 = arith.index_cast %parallel_loop3A_175 : i32 to index
        %parallel_loop3A_1587 = arith.index_cast %parallel_loop3A_1583 : i32 to index
        %parallel_loop3A_1588 = arith.constant 0 : index
        %parallel_loop3A_1589 = tpu.vector_load %arg8[%parallel_loop3A_1585, %parallel_loop3A_1586, %parallel_loop3A_1587, %parallel_loop3A_1588] {strides = array<i32>} : memref<2x4x128x64xf32, #tpu.memory_space<vmem>>, vector<1x1x1x16xf32>,
        %parallel_loop3A_1590 = vector.shape_cast %parallel_loop3A_1589 : vector<1x1x1x16xf32> to vector<16xf32>
        %parallel_loop3A_1591 = vector.broadcast %parallel_loop3A_1581 : f32 to vector<16xf32>
        %parallel_loop3A_1592 = arith.mulf %parallel_loop3A_1591, %parallel_loop3A_1590 : vector<16xf32>
        %parallel_loop3A_1593 = arith.addf %parallel_loop3A_1489, %parallel_loop3A_1592 : vector<16xf32>
        %parallel_loop3A_1594 = arith.constant 52 : i32
        %parallel_loop3A_1595 = arith.addi %parallel_loop3A_193, %parallel_loop3A_1594 : i32
        %parallel_loop3A_1596 = arith.constant 0 : i32
        %parallel_loop3A_1597 = arith.index_cast %parallel_loop3A_1596 : i32 to index
        %parallel_loop3A_1598 = arith.index_cast %parallel_loop3A_175 : i32 to index
        %parallel_loop3A_1599 = arith.index_cast %parallel_loop3A_1595 : i32 to index
        %parallel_loop3A_1600 = arith.constant 16 : index
        %parallel_loop3A_1601 = tpu.vector_load %arg8[%parallel_loop3A_1597, %parallel_loop3A_1598, %parallel_loop3A_1599, %parallel_loop3A_1600] {strides = array<i32>} : memref<2x4x128x64xf32, #tpu.memory_space<vmem>>, vector<1x1x1x16xf32>,
        %parallel_loop3A_1602 = vector.shape_cast %parallel_loop3A_1601 : vector<1x1x1x16xf32> to vector<16xf32>
        %parallel_loop3A_1603 = vector.broadcast %parallel_loop3A_1581 : f32 to vector<16xf32>
        %parallel_loop3A_1604 = arith.mulf %parallel_loop3A_1603, %parallel_loop3A_1602 : vector<16xf32>
        %parallel_loop3A_1605 = arith.addf %parallel_loop3A_1501, %parallel_loop3A_1604 : vector<16xf32>
        %parallel_loop3A_1606 = vector.extract_strided_slice %parallel_loop3A_1475 {offsets = [5], sizes = [1], strides = [1]} : vector<16xf32> to vector<1xf32>
        %parallel_loop3A_1607 = vector.extract %parallel_loop3A_1606[0] : f32 from vector<1xf32>
        %parallel_loop3A_1608 = arith.constant 53 : i32
        %parallel_loop3A_1609 = arith.addi %parallel_loop3A_193, %parallel_loop3A_1608 : i32
        %parallel_loop3A_1610 = arith.constant 0 : i32
        %parallel_loop3A_1611 = arith.index_cast %parallel_loop3A_1610 : i32 to index
        %parallel_loop3A_1612 = arith.index_cast %parallel_loop3A_175 : i32 to index
        %parallel_loop3A_1613 = arith.index_cast %parallel_loop3A_1609 : i32 to index
        %parallel_loop3A_1614 = arith.constant 0 : index
        %parallel_loop3A_1615 = tpu.vector_load %arg8[%parallel_loop3A_1611, %parallel_loop3A_1612, %parallel_loop3A_1613, %parallel_loop3A_1614] {strides = array<i32>} : memref<2x4x128x64xf32, #tpu.memory_space<vmem>>, vector<1x1x1x16xf32>,
        %parallel_loop3A_1616 = vector.shape_cast %parallel_loop3A_1615 : vector<1x1x1x16xf32> to vector<16xf32>
        %parallel_loop3A_1617 = vector.broadcast %parallel_loop3A_1607 : f32 to vector<16xf32>
        %parallel_loop3A_1618 = arith.mulf %parallel_loop3A_1617, %parallel_loop3A_1616 : vector<16xf32>
        %parallel_loop3A_1619 = arith.addf %parallel_loop3A_1515, %parallel_loop3A_1618 : vector<16xf32>
        %parallel_loop3A_1620 = arith.constant 53 : i32
        %parallel_loop3A_1621 = arith.addi %parallel_loop3A_193, %parallel_loop3A_1620 : i32
        %parallel_loop3A_1622 = arith.constant 0 : i32
        %parallel_loop3A_1623 = arith.index_cast %parallel_loop3A_1622 : i32 to index
        %parallel_loop3A_1624 = arith.index_cast %parallel_loop3A_175 : i32 to index
        %parallel_loop3A_1625 = arith.index_cast %parallel_loop3A_1621 : i32 to index
        %parallel_loop3A_1626 = arith.constant 16 : index
        %parallel_loop3A_1627 = tpu.vector_load %arg8[%parallel_loop3A_1623, %parallel_loop3A_1624, %parallel_loop3A_1625, %parallel_loop3A_1626] {strides = array<i32>} : memref<2x4x128x64xf32, #tpu.memory_space<vmem>>, vector<1x1x1x16xf32>,
        %parallel_loop3A_1628 = vector.shape_cast %parallel_loop3A_1627 : vector<1x1x1x16xf32> to vector<16xf32>
        %parallel_loop3A_1629 = vector.broadcast %parallel_loop3A_1607 : f32 to vector<16xf32>
        %parallel_loop3A_1630 = arith.mulf %parallel_loop3A_1629, %parallel_loop3A_1628 : vector<16xf32>
        %parallel_loop3A_1631 = arith.addf %parallel_loop3A_1527, %parallel_loop3A_1630 : vector<16xf32>
        %parallel_loop3A_1632 = vector.extract_strided_slice %parallel_loop3A_1475 {offsets = [6], sizes = [1], strides = [1]} : vector<16xf32> to vector<1xf32>
        %parallel_loop3A_1633 = vector.extract %parallel_loop3A_1632[0] : f32 from vector<1xf32>
        %parallel_loop3A_1634 = arith.constant 54 : i32
        %parallel_loop3A_1635 = arith.addi %parallel_loop3A_193, %parallel_loop3A_1634 : i32
        %parallel_loop3A_1636 = arith.constant 0 : i32
        %parallel_loop3A_1637 = arith.index_cast %parallel_loop3A_1636 : i32 to index
        %parallel_loop3A_1638 = arith.index_cast %parallel_loop3A_175 : i32 to index
        %parallel_loop3A_1639 = arith.index_cast %parallel_loop3A_1635 : i32 to index
        %parallel_loop3A_1640 = arith.constant 0 : index
        %parallel_loop3A_1641 = tpu.vector_load %arg8[%parallel_loop3A_1637, %parallel_loop3A_1638, %parallel_loop3A_1639, %parallel_loop3A_1640] {strides = array<i32>} : memref<2x4x128x64xf32, #tpu.memory_space<vmem>>, vector<1x1x1x16xf32>,
        %parallel_loop3A_1642 = vector.shape_cast %parallel_loop3A_1641 : vector<1x1x1x16xf32> to vector<16xf32>
        %parallel_loop3A_1643 = vector.broadcast %parallel_loop3A_1633 : f32 to vector<16xf32>
        %parallel_loop3A_1644 = arith.mulf %parallel_loop3A_1643, %parallel_loop3A_1642 : vector<16xf32>
        %parallel_loop3A_1645 = arith.addf %parallel_loop3A_1541, %parallel_loop3A_1644 : vector<16xf32>
        %parallel_loop3A_1646 = arith.constant 54 : i32
        %parallel_loop3A_1647 = arith.addi %parallel_loop3A_193, %parallel_loop3A_1646 : i32
        %parallel_loop3A_1648 = arith.constant 0 : i32
        %parallel_loop3A_1649 = arith.index_cast %parallel_loop3A_1648 : i32 to index
        %parallel_loop3A_1650 = arith.index_cast %parallel_loop3A_175 : i32 to index
        %parallel_loop3A_1651 = arith.index_cast %parallel_loop3A_1647 : i32 to index
        %parallel_loop3A_1652 = arith.constant 16 : index
        %parallel_loop3A_1653 = tpu.vector_load %arg8[%parallel_loop3A_1649, %parallel_loop3A_1650, %parallel_loop3A_1651, %parallel_loop3A_1652] {strides = array<i32>} : memref<2x4x128x64xf32, #tpu.memory_space<vmem>>, vector<1x1x1x16xf32>,
        %parallel_loop3A_1654 = vector.shape_cast %parallel_loop3A_1653 : vector<1x1x1x16xf32> to vector<16xf32>
        %parallel_loop3A_1655 = vector.broadcast %parallel_loop3A_1633 : f32 to vector<16xf32>
        %parallel_loop3A_1656 = arith.mulf %parallel_loop3A_1655, %parallel_loop3A_1654 : vector<16xf32>
        %parallel_loop3A_1657 = arith.addf %parallel_loop3A_1553, %parallel_loop3A_1656 : vector<16xf32>
        %parallel_loop3A_1658 = vector.extract_strided_slice %parallel_loop3A_1475 {offsets = [7], sizes = [1], strides = [1]} : vector<16xf32> to vector<1xf32>
        %parallel_loop3A_1659 = vector.extract %parallel_loop3A_1658[0] : f32 from vector<1xf32>
        %parallel_loop3A_1660 = arith.constant 55 : i32
        %parallel_loop3A_1661 = arith.addi %parallel_loop3A_193, %parallel_loop3A_1660 : i32
        %parallel_loop3A_1662 = arith.constant 0 : i32
        %parallel_loop3A_1663 = arith.index_cast %parallel_loop3A_1662 : i32 to index
        %parallel_loop3A_1664 = arith.index_cast %parallel_loop3A_175 : i32 to index
        %parallel_loop3A_1665 = arith.index_cast %parallel_loop3A_1661 : i32 to index
        %parallel_loop3A_1666 = arith.constant 0 : index
        %parallel_loop3A_1667 = tpu.vector_load %arg8[%parallel_loop3A_1663, %parallel_loop3A_1664, %parallel_loop3A_1665, %parallel_loop3A_1666] {strides = array<i32>} : memref<2x4x128x64xf32, #tpu.memory_space<vmem>>, vector<1x1x1x16xf32>,
        %parallel_loop3A_1668 = vector.shape_cast %parallel_loop3A_1667 : vector<1x1x1x16xf32> to vector<16xf32>
        %parallel_loop3A_1669 = vector.broadcast %parallel_loop3A_1659 : f32 to vector<16xf32>
        %parallel_loop3A_1670 = arith.mulf %parallel_loop3A_1669, %parallel_loop3A_1668 : vector<16xf32>
        %parallel_loop3A_1671 = arith.addf %parallel_loop3A_1567, %parallel_loop3A_1670 : vector<16xf32>
        %parallel_loop3A_1672 = arith.constant 55 : i32
        %parallel_loop3A_1673 = arith.addi %parallel_loop3A_193, %parallel_loop3A_1672 : i32
        %parallel_loop3A_1674 = arith.constant 0 : i32
        %parallel_loop3A_1675 = arith.index_cast %parallel_loop3A_1674 : i32 to index
        %parallel_loop3A_1676 = arith.index_cast %parallel_loop3A_175 : i32 to index
        %parallel_loop3A_1677 = arith.index_cast %parallel_loop3A_1673 : i32 to index
        %parallel_loop3A_1678 = arith.constant 16 : index
        %parallel_loop3A_1679 = tpu.vector_load %arg8[%parallel_loop3A_1675, %parallel_loop3A_1676, %parallel_loop3A_1677, %parallel_loop3A_1678] {strides = array<i32>} : memref<2x4x128x64xf32, #tpu.memory_space<vmem>>, vector<1x1x1x16xf32>,
        %parallel_loop3A_1680 = vector.shape_cast %parallel_loop3A_1679 : vector<1x1x1x16xf32> to vector<16xf32>
        %parallel_loop3A_1681 = vector.broadcast %parallel_loop3A_1659 : f32 to vector<16xf32>
        %parallel_loop3A_1682 = arith.mulf %parallel_loop3A_1681, %parallel_loop3A_1680 : vector<16xf32>
        %parallel_loop3A_1683 = arith.addf %parallel_loop3A_1579, %parallel_loop3A_1682 : vector<16xf32>
        %parallel_loop3A_1684 = vector.extract_strided_slice %parallel_loop3A_1475 {offsets = [8], sizes = [1], strides = [1]} : vector<16xf32> to vector<1xf32>
        %parallel_loop3A_1685 = vector.extract %parallel_loop3A_1684[0] : f32 from vector<1xf32>
        %parallel_loop3A_1686 = arith.constant 56 : i32
        %parallel_loop3A_1687 = arith.addi %parallel_loop3A_193, %parallel_loop3A_1686 : i32
        %parallel_loop3A_1688 = arith.constant 0 : i32
        %parallel_loop3A_1689 = arith.index_cast %parallel_loop3A_1688 : i32 to index
        %parallel_loop3A_1690 = arith.index_cast %parallel_loop3A_175 : i32 to index
        %parallel_loop3A_1691 = arith.index_cast %parallel_loop3A_1687 : i32 to index
        %parallel_loop3A_1692 = arith.constant 0 : index
        %parallel_loop3A_1693 = tpu.vector_load %arg8[%parallel_loop3A_1689, %parallel_loop3A_1690, %parallel_loop3A_1691, %parallel_loop3A_1692] {strides = array<i32>} : memref<2x4x128x64xf32, #tpu.memory_space<vmem>>, vector<1x1x1x16xf32>,
        %parallel_loop3A_1694 = vector.shape_cast %parallel_loop3A_1693 : vector<1x1x1x16xf32> to vector<16xf32>
        %parallel_loop3A_1695 = vector.broadcast %parallel_loop3A_1685 : f32 to vector<16xf32>
        %parallel_loop3A_1696 = arith.mulf %parallel_loop3A_1695, %parallel_loop3A_1694 : vector<16xf32>
        %parallel_loop3A_1697 = arith.addf %parallel_loop3A_1593, %parallel_loop3A_1696 : vector<16xf32>
        %parallel_loop3A_1698 = arith.constant 56 : i32
        %parallel_loop3A_1699 = arith.addi %parallel_loop3A_193, %parallel_loop3A_1698 : i32
        %parallel_loop3A_1700 = arith.constant 0 : i32
        %parallel_loop3A_1701 = arith.index_cast %parallel_loop3A_1700 : i32 to index
        %parallel_loop3A_1702 = arith.index_cast %parallel_loop3A_175 : i32 to index
        %parallel_loop3A_1703 = arith.index_cast %parallel_loop3A_1699 : i32 to index
        %parallel_loop3A_1704 = arith.constant 16 : index
        %parallel_loop3A_1705 = tpu.vector_load %arg8[%parallel_loop3A_1701, %parallel_loop3A_1702, %parallel_loop3A_1703, %parallel_loop3A_1704] {strides = array<i32>} : memref<2x4x128x64xf32, #tpu.memory_space<vmem>>, vector<1x1x1x16xf32>,
        %parallel_loop3A_1706 = vector.shape_cast %parallel_loop3A_1705 : vector<1x1x1x16xf32> to vector<16xf32>
        %parallel_loop3A_1707 = vector.broadcast %parallel_loop3A_1685 : f32 to vector<16xf32>
        %parallel_loop3A_1708 = arith.mulf %parallel_loop3A_1707, %parallel_loop3A_1706 : vector<16xf32>
        %parallel_loop3A_1709 = arith.addf %parallel_loop3A_1605, %parallel_loop3A_1708 : vector<16xf32>
        %parallel_loop3A_1710 = vector.extract_strided_slice %parallel_loop3A_1475 {offsets = [9], sizes = [1], strides = [1]} : vector<16xf32> to vector<1xf32>
        %parallel_loop3A_1711 = vector.extract %parallel_loop3A_1710[0] : f32 from vector<1xf32>
        %parallel_loop3A_1712 = arith.constant 57 : i32
        %parallel_loop3A_1713 = arith.addi %parallel_loop3A_193, %parallel_loop3A_1712 : i32
        %parallel_loop3A_1714 = arith.constant 0 : i32
        %parallel_loop3A_1715 = arith.index_cast %parallel_loop3A_1714 : i32 to index
        %parallel_loop3A_1716 = arith.index_cast %parallel_loop3A_175 : i32 to index
        %parallel_loop3A_1717 = arith.index_cast %parallel_loop3A_1713 : i32 to index
        %parallel_loop3A_1718 = arith.constant 0 : index
        %parallel_loop3A_1719 = tpu.vector_load %arg8[%parallel_loop3A_1715, %parallel_loop3A_1716, %parallel_loop3A_1717, %parallel_loop3A_1718] {strides = array<i32>} : memref<2x4x128x64xf32, #tpu.memory_space<vmem>>, vector<1x1x1x16xf32>,
        %parallel_loop3A_1720 = vector.shape_cast %parallel_loop3A_1719 : vector<1x1x1x16xf32> to vector<16xf32>
        %parallel_loop3A_1721 = vector.broadcast %parallel_loop3A_1711 : f32 to vector<16xf32>
        %parallel_loop3A_1722 = arith.mulf %parallel_loop3A_1721, %parallel_loop3A_1720 : vector<16xf32>
        %parallel_loop3A_1723 = arith.addf %parallel_loop3A_1619, %parallel_loop3A_1722 : vector<16xf32>
        %parallel_loop3A_1724 = arith.constant 57 : i32
        %parallel_loop3A_1725 = arith.addi %parallel_loop3A_193, %parallel_loop3A_1724 : i32
        %parallel_loop3A_1726 = arith.constant 0 : i32
        %parallel_loop3A_1727 = arith.index_cast %parallel_loop3A_1726 : i32 to index
        %parallel_loop3A_1728 = arith.index_cast %parallel_loop3A_175 : i32 to index
        %parallel_loop3A_1729 = arith.index_cast %parallel_loop3A_1725 : i32 to index
        %parallel_loop3A_1730 = arith.constant 16 : index
        %parallel_loop3A_1731 = tpu.vector_load %arg8[%parallel_loop3A_1727, %parallel_loop3A_1728, %parallel_loop3A_1729, %parallel_loop3A_1730] {strides = array<i32>} : memref<2x4x128x64xf32, #tpu.memory_space<vmem>>, vector<1x1x1x16xf32>,
        %parallel_loop3A_1732 = vector.shape_cast %parallel_loop3A_1731 : vector<1x1x1x16xf32> to vector<16xf32>
        %parallel_loop3A_1733 = vector.broadcast %parallel_loop3A_1711 : f32 to vector<16xf32>
        %parallel_loop3A_1734 = arith.mulf %parallel_loop3A_1733, %parallel_loop3A_1732 : vector<16xf32>
        %parallel_loop3A_1735 = arith.addf %parallel_loop3A_1631, %parallel_loop3A_1734 : vector<16xf32>
        %parallel_loop3A_1736 = vector.extract_strided_slice %parallel_loop3A_1475 {offsets = [10], sizes = [1], strides = [1]} : vector<16xf32> to vector<1xf32>
        %parallel_loop3A_1737 = vector.extract %parallel_loop3A_1736[0] : f32 from vector<1xf32>
        %parallel_loop3A_1738 = arith.constant 58 : i32
        %parallel_loop3A_1739 = arith.addi %parallel_loop3A_193, %parallel_loop3A_1738 : i32
        %parallel_loop3A_1740 = arith.constant 0 : i32
        %parallel_loop3A_1741 = arith.index_cast %parallel_loop3A_1740 : i32 to index
        %parallel_loop3A_1742 = arith.index_cast %parallel_loop3A_175 : i32 to index
        %parallel_loop3A_1743 = arith.index_cast %parallel_loop3A_1739 : i32 to index
        %parallel_loop3A_1744 = arith.constant 0 : index
        %parallel_loop3A_1745 = tpu.vector_load %arg8[%parallel_loop3A_1741, %parallel_loop3A_1742, %parallel_loop3A_1743, %parallel_loop3A_1744] {strides = array<i32>} : memref<2x4x128x64xf32, #tpu.memory_space<vmem>>, vector<1x1x1x16xf32>,
        %parallel_loop3A_1746 = vector.shape_cast %parallel_loop3A_1745 : vector<1x1x1x16xf32> to vector<16xf32>
        %parallel_loop3A_1747 = vector.broadcast %parallel_loop3A_1737 : f32 to vector<16xf32>
        %parallel_loop3A_1748 = arith.mulf %parallel_loop3A_1747, %parallel_loop3A_1746 : vector<16xf32>
        %parallel_loop3A_1749 = arith.addf %parallel_loop3A_1645, %parallel_loop3A_1748 : vector<16xf32>
        %parallel_loop3A_1750 = arith.constant 58 : i32
        %parallel_loop3A_1751 = arith.addi %parallel_loop3A_193, %parallel_loop3A_1750 : i32
        %parallel_loop3A_1752 = arith.constant 0 : i32
        %parallel_loop3A_1753 = arith.index_cast %parallel_loop3A_1752 : i32 to index
        %parallel_loop3A_1754 = arith.index_cast %parallel_loop3A_175 : i32 to index
        %parallel_loop3A_1755 = arith.index_cast %parallel_loop3A_1751 : i32 to index
        %parallel_loop3A_1756 = arith.constant 16 : index
        %parallel_loop3A_1757 = tpu.vector_load %arg8[%parallel_loop3A_1753, %parallel_loop3A_1754, %parallel_loop3A_1755, %parallel_loop3A_1756] {strides = array<i32>} : memref<2x4x128x64xf32, #tpu.memory_space<vmem>>, vector<1x1x1x16xf32>,
        %parallel_loop3A_1758 = vector.shape_cast %parallel_loop3A_1757 : vector<1x1x1x16xf32> to vector<16xf32>
        %parallel_loop3A_1759 = vector.broadcast %parallel_loop3A_1737 : f32 to vector<16xf32>
        %parallel_loop3A_1760 = arith.mulf %parallel_loop3A_1759, %parallel_loop3A_1758 : vector<16xf32>
        %parallel_loop3A_1761 = arith.addf %parallel_loop3A_1657, %parallel_loop3A_1760 : vector<16xf32>
        %parallel_loop3A_1762 = vector.extract_strided_slice %parallel_loop3A_1475 {offsets = [11], sizes = [1], strides = [1]} : vector<16xf32> to vector<1xf32>
        %parallel_loop3A_1763 = vector.extract %parallel_loop3A_1762[0] : f32 from vector<1xf32>
        %parallel_loop3A_1764 = arith.constant 59 : i32
        %parallel_loop3A_1765 = arith.addi %parallel_loop3A_193, %parallel_loop3A_1764 : i32
        %parallel_loop3A_1766 = arith.constant 0 : i32
        %parallel_loop3A_1767 = arith.index_cast %parallel_loop3A_1766 : i32 to index
        %parallel_loop3A_1768 = arith.index_cast %parallel_loop3A_175 : i32 to index
        %parallel_loop3A_1769 = arith.index_cast %parallel_loop3A_1765 : i32 to index
        %parallel_loop3A_1770 = arith.constant 0 : index
        %parallel_loop3A_1771 = tpu.vector_load %arg8[%parallel_loop3A_1767, %parallel_loop3A_1768, %parallel_loop3A_1769, %parallel_loop3A_1770] {strides = array<i32>} : memref<2x4x128x64xf32, #tpu.memory_space<vmem>>, vector<1x1x1x16xf32>,
        %parallel_loop3A_1772 = vector.shape_cast %parallel_loop3A_1771 : vector<1x1x1x16xf32> to vector<16xf32>
        %parallel_loop3A_1773 = vector.broadcast %parallel_loop3A_1763 : f32 to vector<16xf32>
        %parallel_loop3A_1774 = arith.mulf %parallel_loop3A_1773, %parallel_loop3A_1772 : vector<16xf32>
        %parallel_loop3A_1775 = arith.addf %parallel_loop3A_1671, %parallel_loop3A_1774 : vector<16xf32>
        %parallel_loop3A_1776 = arith.constant 59 : i32
        %parallel_loop3A_1777 = arith.addi %parallel_loop3A_193, %parallel_loop3A_1776 : i32
        %parallel_loop3A_1778 = arith.constant 0 : i32
        %parallel_loop3A_1779 = arith.index_cast %parallel_loop3A_1778 : i32 to index
        %parallel_loop3A_1780 = arith.index_cast %parallel_loop3A_175 : i32 to index
        %parallel_loop3A_1781 = arith.index_cast %parallel_loop3A_1777 : i32 to index
        %parallel_loop3A_1782 = arith.constant 16 : index
        %parallel_loop3A_1783 = tpu.vector_load %arg8[%parallel_loop3A_1779, %parallel_loop3A_1780, %parallel_loop3A_1781, %parallel_loop3A_1782] {strides = array<i32>} : memref<2x4x128x64xf32, #tpu.memory_space<vmem>>, vector<1x1x1x16xf32>,
        %parallel_loop3A_1784 = vector.shape_cast %parallel_loop3A_1783 : vector<1x1x1x16xf32> to vector<16xf32>
        %parallel_loop3A_1785 = vector.broadcast %parallel_loop3A_1763 : f32 to vector<16xf32>
        %parallel_loop3A_1786 = arith.mulf %parallel_loop3A_1785, %parallel_loop3A_1784 : vector<16xf32>
        %parallel_loop3A_1787 = arith.addf %parallel_loop3A_1683, %parallel_loop3A_1786 : vector<16xf32>
        %parallel_loop3A_1788 = vector.extract_strided_slice %parallel_loop3A_1475 {offsets = [12], sizes = [1], strides = [1]} : vector<16xf32> to vector<1xf32>
        %parallel_loop3A_1789 = vector.extract %parallel_loop3A_1788[0] : f32 from vector<1xf32>
        %parallel_loop3A_1790 = arith.constant 60 : i32
        %parallel_loop3A_1791 = arith.addi %parallel_loop3A_193, %parallel_loop3A_1790 : i32
        %parallel_loop3A_1792 = arith.constant 0 : i32
        %parallel_loop3A_1793 = arith.index_cast %parallel_loop3A_1792 : i32 to index
        %parallel_loop3A_1794 = arith.index_cast %parallel_loop3A_175 : i32 to index
        %parallel_loop3A_1795 = arith.index_cast %parallel_loop3A_1791 : i32 to index
        %parallel_loop3A_1796 = arith.constant 0 : index
        %parallel_loop3A_1797 = tpu.vector_load %arg8[%parallel_loop3A_1793, %parallel_loop3A_1794, %parallel_loop3A_1795, %parallel_loop3A_1796] {strides = array<i32>} : memref<2x4x128x64xf32, #tpu.memory_space<vmem>>, vector<1x1x1x16xf32>,
        %parallel_loop3A_1798 = vector.shape_cast %parallel_loop3A_1797 : vector<1x1x1x16xf32> to vector<16xf32>
        %parallel_loop3A_1799 = vector.broadcast %parallel_loop3A_1789 : f32 to vector<16xf32>
        %parallel_loop3A_1800 = arith.mulf %parallel_loop3A_1799, %parallel_loop3A_1798 : vector<16xf32>
        %parallel_loop3A_1801 = arith.addf %parallel_loop3A_1697, %parallel_loop3A_1800 : vector<16xf32>
        %parallel_loop3A_1802 = arith.constant 60 : i32
        %parallel_loop3A_1803 = arith.addi %parallel_loop3A_193, %parallel_loop3A_1802 : i32
        %parallel_loop3A_1804 = arith.constant 0 : i32
        %parallel_loop3A_1805 = arith.index_cast %parallel_loop3A_1804 : i32 to index
        %parallel_loop3A_1806 = arith.index_cast %parallel_loop3A_175 : i32 to index
        %parallel_loop3A_1807 = arith.index_cast %parallel_loop3A_1803 : i32 to index
        %parallel_loop3A_1808 = arith.constant 16 : index
        %parallel_loop3A_1809 = tpu.vector_load %arg8[%parallel_loop3A_1805, %parallel_loop3A_1806, %parallel_loop3A_1807, %parallel_loop3A_1808] {strides = array<i32>} : memref<2x4x128x64xf32, #tpu.memory_space<vmem>>, vector<1x1x1x16xf32>,
        %parallel_loop3A_1810 = vector.shape_cast %parallel_loop3A_1809 : vector<1x1x1x16xf32> to vector<16xf32>
        %parallel_loop3A_1811 = vector.broadcast %parallel_loop3A_1789 : f32 to vector<16xf32>
        %parallel_loop3A_1812 = arith.mulf %parallel_loop3A_1811, %parallel_loop3A_1810 : vector<16xf32>
        %parallel_loop3A_1813 = arith.addf %parallel_loop3A_1709, %parallel_loop3A_1812 : vector<16xf32>
        %parallel_loop3A_1814 = vector.extract_strided_slice %parallel_loop3A_1475 {offsets = [13], sizes = [1], strides = [1]} : vector<16xf32> to vector<1xf32>
        %parallel_loop3A_1815 = vector.extract %parallel_loop3A_1814[0] : f32 from vector<1xf32>
        %parallel_loop3A_1816 = arith.constant 61 : i32
        %parallel_loop3A_1817 = arith.addi %parallel_loop3A_193, %parallel_loop3A_1816 : i32
        %parallel_loop3A_1818 = arith.constant 0 : i32
        %parallel_loop3A_1819 = arith.index_cast %parallel_loop3A_1818 : i32 to index
        %parallel_loop3A_1820 = arith.index_cast %parallel_loop3A_175 : i32 to index
        %parallel_loop3A_1821 = arith.index_cast %parallel_loop3A_1817 : i32 to index
        %parallel_loop3A_1822 = arith.constant 0 : index
        %parallel_loop3A_1823 = tpu.vector_load %arg8[%parallel_loop3A_1819, %parallel_loop3A_1820, %parallel_loop3A_1821, %parallel_loop3A_1822] {strides = array<i32>} : memref<2x4x128x64xf32, #tpu.memory_space<vmem>>, vector<1x1x1x16xf32>,
        %parallel_loop3A_1824 = vector.shape_cast %parallel_loop3A_1823 : vector<1x1x1x16xf32> to vector<16xf32>
        %parallel_loop3A_1825 = vector.broadcast %parallel_loop3A_1815 : f32 to vector<16xf32>
        %parallel_loop3A_1826 = arith.mulf %parallel_loop3A_1825, %parallel_loop3A_1824 : vector<16xf32>
        %parallel_loop3A_1827 = arith.addf %parallel_loop3A_1723, %parallel_loop3A_1826 : vector<16xf32>
        %parallel_loop3A_1828 = arith.constant 61 : i32
        %parallel_loop3A_1829 = arith.addi %parallel_loop3A_193, %parallel_loop3A_1828 : i32
        %parallel_loop3A_1830 = arith.constant 0 : i32
        %parallel_loop3A_1831 = arith.index_cast %parallel_loop3A_1830 : i32 to index
        %parallel_loop3A_1832 = arith.index_cast %parallel_loop3A_175 : i32 to index
        %parallel_loop3A_1833 = arith.index_cast %parallel_loop3A_1829 : i32 to index
        %parallel_loop3A_1834 = arith.constant 16 : index
        %parallel_loop3A_1835 = tpu.vector_load %arg8[%parallel_loop3A_1831, %parallel_loop3A_1832, %parallel_loop3A_1833, %parallel_loop3A_1834] {strides = array<i32>} : memref<2x4x128x64xf32, #tpu.memory_space<vmem>>, vector<1x1x1x16xf32>,
        %parallel_loop3A_1836 = vector.shape_cast %parallel_loop3A_1835 : vector<1x1x1x16xf32> to vector<16xf32>
        %parallel_loop3A_1837 = vector.broadcast %parallel_loop3A_1815 : f32 to vector<16xf32>
        %parallel_loop3A_1838 = arith.mulf %parallel_loop3A_1837, %parallel_loop3A_1836 : vector<16xf32>
        %parallel_loop3A_1839 = arith.addf %parallel_loop3A_1735, %parallel_loop3A_1838 : vector<16xf32>
        %parallel_loop3A_1840 = vector.extract_strided_slice %parallel_loop3A_1475 {offsets = [14], sizes = [1], strides = [1]} : vector<16xf32> to vector<1xf32>
        %parallel_loop3A_1841 = vector.extract %parallel_loop3A_1840[0] : f32 from vector<1xf32>
        %parallel_loop3A_1842 = arith.constant 62 : i32
        %parallel_loop3A_1843 = arith.addi %parallel_loop3A_193, %parallel_loop3A_1842 : i32
        %parallel_loop3A_1844 = arith.constant 0 : i32
        %parallel_loop3A_1845 = arith.index_cast %parallel_loop3A_1844 : i32 to index
        %parallel_loop3A_1846 = arith.index_cast %parallel_loop3A_175 : i32 to index
        %parallel_loop3A_1847 = arith.index_cast %parallel_loop3A_1843 : i32 to index
        %parallel_loop3A_1848 = arith.constant 0 : index
        %parallel_loop3A_1849 = tpu.vector_load %arg8[%parallel_loop3A_1845, %parallel_loop3A_1846, %parallel_loop3A_1847, %parallel_loop3A_1848] {strides = array<i32>} : memref<2x4x128x64xf32, #tpu.memory_space<vmem>>, vector<1x1x1x16xf32>,
        %parallel_loop3A_1850 = vector.shape_cast %parallel_loop3A_1849 : vector<1x1x1x16xf32> to vector<16xf32>
        %parallel_loop3A_1851 = vector.broadcast %parallel_loop3A_1841 : f32 to vector<16xf32>
        %parallel_loop3A_1852 = arith.mulf %parallel_loop3A_1851, %parallel_loop3A_1850 : vector<16xf32>
        %parallel_loop3A_1853 = arith.addf %parallel_loop3A_1749, %parallel_loop3A_1852 : vector<16xf32>
        %parallel_loop3A_1854 = arith.constant 62 : i32
        %parallel_loop3A_1855 = arith.addi %parallel_loop3A_193, %parallel_loop3A_1854 : i32
        %parallel_loop3A_1856 = arith.constant 0 : i32
        %parallel_loop3A_1857 = arith.index_cast %parallel_loop3A_1856 : i32 to index
        %parallel_loop3A_1858 = arith.index_cast %parallel_loop3A_175 : i32 to index
        %parallel_loop3A_1859 = arith.index_cast %parallel_loop3A_1855 : i32 to index
        %parallel_loop3A_1860 = arith.constant 16 : index
        %parallel_loop3A_1861 = tpu.vector_load %arg8[%parallel_loop3A_1857, %parallel_loop3A_1858, %parallel_loop3A_1859, %parallel_loop3A_1860] {strides = array<i32>} : memref<2x4x128x64xf32, #tpu.memory_space<vmem>>, vector<1x1x1x16xf32>,
        %parallel_loop3A_1862 = vector.shape_cast %parallel_loop3A_1861 : vector<1x1x1x16xf32> to vector<16xf32>
        %parallel_loop3A_1863 = vector.broadcast %parallel_loop3A_1841 : f32 to vector<16xf32>
        %parallel_loop3A_1864 = arith.mulf %parallel_loop3A_1863, %parallel_loop3A_1862 : vector<16xf32>
        %parallel_loop3A_1865 = arith.addf %parallel_loop3A_1761, %parallel_loop3A_1864 : vector<16xf32>
        %parallel_loop3A_1866 = vector.extract_strided_slice %parallel_loop3A_1475 {offsets = [15], sizes = [1], strides = [1]} : vector<16xf32> to vector<1xf32>
        %parallel_loop3A_1867 = vector.extract %parallel_loop3A_1866[0] : f32 from vector<1xf32>
        %parallel_loop3A_1868 = arith.constant 63 : i32
        %parallel_loop3A_1869 = arith.addi %parallel_loop3A_193, %parallel_loop3A_1868 : i32
        %parallel_loop3A_1870 = arith.constant 0 : i32
        %parallel_loop3A_1871 = arith.index_cast %parallel_loop3A_1870 : i32 to index
        %parallel_loop3A_1872 = arith.index_cast %parallel_loop3A_175 : i32 to index
        %parallel_loop3A_1873 = arith.index_cast %parallel_loop3A_1869 : i32 to index
        %parallel_loop3A_1874 = arith.constant 0 : index
        %parallel_loop3A_1875 = tpu.vector_load %arg8[%parallel_loop3A_1871, %parallel_loop3A_1872, %parallel_loop3A_1873, %parallel_loop3A_1874] {strides = array<i32>} : memref<2x4x128x64xf32, #tpu.memory_space<vmem>>, vector<1x1x1x16xf32>,
        %parallel_loop3A_1876 = vector.shape_cast %parallel_loop3A_1875 : vector<1x1x1x16xf32> to vector<16xf32>
        %parallel_loop3A_1877 = vector.broadcast %parallel_loop3A_1867 : f32 to vector<16xf32>
        %parallel_loop3A_1878 = arith.mulf %parallel_loop3A_1877, %parallel_loop3A_1876 : vector<16xf32>
        %parallel_loop3A_1879 = arith.addf %parallel_loop3A_1775, %parallel_loop3A_1878 : vector<16xf32>
        %parallel_loop3A_1880 = arith.constant 63 : i32
        %parallel_loop3A_1881 = arith.addi %parallel_loop3A_193, %parallel_loop3A_1880 : i32
        %parallel_loop3A_1882 = arith.constant 0 : i32
        %parallel_loop3A_1883 = arith.index_cast %parallel_loop3A_1882 : i32 to index
        %parallel_loop3A_1884 = arith.index_cast %parallel_loop3A_175 : i32 to index
        %parallel_loop3A_1885 = arith.index_cast %parallel_loop3A_1881 : i32 to index
        %parallel_loop3A_1886 = arith.constant 16 : index
        %parallel_loop3A_1887 = tpu.vector_load %arg8[%parallel_loop3A_1883, %parallel_loop3A_1884, %parallel_loop3A_1885, %parallel_loop3A_1886] {strides = array<i32>} : memref<2x4x128x64xf32, #tpu.memory_space<vmem>>, vector<1x1x1x16xf32>,
        %parallel_loop3A_1888 = vector.shape_cast %parallel_loop3A_1887 : vector<1x1x1x16xf32> to vector<16xf32>
        %parallel_loop3A_1889 = vector.broadcast %parallel_loop3A_1867 : f32 to vector<16xf32>
        %parallel_loop3A_1890 = arith.mulf %parallel_loop3A_1889, %parallel_loop3A_1888 : vector<16xf32>
        %parallel_loop3A_1891 = arith.addf %parallel_loop3A_1787, %parallel_loop3A_1890 : vector<16xf32>
        %parallel_loop3A_1892 = arith.addf %parallel_loop3A_1801, %parallel_loop3A_1827 : vector<16xf32>
        %parallel_loop3A_1893 = arith.addf %parallel_loop3A_1853, %parallel_loop3A_1879 : vector<16xf32>
        %parallel_loop3A_1894 = arith.addf %parallel_loop3A_1892, %parallel_loop3A_1893 : vector<16xf32>
        %parallel_loop3A_1895 = arith.index_cast %parallel_loop3A_151 : i32 to index
        %parallel_loop3A_1896 = arith.constant 0 : index
        %parallel_loop3A_1897 = tpu.vector_load %arg9[%parallel_loop3A_1895, %parallel_loop3A_1896] {strides = array<i32>} : memref<16x32xf32, #tpu.memory_space<vmem>>, vector<1x16xf32>,
        %parallel_loop3A_1898 = vector.shape_cast %parallel_loop3A_1897 : vector<1x16xf32> to vector<16xf32>
        %parallel_loop3A_1899 = vector.shape_cast %parallel_loop3A_1894 : vector<16xf32> to vector<1x16xf32>
        tpu.vector_store %arg9[%parallel_loop3A_1895, %parallel_loop3A_1896], %parallel_loop3A_1899 {strides = array<i32>} : memref<16x32xf32, #tpu.memory_space<vmem>>, vector<1x16xf32>,
        %parallel_loop3A_1900 = arith.addf %parallel_loop3A_1813, %parallel_loop3A_1839 : vector<16xf32>
        %parallel_loop3A_1901 = arith.addf %parallel_loop3A_1865, %parallel_loop3A_1891 : vector<16xf32>
        %parallel_loop3A_1902 = arith.addf %parallel_loop3A_1900, %parallel_loop3A_1901 : vector<16xf32>
        %parallel_loop3A_1903 = arith.index_cast %parallel_loop3A_151 : i32 to index
        %parallel_loop3A_1904 = arith.constant 16 : index
        %parallel_loop3A_1905 = tpu.vector_load %arg9[%parallel_loop3A_1903, %parallel_loop3A_1904] {strides = array<i32>} : memref<16x32xf32, #tpu.memory_space<vmem>>, vector<1x16xf32>,
        %parallel_loop3A_1906 = vector.shape_cast %parallel_loop3A_1905 : vector<1x16xf32> to vector<16xf32>
        %parallel_loop3A_1907 = vector.shape_cast %parallel_loop3A_1902 : vector<16xf32> to vector<1x16xf32>
        tpu.vector_store %arg9[%parallel_loop3A_1903, %parallel_loop3A_1904], %parallel_loop3A_1907 {strides = array<i32>} : memref<16x32xf32, #tpu.memory_space<vmem>>, vector<1x16xf32>,
      } {sc.loop_unroll_factor = 2 : i64, sc.parallel_access}
      %mul3A_131 = arith.constant 16 : i32
      %mul3A_132 = arith.muli %add3A_67, %mul3A_131 : i32
      "tpu.region"() ({
        %run_scoped3A_151 = tpu.sem_alloc : memref<!tpu.dma_semaphore, #tpu.memory_space<semaphore_mem>>
        %dma_start3A_152 = arith.constant 0 : i32
        %dma_start3A_153 = tpu.memref_slice %arg5[%mul3A_132, %dma_start3A_152] : memref<87040x32xf32, #tpu.memory_space<hbm>> -> memref<16x32xf32, #tpu.memory_space<hbm>>
        %dma_start3A_154 = arith.constant 0 : i32
        %dma_start3A_155 = tpu.memref_slice %arg5[%mul3A_132, %dma_start3A_154] : memref<87040x32xf32, #tpu.memory_space<hbm>> -> memref<16x32xf32, #tpu.memory_space<hbm>>
        tpu.enqueue_dma source(%arg9 : memref<16x32xf32, #tpu.memory_space<vmem>>) target(%dma_start3A_155 : memref<16x32xf32, #tpu.memory_space<hbm>>) target_semaphore(%run_scoped3A_151 : memref<!tpu.dma_semaphore, #tpu.memory_space<semaphore_mem>>)
        %dma_wait3A_156 = arith.constant 0 : i32
        %dma_wait3A_157 = tpu.memref_slice %arg5[%mul3A_132, %dma_wait3A_156] : memref<87040x32xf32, #tpu.memory_space<hbm>> -> memref<16x32xf32, #tpu.memory_space<hbm>>
        %dma_wait3A_158 = arith.constant 0 : i32
        %dma_wait3A_159 = tpu.memref_slice %arg5[%mul3A_132, %dma_wait3A_158] : memref<87040x32xf32, #tpu.memory_space<hbm>> -> memref<16x32xf32, #tpu.memory_space<hbm>>
        tpu.wait_dma2 semaphore(%run_scoped3A_151 : memref<!tpu.dma_semaphore, #tpu.memory_space<semaphore_mem>>) src(%arg9 : memref<16x32xf32, #tpu.memory_space<vmem>>) dst(%dma_wait3A_159 : memref<16x32xf32, #tpu.memory_space<hbm>>)
        tpu.yield
      }) : () -> ()
      %mul3A_133 = arith.constant 2 : i32
      %mul3A_134 = arith.muli %scan3A_64, %mul3A_133 : i32
      %add3A_135 = arith.constant 2 : i32
      %add3A_136 = arith.addi %mul3A_134, %add3A_135 : i32
      %lt3A_137 = arith.constant 170 : i32
      %lt3A_138 = arith.cmpi slt, %add3A_136, %lt3A_137 : i32
      %convert_element_type3A_139 = arith.extui %lt3A_138 : i1 to i32
      %cond3A_140 = arith.constant 0 : i32
      %cond3A_141 = arith.cmpi ne, %convert_element_type3A_139, %cond3A_140 : i32
      scf.if %cond3A_141 {
        %add3A_151 = arith.constant 2 : i32
        %add3A_152 = arith.addi %add3A_67, %add3A_151 : i32
        %run_scoped3A_153 = arith.constant 0 : i32
        "tpu.region"() ({
          %run_scoped3A_211 = tpu.sem_alloc : memref<!tpu.dma_semaphore, #tpu.memory_space<semaphore_mem>>
          %dma_start3A_212 = arith.constant 0 : i32
          %dma_start3A_213 = arith.constant 0 : i32
          %dma_start3A_214 = tpu.memref_slice %arg6[%run_scoped3A_153, %dma_start3A_212, %dma_start3A_213] : memref<2x8x128xi32, #tpu.memory_space<vmem>> -> memref<1x8x128xi32, #tpu.memory_space<vmem>>
          %dma_start3A_215 = tpu.memref_squeeze %dma_start3A_214 : memref<1x8x128xi32, #tpu.memory_space<vmem>> -> memref<8x128xi32, #tpu.memory_space<vmem>>
          %dma_start3A_216 = arith.constant 0 : i32
          %dma_start3A_217 = arith.constant 0 : i32
          %dma_start3A_218 = tpu.memref_slice %arg3[%add3A_152, %dma_start3A_216, %dma_start3A_217] : memref<5440x8x128xi32, #tpu.memory_space<hbm>> -> memref<1x8x128xi32, #tpu.memory_space<hbm>>
          %dma_start3A_219 = tpu.memref_squeeze %dma_start3A_218 : memref<1x8x128xi32, #tpu.memory_space<hbm>> -> memref<8x128xi32, #tpu.memory_space<hbm>>
          %dma_start3A_220 = arith.constant 0 : i32
          %dma_start3A_221 = arith.constant 0 : i32
          %dma_start3A_222 = tpu.memref_slice %arg6[%run_scoped3A_153, %dma_start3A_220, %dma_start3A_221] : memref<2x8x128xi32, #tpu.memory_space<vmem>> -> memref<1x8x128xi32, #tpu.memory_space<vmem>>
          %dma_start3A_223 = tpu.memref_squeeze %dma_start3A_222 : memref<1x8x128xi32, #tpu.memory_space<vmem>> -> memref<8x128xi32, #tpu.memory_space<vmem>>
          %dma_start3A_224 = arith.constant 0 : i32
          %dma_start3A_225 = arith.constant 0 : i32
          %dma_start3A_226 = tpu.memref_slice %arg3[%add3A_152, %dma_start3A_224, %dma_start3A_225] : memref<5440x8x128xi32, #tpu.memory_space<hbm>> -> memref<1x8x128xi32, #tpu.memory_space<hbm>>
          %dma_start3A_227 = tpu.memref_squeeze %dma_start3A_226 : memref<1x8x128xi32, #tpu.memory_space<hbm>> -> memref<8x128xi32, #tpu.memory_space<hbm>>
          tpu.enqueue_dma source(%dma_start3A_227 : memref<8x128xi32, #tpu.memory_space<hbm>>) target(%dma_start3A_223 : memref<8x128xi32, #tpu.memory_space<vmem>>) target_semaphore(%run_scoped3A_211 : memref<!tpu.dma_semaphore, #tpu.memory_space<semaphore_mem>>)
          %dma_wait3A_228 = arith.constant 0 : i32
          %dma_wait3A_229 = arith.constant 0 : i32
          %dma_wait3A_230 = tpu.memref_slice %arg6[%run_scoped3A_153, %dma_wait3A_228, %dma_wait3A_229] : memref<2x8x128xi32, #tpu.memory_space<vmem>> -> memref<1x8x128xi32, #tpu.memory_space<vmem>>
          %dma_wait3A_231 = tpu.memref_squeeze %dma_wait3A_230 : memref<1x8x128xi32, #tpu.memory_space<vmem>> -> memref<8x128xi32, #tpu.memory_space<vmem>>
          %dma_wait3A_232 = arith.constant 0 : i32
          %dma_wait3A_233 = arith.constant 0 : i32
          %dma_wait3A_234 = tpu.memref_slice %arg3[%add3A_152, %dma_wait3A_232, %dma_wait3A_233] : memref<5440x8x128xi32, #tpu.memory_space<hbm>> -> memref<1x8x128xi32, #tpu.memory_space<hbm>>
          %dma_wait3A_235 = tpu.memref_squeeze %dma_wait3A_234 : memref<1x8x128xi32, #tpu.memory_space<hbm>> -> memref<8x128xi32, #tpu.memory_space<hbm>>
          %dma_wait3A_236 = arith.constant 0 : i32
          %dma_wait3A_237 = arith.constant 0 : i32
          %dma_wait3A_238 = tpu.memref_slice %arg6[%run_scoped3A_153, %dma_wait3A_236, %dma_wait3A_237] : memref<2x8x128xi32, #tpu.memory_space<vmem>> -> memref<1x8x128xi32, #tpu.memory_space<vmem>>
          %dma_wait3A_239 = tpu.memref_squeeze %dma_wait3A_238 : memref<1x8x128xi32, #tpu.memory_space<vmem>> -> memref<8x128xi32, #tpu.memory_space<vmem>>
          %dma_wait3A_240 = arith.constant 0 : i32
          %dma_wait3A_241 = arith.constant 0 : i32
          %dma_wait3A_242 = tpu.memref_slice %arg3[%add3A_152, %dma_wait3A_240, %dma_wait3A_241] : memref<5440x8x128xi32, #tpu.memory_space<hbm>> -> memref<1x8x128xi32, #tpu.memory_space<hbm>>
          %dma_wait3A_243 = tpu.memref_squeeze %dma_wait3A_242 : memref<1x8x128xi32, #tpu.memory_space<hbm>> -> memref<8x128xi32, #tpu.memory_space<hbm>>
          tpu.wait_dma2 semaphore(%run_scoped3A_211 : memref<!tpu.dma_semaphore, #tpu.memory_space<semaphore_mem>>) src(%dma_wait3A_243 : memref<8x128xi32, #tpu.memory_space<hbm>>) dst(%dma_wait3A_239 : memref<8x128xi32, #tpu.memory_space<vmem>>)
          tpu.yield
        }) : () -> ()
        %run_scoped3A_154 = arith.constant 0 : i32
        "tpu.region"() ({
          %run_scoped3A_211 = tpu.sem_alloc : memref<!tpu.dma_semaphore, #tpu.memory_space<semaphore_mem>>
          %dma_start3A_212 = arith.constant 0 : i32
          %dma_start3A_213 = arith.constant 0 : i32
          %dma_start3A_214 = tpu.memref_slice %arg7[%run_scoped3A_154, %dma_start3A_212, %dma_start3A_213] : memref<2x8x128xf32, #tpu.memory_space<vmem>> -> memref<1x8x128xf32, #tpu.memory_space<vmem>>
          %dma_start3A_215 = tpu.memref_squeeze %dma_start3A_214 : memref<1x8x128xf32, #tpu.memory_space<vmem>> -> memref<8x128xf32, #tpu.memory_space<vmem>>
          %dma_start3A_216 = arith.constant 0 : i32
          %dma_start3A_217 = arith.constant 0 : i32
          %dma_start3A_218 = tpu.memref_slice %arg4[%add3A_152, %dma_start3A_216, %dma_start3A_217] : memref<5440x8x128xf32, #tpu.memory_space<hbm>> -> memref<1x8x128xf32, #tpu.memory_space<hbm>>
          %dma_start3A_219 = tpu.memref_squeeze %dma_start3A_218 : memref<1x8x128xf32, #tpu.memory_space<hbm>> -> memref<8x128xf32, #tpu.memory_space<hbm>>
          %dma_start3A_220 = arith.constant 0 : i32
          %dma_start3A_221 = arith.constant 0 : i32
          %dma_start3A_222 = tpu.memref_slice %arg7[%run_scoped3A_154, %dma_start3A_220, %dma_start3A_221] : memref<2x8x128xf32, #tpu.memory_space<vmem>> -> memref<1x8x128xf32, #tpu.memory_space<vmem>>
          %dma_start3A_223 = tpu.memref_squeeze %dma_start3A_222 : memref<1x8x128xf32, #tpu.memory_space<vmem>> -> memref<8x128xf32, #tpu.memory_space<vmem>>
          %dma_start3A_224 = arith.constant 0 : i32
          %dma_start3A_225 = arith.constant 0 : i32
          %dma_start3A_226 = tpu.memref_slice %arg4[%add3A_152, %dma_start3A_224, %dma_start3A_225] : memref<5440x8x128xf32, #tpu.memory_space<hbm>> -> memref<1x8x128xf32, #tpu.memory_space<hbm>>
          %dma_start3A_227 = tpu.memref_squeeze %dma_start3A_226 : memref<1x8x128xf32, #tpu.memory_space<hbm>> -> memref<8x128xf32, #tpu.memory_space<hbm>>
          tpu.enqueue_dma source(%dma_start3A_227 : memref<8x128xf32, #tpu.memory_space<hbm>>) target(%dma_start3A_223 : memref<8x128xf32, #tpu.memory_space<vmem>>) target_semaphore(%run_scoped3A_211 : memref<!tpu.dma_semaphore, #tpu.memory_space<semaphore_mem>>)
          %dma_wait3A_228 = arith.constant 0 : i32
          %dma_wait3A_229 = arith.constant 0 : i32
          %dma_wait3A_230 = tpu.memref_slice %arg7[%run_scoped3A_154, %dma_wait3A_228, %dma_wait3A_229] : memref<2x8x128xf32, #tpu.memory_space<vmem>> -> memref<1x8x128xf32, #tpu.memory_space<vmem>>
          %dma_wait3A_231 = tpu.memref_squeeze %dma_wait3A_230 : memref<1x8x128xf32, #tpu.memory_space<vmem>> -> memref<8x128xf32, #tpu.memory_space<vmem>>
          %dma_wait3A_232 = arith.constant 0 : i32
          %dma_wait3A_233 = arith.constant 0 : i32
          %dma_wait3A_234 = tpu.memref_slice %arg4[%add3A_152, %dma_wait3A_232, %dma_wait3A_233] : memref<5440x8x128xf32, #tpu.memory_space<hbm>> -> memref<1x8x128xf32, #tpu.memory_space<hbm>>
          %dma_wait3A_235 = tpu.memref_squeeze %dma_wait3A_234 : memref<1x8x128xf32, #tpu.memory_space<hbm>> -> memref<8x128xf32, #tpu.memory_space<hbm>>
          %dma_wait3A_236 = arith.constant 0 : i32
          %dma_wait3A_237 = arith.constant 0 : i32
          %dma_wait3A_238 = tpu.memref_slice %arg7[%run_scoped3A_154, %dma_wait3A_236, %dma_wait3A_237] : memref<2x8x128xf32, #tpu.memory_space<vmem>> -> memref<1x8x128xf32, #tpu.memory_space<vmem>>
          %dma_wait3A_239 = tpu.memref_squeeze %dma_wait3A_238 : memref<1x8x128xf32, #tpu.memory_space<vmem>> -> memref<8x128xf32, #tpu.memory_space<vmem>>
          %dma_wait3A_240 = arith.constant 0 : i32
          %dma_wait3A_241 = arith.constant 0 : i32
          %dma_wait3A_242 = tpu.memref_slice %arg4[%add3A_152, %dma_wait3A_240, %dma_wait3A_241] : memref<5440x8x128xf32, #tpu.memory_space<hbm>> -> memref<1x8x128xf32, #tpu.memory_space<hbm>>
          %dma_wait3A_243 = tpu.memref_squeeze %dma_wait3A_242 : memref<1x8x128xf32, #tpu.memory_space<hbm>> -> memref<8x128xf32, #tpu.memory_space<hbm>>
          tpu.wait_dma2 semaphore(%run_scoped3A_211 : memref<!tpu.dma_semaphore, #tpu.memory_space<semaphore_mem>>) src(%dma_wait3A_243 : memref<8x128xf32, #tpu.memory_space<hbm>>) dst(%dma_wait3A_239 : memref<8x128xf32, #tpu.memory_space<vmem>>)
          tpu.yield
        }) : () -> ()
        %dma_start3A_155 = arith.constant 0 : i32
        %dma_start3A_156 = arith.constant 0 : i32
        %dma_start3A_157 = arith.constant 0 : i32
        %dma_start3A_158 = arith.constant 0 : i32
        %dma_start3A_159 = arith.constant 0 : i32
        %dma_start3A_160 = arith.constant 0 : i32
        %dma_start3A_161 = tpu.memref_slice %arg8[%dma_start3A_157, %dma_start3A_158, %dma_start3A_159, %dma_start3A_160] : memref<2x4x128x64xf32, #tpu.memory_space<vmem>> -> memref<1x1x128x64xf32, #tpu.memory_space<vmem>>
        %dma_start3A_162 = tpu.memref_squeeze %dma_start3A_161 : memref<1x1x128x64xf32, #tpu.memory_space<vmem>> -> memref<128x64xf32, #tpu.memory_space<vmem>>
        %dma_start3A_163 = arith.constant 0 : i32
        %dma_start3A_164 = tpu.memref_slice %arg6[%dma_start3A_155, %dma_start3A_156, %dma_start3A_163] : memref<2x8x128xi32, #tpu.memory_space<vmem>> -> memref<1x1x128xi32, #tpu.memory_space<vmem>>
        %dma_start3A_165 = tpu.memref_squeeze %dma_start3A_164 : memref<1x1x128xi32, #tpu.memory_space<vmem>> -> memref<128xi32, #tpu.memory_space<vmem>>
        %dma_start3A_166 = arith.constant 0 : i32
        %dma_start3A_167 = arith.constant 0 : i32
        %dma_start3A_168 = tpu.memref_slice %arg2[%dma_start3A_166, %dma_start3A_167] : memref<43520x64xf32, #tpu.memory_space<hbm>> -> memref<43520x64xf32, #tpu.memory_space<hbm>>
        tpu.enqueue_indirect_dma source(%dma_start3A_168 : memref<43520x64xf32, #tpu.memory_space<hbm>>) target(%dma_start3A_162 : memref<128x64xf32, #tpu.memory_space<vmem>>) offsets(%dma_start3A_165 : memref<128xi32, #tpu.memory_space<vmem>>) semaphore(%arg10 : memref<!tpu.dma_semaphore, #tpu.memory_space<semaphore_mem>>)
        %dma_start3A_169 = arith.constant 0 : i32
        %dma_start3A_170 = arith.constant 1 : i32
        %dma_start3A_171 = arith.constant 0 : i32
        %dma_start3A_172 = arith.constant 1 : i32
        %dma_start3A_173 = arith.constant 0 : i32
        %dma_start3A_174 = arith.constant 0 : i32
        %dma_start3A_175 = tpu.memref_slice %arg8[%dma_start3A_171, %dma_start3A_172, %dma_start3A_173, %dma_start3A_174] : memref<2x4x128x64xf32, #tpu.memory_space<vmem>> -> memref<1x1x128x64xf32, #tpu.memory_space<vmem>>
        %dma_start3A_176 = tpu.memref_squeeze %dma_start3A_175 : memref<1x1x128x64xf32, #tpu.memory_space<vmem>> -> memref<128x64xf32, #tpu.memory_space<vmem>>
        %dma_start3A_177 = arith.constant 0 : i32
        %dma_start3A_178 = tpu.memref_slice %arg6[%dma_start3A_169, %dma_start3A_170, %dma_start3A_177] : memref<2x8x128xi32, #tpu.memory_space<vmem>> -> memref<1x1x128xi32, #tpu.memory_space<vmem>>
        %dma_start3A_179 = tpu.memref_squeeze %dma_start3A_178 : memref<1x1x128xi32, #tpu.memory_space<vmem>> -> memref<128xi32, #tpu.memory_space<vmem>>
        %dma_start3A_180 = arith.constant 0 : i32
        %dma_start3A_181 = arith.constant 0 : i32
        %dma_start3A_182 = tpu.memref_slice %arg2[%dma_start3A_180, %dma_start3A_181] : memref<43520x64xf32, #tpu.memory_space<hbm>> -> memref<43520x64xf32, #tpu.memory_space<hbm>>
        tpu.enqueue_indirect_dma source(%dma_start3A_182 : memref<43520x64xf32, #tpu.memory_space<hbm>>) target(%dma_start3A_176 : memref<128x64xf32, #tpu.memory_space<vmem>>) offsets(%dma_start3A_179 : memref<128xi32, #tpu.memory_space<vmem>>) semaphore(%arg10 : memref<!tpu.dma_semaphore, #tpu.memory_space<semaphore_mem>>)
        %dma_start3A_183 = arith.constant 0 : i32
        %dma_start3A_184 = arith.constant 2 : i32
        %dma_start3A_185 = arith.constant 0 : i32
        %dma_start3A_186 = arith.constant 2 : i32
        %dma_start3A_187 = arith.constant 0 : i32
        %dma_start3A_188 = arith.constant 0 : i32
        %dma_start3A_189 = tpu.memref_slice %arg8[%dma_start3A_185, %dma_start3A_186, %dma_start3A_187, %dma_start3A_188] : memref<2x4x128x64xf32, #tpu.memory_space<vmem>> -> memref<1x1x128x64xf32, #tpu.memory_space<vmem>>
        %dma_start3A_190 = tpu.memref_squeeze %dma_start3A_189 : memref<1x1x128x64xf32, #tpu.memory_space<vmem>> -> memref<128x64xf32, #tpu.memory_space<vmem>>
        %dma_start3A_191 = arith.constant 0 : i32
        %dma_start3A_192 = tpu.memref_slice %arg6[%dma_start3A_183, %dma_start3A_184, %dma_start3A_191] : memref<2x8x128xi32, #tpu.memory_space<vmem>> -> memref<1x1x128xi32, #tpu.memory_space<vmem>>
        %dma_start3A_193 = tpu.memref_squeeze %dma_start3A_192 : memref<1x1x128xi32, #tpu.memory_space<vmem>> -> memref<128xi32, #tpu.memory_space<vmem>>
        %dma_start3A_194 = arith.constant 0 : i32
        %dma_start3A_195 = arith.constant 0 : i32
        %dma_start3A_196 = tpu.memref_slice %arg2[%dma_start3A_194, %dma_start3A_195] : memref<43520x64xf32, #tpu.memory_space<hbm>> -> memref<43520x64xf32, #tpu.memory_space<hbm>>
        tpu.enqueue_indirect_dma source(%dma_start3A_196 : memref<43520x64xf32, #tpu.memory_space<hbm>>) target(%dma_start3A_190 : memref<128x64xf32, #tpu.memory_space<vmem>>) offsets(%dma_start3A_193 : memref<128xi32, #tpu.memory_space<vmem>>) semaphore(%arg10 : memref<!tpu.dma_semaphore, #tpu.memory_space<semaphore_mem>>)
        %dma_start3A_197 = arith.constant 0 : i32
        %dma_start3A_198 = arith.constant 3 : i32
        %dma_start3A_199 = arith.constant 0 : i32
        %dma_start3A_200 = arith.constant 3 : i32
        %dma_start3A_201 = arith.constant 0 : i32
        %dma_start3A_202 = arith.constant 0 : i32
        %dma_start3A_203 = tpu.memref_slice %arg8[%dma_start3A_199, %dma_start3A_200, %dma_start3A_201, %dma_start3A_202] : memref<2x4x128x64xf32, #tpu.memory_space<vmem>> -> memref<1x1x128x64xf32, #tpu.memory_space<vmem>>
        %dma_start3A_204 = tpu.memref_squeeze %dma_start3A_203 : memref<1x1x128x64xf32, #tpu.memory_space<vmem>> -> memref<128x64xf32, #tpu.memory_space<vmem>>
        %dma_start3A_205 = arith.constant 0 : i32
        %dma_start3A_206 = tpu.memref_slice %arg6[%dma_start3A_197, %dma_start3A_198, %dma_start3A_205] : memref<2x8x128xi32, #tpu.memory_space<vmem>> -> memref<1x1x128xi32, #tpu.memory_space<vmem>>
        %dma_start3A_207 = tpu.memref_squeeze %dma_start3A_206 : memref<1x1x128xi32, #tpu.memory_space<vmem>> -> memref<128xi32, #tpu.memory_space<vmem>>
        %dma_start3A_208 = arith.constant 0 : i32
        %dma_start3A_209 = arith.constant 0 : i32
        %dma_start3A_210 = tpu.memref_slice %arg2[%dma_start3A_208, %dma_start3A_209] : memref<43520x64xf32, #tpu.memory_space<hbm>> -> memref<43520x64xf32, #tpu.memory_space<hbm>>
        tpu.enqueue_indirect_dma source(%dma_start3A_210 : memref<43520x64xf32, #tpu.memory_space<hbm>>) target(%dma_start3A_204 : memref<128x64xf32, #tpu.memory_space<vmem>>) offsets(%dma_start3A_207 : memref<128xi32, #tpu.memory_space<vmem>>) semaphore(%arg10 : memref<!tpu.dma_semaphore, #tpu.memory_space<semaphore_mem>>)
      } else {
      }
      %mul3A_142 = arith.constant 2 : i32
      %mul3A_143 = arith.muli %scan3A_64, %mul3A_142 : i32
      %add3A_144 = arith.constant 1 : i32
      %add3A_145 = arith.addi %mul3A_143, %add3A_144 : i32
      %lt3A_146 = arith.constant 170 : i32
      %lt3A_147 = arith.cmpi slt, %add3A_145, %lt3A_146 : i32
      %convert_element_type3A_148 = arith.extui %lt3A_147 : i1 to i32
      %cond3A_149 = arith.constant 0 : i32
      %cond3A_150 = arith.cmpi ne, %convert_element_type3A_148, %cond3A_149 : i32
      scf.if %cond3A_150 {
        %dma_wait3A_151 = arith.constant 1 : i32
        %dma_wait3A_152 = arith.constant 0 : i32
        %dma_wait3A_153 = arith.constant 1 : i32
        %dma_wait3A_154 = arith.constant 0 : i32
        %dma_wait3A_155 = arith.constant 0 : i32
        %dma_wait3A_156 = arith.constant 0 : i32
        %dma_wait3A_157 = tpu.memref_slice %arg8[%dma_wait3A_153, %dma_wait3A_154, %dma_wait3A_155, %dma_wait3A_156] : memref<2x4x128x64xf32, #tpu.memory_space<vmem>> -> memref<1x1x128x64xf32, #tpu.memory_space<vmem>>
        %dma_wait3A_158 = tpu.memref_squeeze %dma_wait3A_157 : memref<1x1x128x64xf32, #tpu.memory_space<vmem>> -> memref<128x64xf32, #tpu.memory_space<vmem>>
        %dma_wait3A_159 = arith.constant 0 : i32
        %dma_wait3A_160 = tpu.memref_slice %arg6[%dma_wait3A_151, %dma_wait3A_152, %dma_wait3A_159] : memref<2x8x128xi32, #tpu.memory_space<vmem>> -> memref<1x1x128xi32, #tpu.memory_space<vmem>>
        %dma_wait3A_161 = tpu.memref_squeeze %dma_wait3A_160 : memref<1x1x128xi32, #tpu.memory_space<vmem>> -> memref<128xi32, #tpu.memory_space<vmem>>
        %dma_wait3A_162 = arith.constant 0 : i32
        %dma_wait3A_163 = arith.constant 0 : i32
        %dma_wait3A_164 = tpu.memref_slice %arg2[%dma_wait3A_162, %dma_wait3A_163] : memref<43520x64xf32, #tpu.memory_space<hbm>> -> memref<43520x64xf32, #tpu.memory_space<hbm>>
        tpu.wait_indirect_dma semaphore(%arg11 : memref<!tpu.dma_semaphore, #tpu.memory_space<semaphore_mem>>) src(%dma_wait3A_164 : memref<43520x64xf32, #tpu.memory_space<hbm>>) dst(%dma_wait3A_158 : memref<128x64xf32, #tpu.memory_space<vmem>>)
        %dma_wait3A_165 = arith.constant 1 : i32
        %dma_wait3A_166 = arith.constant 1 : i32
        %dma_wait3A_167 = arith.constant 1 : i32
        %dma_wait3A_168 = arith.constant 1 : i32
        %dma_wait3A_169 = arith.constant 0 : i32
        %dma_wait3A_170 = arith.constant 0 : i32
        %dma_wait3A_171 = tpu.memref_slice %arg8[%dma_wait3A_167, %dma_wait3A_168, %dma_wait3A_169, %dma_wait3A_170] : memref<2x4x128x64xf32, #tpu.memory_space<vmem>> -> memref<1x1x128x64xf32, #tpu.memory_space<vmem>>
        %dma_wait3A_172 = tpu.memref_squeeze %dma_wait3A_171 : memref<1x1x128x64xf32, #tpu.memory_space<vmem>> -> memref<128x64xf32, #tpu.memory_space<vmem>>
        %dma_wait3A_173 = arith.constant 0 : i32
        %dma_wait3A_174 = tpu.memref_slice %arg6[%dma_wait3A_165, %dma_wait3A_166, %dma_wait3A_173] : memref<2x8x128xi32, #tpu.memory_space<vmem>> -> memref<1x1x128xi32, #tpu.memory_space<vmem>>
        %dma_wait3A_175 = tpu.memref_squeeze %dma_wait3A_174 : memref<1x1x128xi32, #tpu.memory_space<vmem>> -> memref<128xi32, #tpu.memory_space<vmem>>
        %dma_wait3A_176 = arith.constant 0 : i32
        %dma_wait3A_177 = arith.constant 0 : i32
        %dma_wait3A_178 = tpu.memref_slice %arg2[%dma_wait3A_176, %dma_wait3A_177] : memref<43520x64xf32, #tpu.memory_space<hbm>> -> memref<43520x64xf32, #tpu.memory_space<hbm>>
        tpu.wait_indirect_dma semaphore(%arg11 : memref<!tpu.dma_semaphore, #tpu.memory_space<semaphore_mem>>) src(%dma_wait3A_178 : memref<43520x64xf32, #tpu.memory_space<hbm>>) dst(%dma_wait3A_172 : memref<128x64xf32, #tpu.memory_space<vmem>>)
        %dma_wait3A_179 = arith.constant 1 : i32
        %dma_wait3A_180 = arith.constant 2 : i32
        %dma_wait3A_181 = arith.constant 1 : i32
        %dma_wait3A_182 = arith.constant 2 : i32
        %dma_wait3A_183 = arith.constant 0 : i32
        %dma_wait3A_184 = arith.constant 0 : i32
        %dma_wait3A_185 = tpu.memref_slice %arg8[%dma_wait3A_181, %dma_wait3A_182, %dma_wait3A_183, %dma_wait3A_184] : memref<2x4x128x64xf32, #tpu.memory_space<vmem>> -> memref<1x1x128x64xf32, #tpu.memory_space<vmem>>
        %dma_wait3A_186 = tpu.memref_squeeze %dma_wait3A_185 : memref<1x1x128x64xf32, #tpu.memory_space<vmem>> -> memref<128x64xf32, #tpu.memory_space<vmem>>
        %dma_wait3A_187 = arith.constant 0 : i32
        %dma_wait3A_188 = tpu.memref_slice %arg6[%dma_wait3A_179, %dma_wait3A_180, %dma_wait3A_187] : memref<2x8x128xi32, #tpu.memory_space<vmem>> -> memref<1x1x128xi32, #tpu.memory_space<vmem>>
        %dma_wait3A_189 = tpu.memref_squeeze %dma_wait3A_188 : memref<1x1x128xi32, #tpu.memory_space<vmem>> -> memref<128xi32, #tpu.memory_space<vmem>>
        %dma_wait3A_190 = arith.constant 0 : i32
        %dma_wait3A_191 = arith.constant 0 : i32
        %dma_wait3A_192 = tpu.memref_slice %arg2[%dma_wait3A_190, %dma_wait3A_191] : memref<43520x64xf32, #tpu.memory_space<hbm>> -> memref<43520x64xf32, #tpu.memory_space<hbm>>
        tpu.wait_indirect_dma semaphore(%arg11 : memref<!tpu.dma_semaphore, #tpu.memory_space<semaphore_mem>>) src(%dma_wait3A_192 : memref<43520x64xf32, #tpu.memory_space<hbm>>) dst(%dma_wait3A_186 : memref<128x64xf32, #tpu.memory_space<vmem>>)
        %dma_wait3A_193 = arith.constant 1 : i32
        %dma_wait3A_194 = arith.constant 3 : i32
        %dma_wait3A_195 = arith.constant 1 : i32
        %dma_wait3A_196 = arith.constant 3 : i32
        %dma_wait3A_197 = arith.constant 0 : i32
        %dma_wait3A_198 = arith.constant 0 : i32
        %dma_wait3A_199 = tpu.memref_slice %arg8[%dma_wait3A_195, %dma_wait3A_196, %dma_wait3A_197, %dma_wait3A_198] : memref<2x4x128x64xf32, #tpu.memory_space<vmem>> -> memref<1x1x128x64xf32, #tpu.memory_space<vmem>>
        %dma_wait3A_200 = tpu.memref_squeeze %dma_wait3A_199 : memref<1x1x128x64xf32, #tpu.memory_space<vmem>> -> memref<128x64xf32, #tpu.memory_space<vmem>>
        %dma_wait3A_201 = arith.constant 0 : i32
        %dma_wait3A_202 = tpu.memref_slice %arg6[%dma_wait3A_193, %dma_wait3A_194, %dma_wait3A_201] : memref<2x8x128xi32, #tpu.memory_space<vmem>> -> memref<1x1x128xi32, #tpu.memory_space<vmem>>
        %dma_wait3A_203 = tpu.memref_squeeze %dma_wait3A_202 : memref<1x1x128xi32, #tpu.memory_space<vmem>> -> memref<128xi32, #tpu.memory_space<vmem>>
        %dma_wait3A_204 = arith.constant 0 : i32
        %dma_wait3A_205 = arith.constant 0 : i32
        %dma_wait3A_206 = tpu.memref_slice %arg2[%dma_wait3A_204, %dma_wait3A_205] : memref<43520x64xf32, #tpu.memory_space<hbm>> -> memref<43520x64xf32, #tpu.memory_space<hbm>>
        tpu.wait_indirect_dma semaphore(%arg11 : memref<!tpu.dma_semaphore, #tpu.memory_space<semaphore_mem>>) src(%dma_wait3A_206 : memref<43520x64xf32, #tpu.memory_space<hbm>>) dst(%dma_wait3A_200 : memref<128x64xf32, #tpu.memory_space<vmem>>)
        %add3A_207 = arith.constant 1 : i32
        %add3A_208 = arith.addi %add3A_67, %add3A_207 : i32
        %parallel_loop3A_209 = arith.constant 0 : i32
        %parallel_loop3A_210 = arith.constant 0 : i32
        %parallel_loop3A_211 = arith.constant 1 : i32
        scf.for %parallel_loop3A_214 = %parallel_loop3A_209 to %parallel_loop3A_210 step %parallel_loop3A_211  : i32 {
          %parallel_loop3A_215 = arith.constant 2 : i32
          %parallel_loop3A_216 = arith.divsi %parallel_loop3A_214, %parallel_loop3A_215 : i32
          %parallel_loop3A_217 = arith.constant 0 : i32
          %parallel_loop3A_218 = arith.cmpi sgt, %parallel_loop3A_214, %parallel_loop3A_217 : i32
          %parallel_loop3A_219 = arith.extui %parallel_loop3A_218 : i1 to i32
          %parallel_loop3A_220 = arith.constant 0 : i32
          %parallel_loop3A_221 = arith.cmpi slt, %parallel_loop3A_214, %parallel_loop3A_220 : i32
          %parallel_loop3A_222 = arith.extui %parallel_loop3A_221 : i1 to i32
          %parallel_loop3A_223 = arith.subi %parallel_loop3A_219, %parallel_loop3A_222 : i32
          %parallel_loop3A_224 = arith.constant 0 : i32
          %parallel_loop3A_225 = arith.cmpi sgt, %parallel_loop3A_215, %parallel_loop3A_224 : i32
          %parallel_loop3A_226 = arith.extui %parallel_loop3A_225 : i1 to i32
          %parallel_loop3A_227 = arith.constant 0 : i32
          %parallel_loop3A_228 = arith.cmpi slt, %parallel_loop3A_215, %parallel_loop3A_227 : i32
          %parallel_loop3A_229 = arith.extui %parallel_loop3A_228 : i1 to i32
          %parallel_loop3A_230 = arith.subi %parallel_loop3A_226, %parallel_loop3A_229 : i32
          %parallel_loop3A_231 = arith.cmpi ne, %parallel_loop3A_223, %parallel_loop3A_230 : i32
          %parallel_loop3A_232 = arith.remsi %parallel_loop3A_214, %parallel_loop3A_215 : i32
          %parallel_loop3A_233 = arith.constant 0 : i32
          %parallel_loop3A_234 = arith.cmpi ne, %parallel_loop3A_232, %parallel_loop3A_233 : i32
          %parallel_loop3A_235 = arith.andi %parallel_loop3A_231, %parallel_loop3A_234 : i1
          %parallel_loop3A_236 = arith.constant 1 : i32
          %parallel_loop3A_237 = arith.subi %parallel_loop3A_216, %parallel_loop3A_236 : i32
          %parallel_loop3A_238 = arith.select %parallel_loop3A_235, %parallel_loop3A_237, %parallel_loop3A_216 : i32
          %parallel_loop3A_239 = arith.constant 2 : i32
          %parallel_loop3A_240 = arith.constant 0 : i32
          %parallel_loop3A_241 = arith.cmpi eq, %parallel_loop3A_239, %parallel_loop3A_240 : i32
          %parallel_loop3A_242 = arith.constant 1 : i32
          %parallel_loop3A_243 = arith.select %parallel_loop3A_241, %parallel_loop3A_242, %parallel_loop3A_239 : i32
          %parallel_loop3A_244 = arith.remsi %parallel_loop3A_214, %parallel_loop3A_243 : i32
          %parallel_loop3A_245 = arith.constant 0 : i32
          %parallel_loop3A_246 = arith.cmpi ne, %parallel_loop3A_244, %parallel_loop3A_245 : i32
          %parallel_loop3A_247 = arith.constant 0 : i32
          %parallel_loop3A_248 = arith.cmpi slt, %parallel_loop3A_244, %parallel_loop3A_247 : i32
          %parallel_loop3A_249 = arith.constant 0 : i32
          %parallel_loop3A_250 = arith.cmpi slt, %parallel_loop3A_243, %parallel_loop3A_249 : i32
          %parallel_loop3A_251 = arith.xori %parallel_loop3A_248, %parallel_loop3A_250 : i1
          %parallel_loop3A_252 = arith.andi %parallel_loop3A_251, %parallel_loop3A_246 : i1
          %parallel_loop3A_253 = arith.addi %parallel_loop3A_244, %parallel_loop3A_243 : i32
          %parallel_loop3A_254 = arith.select %parallel_loop3A_252, %parallel_loop3A_253, %parallel_loop3A_244 : i32
          %parallel_loop3A_255 = arith.constant 64 : i32
          %parallel_loop3A_256 = arith.muli %parallel_loop3A_254, %parallel_loop3A_255 : i32
          %parallel_loop3A_257 = arith.constant 0.000000e+00 : f32
          %parallel_loop3A_258 = vector.broadcast %parallel_loop3A_257 : f32 to vector<16xf32>
          %parallel_loop3A_259 = arith.constant 0 : i32
          %parallel_loop3A_260 = arith.addi %parallel_loop3A_256, %parallel_loop3A_259 : i32
          %parallel_loop3A_261 = arith.constant 1 : i32
          %parallel_loop3A_262 = arith.index_cast %parallel_loop3A_261 : i32 to index
          %parallel_loop3A_263 = arith.index_cast %parallel_loop3A_238 : i32 to index
          %parallel_loop3A_264 = arith.index_cast %parallel_loop3A_260 : i32 to index
          %parallel_loop3A_265 = tpu.vector_load %arg7[%parallel_loop3A_262, %parallel_loop3A_263, %parallel_loop3A_264] {strides = array<i32>} : memref<2x8x128xf32, #tpu.memory_space<vmem>>, vector<1x1x16xf32>,
          %parallel_loop3A_266 = vector.shape_cast %parallel_loop3A_265 : vector<1x1x16xf32> to vector<16xf32>
          %parallel_loop3A_267 = vector.extract_strided_slice %parallel_loop3A_266 {offsets = [0], sizes = [1], strides = [1]} : vector<16xf32> to vector<1xf32>
          %parallel_loop3A_268 = vector.extract %parallel_loop3A_267[0] : f32 from vector<1xf32>
          %parallel_loop3A_269 = arith.constant 0 : i32
          %parallel_loop3A_270 = arith.addi %parallel_loop3A_256, %parallel_loop3A_269 : i32
          %parallel_loop3A_271 = arith.constant 1 : i32
          %parallel_loop3A_272 = arith.index_cast %parallel_loop3A_271 : i32 to index
          %parallel_loop3A_273 = arith.index_cast %parallel_loop3A_238 : i32 to index
          %parallel_loop3A_274 = arith.index_cast %parallel_loop3A_270 : i32 to index
          %parallel_loop3A_275 = arith.constant 0 : index
          %parallel_loop3A_276 = tpu.vector_load %arg8[%parallel_loop3A_272, %parallel_loop3A_273, %parallel_loop3A_274, %parallel_loop3A_275] {strides = array<i32>} : memref<2x4x128x64xf32, #tpu.memory_space<vmem>>, vector<1x1x1x16xf32>,
          %parallel_loop3A_277 = vector.shape_cast %parallel_loop3A_276 : vector<1x1x1x16xf32> to vector<16xf32>
          %parallel_loop3A_278 = vector.broadcast %parallel_loop3A_268 : f32 to vector<16xf32>
          %parallel_loop3A_279 = arith.mulf %parallel_loop3A_278, %parallel_loop3A_277 : vector<16xf32>
          %parallel_loop3A_280 = arith.addf %parallel_loop3A_258, %parallel_loop3A_279 : vector<16xf32>
          %parallel_loop3A_281 = arith.constant 0 : i32
          %parallel_loop3A_282 = arith.addi %parallel_loop3A_256, %parallel_loop3A_281 : i32
          %parallel_loop3A_283 = arith.constant 1 : i32
          %parallel_loop3A_284 = arith.index_cast %parallel_loop3A_283 : i32 to index
          %parallel_loop3A_285 = arith.index_cast %parallel_loop3A_238 : i32 to index
          %parallel_loop3A_286 = arith.index_cast %parallel_loop3A_282 : i32 to index
          %parallel_loop3A_287 = arith.constant 16 : index
          %parallel_loop3A_288 = tpu.vector_load %arg8[%parallel_loop3A_284, %parallel_loop3A_285, %parallel_loop3A_286, %parallel_loop3A_287] {strides = array<i32>} : memref<2x4x128x64xf32, #tpu.memory_space<vmem>>, vector<1x1x1x16xf32>,
          %parallel_loop3A_289 = vector.shape_cast %parallel_loop3A_288 : vector<1x1x1x16xf32> to vector<16xf32>
          %parallel_loop3A_290 = vector.broadcast %parallel_loop3A_268 : f32 to vector<16xf32>
          %parallel_loop3A_291 = arith.mulf %parallel_loop3A_290, %parallel_loop3A_289 : vector<16xf32>
          %parallel_loop3A_292 = arith.addf %parallel_loop3A_258, %parallel_loop3A_291 : vector<16xf32>
          %parallel_loop3A_293 = vector.extract_strided_slice %parallel_loop3A_266 {offsets = [1], sizes = [1], strides = [1]} : vector<16xf32> to vector<1xf32>
          %parallel_loop3A_294 = vector.extract %parallel_loop3A_293[0] : f32 from vector<1xf32>
          %parallel_loop3A_295 = arith.constant 1 : i32
          %parallel_loop3A_296 = arith.addi %parallel_loop3A_256, %parallel_loop3A_295 : i32
          %parallel_loop3A_297 = arith.constant 1 : i32
          %parallel_loop3A_298 = arith.index_cast %parallel_loop3A_297 : i32 to index
          %parallel_loop3A_299 = arith.index_cast %parallel_loop3A_238 : i32 to index
          %parallel_loop3A_300 = arith.index_cast %parallel_loop3A_296 : i32 to index
          %parallel_loop3A_301 = arith.constant 0 : index
          %parallel_loop3A_302 = tpu.vector_load %arg8[%parallel_loop3A_298, %parallel_loop3A_299, %parallel_loop3A_300, %parallel_loop3A_301] {strides = array<i32>} : memref<2x4x128x64xf32, #tpu.memory_space<vmem>>, vector<1x1x1x16xf32>,
          %parallel_loop3A_303 = vector.shape_cast %parallel_loop3A_302 : vector<1x1x1x16xf32> to vector<16xf32>
          %parallel_loop3A_304 = vector.broadcast %parallel_loop3A_294 : f32 to vector<16xf32>
          %parallel_loop3A_305 = arith.mulf %parallel_loop3A_304, %parallel_loop3A_303 : vector<16xf32>
          %parallel_loop3A_306 = arith.addf %parallel_loop3A_258, %parallel_loop3A_305 : vector<16xf32>
          %parallel_loop3A_307 = arith.constant 1 : i32
          %parallel_loop3A_308 = arith.addi %parallel_loop3A_256, %parallel_loop3A_307 : i32
          %parallel_loop3A_309 = arith.constant 1 : i32
          %parallel_loop3A_310 = arith.index_cast %parallel_loop3A_309 : i32 to index
          %parallel_loop3A_311 = arith.index_cast %parallel_loop3A_238 : i32 to index
          %parallel_loop3A_312 = arith.index_cast %parallel_loop3A_308 : i32 to index
          %parallel_loop3A_313 = arith.constant 16 : index
          %parallel_loop3A_314 = tpu.vector_load %arg8[%parallel_loop3A_310, %parallel_loop3A_311, %parallel_loop3A_312, %parallel_loop3A_313] {strides = array<i32>} : memref<2x4x128x64xf32, #tpu.memory_space<vmem>>, vector<1x1x1x16xf32>,
          %parallel_loop3A_315 = vector.shape_cast %parallel_loop3A_314 : vector<1x1x1x16xf32> to vector<16xf32>
          %parallel_loop3A_316 = vector.broadcast %parallel_loop3A_294 : f32 to vector<16xf32>
          %parallel_loop3A_317 = arith.mulf %parallel_loop3A_316, %parallel_loop3A_315 : vector<16xf32>
          %parallel_loop3A_318 = arith.addf %parallel_loop3A_258, %parallel_loop3A_317 : vector<16xf32>
          %parallel_loop3A_319 = vector.extract_strided_slice %parallel_loop3A_266 {offsets = [2], sizes = [1], strides = [1]} : vector<16xf32> to vector<1xf32>
          %parallel_loop3A_320 = vector.extract %parallel_loop3A_319[0] : f32 from vector<1xf32>
          %parallel_loop3A_321 = arith.constant 2 : i32
          %parallel_loop3A_322 = arith.addi %parallel_loop3A_256, %parallel_loop3A_321 : i32
          %parallel_loop3A_323 = arith.constant 1 : i32
          %parallel_loop3A_324 = arith.index_cast %parallel_loop3A_323 : i32 to index
          %parallel_loop3A_325 = arith.index_cast %parallel_loop3A_238 : i32 to index
          %parallel_loop3A_326 = arith.index_cast %parallel_loop3A_322 : i32 to index
          %parallel_loop3A_327 = arith.constant 0 : index
          %parallel_loop3A_328 = tpu.vector_load %arg8[%parallel_loop3A_324, %parallel_loop3A_325, %parallel_loop3A_326, %parallel_loop3A_327] {strides = array<i32>} : memref<2x4x128x64xf32, #tpu.memory_space<vmem>>, vector<1x1x1x16xf32>,
          %parallel_loop3A_329 = vector.shape_cast %parallel_loop3A_328 : vector<1x1x1x16xf32> to vector<16xf32>
          %parallel_loop3A_330 = vector.broadcast %parallel_loop3A_320 : f32 to vector<16xf32>
          %parallel_loop3A_331 = arith.mulf %parallel_loop3A_330, %parallel_loop3A_329 : vector<16xf32>
          %parallel_loop3A_332 = arith.addf %parallel_loop3A_258, %parallel_loop3A_331 : vector<16xf32>
          %parallel_loop3A_333 = arith.constant 2 : i32
          %parallel_loop3A_334 = arith.addi %parallel_loop3A_256, %parallel_loop3A_333 : i32
          %parallel_loop3A_335 = arith.constant 1 : i32
          %parallel_loop3A_336 = arith.index_cast %parallel_loop3A_335 : i32 to index
          %parallel_loop3A_337 = arith.index_cast %parallel_loop3A_238 : i32 to index
          %parallel_loop3A_338 = arith.index_cast %parallel_loop3A_334 : i32 to index
          %parallel_loop3A_339 = arith.constant 16 : index
          %parallel_loop3A_340 = tpu.vector_load %arg8[%parallel_loop3A_336, %parallel_loop3A_337, %parallel_loop3A_338, %parallel_loop3A_339] {strides = array<i32>} : memref<2x4x128x64xf32, #tpu.memory_space<vmem>>, vector<1x1x1x16xf32>,
          %parallel_loop3A_341 = vector.shape_cast %parallel_loop3A_340 : vector<1x1x1x16xf32> to vector<16xf32>
          %parallel_loop3A_342 = vector.broadcast %parallel_loop3A_320 : f32 to vector<16xf32>
          %parallel_loop3A_343 = arith.mulf %parallel_loop3A_342, %parallel_loop3A_341 : vector<16xf32>
          %parallel_loop3A_344 = arith.addf %parallel_loop3A_258, %parallel_loop3A_343 : vector<16xf32>
          %parallel_loop3A_345 = vector.extract_strided_slice %parallel_loop3A_266 {offsets = [3], sizes = [1], strides = [1]} : vector<16xf32> to vector<1xf32>
          %parallel_loop3A_346 = vector.extract %parallel_loop3A_345[0] : f32 from vector<1xf32>
          %parallel_loop3A_347 = arith.constant 3 : i32
          %parallel_loop3A_348 = arith.addi %parallel_loop3A_256, %parallel_loop3A_347 : i32
          %parallel_loop3A_349 = arith.constant 1 : i32
          %parallel_loop3A_350 = arith.index_cast %parallel_loop3A_349 : i32 to index
          %parallel_loop3A_351 = arith.index_cast %parallel_loop3A_238 : i32 to index
          %parallel_loop3A_352 = arith.index_cast %parallel_loop3A_348 : i32 to index
          %parallel_loop3A_353 = arith.constant 0 : index
          %parallel_loop3A_354 = tpu.vector_load %arg8[%parallel_loop3A_350, %parallel_loop3A_351, %parallel_loop3A_352, %parallel_loop3A_353] {strides = array<i32>} : memref<2x4x128x64xf32, #tpu.memory_space<vmem>>, vector<1x1x1x16xf32>,
          %parallel_loop3A_355 = vector.shape_cast %parallel_loop3A_354 : vector<1x1x1x16xf32> to vector<16xf32>
          %parallel_loop3A_356 = vector.broadcast %parallel_loop3A_346 : f32 to vector<16xf32>
          %parallel_loop3A_357 = arith.mulf %parallel_loop3A_356, %parallel_loop3A_355 : vector<16xf32>
          %parallel_loop3A_358 = arith.addf %parallel_loop3A_258, %parallel_loop3A_357 : vector<16xf32>
          %parallel_loop3A_359 = arith.constant 3 : i32
          %parallel_loop3A_360 = arith.addi %parallel_loop3A_256, %parallel_loop3A_359 : i32
          %parallel_loop3A_361 = arith.constant 1 : i32
          %parallel_loop3A_362 = arith.index_cast %parallel_loop3A_361 : i32 to index
          %parallel_loop3A_363 = arith.index_cast %parallel_loop3A_238 : i32 to index
          %parallel_loop3A_364 = arith.index_cast %parallel_loop3A_360 : i32 to index
          %parallel_loop3A_365 = arith.constant 16 : index
          %parallel_loop3A_366 = tpu.vector_load %arg8[%parallel_loop3A_362, %parallel_loop3A_363, %parallel_loop3A_364, %parallel_loop3A_365] {strides = array<i32>} : memref<2x4x128x64xf32, #tpu.memory_space<vmem>>, vector<1x1x1x16xf32>,
          %parallel_loop3A_367 = vector.shape_cast %parallel_loop3A_366 : vector<1x1x1x16xf32> to vector<16xf32>
          %parallel_loop3A_368 = vector.broadcast %parallel_loop3A_346 : f32 to vector<16xf32>
          %parallel_loop3A_369 = arith.mulf %parallel_loop3A_368, %parallel_loop3A_367 : vector<16xf32>
          %parallel_loop3A_370 = arith.addf %parallel_loop3A_258, %parallel_loop3A_369 : vector<16xf32>
          %parallel_loop3A_371 = vector.extract_strided_slice %parallel_loop3A_266 {offsets = [4], sizes = [1], strides = [1]} : vector<16xf32> to vector<1xf32>
          %parallel_loop3A_372 = vector.extract %parallel_loop3A_371[0] : f32 from vector<1xf32>
          %parallel_loop3A_373 = arith.constant 4 : i32
          %parallel_loop3A_374 = arith.addi %parallel_loop3A_256, %parallel_loop3A_373 : i32
          %parallel_loop3A_375 = arith.constant 1 : i32
          %parallel_loop3A_376 = arith.index_cast %parallel_loop3A_375 : i32 to index
          %parallel_loop3A_377 = arith.index_cast %parallel_loop3A_238 : i32 to index
          %parallel_loop3A_378 = arith.index_cast %parallel_loop3A_374 : i32 to index
          %parallel_loop3A_379 = arith.constant 0 : index
          %parallel_loop3A_380 = tpu.vector_load %arg8[%parallel_loop3A_376, %parallel_loop3A_377, %parallel_loop3A_378, %parallel_loop3A_379] {strides = array<i32>} : memref<2x4x128x64xf32, #tpu.memory_space<vmem>>, vector<1x1x1x16xf32>,
          %parallel_loop3A_381 = vector.shape_cast %parallel_loop3A_380 : vector<1x1x1x16xf32> to vector<16xf32>
          %parallel_loop3A_382 = vector.broadcast %parallel_loop3A_372 : f32 to vector<16xf32>
          %parallel_loop3A_383 = arith.mulf %parallel_loop3A_382, %parallel_loop3A_381 : vector<16xf32>
          %parallel_loop3A_384 = arith.addf %parallel_loop3A_280, %parallel_loop3A_383 : vector<16xf32>
          %parallel_loop3A_385 = arith.constant 4 : i32
          %parallel_loop3A_386 = arith.addi %parallel_loop3A_256, %parallel_loop3A_385 : i32
          %parallel_loop3A_387 = arith.constant 1 : i32
          %parallel_loop3A_388 = arith.index_cast %parallel_loop3A_387 : i32 to index
          %parallel_loop3A_389 = arith.index_cast %parallel_loop3A_238 : i32 to index
          %parallel_loop3A_390 = arith.index_cast %parallel_loop3A_386 : i32 to index
          %parallel_loop3A_391 = arith.constant 16 : index
          %parallel_loop3A_392 = tpu.vector_load %arg8[%parallel_loop3A_388, %parallel_loop3A_389, %parallel_loop3A_390, %parallel_loop3A_391] {strides = array<i32>} : memref<2x4x128x64xf32, #tpu.memory_space<vmem>>, vector<1x1x1x16xf32>,
          %parallel_loop3A_393 = vector.shape_cast %parallel_loop3A_392 : vector<1x1x1x16xf32> to vector<16xf32>
          %parallel_loop3A_394 = vector.broadcast %parallel_loop3A_372 : f32 to vector<16xf32>
          %parallel_loop3A_395 = arith.mulf %parallel_loop3A_394, %parallel_loop3A_393 : vector<16xf32>
          %parallel_loop3A_396 = arith.addf %parallel_loop3A_292, %parallel_loop3A_395 : vector<16xf32>
          %parallel_loop3A_397 = vector.extract_strided_slice %parallel_loop3A_266 {offsets = [5], sizes = [1], strides = [1]} : vector<16xf32> to vector<1xf32>
          %parallel_loop3A_398 = vector.extract %parallel_loop3A_397[0] : f32 from vector<1xf32>
          %parallel_loop3A_399 = arith.constant 5 : i32
          %parallel_loop3A_400 = arith.addi %parallel_loop3A_256, %parallel_loop3A_399 : i32
          %parallel_loop3A_401 = arith.constant 1 : i32
          %parallel_loop3A_402 = arith.index_cast %parallel_loop3A_401 : i32 to index
          %parallel_loop3A_403 = arith.index_cast %parallel_loop3A_238 : i32 to index
          %parallel_loop3A_404 = arith.index_cast %parallel_loop3A_400 : i32 to index
          %parallel_loop3A_405 = arith.constant 0 : index
          %parallel_loop3A_406 = tpu.vector_load %arg8[%parallel_loop3A_402, %parallel_loop3A_403, %parallel_loop3A_404, %parallel_loop3A_405] {strides = array<i32>} : memref<2x4x128x64xf32, #tpu.memory_space<vmem>>, vector<1x1x1x16xf32>,
          %parallel_loop3A_407 = vector.shape_cast %parallel_loop3A_406 : vector<1x1x1x16xf32> to vector<16xf32>
          %parallel_loop3A_408 = vector.broadcast %parallel_loop3A_398 : f32 to vector<16xf32>
          %parallel_loop3A_409 = arith.mulf %parallel_loop3A_408, %parallel_loop3A_407 : vector<16xf32>
          %parallel_loop3A_410 = arith.addf %parallel_loop3A_306, %parallel_loop3A_409 : vector<16xf32>
          %parallel_loop3A_411 = arith.constant 5 : i32
          %parallel_loop3A_412 = arith.addi %parallel_loop3A_256, %parallel_loop3A_411 : i32
          %parallel_loop3A_413 = arith.constant 1 : i32
          %parallel_loop3A_414 = arith.index_cast %parallel_loop3A_413 : i32 to index
          %parallel_loop3A_415 = arith.index_cast %parallel_loop3A_238 : i32 to index
          %parallel_loop3A_416 = arith.index_cast %parallel_loop3A_412 : i32 to index
          %parallel_loop3A_417 = arith.constant 16 : index
          %parallel_loop3A_418 = tpu.vector_load %arg8[%parallel_loop3A_414, %parallel_loop3A_415, %parallel_loop3A_416, %parallel_loop3A_417] {strides = array<i32>} : memref<2x4x128x64xf32, #tpu.memory_space<vmem>>, vector<1x1x1x16xf32>,
          %parallel_loop3A_419 = vector.shape_cast %parallel_loop3A_418 : vector<1x1x1x16xf32> to vector<16xf32>
          %parallel_loop3A_420 = vector.broadcast %parallel_loop3A_398 : f32 to vector<16xf32>
          %parallel_loop3A_421 = arith.mulf %parallel_loop3A_420, %parallel_loop3A_419 : vector<16xf32>
          %parallel_loop3A_422 = arith.addf %parallel_loop3A_318, %parallel_loop3A_421 : vector<16xf32>
          %parallel_loop3A_423 = vector.extract_strided_slice %parallel_loop3A_266 {offsets = [6], sizes = [1], strides = [1]} : vector<16xf32> to vector<1xf32>
          %parallel_loop3A_424 = vector.extract %parallel_loop3A_423[0] : f32 from vector<1xf32>
          %parallel_loop3A_425 = arith.constant 6 : i32
          %parallel_loop3A_426 = arith.addi %parallel_loop3A_256, %parallel_loop3A_425 : i32
          %parallel_loop3A_427 = arith.constant 1 : i32
          %parallel_loop3A_428 = arith.index_cast %parallel_loop3A_427 : i32 to index
          %parallel_loop3A_429 = arith.index_cast %parallel_loop3A_238 : i32 to index
          %parallel_loop3A_430 = arith.index_cast %parallel_loop3A_426 : i32 to index
          %parallel_loop3A_431 = arith.constant 0 : index
          %parallel_loop3A_432 = tpu.vector_load %arg8[%parallel_loop3A_428, %parallel_loop3A_429, %parallel_loop3A_430, %parallel_loop3A_431] {strides = array<i32>} : memref<2x4x128x64xf32, #tpu.memory_space<vmem>>, vector<1x1x1x16xf32>,
          %parallel_loop3A_433 = vector.shape_cast %parallel_loop3A_432 : vector<1x1x1x16xf32> to vector<16xf32>
          %parallel_loop3A_434 = vector.broadcast %parallel_loop3A_424 : f32 to vector<16xf32>
          %parallel_loop3A_435 = arith.mulf %parallel_loop3A_434, %parallel_loop3A_433 : vector<16xf32>
          %parallel_loop3A_436 = arith.addf %parallel_loop3A_332, %parallel_loop3A_435 : vector<16xf32>
          %parallel_loop3A_437 = arith.constant 6 : i32
          %parallel_loop3A_438 = arith.addi %parallel_loop3A_256, %parallel_loop3A_437 : i32
          %parallel_loop3A_439 = arith.constant 1 : i32
          %parallel_loop3A_440 = arith.index_cast %parallel_loop3A_439 : i32 to index
          %parallel_loop3A_441 = arith.index_cast %parallel_loop3A_238 : i32 to index
          %parallel_loop3A_442 = arith.index_cast %parallel_loop3A_438 : i32 to index
          %parallel_loop3A_443 = arith.constant 16 : index
          %parallel_loop3A_444 = tpu.vector_load %arg8[%parallel_loop3A_440, %parallel_loop3A_441, %parallel_loop3A_442, %parallel_loop3A_443] {strides = array<i32>} : memref<2x4x128x64xf32, #tpu.memory_space<vmem>>, vector<1x1x1x16xf32>,
          %parallel_loop3A_445 = vector.shape_cast %parallel_loop3A_444 : vector<1x1x1x16xf32> to vector<16xf32>
          %parallel_loop3A_446 = vector.broadcast %parallel_loop3A_424 : f32 to vector<16xf32>
          %parallel_loop3A_447 = arith.mulf %parallel_loop3A_446, %parallel_loop3A_445 : vector<16xf32>
          %parallel_loop3A_448 = arith.addf %parallel_loop3A_344, %parallel_loop3A_447 : vector<16xf32>
          %parallel_loop3A_449 = vector.extract_strided_slice %parallel_loop3A_266 {offsets = [7], sizes = [1], strides = [1]} : vector<16xf32> to vector<1xf32>
          %parallel_loop3A_450 = vector.extract %parallel_loop3A_449[0] : f32 from vector<1xf32>
          %parallel_loop3A_451 = arith.constant 7 : i32
          %parallel_loop3A_452 = arith.addi %parallel_loop3A_256, %parallel_loop3A_451 : i32
          %parallel_loop3A_453 = arith.constant 1 : i32
          %parallel_loop3A_454 = arith.index_cast %parallel_loop3A_453 : i32 to index
          %parallel_loop3A_455 = arith.index_cast %parallel_loop3A_238 : i32 to index
          %parallel_loop3A_456 = arith.index_cast %parallel_loop3A_452 : i32 to index
          %parallel_loop3A_457 = arith.constant 0 : index
          %parallel_loop3A_458 = tpu.vector_load %arg8[%parallel_loop3A_454, %parallel_loop3A_455, %parallel_loop3A_456, %parallel_loop3A_457] {strides = array<i32>} : memref<2x4x128x64xf32, #tpu.memory_space<vmem>>, vector<1x1x1x16xf32>,
          %parallel_loop3A_459 = vector.shape_cast %parallel_loop3A_458 : vector<1x1x1x16xf32> to vector<16xf32>
          %parallel_loop3A_460 = vector.broadcast %parallel_loop3A_450 : f32 to vector<16xf32>
          %parallel_loop3A_461 = arith.mulf %parallel_loop3A_460, %parallel_loop3A_459 : vector<16xf32>
          %parallel_loop3A_462 = arith.addf %parallel_loop3A_358, %parallel_loop3A_461 : vector<16xf32>
          %parallel_loop3A_463 = arith.constant 7 : i32
          %parallel_loop3A_464 = arith.addi %parallel_loop3A_256, %parallel_loop3A_463 : i32
          %parallel_loop3A_465 = arith.constant 1 : i32
          %parallel_loop3A_466 = arith.index_cast %parallel_loop3A_465 : i32 to index
          %parallel_loop3A_467 = arith.index_cast %parallel_loop3A_238 : i32 to index
          %parallel_loop3A_468 = arith.index_cast %parallel_loop3A_464 : i32 to index
          %parallel_loop3A_469 = arith.constant 16 : index
          %parallel_loop3A_470 = tpu.vector_load %arg8[%parallel_loop3A_466, %parallel_loop3A_467, %parallel_loop3A_468, %parallel_loop3A_469] {strides = array<i32>} : memref<2x4x128x64xf32, #tpu.memory_space<vmem>>, vector<1x1x1x16xf32>,
          %parallel_loop3A_471 = vector.shape_cast %parallel_loop3A_470 : vector<1x1x1x16xf32> to vector<16xf32>
          %parallel_loop3A_472 = vector.broadcast %parallel_loop3A_450 : f32 to vector<16xf32>
          %parallel_loop3A_473 = arith.mulf %parallel_loop3A_472, %parallel_loop3A_471 : vector<16xf32>
          %parallel_loop3A_474 = arith.addf %parallel_loop3A_370, %parallel_loop3A_473 : vector<16xf32>
          %parallel_loop3A_475 = vector.extract_strided_slice %parallel_loop3A_266 {offsets = [8], sizes = [1], strides = [1]} : vector<16xf32> to vector<1xf32>
          %parallel_loop3A_476 = vector.extract %parallel_loop3A_475[0] : f32 from vector<1xf32>
          %parallel_loop3A_477 = arith.constant 8 : i32
          %parallel_loop3A_478 = arith.addi %parallel_loop3A_256, %parallel_loop3A_477 : i32
          %parallel_loop3A_479 = arith.constant 1 : i32
          %parallel_loop3A_480 = arith.index_cast %parallel_loop3A_479 : i32 to index
          %parallel_loop3A_481 = arith.index_cast %parallel_loop3A_238 : i32 to index
          %parallel_loop3A_482 = arith.index_cast %parallel_loop3A_478 : i32 to index
          %parallel_loop3A_483 = arith.constant 0 : index
          %parallel_loop3A_484 = tpu.vector_load %arg8[%parallel_loop3A_480, %parallel_loop3A_481, %parallel_loop3A_482, %parallel_loop3A_483] {strides = array<i32>} : memref<2x4x128x64xf32, #tpu.memory_space<vmem>>, vector<1x1x1x16xf32>,
          %parallel_loop3A_485 = vector.shape_cast %parallel_loop3A_484 : vector<1x1x1x16xf32> to vector<16xf32>
          %parallel_loop3A_486 = vector.broadcast %parallel_loop3A_476 : f32 to vector<16xf32>
          %parallel_loop3A_487 = arith.mulf %parallel_loop3A_486, %parallel_loop3A_485 : vector<16xf32>
          %parallel_loop3A_488 = arith.addf %parallel_loop3A_384, %parallel_loop3A_487 : vector<16xf32>
          %parallel_loop3A_489 = arith.constant 8 : i32
          %parallel_loop3A_490 = arith.addi %parallel_loop3A_256, %parallel_loop3A_489 : i32
          %parallel_loop3A_491 = arith.constant 1 : i32
          %parallel_loop3A_492 = arith.index_cast %parallel_loop3A_491 : i32 to index
          %parallel_loop3A_493 = arith.index_cast %parallel_loop3A_238 : i32 to index
          %parallel_loop3A_494 = arith.index_cast %parallel_loop3A_490 : i32 to index
          %parallel_loop3A_495 = arith.constant 16 : index
          %parallel_loop3A_496 = tpu.vector_load %arg8[%parallel_loop3A_492, %parallel_loop3A_493, %parallel_loop3A_494, %parallel_loop3A_495] {strides = array<i32>} : memref<2x4x128x64xf32, #tpu.memory_space<vmem>>, vector<1x1x1x16xf32>,
          %parallel_loop3A_497 = vector.shape_cast %parallel_loop3A_496 : vector<1x1x1x16xf32> to vector<16xf32>
          %parallel_loop3A_498 = vector.broadcast %parallel_loop3A_476 : f32 to vector<16xf32>
          %parallel_loop3A_499 = arith.mulf %parallel_loop3A_498, %parallel_loop3A_497 : vector<16xf32>
          %parallel_loop3A_500 = arith.addf %parallel_loop3A_396, %parallel_loop3A_499 : vector<16xf32>
          %parallel_loop3A_501 = vector.extract_strided_slice %parallel_loop3A_266 {offsets = [9], sizes = [1], strides = [1]} : vector<16xf32> to vector<1xf32>
          %parallel_loop3A_502 = vector.extract %parallel_loop3A_501[0] : f32 from vector<1xf32>
          %parallel_loop3A_503 = arith.constant 9 : i32
          %parallel_loop3A_504 = arith.addi %parallel_loop3A_256, %parallel_loop3A_503 : i32
          %parallel_loop3A_505 = arith.constant 1 : i32
          %parallel_loop3A_506 = arith.index_cast %parallel_loop3A_505 : i32 to index
          %parallel_loop3A_507 = arith.index_cast %parallel_loop3A_238 : i32 to index
          %parallel_loop3A_508 = arith.index_cast %parallel_loop3A_504 : i32 to index
          %parallel_loop3A_509 = arith.constant 0 : index
          %parallel_loop3A_510 = tpu.vector_load %arg8[%parallel_loop3A_506, %parallel_loop3A_507, %parallel_loop3A_508, %parallel_loop3A_509] {strides = array<i32>} : memref<2x4x128x64xf32, #tpu.memory_space<vmem>>, vector<1x1x1x16xf32>,
          %parallel_loop3A_511 = vector.shape_cast %parallel_loop3A_510 : vector<1x1x1x16xf32> to vector<16xf32>
          %parallel_loop3A_512 = vector.broadcast %parallel_loop3A_502 : f32 to vector<16xf32>
          %parallel_loop3A_513 = arith.mulf %parallel_loop3A_512, %parallel_loop3A_511 : vector<16xf32>
          %parallel_loop3A_514 = arith.addf %parallel_loop3A_410, %parallel_loop3A_513 : vector<16xf32>
          %parallel_loop3A_515 = arith.constant 9 : i32
          %parallel_loop3A_516 = arith.addi %parallel_loop3A_256, %parallel_loop3A_515 : i32
          %parallel_loop3A_517 = arith.constant 1 : i32
          %parallel_loop3A_518 = arith.index_cast %parallel_loop3A_517 : i32 to index
          %parallel_loop3A_519 = arith.index_cast %parallel_loop3A_238 : i32 to index
          %parallel_loop3A_520 = arith.index_cast %parallel_loop3A_516 : i32 to index
          %parallel_loop3A_521 = arith.constant 16 : index
          %parallel_loop3A_522 = tpu.vector_load %arg8[%parallel_loop3A_518, %parallel_loop3A_519, %parallel_loop3A_520, %parallel_loop3A_521] {strides = array<i32>} : memref<2x4x128x64xf32, #tpu.memory_space<vmem>>, vector<1x1x1x16xf32>,
          %parallel_loop3A_523 = vector.shape_cast %parallel_loop3A_522 : vector<1x1x1x16xf32> to vector<16xf32>
          %parallel_loop3A_524 = vector.broadcast %parallel_loop3A_502 : f32 to vector<16xf32>
          %parallel_loop3A_525 = arith.mulf %parallel_loop3A_524, %parallel_loop3A_523 : vector<16xf32>
          %parallel_loop3A_526 = arith.addf %parallel_loop3A_422, %parallel_loop3A_525 : vector<16xf32>
          %parallel_loop3A_527 = vector.extract_strided_slice %parallel_loop3A_266 {offsets = [10], sizes = [1], strides = [1]} : vector<16xf32> to vector<1xf32>
          %parallel_loop3A_528 = vector.extract %parallel_loop3A_527[0] : f32 from vector<1xf32>
          %parallel_loop3A_529 = arith.constant 10 : i32
          %parallel_loop3A_530 = arith.addi %parallel_loop3A_256, %parallel_loop3A_529 : i32
          %parallel_loop3A_531 = arith.constant 1 : i32
          %parallel_loop3A_532 = arith.index_cast %parallel_loop3A_531 : i32 to index
          %parallel_loop3A_533 = arith.index_cast %parallel_loop3A_238 : i32 to index
          %parallel_loop3A_534 = arith.index_cast %parallel_loop3A_530 : i32 to index
          %parallel_loop3A_535 = arith.constant 0 : index
          %parallel_loop3A_536 = tpu.vector_load %arg8[%parallel_loop3A_532, %parallel_loop3A_533, %parallel_loop3A_534, %parallel_loop3A_535] {strides = array<i32>} : memref<2x4x128x64xf32, #tpu.memory_space<vmem>>, vector<1x1x1x16xf32>,
          %parallel_loop3A_537 = vector.shape_cast %parallel_loop3A_536 : vector<1x1x1x16xf32> to vector<16xf32>
          %parallel_loop3A_538 = vector.broadcast %parallel_loop3A_528 : f32 to vector<16xf32>
          %parallel_loop3A_539 = arith.mulf %parallel_loop3A_538, %parallel_loop3A_537 : vector<16xf32>
          %parallel_loop3A_540 = arith.addf %parallel_loop3A_436, %parallel_loop3A_539 : vector<16xf32>
          %parallel_loop3A_541 = arith.constant 10 : i32
          %parallel_loop3A_542 = arith.addi %parallel_loop3A_256, %parallel_loop3A_541 : i32
          %parallel_loop3A_543 = arith.constant 1 : i32
          %parallel_loop3A_544 = arith.index_cast %parallel_loop3A_543 : i32 to index
          %parallel_loop3A_545 = arith.index_cast %parallel_loop3A_238 : i32 to index
          %parallel_loop3A_546 = arith.index_cast %parallel_loop3A_542 : i32 to index
          %parallel_loop3A_547 = arith.constant 16 : index
          %parallel_loop3A_548 = tpu.vector_load %arg8[%parallel_loop3A_544, %parallel_loop3A_545, %parallel_loop3A_546, %parallel_loop3A_547] {strides = array<i32>} : memref<2x4x128x64xf32, #tpu.memory_space<vmem>>, vector<1x1x1x16xf32>,
          %parallel_loop3A_549 = vector.shape_cast %parallel_loop3A_548 : vector<1x1x1x16xf32> to vector<16xf32>
          %parallel_loop3A_550 = vector.broadcast %parallel_loop3A_528 : f32 to vector<16xf32>
          %parallel_loop3A_551 = arith.mulf %parallel_loop3A_550, %parallel_loop3A_549 : vector<16xf32>
          %parallel_loop3A_552 = arith.addf %parallel_loop3A_448, %parallel_loop3A_551 : vector<16xf32>
          %parallel_loop3A_553 = vector.extract_strided_slice %parallel_loop3A_266 {offsets = [11], sizes = [1], strides = [1]} : vector<16xf32> to vector<1xf32>
          %parallel_loop3A_554 = vector.extract %parallel_loop3A_553[0] : f32 from vector<1xf32>
          %parallel_loop3A_555 = arith.constant 11 : i32
          %parallel_loop3A_556 = arith.addi %parallel_loop3A_256, %parallel_loop3A_555 : i32
          %parallel_loop3A_557 = arith.constant 1 : i32
          %parallel_loop3A_558 = arith.index_cast %parallel_loop3A_557 : i32 to index
          %parallel_loop3A_559 = arith.index_cast %parallel_loop3A_238 : i32 to index
          %parallel_loop3A_560 = arith.index_cast %parallel_loop3A_556 : i32 to index
          %parallel_loop3A_561 = arith.constant 0 : index
          %parallel_loop3A_562 = tpu.vector_load %arg8[%parallel_loop3A_558, %parallel_loop3A_559, %parallel_loop3A_560, %parallel_loop3A_561] {strides = array<i32>} : memref<2x4x128x64xf32, #tpu.memory_space<vmem>>, vector<1x1x1x16xf32>,
          %parallel_loop3A_563 = vector.shape_cast %parallel_loop3A_562 : vector<1x1x1x16xf32> to vector<16xf32>
          %parallel_loop3A_564 = vector.broadcast %parallel_loop3A_554 : f32 to vector<16xf32>
          %parallel_loop3A_565 = arith.mulf %parallel_loop3A_564, %parallel_loop3A_563 : vector<16xf32>
          %parallel_loop3A_566 = arith.addf %parallel_loop3A_462, %parallel_loop3A_565 : vector<16xf32>
          %parallel_loop3A_567 = arith.constant 11 : i32
          %parallel_loop3A_568 = arith.addi %parallel_loop3A_256, %parallel_loop3A_567 : i32
          %parallel_loop3A_569 = arith.constant 1 : i32
          %parallel_loop3A_570 = arith.index_cast %parallel_loop3A_569 : i32 to index
          %parallel_loop3A_571 = arith.index_cast %parallel_loop3A_238 : i32 to index
          %parallel_loop3A_572 = arith.index_cast %parallel_loop3A_568 : i32 to index
          %parallel_loop3A_573 = arith.constant 16 : index
          %parallel_loop3A_574 = tpu.vector_load %arg8[%parallel_loop3A_570, %parallel_loop3A_571, %parallel_loop3A_572, %parallel_loop3A_573] {strides = array<i32>} : memref<2x4x128x64xf32, #tpu.memory_space<vmem>>, vector<1x1x1x16xf32>,
          %parallel_loop3A_575 = vector.shape_cast %parallel_loop3A_574 : vector<1x1x1x16xf32> to vector<16xf32>
          %parallel_loop3A_576 = vector.broadcast %parallel_loop3A_554 : f32 to vector<16xf32>
          %parallel_loop3A_577 = arith.mulf %parallel_loop3A_576, %parallel_loop3A_575 : vector<16xf32>
          %parallel_loop3A_578 = arith.addf %parallel_loop3A_474, %parallel_loop3A_577 : vector<16xf32>
          %parallel_loop3A_579 = vector.extract_strided_slice %parallel_loop3A_266 {offsets = [12], sizes = [1], strides = [1]} : vector<16xf32> to vector<1xf32>
          %parallel_loop3A_580 = vector.extract %parallel_loop3A_579[0] : f32 from vector<1xf32>
          %parallel_loop3A_581 = arith.constant 12 : i32
          %parallel_loop3A_582 = arith.addi %parallel_loop3A_256, %parallel_loop3A_581 : i32
          %parallel_loop3A_583 = arith.constant 1 : i32
          %parallel_loop3A_584 = arith.index_cast %parallel_loop3A_583 : i32 to index
          %parallel_loop3A_585 = arith.index_cast %parallel_loop3A_238 : i32 to index
          %parallel_loop3A_586 = arith.index_cast %parallel_loop3A_582 : i32 to index
          %parallel_loop3A_587 = arith.constant 0 : index
          %parallel_loop3A_588 = tpu.vector_load %arg8[%parallel_loop3A_584, %parallel_loop3A_585, %parallel_loop3A_586, %parallel_loop3A_587] {strides = array<i32>} : memref<2x4x128x64xf32, #tpu.memory_space<vmem>>, vector<1x1x1x16xf32>,
          %parallel_loop3A_589 = vector.shape_cast %parallel_loop3A_588 : vector<1x1x1x16xf32> to vector<16xf32>
          %parallel_loop3A_590 = vector.broadcast %parallel_loop3A_580 : f32 to vector<16xf32>
          %parallel_loop3A_591 = arith.mulf %parallel_loop3A_590, %parallel_loop3A_589 : vector<16xf32>
          %parallel_loop3A_592 = arith.addf %parallel_loop3A_488, %parallel_loop3A_591 : vector<16xf32>
          %parallel_loop3A_593 = arith.constant 12 : i32
          %parallel_loop3A_594 = arith.addi %parallel_loop3A_256, %parallel_loop3A_593 : i32
          %parallel_loop3A_595 = arith.constant 1 : i32
          %parallel_loop3A_596 = arith.index_cast %parallel_loop3A_595 : i32 to index
          %parallel_loop3A_597 = arith.index_cast %parallel_loop3A_238 : i32 to index
          %parallel_loop3A_598 = arith.index_cast %parallel_loop3A_594 : i32 to index
          %parallel_loop3A_599 = arith.constant 16 : index
          %parallel_loop3A_600 = tpu.vector_load %arg8[%parallel_loop3A_596, %parallel_loop3A_597, %parallel_loop3A_598, %parallel_loop3A_599] {strides = array<i32>} : memref<2x4x128x64xf32, #tpu.memory_space<vmem>>, vector<1x1x1x16xf32>,
          %parallel_loop3A_601 = vector.shape_cast %parallel_loop3A_600 : vector<1x1x1x16xf32> to vector<16xf32>
          %parallel_loop3A_602 = vector.broadcast %parallel_loop3A_580 : f32 to vector<16xf32>
          %parallel_loop3A_603 = arith.mulf %parallel_loop3A_602, %parallel_loop3A_601 : vector<16xf32>
          %parallel_loop3A_604 = arith.addf %parallel_loop3A_500, %parallel_loop3A_603 : vector<16xf32>
          %parallel_loop3A_605 = vector.extract_strided_slice %parallel_loop3A_266 {offsets = [13], sizes = [1], strides = [1]} : vector<16xf32> to vector<1xf32>
          %parallel_loop3A_606 = vector.extract %parallel_loop3A_605[0] : f32 from vector<1xf32>
          %parallel_loop3A_607 = arith.constant 13 : i32
          %parallel_loop3A_608 = arith.addi %parallel_loop3A_256, %parallel_loop3A_607 : i32
          %parallel_loop3A_609 = arith.constant 1 : i32
          %parallel_loop3A_610 = arith.index_cast %parallel_loop3A_609 : i32 to index
          %parallel_loop3A_611 = arith.index_cast %parallel_loop3A_238 : i32 to index
          %parallel_loop3A_612 = arith.index_cast %parallel_loop3A_608 : i32 to index
          %parallel_loop3A_613 = arith.constant 0 : index
          %parallel_loop3A_614 = tpu.vector_load %arg8[%parallel_loop3A_610, %parallel_loop3A_611, %parallel_loop3A_612, %parallel_loop3A_613] {strides = array<i32>} : memref<2x4x128x64xf32, #tpu.memory_space<vmem>>, vector<1x1x1x16xf32>,
          %parallel_loop3A_615 = vector.shape_cast %parallel_loop3A_614 : vector<1x1x1x16xf32> to vector<16xf32>
          %parallel_loop3A_616 = vector.broadcast %parallel_loop3A_606 : f32 to vector<16xf32>
          %parallel_loop3A_617 = arith.mulf %parallel_loop3A_616, %parallel_loop3A_615 : vector<16xf32>
          %parallel_loop3A_618 = arith.addf %parallel_loop3A_514, %parallel_loop3A_617 : vector<16xf32>
          %parallel_loop3A_619 = arith.constant 13 : i32
          %parallel_loop3A_620 = arith.addi %parallel_loop3A_256, %parallel_loop3A_619 : i32
          %parallel_loop3A_621 = arith.constant 1 : i32
          %parallel_loop3A_622 = arith.index_cast %parallel_loop3A_621 : i32 to index
          %parallel_loop3A_623 = arith.index_cast %parallel_loop3A_238 : i32 to index
          %parallel_loop3A_624 = arith.index_cast %parallel_loop3A_620 : i32 to index
          %parallel_loop3A_625 = arith.constant 16 : index
          %parallel_loop3A_626 = tpu.vector_load %arg8[%parallel_loop3A_622, %parallel_loop3A_623, %parallel_loop3A_624, %parallel_loop3A_625] {strides = array<i32>} : memref<2x4x128x64xf32, #tpu.memory_space<vmem>>, vector<1x1x1x16xf32>,
          %parallel_loop3A_627 = vector.shape_cast %parallel_loop3A_626 : vector<1x1x1x16xf32> to vector<16xf32>
          %parallel_loop3A_628 = vector.broadcast %parallel_loop3A_606 : f32 to vector<16xf32>
          %parallel_loop3A_629 = arith.mulf %parallel_loop3A_628, %parallel_loop3A_627 : vector<16xf32>
          %parallel_loop3A_630 = arith.addf %parallel_loop3A_526, %parallel_loop3A_629 : vector<16xf32>
          %parallel_loop3A_631 = vector.extract_strided_slice %parallel_loop3A_266 {offsets = [14], sizes = [1], strides = [1]} : vector<16xf32> to vector<1xf32>
          %parallel_loop3A_632 = vector.extract %parallel_loop3A_631[0] : f32 from vector<1xf32>
          %parallel_loop3A_633 = arith.constant 14 : i32
          %parallel_loop3A_634 = arith.addi %parallel_loop3A_256, %parallel_loop3A_633 : i32
          %parallel_loop3A_635 = arith.constant 1 : i32
          %parallel_loop3A_636 = arith.index_cast %parallel_loop3A_635 : i32 to index
          %parallel_loop3A_637 = arith.index_cast %parallel_loop3A_238 : i32 to index
          %parallel_loop3A_638 = arith.index_cast %parallel_loop3A_634 : i32 to index
          %parallel_loop3A_639 = arith.constant 0 : index
          %parallel_loop3A_640 = tpu.vector_load %arg8[%parallel_loop3A_636, %parallel_loop3A_637, %parallel_loop3A_638, %parallel_loop3A_639] {strides = array<i32>} : memref<2x4x128x64xf32, #tpu.memory_space<vmem>>, vector<1x1x1x16xf32>,
          %parallel_loop3A_641 = vector.shape_cast %parallel_loop3A_640 : vector<1x1x1x16xf32> to vector<16xf32>
          %parallel_loop3A_642 = vector.broadcast %parallel_loop3A_632 : f32 to vector<16xf32>
          %parallel_loop3A_643 = arith.mulf %parallel_loop3A_642, %parallel_loop3A_641 : vector<16xf32>
          %parallel_loop3A_644 = arith.addf %parallel_loop3A_540, %parallel_loop3A_643 : vector<16xf32>
          %parallel_loop3A_645 = arith.constant 14 : i32
          %parallel_loop3A_646 = arith.addi %parallel_loop3A_256, %parallel_loop3A_645 : i32
          %parallel_loop3A_647 = arith.constant 1 : i32
          %parallel_loop3A_648 = arith.index_cast %parallel_loop3A_647 : i32 to index
          %parallel_loop3A_649 = arith.index_cast %parallel_loop3A_238 : i32 to index
          %parallel_loop3A_650 = arith.index_cast %parallel_loop3A_646 : i32 to index
          %parallel_loop3A_651 = arith.constant 16 : index
          %parallel_loop3A_652 = tpu.vector_load %arg8[%parallel_loop3A_648, %parallel_loop3A_649, %parallel_loop3A_650, %parallel_loop3A_651] {strides = array<i32>} : memref<2x4x128x64xf32, #tpu.memory_space<vmem>>, vector<1x1x1x16xf32>,
          %parallel_loop3A_653 = vector.shape_cast %parallel_loop3A_652 : vector<1x1x1x16xf32> to vector<16xf32>
          %parallel_loop3A_654 = vector.broadcast %parallel_loop3A_632 : f32 to vector<16xf32>
          %parallel_loop3A_655 = arith.mulf %parallel_loop3A_654, %parallel_loop3A_653 : vector<16xf32>
          %parallel_loop3A_656 = arith.addf %parallel_loop3A_552, %parallel_loop3A_655 : vector<16xf32>
          %parallel_loop3A_657 = vector.extract_strided_slice %parallel_loop3A_266 {offsets = [15], sizes = [1], strides = [1]} : vector<16xf32> to vector<1xf32>
          %parallel_loop3A_658 = vector.extract %parallel_loop3A_657[0] : f32 from vector<1xf32>
          %parallel_loop3A_659 = arith.constant 15 : i32
          %parallel_loop3A_660 = arith.addi %parallel_loop3A_256, %parallel_loop3A_659 : i32
          %parallel_loop3A_661 = arith.constant 1 : i32
          %parallel_loop3A_662 = arith.index_cast %parallel_loop3A_661 : i32 to index
          %parallel_loop3A_663 = arith.index_cast %parallel_loop3A_238 : i32 to index
          %parallel_loop3A_664 = arith.index_cast %parallel_loop3A_660 : i32 to index
          %parallel_loop3A_665 = arith.constant 0 : index
          %parallel_loop3A_666 = tpu.vector_load %arg8[%parallel_loop3A_662, %parallel_loop3A_663, %parallel_loop3A_664, %parallel_loop3A_665] {strides = array<i32>} : memref<2x4x128x64xf32, #tpu.memory_space<vmem>>, vector<1x1x1x16xf32>,
          %parallel_loop3A_667 = vector.shape_cast %parallel_loop3A_666 : vector<1x1x1x16xf32> to vector<16xf32>
          %parallel_loop3A_668 = vector.broadcast %parallel_loop3A_658 : f32 to vector<16xf32>
          %parallel_loop3A_669 = arith.mulf %parallel_loop3A_668, %parallel_loop3A_667 : vector<16xf32>
          %parallel_loop3A_670 = arith.addf %parallel_loop3A_566, %parallel_loop3A_669 : vector<16xf32>
          %parallel_loop3A_671 = arith.constant 15 : i32
          %parallel_loop3A_672 = arith.addi %parallel_loop3A_256, %parallel_loop3A_671 : i32
          %parallel_loop3A_673 = arith.constant 1 : i32
          %parallel_loop3A_674 = arith.index_cast %parallel_loop3A_673 : i32 to index
          %parallel_loop3A_675 = arith.index_cast %parallel_loop3A_238 : i32 to index
          %parallel_loop3A_676 = arith.index_cast %parallel_loop3A_672 : i32 to index
          %parallel_loop3A_677 = arith.constant 16 : index
          %parallel_loop3A_678 = tpu.vector_load %arg8[%parallel_loop3A_674, %parallel_loop3A_675, %parallel_loop3A_676, %parallel_loop3A_677] {strides = array<i32>} : memref<2x4x128x64xf32, #tpu.memory_space<vmem>>, vector<1x1x1x16xf32>,
          %parallel_loop3A_679 = vector.shape_cast %parallel_loop3A_678 : vector<1x1x1x16xf32> to vector<16xf32>
          %parallel_loop3A_680 = vector.broadcast %parallel_loop3A_658 : f32 to vector<16xf32>
          %parallel_loop3A_681 = arith.mulf %parallel_loop3A_680, %parallel_loop3A_679 : vector<16xf32>
          %parallel_loop3A_682 = arith.addf %parallel_loop3A_578, %parallel_loop3A_681 : vector<16xf32>
          %parallel_loop3A_683 = arith.constant 16 : i32
          %parallel_loop3A_684 = arith.addi %parallel_loop3A_256, %parallel_loop3A_683 : i32
          %parallel_loop3A_685 = arith.constant 1 : i32
          %parallel_loop3A_686 = arith.index_cast %parallel_loop3A_685 : i32 to index
          %parallel_loop3A_687 = arith.index_cast %parallel_loop3A_238 : i32 to index
          %parallel_loop3A_688 = arith.index_cast %parallel_loop3A_684 : i32 to index
          %parallel_loop3A_689 = tpu.vector_load %arg7[%parallel_loop3A_686, %parallel_loop3A_687, %parallel_loop3A_688] {strides = array<i32>} : memref<2x8x128xf32, #tpu.memory_space<vmem>>, vector<1x1x16xf32>,
          %parallel_loop3A_690 = vector.shape_cast %parallel_loop3A_689 : vector<1x1x16xf32> to vector<16xf32>
          %parallel_loop3A_691 = vector.extract_strided_slice %parallel_loop3A_690 {offsets = [0], sizes = [1], strides = [1]} : vector<16xf32> to vector<1xf32>
          %parallel_loop3A_692 = vector.extract %parallel_loop3A_691[0] : f32 from vector<1xf32>
          %parallel_loop3A_693 = arith.constant 16 : i32
          %parallel_loop3A_694 = arith.addi %parallel_loop3A_256, %parallel_loop3A_693 : i32
          %parallel_loop3A_695 = arith.constant 1 : i32
          %parallel_loop3A_696 = arith.index_cast %parallel_loop3A_695 : i32 to index
          %parallel_loop3A_697 = arith.index_cast %parallel_loop3A_238 : i32 to index
          %parallel_loop3A_698 = arith.index_cast %parallel_loop3A_694 : i32 to index
          %parallel_loop3A_699 = arith.constant 0 : index
          %parallel_loop3A_700 = tpu.vector_load %arg8[%parallel_loop3A_696, %parallel_loop3A_697, %parallel_loop3A_698, %parallel_loop3A_699] {strides = array<i32>} : memref<2x4x128x64xf32, #tpu.memory_space<vmem>>, vector<1x1x1x16xf32>,
          %parallel_loop3A_701 = vector.shape_cast %parallel_loop3A_700 : vector<1x1x1x16xf32> to vector<16xf32>
          %parallel_loop3A_702 = vector.broadcast %parallel_loop3A_692 : f32 to vector<16xf32>
          %parallel_loop3A_703 = arith.mulf %parallel_loop3A_702, %parallel_loop3A_701 : vector<16xf32>
          %parallel_loop3A_704 = arith.addf %parallel_loop3A_592, %parallel_loop3A_703 : vector<16xf32>
          %parallel_loop3A_705 = arith.constant 16 : i32
          %parallel_loop3A_706 = arith.addi %parallel_loop3A_256, %parallel_loop3A_705 : i32
          %parallel_loop3A_707 = arith.constant 1 : i32
          %parallel_loop3A_708 = arith.index_cast %parallel_loop3A_707 : i32 to index
          %parallel_loop3A_709 = arith.index_cast %parallel_loop3A_238 : i32 to index
          %parallel_loop3A_710 = arith.index_cast %parallel_loop3A_706 : i32 to index
          %parallel_loop3A_711 = arith.constant 16 : index
          %parallel_loop3A_712 = tpu.vector_load %arg8[%parallel_loop3A_708, %parallel_loop3A_709, %parallel_loop3A_710, %parallel_loop3A_711] {strides = array<i32>} : memref<2x4x128x64xf32, #tpu.memory_space<vmem>>, vector<1x1x1x16xf32>,
          %parallel_loop3A_713 = vector.shape_cast %parallel_loop3A_712 : vector<1x1x1x16xf32> to vector<16xf32>
          %parallel_loop3A_714 = vector.broadcast %parallel_loop3A_692 : f32 to vector<16xf32>
          %parallel_loop3A_715 = arith.mulf %parallel_loop3A_714, %parallel_loop3A_713 : vector<16xf32>
          %parallel_loop3A_716 = arith.addf %parallel_loop3A_604, %parallel_loop3A_715 : vector<16xf32>
          %parallel_loop3A_717 = vector.extract_strided_slice %parallel_loop3A_690 {offsets = [1], sizes = [1], strides = [1]} : vector<16xf32> to vector<1xf32>
          %parallel_loop3A_718 = vector.extract %parallel_loop3A_717[0] : f32 from vector<1xf32>
          %parallel_loop3A_719 = arith.constant 17 : i32
          %parallel_loop3A_720 = arith.addi %parallel_loop3A_256, %parallel_loop3A_719 : i32
          %parallel_loop3A_721 = arith.constant 1 : i32
          %parallel_loop3A_722 = arith.index_cast %parallel_loop3A_721 : i32 to index
          %parallel_loop3A_723 = arith.index_cast %parallel_loop3A_238 : i32 to index
          %parallel_loop3A_724 = arith.index_cast %parallel_loop3A_720 : i32 to index
          %parallel_loop3A_725 = arith.constant 0 : index
          %parallel_loop3A_726 = tpu.vector_load %arg8[%parallel_loop3A_722, %parallel_loop3A_723, %parallel_loop3A_724, %parallel_loop3A_725] {strides = array<i32>} : memref<2x4x128x64xf32, #tpu.memory_space<vmem>>, vector<1x1x1x16xf32>,
          %parallel_loop3A_727 = vector.shape_cast %parallel_loop3A_726 : vector<1x1x1x16xf32> to vector<16xf32>
          %parallel_loop3A_728 = vector.broadcast %parallel_loop3A_718 : f32 to vector<16xf32>
          %parallel_loop3A_729 = arith.mulf %parallel_loop3A_728, %parallel_loop3A_727 : vector<16xf32>
          %parallel_loop3A_730 = arith.addf %parallel_loop3A_618, %parallel_loop3A_729 : vector<16xf32>
          %parallel_loop3A_731 = arith.constant 17 : i32
          %parallel_loop3A_732 = arith.addi %parallel_loop3A_256, %parallel_loop3A_731 : i32
          %parallel_loop3A_733 = arith.constant 1 : i32
          %parallel_loop3A_734 = arith.index_cast %parallel_loop3A_733 : i32 to index
          %parallel_loop3A_735 = arith.index_cast %parallel_loop3A_238 : i32 to index
          %parallel_loop3A_736 = arith.index_cast %parallel_loop3A_732 : i32 to index
          %parallel_loop3A_737 = arith.constant 16 : index
          %parallel_loop3A_738 = tpu.vector_load %arg8[%parallel_loop3A_734, %parallel_loop3A_735, %parallel_loop3A_736, %parallel_loop3A_737] {strides = array<i32>} : memref<2x4x128x64xf32, #tpu.memory_space<vmem>>, vector<1x1x1x16xf32>,
          %parallel_loop3A_739 = vector.shape_cast %parallel_loop3A_738 : vector<1x1x1x16xf32> to vector<16xf32>
          %parallel_loop3A_740 = vector.broadcast %parallel_loop3A_718 : f32 to vector<16xf32>
          %parallel_loop3A_741 = arith.mulf %parallel_loop3A_740, %parallel_loop3A_739 : vector<16xf32>
          %parallel_loop3A_742 = arith.addf %parallel_loop3A_630, %parallel_loop3A_741 : vector<16xf32>
          %parallel_loop3A_743 = vector.extract_strided_slice %parallel_loop3A_690 {offsets = [2], sizes = [1], strides = [1]} : vector<16xf32> to vector<1xf32>
          %parallel_loop3A_744 = vector.extract %parallel_loop3A_743[0] : f32 from vector<1xf32>
          %parallel_loop3A_745 = arith.constant 18 : i32
          %parallel_loop3A_746 = arith.addi %parallel_loop3A_256, %parallel_loop3A_745 : i32
          %parallel_loop3A_747 = arith.constant 1 : i32
          %parallel_loop3A_748 = arith.index_cast %parallel_loop3A_747 : i32 to index
          %parallel_loop3A_749 = arith.index_cast %parallel_loop3A_238 : i32 to index
          %parallel_loop3A_750 = arith.index_cast %parallel_loop3A_746 : i32 to index
          %parallel_loop3A_751 = arith.constant 0 : index
          %parallel_loop3A_752 = tpu.vector_load %arg8[%parallel_loop3A_748, %parallel_loop3A_749, %parallel_loop3A_750, %parallel_loop3A_751] {strides = array<i32>} : memref<2x4x128x64xf32, #tpu.memory_space<vmem>>, vector<1x1x1x16xf32>,
          %parallel_loop3A_753 = vector.shape_cast %parallel_loop3A_752 : vector<1x1x1x16xf32> to vector<16xf32>
          %parallel_loop3A_754 = vector.broadcast %parallel_loop3A_744 : f32 to vector<16xf32>
          %parallel_loop3A_755 = arith.mulf %parallel_loop3A_754, %parallel_loop3A_753 : vector<16xf32>
          %parallel_loop3A_756 = arith.addf %parallel_loop3A_644, %parallel_loop3A_755 : vector<16xf32>
          %parallel_loop3A_757 = arith.constant 18 : i32
          %parallel_loop3A_758 = arith.addi %parallel_loop3A_256, %parallel_loop3A_757 : i32
          %parallel_loop3A_759 = arith.constant 1 : i32
          %parallel_loop3A_760 = arith.index_cast %parallel_loop3A_759 : i32 to index
          %parallel_loop3A_761 = arith.index_cast %parallel_loop3A_238 : i32 to index
          %parallel_loop3A_762 = arith.index_cast %parallel_loop3A_758 : i32 to index
          %parallel_loop3A_763 = arith.constant 16 : index
          %parallel_loop3A_764 = tpu.vector_load %arg8[%parallel_loop3A_760, %parallel_loop3A_761, %parallel_loop3A_762, %parallel_loop3A_763] {strides = array<i32>} : memref<2x4x128x64xf32, #tpu.memory_space<vmem>>, vector<1x1x1x16xf32>,
          %parallel_loop3A_765 = vector.shape_cast %parallel_loop3A_764 : vector<1x1x1x16xf32> to vector<16xf32>
          %parallel_loop3A_766 = vector.broadcast %parallel_loop3A_744 : f32 to vector<16xf32>
          %parallel_loop3A_767 = arith.mulf %parallel_loop3A_766, %parallel_loop3A_765 : vector<16xf32>
          %parallel_loop3A_768 = arith.addf %parallel_loop3A_656, %parallel_loop3A_767 : vector<16xf32>
          %parallel_loop3A_769 = vector.extract_strided_slice %parallel_loop3A_690 {offsets = [3], sizes = [1], strides = [1]} : vector<16xf32> to vector<1xf32>
          %parallel_loop3A_770 = vector.extract %parallel_loop3A_769[0] : f32 from vector<1xf32>
          %parallel_loop3A_771 = arith.constant 19 : i32
          %parallel_loop3A_772 = arith.addi %parallel_loop3A_256, %parallel_loop3A_771 : i32
          %parallel_loop3A_773 = arith.constant 1 : i32
          %parallel_loop3A_774 = arith.index_cast %parallel_loop3A_773 : i32 to index
          %parallel_loop3A_775 = arith.index_cast %parallel_loop3A_238 : i32 to index
          %parallel_loop3A_776 = arith.index_cast %parallel_loop3A_772 : i32 to index
          %parallel_loop3A_777 = arith.constant 0 : index
          %parallel_loop3A_778 = tpu.vector_load %arg8[%parallel_loop3A_774, %parallel_loop3A_775, %parallel_loop3A_776, %parallel_loop3A_777] {strides = array<i32>} : memref<2x4x128x64xf32, #tpu.memory_space<vmem>>, vector<1x1x1x16xf32>,
          %parallel_loop3A_779 = vector.shape_cast %parallel_loop3A_778 : vector<1x1x1x16xf32> to vector<16xf32>
          %parallel_loop3A_780 = vector.broadcast %parallel_loop3A_770 : f32 to vector<16xf32>
          %parallel_loop3A_781 = arith.mulf %parallel_loop3A_780, %parallel_loop3A_779 : vector<16xf32>
          %parallel_loop3A_782 = arith.addf %parallel_loop3A_670, %parallel_loop3A_781 : vector<16xf32>
          %parallel_loop3A_783 = arith.constant 19 : i32
          %parallel_loop3A_784 = arith.addi %parallel_loop3A_256, %parallel_loop3A_783 : i32
          %parallel_loop3A_785 = arith.constant 1 : i32
          %parallel_loop3A_786 = arith.index_cast %parallel_loop3A_785 : i32 to index
          %parallel_loop3A_787 = arith.index_cast %parallel_loop3A_238 : i32 to index
          %parallel_loop3A_788 = arith.index_cast %parallel_loop3A_784 : i32 to index
          %parallel_loop3A_789 = arith.constant 16 : index
          %parallel_loop3A_790 = tpu.vector_load %arg8[%parallel_loop3A_786, %parallel_loop3A_787, %parallel_loop3A_788, %parallel_loop3A_789] {strides = array<i32>} : memref<2x4x128x64xf32, #tpu.memory_space<vmem>>, vector<1x1x1x16xf32>,
          %parallel_loop3A_791 = vector.shape_cast %parallel_loop3A_790 : vector<1x1x1x16xf32> to vector<16xf32>
          %parallel_loop3A_792 = vector.broadcast %parallel_loop3A_770 : f32 to vector<16xf32>
          %parallel_loop3A_793 = arith.mulf %parallel_loop3A_792, %parallel_loop3A_791 : vector<16xf32>
          %parallel_loop3A_794 = arith.addf %parallel_loop3A_682, %parallel_loop3A_793 : vector<16xf32>
          %parallel_loop3A_795 = vector.extract_strided_slice %parallel_loop3A_690 {offsets = [4], sizes = [1], strides = [1]} : vector<16xf32> to vector<1xf32>
          %parallel_loop3A_796 = vector.extract %parallel_loop3A_795[0] : f32 from vector<1xf32>
          %parallel_loop3A_797 = arith.constant 20 : i32
          %parallel_loop3A_798 = arith.addi %parallel_loop3A_256, %parallel_loop3A_797 : i32
          %parallel_loop3A_799 = arith.constant 1 : i32
          %parallel_loop3A_800 = arith.index_cast %parallel_loop3A_799 : i32 to index
          %parallel_loop3A_801 = arith.index_cast %parallel_loop3A_238 : i32 to index
          %parallel_loop3A_802 = arith.index_cast %parallel_loop3A_798 : i32 to index
          %parallel_loop3A_803 = arith.constant 0 : index
          %parallel_loop3A_804 = tpu.vector_load %arg8[%parallel_loop3A_800, %parallel_loop3A_801, %parallel_loop3A_802, %parallel_loop3A_803] {strides = array<i32>} : memref<2x4x128x64xf32, #tpu.memory_space<vmem>>, vector<1x1x1x16xf32>,
          %parallel_loop3A_805 = vector.shape_cast %parallel_loop3A_804 : vector<1x1x1x16xf32> to vector<16xf32>
          %parallel_loop3A_806 = vector.broadcast %parallel_loop3A_796 : f32 to vector<16xf32>
          %parallel_loop3A_807 = arith.mulf %parallel_loop3A_806, %parallel_loop3A_805 : vector<16xf32>
          %parallel_loop3A_808 = arith.addf %parallel_loop3A_704, %parallel_loop3A_807 : vector<16xf32>
          %parallel_loop3A_809 = arith.constant 20 : i32
          %parallel_loop3A_810 = arith.addi %parallel_loop3A_256, %parallel_loop3A_809 : i32
          %parallel_loop3A_811 = arith.constant 1 : i32
          %parallel_loop3A_812 = arith.index_cast %parallel_loop3A_811 : i32 to index
          %parallel_loop3A_813 = arith.index_cast %parallel_loop3A_238 : i32 to index
          %parallel_loop3A_814 = arith.index_cast %parallel_loop3A_810 : i32 to index
          %parallel_loop3A_815 = arith.constant 16 : index
          %parallel_loop3A_816 = tpu.vector_load %arg8[%parallel_loop3A_812, %parallel_loop3A_813, %parallel_loop3A_814, %parallel_loop3A_815] {strides = array<i32>} : memref<2x4x128x64xf32, #tpu.memory_space<vmem>>, vector<1x1x1x16xf32>,
          %parallel_loop3A_817 = vector.shape_cast %parallel_loop3A_816 : vector<1x1x1x16xf32> to vector<16xf32>
          %parallel_loop3A_818 = vector.broadcast %parallel_loop3A_796 : f32 to vector<16xf32>
          %parallel_loop3A_819 = arith.mulf %parallel_loop3A_818, %parallel_loop3A_817 : vector<16xf32>
          %parallel_loop3A_820 = arith.addf %parallel_loop3A_716, %parallel_loop3A_819 : vector<16xf32>
          %parallel_loop3A_821 = vector.extract_strided_slice %parallel_loop3A_690 {offsets = [5], sizes = [1], strides = [1]} : vector<16xf32> to vector<1xf32>
          %parallel_loop3A_822 = vector.extract %parallel_loop3A_821[0] : f32 from vector<1xf32>
          %parallel_loop3A_823 = arith.constant 21 : i32
          %parallel_loop3A_824 = arith.addi %parallel_loop3A_256, %parallel_loop3A_823 : i32
          %parallel_loop3A_825 = arith.constant 1 : i32
          %parallel_loop3A_826 = arith.index_cast %parallel_loop3A_825 : i32 to index
          %parallel_loop3A_827 = arith.index_cast %parallel_loop3A_238 : i32 to index
          %parallel_loop3A_828 = arith.index_cast %parallel_loop3A_824 : i32 to index
          %parallel_loop3A_829 = arith.constant 0 : index
          %parallel_loop3A_830 = tpu.vector_load %arg8[%parallel_loop3A_826, %parallel_loop3A_827, %parallel_loop3A_828, %parallel_loop3A_829] {strides = array<i32>} : memref<2x4x128x64xf32, #tpu.memory_space<vmem>>, vector<1x1x1x16xf32>,
          %parallel_loop3A_831 = vector.shape_cast %parallel_loop3A_830 : vector<1x1x1x16xf32> to vector<16xf32>
          %parallel_loop3A_832 = vector.broadcast %parallel_loop3A_822 : f32 to vector<16xf32>
          %parallel_loop3A_833 = arith.mulf %parallel_loop3A_832, %parallel_loop3A_831 : vector<16xf32>
          %parallel_loop3A_834 = arith.addf %parallel_loop3A_730, %parallel_loop3A_833 : vector<16xf32>
          %parallel_loop3A_835 = arith.constant 21 : i32
          %parallel_loop3A_836 = arith.addi %parallel_loop3A_256, %parallel_loop3A_835 : i32
          %parallel_loop3A_837 = arith.constant 1 : i32
          %parallel_loop3A_838 = arith.index_cast %parallel_loop3A_837 : i32 to index
          %parallel_loop3A_839 = arith.index_cast %parallel_loop3A_238 : i32 to index
          %parallel_loop3A_840 = arith.index_cast %parallel_loop3A_836 : i32 to index
          %parallel_loop3A_841 = arith.constant 16 : index
          %parallel_loop3A_842 = tpu.vector_load %arg8[%parallel_loop3A_838, %parallel_loop3A_839, %parallel_loop3A_840, %parallel_loop3A_841] {strides = array<i32>} : memref<2x4x128x64xf32, #tpu.memory_space<vmem>>, vector<1x1x1x16xf32>,
          %parallel_loop3A_843 = vector.shape_cast %parallel_loop3A_842 : vector<1x1x1x16xf32> to vector<16xf32>
          %parallel_loop3A_844 = vector.broadcast %parallel_loop3A_822 : f32 to vector<16xf32>
          %parallel_loop3A_845 = arith.mulf %parallel_loop3A_844, %parallel_loop3A_843 : vector<16xf32>
          %parallel_loop3A_846 = arith.addf %parallel_loop3A_742, %parallel_loop3A_845 : vector<16xf32>
          %parallel_loop3A_847 = vector.extract_strided_slice %parallel_loop3A_690 {offsets = [6], sizes = [1], strides = [1]} : vector<16xf32> to vector<1xf32>
          %parallel_loop3A_848 = vector.extract %parallel_loop3A_847[0] : f32 from vector<1xf32>
          %parallel_loop3A_849 = arith.constant 22 : i32
          %parallel_loop3A_850 = arith.addi %parallel_loop3A_256, %parallel_loop3A_849 : i32
          %parallel_loop3A_851 = arith.constant 1 : i32
          %parallel_loop3A_852 = arith.index_cast %parallel_loop3A_851 : i32 to index
          %parallel_loop3A_853 = arith.index_cast %parallel_loop3A_238 : i32 to index
          %parallel_loop3A_854 = arith.index_cast %parallel_loop3A_850 : i32 to index
          %parallel_loop3A_855 = arith.constant 0 : index
          %parallel_loop3A_856 = tpu.vector_load %arg8[%parallel_loop3A_852, %parallel_loop3A_853, %parallel_loop3A_854, %parallel_loop3A_855] {strides = array<i32>} : memref<2x4x128x64xf32, #tpu.memory_space<vmem>>, vector<1x1x1x16xf32>,
          %parallel_loop3A_857 = vector.shape_cast %parallel_loop3A_856 : vector<1x1x1x16xf32> to vector<16xf32>
          %parallel_loop3A_858 = vector.broadcast %parallel_loop3A_848 : f32 to vector<16xf32>
          %parallel_loop3A_859 = arith.mulf %parallel_loop3A_858, %parallel_loop3A_857 : vector<16xf32>
          %parallel_loop3A_860 = arith.addf %parallel_loop3A_756, %parallel_loop3A_859 : vector<16xf32>
          %parallel_loop3A_861 = arith.constant 22 : i32
          %parallel_loop3A_862 = arith.addi %parallel_loop3A_256, %parallel_loop3A_861 : i32
          %parallel_loop3A_863 = arith.constant 1 : i32
          %parallel_loop3A_864 = arith.index_cast %parallel_loop3A_863 : i32 to index
          %parallel_loop3A_865 = arith.index_cast %parallel_loop3A_238 : i32 to index
          %parallel_loop3A_866 = arith.index_cast %parallel_loop3A_862 : i32 to index
          %parallel_loop3A_867 = arith.constant 16 : index
          %parallel_loop3A_868 = tpu.vector_load %arg8[%parallel_loop3A_864, %parallel_loop3A_865, %parallel_loop3A_866, %parallel_loop3A_867] {strides = array<i32>} : memref<2x4x128x64xf32, #tpu.memory_space<vmem>>, vector<1x1x1x16xf32>,
          %parallel_loop3A_869 = vector.shape_cast %parallel_loop3A_868 : vector<1x1x1x16xf32> to vector<16xf32>
          %parallel_loop3A_870 = vector.broadcast %parallel_loop3A_848 : f32 to vector<16xf32>
          %parallel_loop3A_871 = arith.mulf %parallel_loop3A_870, %parallel_loop3A_869 : vector<16xf32>
          %parallel_loop3A_872 = arith.addf %parallel_loop3A_768, %parallel_loop3A_871 : vector<16xf32>
          %parallel_loop3A_873 = vector.extract_strided_slice %parallel_loop3A_690 {offsets = [7], sizes = [1], strides = [1]} : vector<16xf32> to vector<1xf32>
          %parallel_loop3A_874 = vector.extract %parallel_loop3A_873[0] : f32 from vector<1xf32>
          %parallel_loop3A_875 = arith.constant 23 : i32
          %parallel_loop3A_876 = arith.addi %parallel_loop3A_256, %parallel_loop3A_875 : i32
          %parallel_loop3A_877 = arith.constant 1 : i32
          %parallel_loop3A_878 = arith.index_cast %parallel_loop3A_877 : i32 to index
          %parallel_loop3A_879 = arith.index_cast %parallel_loop3A_238 : i32 to index
          %parallel_loop3A_880 = arith.index_cast %parallel_loop3A_876 : i32 to index
          %parallel_loop3A_881 = arith.constant 0 : index
          %parallel_loop3A_882 = tpu.vector_load %arg8[%parallel_loop3A_878, %parallel_loop3A_879, %parallel_loop3A_880, %parallel_loop3A_881] {strides = array<i32>} : memref<2x4x128x64xf32, #tpu.memory_space<vmem>>, vector<1x1x1x16xf32>,
          %parallel_loop3A_883 = vector.shape_cast %parallel_loop3A_882 : vector<1x1x1x16xf32> to vector<16xf32>
          %parallel_loop3A_884 = vector.broadcast %parallel_loop3A_874 : f32 to vector<16xf32>
          %parallel_loop3A_885 = arith.mulf %parallel_loop3A_884, %parallel_loop3A_883 : vector<16xf32>
          %parallel_loop3A_886 = arith.addf %parallel_loop3A_782, %parallel_loop3A_885 : vector<16xf32>
          %parallel_loop3A_887 = arith.constant 23 : i32
          %parallel_loop3A_888 = arith.addi %parallel_loop3A_256, %parallel_loop3A_887 : i32
          %parallel_loop3A_889 = arith.constant 1 : i32
          %parallel_loop3A_890 = arith.index_cast %parallel_loop3A_889 : i32 to index
          %parallel_loop3A_891 = arith.index_cast %parallel_loop3A_238 : i32 to index
          %parallel_loop3A_892 = arith.index_cast %parallel_loop3A_888 : i32 to index
          %parallel_loop3A_893 = arith.constant 16 : index
          %parallel_loop3A_894 = tpu.vector_load %arg8[%parallel_loop3A_890, %parallel_loop3A_891, %parallel_loop3A_892, %parallel_loop3A_893] {strides = array<i32>} : memref<2x4x128x64xf32, #tpu.memory_space<vmem>>, vector<1x1x1x16xf32>,
          %parallel_loop3A_895 = vector.shape_cast %parallel_loop3A_894 : vector<1x1x1x16xf32> to vector<16xf32>
          %parallel_loop3A_896 = vector.broadcast %parallel_loop3A_874 : f32 to vector<16xf32>
          %parallel_loop3A_897 = arith.mulf %parallel_loop3A_896, %parallel_loop3A_895 : vector<16xf32>
          %parallel_loop3A_898 = arith.addf %parallel_loop3A_794, %parallel_loop3A_897 : vector<16xf32>
          %parallel_loop3A_899 = vector.extract_strided_slice %parallel_loop3A_690 {offsets = [8], sizes = [1], strides = [1]} : vector<16xf32> to vector<1xf32>
          %parallel_loop3A_900 = vector.extract %parallel_loop3A_899[0] : f32 from vector<1xf32>
          %parallel_loop3A_901 = arith.constant 24 : i32
          %parallel_loop3A_902 = arith.addi %parallel_loop3A_256, %parallel_loop3A_901 : i32
          %parallel_loop3A_903 = arith.constant 1 : i32
          %parallel_loop3A_904 = arith.index_cast %parallel_loop3A_903 : i32 to index
          %parallel_loop3A_905 = arith.index_cast %parallel_loop3A_238 : i32 to index
          %parallel_loop3A_906 = arith.index_cast %parallel_loop3A_902 : i32 to index
          %parallel_loop3A_907 = arith.constant 0 : index
          %parallel_loop3A_908 = tpu.vector_load %arg8[%parallel_loop3A_904, %parallel_loop3A_905, %parallel_loop3A_906, %parallel_loop3A_907] {strides = array<i32>} : memref<2x4x128x64xf32, #tpu.memory_space<vmem>>, vector<1x1x1x16xf32>,
          %parallel_loop3A_909 = vector.shape_cast %parallel_loop3A_908 : vector<1x1x1x16xf32> to vector<16xf32>
          %parallel_loop3A_910 = vector.broadcast %parallel_loop3A_900 : f32 to vector<16xf32>
          %parallel_loop3A_911 = arith.mulf %parallel_loop3A_910, %parallel_loop3A_909 : vector<16xf32>
          %parallel_loop3A_912 = arith.addf %parallel_loop3A_808, %parallel_loop3A_911 : vector<16xf32>
          %parallel_loop3A_913 = arith.constant 24 : i32
          %parallel_loop3A_914 = arith.addi %parallel_loop3A_256, %parallel_loop3A_913 : i32
          %parallel_loop3A_915 = arith.constant 1 : i32
          %parallel_loop3A_916 = arith.index_cast %parallel_loop3A_915 : i32 to index
          %parallel_loop3A_917 = arith.index_cast %parallel_loop3A_238 : i32 to index
          %parallel_loop3A_918 = arith.index_cast %parallel_loop3A_914 : i32 to index
          %parallel_loop3A_919 = arith.constant 16 : index
          %parallel_loop3A_920 = tpu.vector_load %arg8[%parallel_loop3A_916, %parallel_loop3A_917, %parallel_loop3A_918, %parallel_loop3A_919] {strides = array<i32>} : memref<2x4x128x64xf32, #tpu.memory_space<vmem>>, vector<1x1x1x16xf32>,
          %parallel_loop3A_921 = vector.shape_cast %parallel_loop3A_920 : vector<1x1x1x16xf32> to vector<16xf32>
          %parallel_loop3A_922 = vector.broadcast %parallel_loop3A_900 : f32 to vector<16xf32>
          %parallel_loop3A_923 = arith.mulf %parallel_loop3A_922, %parallel_loop3A_921 : vector<16xf32>
          %parallel_loop3A_924 = arith.addf %parallel_loop3A_820, %parallel_loop3A_923 : vector<16xf32>
          %parallel_loop3A_925 = vector.extract_strided_slice %parallel_loop3A_690 {offsets = [9], sizes = [1], strides = [1]} : vector<16xf32> to vector<1xf32>
          %parallel_loop3A_926 = vector.extract %parallel_loop3A_925[0] : f32 from vector<1xf32>
          %parallel_loop3A_927 = arith.constant 25 : i32
          %parallel_loop3A_928 = arith.addi %parallel_loop3A_256, %parallel_loop3A_927 : i32
          %parallel_loop3A_929 = arith.constant 1 : i32
          %parallel_loop3A_930 = arith.index_cast %parallel_loop3A_929 : i32 to index
          %parallel_loop3A_931 = arith.index_cast %parallel_loop3A_238 : i32 to index
          %parallel_loop3A_932 = arith.index_cast %parallel_loop3A_928 : i32 to index
          %parallel_loop3A_933 = arith.constant 0 : index
          %parallel_loop3A_934 = tpu.vector_load %arg8[%parallel_loop3A_930, %parallel_loop3A_931, %parallel_loop3A_932, %parallel_loop3A_933] {strides = array<i32>} : memref<2x4x128x64xf32, #tpu.memory_space<vmem>>, vector<1x1x1x16xf32>,
          %parallel_loop3A_935 = vector.shape_cast %parallel_loop3A_934 : vector<1x1x1x16xf32> to vector<16xf32>
          %parallel_loop3A_936 = vector.broadcast %parallel_loop3A_926 : f32 to vector<16xf32>
          %parallel_loop3A_937 = arith.mulf %parallel_loop3A_936, %parallel_loop3A_935 : vector<16xf32>
          %parallel_loop3A_938 = arith.addf %parallel_loop3A_834, %parallel_loop3A_937 : vector<16xf32>
          %parallel_loop3A_939 = arith.constant 25 : i32
          %parallel_loop3A_940 = arith.addi %parallel_loop3A_256, %parallel_loop3A_939 : i32
          %parallel_loop3A_941 = arith.constant 1 : i32
          %parallel_loop3A_942 = arith.index_cast %parallel_loop3A_941 : i32 to index
          %parallel_loop3A_943 = arith.index_cast %parallel_loop3A_238 : i32 to index
          %parallel_loop3A_944 = arith.index_cast %parallel_loop3A_940 : i32 to index
          %parallel_loop3A_945 = arith.constant 16 : index
          %parallel_loop3A_946 = tpu.vector_load %arg8[%parallel_loop3A_942, %parallel_loop3A_943, %parallel_loop3A_944, %parallel_loop3A_945] {strides = array<i32>} : memref<2x4x128x64xf32, #tpu.memory_space<vmem>>, vector<1x1x1x16xf32>,
          %parallel_loop3A_947 = vector.shape_cast %parallel_loop3A_946 : vector<1x1x1x16xf32> to vector<16xf32>
          %parallel_loop3A_948 = vector.broadcast %parallel_loop3A_926 : f32 to vector<16xf32>
          %parallel_loop3A_949 = arith.mulf %parallel_loop3A_948, %parallel_loop3A_947 : vector<16xf32>
          %parallel_loop3A_950 = arith.addf %parallel_loop3A_846, %parallel_loop3A_949 : vector<16xf32>
          %parallel_loop3A_951 = vector.extract_strided_slice %parallel_loop3A_690 {offsets = [10], sizes = [1], strides = [1]} : vector<16xf32> to vector<1xf32>
          %parallel_loop3A_952 = vector.extract %parallel_loop3A_951[0] : f32 from vector<1xf32>
          %parallel_loop3A_953 = arith.constant 26 : i32
          %parallel_loop3A_954 = arith.addi %parallel_loop3A_256, %parallel_loop3A_953 : i32
          %parallel_loop3A_955 = arith.constant 1 : i32
          %parallel_loop3A_956 = arith.index_cast %parallel_loop3A_955 : i32 to index
          %parallel_loop3A_957 = arith.index_cast %parallel_loop3A_238 : i32 to index
          %parallel_loop3A_958 = arith.index_cast %parallel_loop3A_954 : i32 to index
          %parallel_loop3A_959 = arith.constant 0 : index
          %parallel_loop3A_960 = tpu.vector_load %arg8[%parallel_loop3A_956, %parallel_loop3A_957, %parallel_loop3A_958, %parallel_loop3A_959] {strides = array<i32>} : memref<2x4x128x64xf32, #tpu.memory_space<vmem>>, vector<1x1x1x16xf32>,
          %parallel_loop3A_961 = vector.shape_cast %parallel_loop3A_960 : vector<1x1x1x16xf32> to vector<16xf32>
          %parallel_loop3A_962 = vector.broadcast %parallel_loop3A_952 : f32 to vector<16xf32>
          %parallel_loop3A_963 = arith.mulf %parallel_loop3A_962, %parallel_loop3A_961 : vector<16xf32>
          %parallel_loop3A_964 = arith.addf %parallel_loop3A_860, %parallel_loop3A_963 : vector<16xf32>
          %parallel_loop3A_965 = arith.constant 26 : i32
          %parallel_loop3A_966 = arith.addi %parallel_loop3A_256, %parallel_loop3A_965 : i32
          %parallel_loop3A_967 = arith.constant 1 : i32
          %parallel_loop3A_968 = arith.index_cast %parallel_loop3A_967 : i32 to index
          %parallel_loop3A_969 = arith.index_cast %parallel_loop3A_238 : i32 to index
          %parallel_loop3A_970 = arith.index_cast %parallel_loop3A_966 : i32 to index
          %parallel_loop3A_971 = arith.constant 16 : index
          %parallel_loop3A_972 = tpu.vector_load %arg8[%parallel_loop3A_968, %parallel_loop3A_969, %parallel_loop3A_970, %parallel_loop3A_971] {strides = array<i32>} : memref<2x4x128x64xf32, #tpu.memory_space<vmem>>, vector<1x1x1x16xf32>,
          %parallel_loop3A_973 = vector.shape_cast %parallel_loop3A_972 : vector<1x1x1x16xf32> to vector<16xf32>
          %parallel_loop3A_974 = vector.broadcast %parallel_loop3A_952 : f32 to vector<16xf32>
          %parallel_loop3A_975 = arith.mulf %parallel_loop3A_974, %parallel_loop3A_973 : vector<16xf32>
          %parallel_loop3A_976 = arith.addf %parallel_loop3A_872, %parallel_loop3A_975 : vector<16xf32>
          %parallel_loop3A_977 = vector.extract_strided_slice %parallel_loop3A_690 {offsets = [11], sizes = [1], strides = [1]} : vector<16xf32> to vector<1xf32>
          %parallel_loop3A_978 = vector.extract %parallel_loop3A_977[0] : f32 from vector<1xf32>
          %parallel_loop3A_979 = arith.constant 27 : i32
          %parallel_loop3A_980 = arith.addi %parallel_loop3A_256, %parallel_loop3A_979 : i32
          %parallel_loop3A_981 = arith.constant 1 : i32
          %parallel_loop3A_982 = arith.index_cast %parallel_loop3A_981 : i32 to index
          %parallel_loop3A_983 = arith.index_cast %parallel_loop3A_238 : i32 to index
          %parallel_loop3A_984 = arith.index_cast %parallel_loop3A_980 : i32 to index
          %parallel_loop3A_985 = arith.constant 0 : index
          %parallel_loop3A_986 = tpu.vector_load %arg8[%parallel_loop3A_982, %parallel_loop3A_983, %parallel_loop3A_984, %parallel_loop3A_985] {strides = array<i32>} : memref<2x4x128x64xf32, #tpu.memory_space<vmem>>, vector<1x1x1x16xf32>,
          %parallel_loop3A_987 = vector.shape_cast %parallel_loop3A_986 : vector<1x1x1x16xf32> to vector<16xf32>
          %parallel_loop3A_988 = vector.broadcast %parallel_loop3A_978 : f32 to vector<16xf32>
          %parallel_loop3A_989 = arith.mulf %parallel_loop3A_988, %parallel_loop3A_987 : vector<16xf32>
          %parallel_loop3A_990 = arith.addf %parallel_loop3A_886, %parallel_loop3A_989 : vector<16xf32>
          %parallel_loop3A_991 = arith.constant 27 : i32
          %parallel_loop3A_992 = arith.addi %parallel_loop3A_256, %parallel_loop3A_991 : i32
          %parallel_loop3A_993 = arith.constant 1 : i32
          %parallel_loop3A_994 = arith.index_cast %parallel_loop3A_993 : i32 to index
          %parallel_loop3A_995 = arith.index_cast %parallel_loop3A_238 : i32 to index
          %parallel_loop3A_996 = arith.index_cast %parallel_loop3A_992 : i32 to index
          %parallel_loop3A_997 = arith.constant 16 : index
          %parallel_loop3A_998 = tpu.vector_load %arg8[%parallel_loop3A_994, %parallel_loop3A_995, %parallel_loop3A_996, %parallel_loop3A_997] {strides = array<i32>} : memref<2x4x128x64xf32, #tpu.memory_space<vmem>>, vector<1x1x1x16xf32>,
          %parallel_loop3A_999 = vector.shape_cast %parallel_loop3A_998 : vector<1x1x1x16xf32> to vector<16xf32>
          %parallel_loop3A_1000 = vector.broadcast %parallel_loop3A_978 : f32 to vector<16xf32>
          %parallel_loop3A_1001 = arith.mulf %parallel_loop3A_1000, %parallel_loop3A_999 : vector<16xf32>
          %parallel_loop3A_1002 = arith.addf %parallel_loop3A_898, %parallel_loop3A_1001 : vector<16xf32>
          %parallel_loop3A_1003 = vector.extract_strided_slice %parallel_loop3A_690 {offsets = [12], sizes = [1], strides = [1]} : vector<16xf32> to vector<1xf32>
          %parallel_loop3A_1004 = vector.extract %parallel_loop3A_1003[0] : f32 from vector<1xf32>
          %parallel_loop3A_1005 = arith.constant 28 : i32
          %parallel_loop3A_1006 = arith.addi %parallel_loop3A_256, %parallel_loop3A_1005 : i32
          %parallel_loop3A_1007 = arith.constant 1 : i32
          %parallel_loop3A_1008 = arith.index_cast %parallel_loop3A_1007 : i32 to index
          %parallel_loop3A_1009 = arith.index_cast %parallel_loop3A_238 : i32 to index
          %parallel_loop3A_1010 = arith.index_cast %parallel_loop3A_1006 : i32 to index
          %parallel_loop3A_1011 = arith.constant 0 : index
          %parallel_loop3A_1012 = tpu.vector_load %arg8[%parallel_loop3A_1008, %parallel_loop3A_1009, %parallel_loop3A_1010, %parallel_loop3A_1011] {strides = array<i32>} : memref<2x4x128x64xf32, #tpu.memory_space<vmem>>, vector<1x1x1x16xf32>,
          %parallel_loop3A_1013 = vector.shape_cast %parallel_loop3A_1012 : vector<1x1x1x16xf32> to vector<16xf32>
          %parallel_loop3A_1014 = vector.broadcast %parallel_loop3A_1004 : f32 to vector<16xf32>
          %parallel_loop3A_1015 = arith.mulf %parallel_loop3A_1014, %parallel_loop3A_1013 : vector<16xf32>
          %parallel_loop3A_1016 = arith.addf %parallel_loop3A_912, %parallel_loop3A_1015 : vector<16xf32>
          %parallel_loop3A_1017 = arith.constant 28 : i32
          %parallel_loop3A_1018 = arith.addi %parallel_loop3A_256, %parallel_loop3A_1017 : i32
          %parallel_loop3A_1019 = arith.constant 1 : i32
          %parallel_loop3A_1020 = arith.index_cast %parallel_loop3A_1019 : i32 to index
          %parallel_loop3A_1021 = arith.index_cast %parallel_loop3A_238 : i32 to index
          %parallel_loop3A_1022 = arith.index_cast %parallel_loop3A_1018 : i32 to index
          %parallel_loop3A_1023 = arith.constant 16 : index
          %parallel_loop3A_1024 = tpu.vector_load %arg8[%parallel_loop3A_1020, %parallel_loop3A_1021, %parallel_loop3A_1022, %parallel_loop3A_1023] {strides = array<i32>} : memref<2x4x128x64xf32, #tpu.memory_space<vmem>>, vector<1x1x1x16xf32>,
          %parallel_loop3A_1025 = vector.shape_cast %parallel_loop3A_1024 : vector<1x1x1x16xf32> to vector<16xf32>
          %parallel_loop3A_1026 = vector.broadcast %parallel_loop3A_1004 : f32 to vector<16xf32>
          %parallel_loop3A_1027 = arith.mulf %parallel_loop3A_1026, %parallel_loop3A_1025 : vector<16xf32>
          %parallel_loop3A_1028 = arith.addf %parallel_loop3A_924, %parallel_loop3A_1027 : vector<16xf32>
          %parallel_loop3A_1029 = vector.extract_strided_slice %parallel_loop3A_690 {offsets = [13], sizes = [1], strides = [1]} : vector<16xf32> to vector<1xf32>
          %parallel_loop3A_1030 = vector.extract %parallel_loop3A_1029[0] : f32 from vector<1xf32>
          %parallel_loop3A_1031 = arith.constant 29 : i32
          %parallel_loop3A_1032 = arith.addi %parallel_loop3A_256, %parallel_loop3A_1031 : i32
          %parallel_loop3A_1033 = arith.constant 1 : i32
          %parallel_loop3A_1034 = arith.index_cast %parallel_loop3A_1033 : i32 to index
          %parallel_loop3A_1035 = arith.index_cast %parallel_loop3A_238 : i32 to index
          %parallel_loop3A_1036 = arith.index_cast %parallel_loop3A_1032 : i32 to index
          %parallel_loop3A_1037 = arith.constant 0 : index
          %parallel_loop3A_1038 = tpu.vector_load %arg8[%parallel_loop3A_1034, %parallel_loop3A_1035, %parallel_loop3A_1036, %parallel_loop3A_1037] {strides = array<i32>} : memref<2x4x128x64xf32, #tpu.memory_space<vmem>>, vector<1x1x1x16xf32>,
          %parallel_loop3A_1039 = vector.shape_cast %parallel_loop3A_1038 : vector<1x1x1x16xf32> to vector<16xf32>
          %parallel_loop3A_1040 = vector.broadcast %parallel_loop3A_1030 : f32 to vector<16xf32>
          %parallel_loop3A_1041 = arith.mulf %parallel_loop3A_1040, %parallel_loop3A_1039 : vector<16xf32>
          %parallel_loop3A_1042 = arith.addf %parallel_loop3A_938, %parallel_loop3A_1041 : vector<16xf32>
          %parallel_loop3A_1043 = arith.constant 29 : i32
          %parallel_loop3A_1044 = arith.addi %parallel_loop3A_256, %parallel_loop3A_1043 : i32
          %parallel_loop3A_1045 = arith.constant 1 : i32
          %parallel_loop3A_1046 = arith.index_cast %parallel_loop3A_1045 : i32 to index
          %parallel_loop3A_1047 = arith.index_cast %parallel_loop3A_238 : i32 to index
          %parallel_loop3A_1048 = arith.index_cast %parallel_loop3A_1044 : i32 to index
          %parallel_loop3A_1049 = arith.constant 16 : index
          %parallel_loop3A_1050 = tpu.vector_load %arg8[%parallel_loop3A_1046, %parallel_loop3A_1047, %parallel_loop3A_1048, %parallel_loop3A_1049] {strides = array<i32>} : memref<2x4x128x64xf32, #tpu.memory_space<vmem>>, vector<1x1x1x16xf32>,
          %parallel_loop3A_1051 = vector.shape_cast %parallel_loop3A_1050 : vector<1x1x1x16xf32> to vector<16xf32>
          %parallel_loop3A_1052 = vector.broadcast %parallel_loop3A_1030 : f32 to vector<16xf32>
          %parallel_loop3A_1053 = arith.mulf %parallel_loop3A_1052, %parallel_loop3A_1051 : vector<16xf32>
          %parallel_loop3A_1054 = arith.addf %parallel_loop3A_950, %parallel_loop3A_1053 : vector<16xf32>
          %parallel_loop3A_1055 = vector.extract_strided_slice %parallel_loop3A_690 {offsets = [14], sizes = [1], strides = [1]} : vector<16xf32> to vector<1xf32>
          %parallel_loop3A_1056 = vector.extract %parallel_loop3A_1055[0] : f32 from vector<1xf32>
          %parallel_loop3A_1057 = arith.constant 30 : i32
          %parallel_loop3A_1058 = arith.addi %parallel_loop3A_256, %parallel_loop3A_1057 : i32
          %parallel_loop3A_1059 = arith.constant 1 : i32
          %parallel_loop3A_1060 = arith.index_cast %parallel_loop3A_1059 : i32 to index
          %parallel_loop3A_1061 = arith.index_cast %parallel_loop3A_238 : i32 to index
          %parallel_loop3A_1062 = arith.index_cast %parallel_loop3A_1058 : i32 to index
          %parallel_loop3A_1063 = arith.constant 0 : index
          %parallel_loop3A_1064 = tpu.vector_load %arg8[%parallel_loop3A_1060, %parallel_loop3A_1061, %parallel_loop3A_1062, %parallel_loop3A_1063] {strides = array<i32>} : memref<2x4x128x64xf32, #tpu.memory_space<vmem>>, vector<1x1x1x16xf32>,
          %parallel_loop3A_1065 = vector.shape_cast %parallel_loop3A_1064 : vector<1x1x1x16xf32> to vector<16xf32>
          %parallel_loop3A_1066 = vector.broadcast %parallel_loop3A_1056 : f32 to vector<16xf32>
          %parallel_loop3A_1067 = arith.mulf %parallel_loop3A_1066, %parallel_loop3A_1065 : vector<16xf32>
          %parallel_loop3A_1068 = arith.addf %parallel_loop3A_964, %parallel_loop3A_1067 : vector<16xf32>
          %parallel_loop3A_1069 = arith.constant 30 : i32
          %parallel_loop3A_1070 = arith.addi %parallel_loop3A_256, %parallel_loop3A_1069 : i32
          %parallel_loop3A_1071 = arith.constant 1 : i32
          %parallel_loop3A_1072 = arith.index_cast %parallel_loop3A_1071 : i32 to index
          %parallel_loop3A_1073 = arith.index_cast %parallel_loop3A_238 : i32 to index
          %parallel_loop3A_1074 = arith.index_cast %parallel_loop3A_1070 : i32 to index
          %parallel_loop3A_1075 = arith.constant 16 : index
          %parallel_loop3A_1076 = tpu.vector_load %arg8[%parallel_loop3A_1072, %parallel_loop3A_1073, %parallel_loop3A_1074, %parallel_loop3A_1075] {strides = array<i32>} : memref<2x4x128x64xf32, #tpu.memory_space<vmem>>, vector<1x1x1x16xf32>,
          %parallel_loop3A_1077 = vector.shape_cast %parallel_loop3A_1076 : vector<1x1x1x16xf32> to vector<16xf32>
          %parallel_loop3A_1078 = vector.broadcast %parallel_loop3A_1056 : f32 to vector<16xf32>
          %parallel_loop3A_1079 = arith.mulf %parallel_loop3A_1078, %parallel_loop3A_1077 : vector<16xf32>
          %parallel_loop3A_1080 = arith.addf %parallel_loop3A_976, %parallel_loop3A_1079 : vector<16xf32>
          %parallel_loop3A_1081 = vector.extract_strided_slice %parallel_loop3A_690 {offsets = [15], sizes = [1], strides = [1]} : vector<16xf32> to vector<1xf32>
          %parallel_loop3A_1082 = vector.extract %parallel_loop3A_1081[0] : f32 from vector<1xf32>
          %parallel_loop3A_1083 = arith.constant 31 : i32
          %parallel_loop3A_1084 = arith.addi %parallel_loop3A_256, %parallel_loop3A_1083 : i32
          %parallel_loop3A_1085 = arith.constant 1 : i32
          %parallel_loop3A_1086 = arith.index_cast %parallel_loop3A_1085 : i32 to index
          %parallel_loop3A_1087 = arith.index_cast %parallel_loop3A_238 : i32 to index
          %parallel_loop3A_1088 = arith.index_cast %parallel_loop3A_1084 : i32 to index
          %parallel_loop3A_1089 = arith.constant 0 : index
          %parallel_loop3A_1090 = tpu.vector_load %arg8[%parallel_loop3A_1086, %parallel_loop3A_1087, %parallel_loop3A_1088, %parallel_loop3A_1089] {strides = array<i32>} : memref<2x4x128x64xf32, #tpu.memory_space<vmem>>, vector<1x1x1x16xf32>,
          %parallel_loop3A_1091 = vector.shape_cast %parallel_loop3A_1090 : vector<1x1x1x16xf32> to vector<16xf32>
          %parallel_loop3A_1092 = vector.broadcast %parallel_loop3A_1082 : f32 to vector<16xf32>
          %parallel_loop3A_1093 = arith.mulf %parallel_loop3A_1092, %parallel_loop3A_1091 : vector<16xf32>
          %parallel_loop3A_1094 = arith.addf %parallel_loop3A_990, %parallel_loop3A_1093 : vector<16xf32>
          %parallel_loop3A_1095 = arith.constant 31 : i32
          %parallel_loop3A_1096 = arith.addi %parallel_loop3A_256, %parallel_loop3A_1095 : i32
          %parallel_loop3A_1097 = arith.constant 1 : i32
          %parallel_loop3A_1098 = arith.index_cast %parallel_loop3A_1097 : i32 to index
          %parallel_loop3A_1099 = arith.index_cast %parallel_loop3A_238 : i32 to index
          %parallel_loop3A_1100 = arith.index_cast %parallel_loop3A_1096 : i32 to index
          %parallel_loop3A_1101 = arith.constant 16 : index
          %parallel_loop3A_1102 = tpu.vector_load %arg8[%parallel_loop3A_1098, %parallel_loop3A_1099, %parallel_loop3A_1100, %parallel_loop3A_1101] {strides = array<i32>} : memref<2x4x128x64xf32, #tpu.memory_space<vmem>>, vector<1x1x1x16xf32>,
          %parallel_loop3A_1103 = vector.shape_cast %parallel_loop3A_1102 : vector<1x1x1x16xf32> to vector<16xf32>
          %parallel_loop3A_1104 = vector.broadcast %parallel_loop3A_1082 : f32 to vector<16xf32>
          %parallel_loop3A_1105 = arith.mulf %parallel_loop3A_1104, %parallel_loop3A_1103 : vector<16xf32>
          %parallel_loop3A_1106 = arith.addf %parallel_loop3A_1002, %parallel_loop3A_1105 : vector<16xf32>
          %parallel_loop3A_1107 = arith.constant 32 : i32
          %parallel_loop3A_1108 = arith.addi %parallel_loop3A_256, %parallel_loop3A_1107 : i32
          %parallel_loop3A_1109 = arith.constant 1 : i32
          %parallel_loop3A_1110 = arith.index_cast %parallel_loop3A_1109 : i32 to index
          %parallel_loop3A_1111 = arith.index_cast %parallel_loop3A_238 : i32 to index
          %parallel_loop3A_1112 = arith.index_cast %parallel_loop3A_1108 : i32 to index
          %parallel_loop3A_1113 = tpu.vector_load %arg7[%parallel_loop3A_1110, %parallel_loop3A_1111, %parallel_loop3A_1112] {strides = array<i32>} : memref<2x8x128xf32, #tpu.memory_space<vmem>>, vector<1x1x16xf32>,
          %parallel_loop3A_1114 = vector.shape_cast %parallel_loop3A_1113 : vector<1x1x16xf32> to vector<16xf32>
          %parallel_loop3A_1115 = vector.extract_strided_slice %parallel_loop3A_1114 {offsets = [0], sizes = [1], strides = [1]} : vector<16xf32> to vector<1xf32>
          %parallel_loop3A_1116 = vector.extract %parallel_loop3A_1115[0] : f32 from vector<1xf32>
          %parallel_loop3A_1117 = arith.constant 32 : i32
          %parallel_loop3A_1118 = arith.addi %parallel_loop3A_256, %parallel_loop3A_1117 : i32
          %parallel_loop3A_1119 = arith.constant 1 : i32
          %parallel_loop3A_1120 = arith.index_cast %parallel_loop3A_1119 : i32 to index
          %parallel_loop3A_1121 = arith.index_cast %parallel_loop3A_238 : i32 to index
          %parallel_loop3A_1122 = arith.index_cast %parallel_loop3A_1118 : i32 to index
          %parallel_loop3A_1123 = arith.constant 0 : index
          %parallel_loop3A_1124 = tpu.vector_load %arg8[%parallel_loop3A_1120, %parallel_loop3A_1121, %parallel_loop3A_1122, %parallel_loop3A_1123] {strides = array<i32>} : memref<2x4x128x64xf32, #tpu.memory_space<vmem>>, vector<1x1x1x16xf32>,
          %parallel_loop3A_1125 = vector.shape_cast %parallel_loop3A_1124 : vector<1x1x1x16xf32> to vector<16xf32>
          %parallel_loop3A_1126 = vector.broadcast %parallel_loop3A_1116 : f32 to vector<16xf32>
          %parallel_loop3A_1127 = arith.mulf %parallel_loop3A_1126, %parallel_loop3A_1125 : vector<16xf32>
          %parallel_loop3A_1128 = arith.addf %parallel_loop3A_1016, %parallel_loop3A_1127 : vector<16xf32>
          %parallel_loop3A_1129 = arith.constant 32 : i32
          %parallel_loop3A_1130 = arith.addi %parallel_loop3A_256, %parallel_loop3A_1129 : i32
          %parallel_loop3A_1131 = arith.constant 1 : i32
          %parallel_loop3A_1132 = arith.index_cast %parallel_loop3A_1131 : i32 to index
          %parallel_loop3A_1133 = arith.index_cast %parallel_loop3A_238 : i32 to index
          %parallel_loop3A_1134 = arith.index_cast %parallel_loop3A_1130 : i32 to index
          %parallel_loop3A_1135 = arith.constant 16 : index
          %parallel_loop3A_1136 = tpu.vector_load %arg8[%parallel_loop3A_1132, %parallel_loop3A_1133, %parallel_loop3A_1134, %parallel_loop3A_1135] {strides = array<i32>} : memref<2x4x128x64xf32, #tpu.memory_space<vmem>>, vector<1x1x1x16xf32>,
          %parallel_loop3A_1137 = vector.shape_cast %parallel_loop3A_1136 : vector<1x1x1x16xf32> to vector<16xf32>
          %parallel_loop3A_1138 = vector.broadcast %parallel_loop3A_1116 : f32 to vector<16xf32>
          %parallel_loop3A_1139 = arith.mulf %parallel_loop3A_1138, %parallel_loop3A_1137 : vector<16xf32>
          %parallel_loop3A_1140 = arith.addf %parallel_loop3A_1028, %parallel_loop3A_1139 : vector<16xf32>
          %parallel_loop3A_1141 = vector.extract_strided_slice %parallel_loop3A_1114 {offsets = [1], sizes = [1], strides = [1]} : vector<16xf32> to vector<1xf32>
          %parallel_loop3A_1142 = vector.extract %parallel_loop3A_1141[0] : f32 from vector<1xf32>
          %parallel_loop3A_1143 = arith.constant 33 : i32
          %parallel_loop3A_1144 = arith.addi %parallel_loop3A_256, %parallel_loop3A_1143 : i32
          %parallel_loop3A_1145 = arith.constant 1 : i32
          %parallel_loop3A_1146 = arith.index_cast %parallel_loop3A_1145 : i32 to index
          %parallel_loop3A_1147 = arith.index_cast %parallel_loop3A_238 : i32 to index
          %parallel_loop3A_1148 = arith.index_cast %parallel_loop3A_1144 : i32 to index
          %parallel_loop3A_1149 = arith.constant 0 : index
          %parallel_loop3A_1150 = tpu.vector_load %arg8[%parallel_loop3A_1146, %parallel_loop3A_1147, %parallel_loop3A_1148, %parallel_loop3A_1149] {strides = array<i32>} : memref<2x4x128x64xf32, #tpu.memory_space<vmem>>, vector<1x1x1x16xf32>,
          %parallel_loop3A_1151 = vector.shape_cast %parallel_loop3A_1150 : vector<1x1x1x16xf32> to vector<16xf32>
          %parallel_loop3A_1152 = vector.broadcast %parallel_loop3A_1142 : f32 to vector<16xf32>
          %parallel_loop3A_1153 = arith.mulf %parallel_loop3A_1152, %parallel_loop3A_1151 : vector<16xf32>
          %parallel_loop3A_1154 = arith.addf %parallel_loop3A_1042, %parallel_loop3A_1153 : vector<16xf32>
          %parallel_loop3A_1155 = arith.constant 33 : i32
          %parallel_loop3A_1156 = arith.addi %parallel_loop3A_256, %parallel_loop3A_1155 : i32
          %parallel_loop3A_1157 = arith.constant 1 : i32
          %parallel_loop3A_1158 = arith.index_cast %parallel_loop3A_1157 : i32 to index
          %parallel_loop3A_1159 = arith.index_cast %parallel_loop3A_238 : i32 to index
          %parallel_loop3A_1160 = arith.index_cast %parallel_loop3A_1156 : i32 to index
          %parallel_loop3A_1161 = arith.constant 16 : index
          %parallel_loop3A_1162 = tpu.vector_load %arg8[%parallel_loop3A_1158, %parallel_loop3A_1159, %parallel_loop3A_1160, %parallel_loop3A_1161] {strides = array<i32>} : memref<2x4x128x64xf32, #tpu.memory_space<vmem>>, vector<1x1x1x16xf32>,
          %parallel_loop3A_1163 = vector.shape_cast %parallel_loop3A_1162 : vector<1x1x1x16xf32> to vector<16xf32>
          %parallel_loop3A_1164 = vector.broadcast %parallel_loop3A_1142 : f32 to vector<16xf32>
          %parallel_loop3A_1165 = arith.mulf %parallel_loop3A_1164, %parallel_loop3A_1163 : vector<16xf32>
          %parallel_loop3A_1166 = arith.addf %parallel_loop3A_1054, %parallel_loop3A_1165 : vector<16xf32>
          %parallel_loop3A_1167 = vector.extract_strided_slice %parallel_loop3A_1114 {offsets = [2], sizes = [1], strides = [1]} : vector<16xf32> to vector<1xf32>
          %parallel_loop3A_1168 = vector.extract %parallel_loop3A_1167[0] : f32 from vector<1xf32>
          %parallel_loop3A_1169 = arith.constant 34 : i32
          %parallel_loop3A_1170 = arith.addi %parallel_loop3A_256, %parallel_loop3A_1169 : i32
          %parallel_loop3A_1171 = arith.constant 1 : i32
          %parallel_loop3A_1172 = arith.index_cast %parallel_loop3A_1171 : i32 to index
          %parallel_loop3A_1173 = arith.index_cast %parallel_loop3A_238 : i32 to index
          %parallel_loop3A_1174 = arith.index_cast %parallel_loop3A_1170 : i32 to index
          %parallel_loop3A_1175 = arith.constant 0 : index
          %parallel_loop3A_1176 = tpu.vector_load %arg8[%parallel_loop3A_1172, %parallel_loop3A_1173, %parallel_loop3A_1174, %parallel_loop3A_1175] {strides = array<i32>} : memref<2x4x128x64xf32, #tpu.memory_space<vmem>>, vector<1x1x1x16xf32>,
          %parallel_loop3A_1177 = vector.shape_cast %parallel_loop3A_1176 : vector<1x1x1x16xf32> to vector<16xf32>
          %parallel_loop3A_1178 = vector.broadcast %parallel_loop3A_1168 : f32 to vector<16xf32>
          %parallel_loop3A_1179 = arith.mulf %parallel_loop3A_1178, %parallel_loop3A_1177 : vector<16xf32>
          %parallel_loop3A_1180 = arith.addf %parallel_loop3A_1068, %parallel_loop3A_1179 : vector<16xf32>
          %parallel_loop3A_1181 = arith.constant 34 : i32
          %parallel_loop3A_1182 = arith.addi %parallel_loop3A_256, %parallel_loop3A_1181 : i32
          %parallel_loop3A_1183 = arith.constant 1 : i32
          %parallel_loop3A_1184 = arith.index_cast %parallel_loop3A_1183 : i32 to index
          %parallel_loop3A_1185 = arith.index_cast %parallel_loop3A_238 : i32 to index
          %parallel_loop3A_1186 = arith.index_cast %parallel_loop3A_1182 : i32 to index
          %parallel_loop3A_1187 = arith.constant 16 : index
          %parallel_loop3A_1188 = tpu.vector_load %arg8[%parallel_loop3A_1184, %parallel_loop3A_1185, %parallel_loop3A_1186, %parallel_loop3A_1187] {strides = array<i32>} : memref<2x4x128x64xf32, #tpu.memory_space<vmem>>, vector<1x1x1x16xf32>,
          %parallel_loop3A_1189 = vector.shape_cast %parallel_loop3A_1188 : vector<1x1x1x16xf32> to vector<16xf32>
          %parallel_loop3A_1190 = vector.broadcast %parallel_loop3A_1168 : f32 to vector<16xf32>
          %parallel_loop3A_1191 = arith.mulf %parallel_loop3A_1190, %parallel_loop3A_1189 : vector<16xf32>
          %parallel_loop3A_1192 = arith.addf %parallel_loop3A_1080, %parallel_loop3A_1191 : vector<16xf32>
          %parallel_loop3A_1193 = vector.extract_strided_slice %parallel_loop3A_1114 {offsets = [3], sizes = [1], strides = [1]} : vector<16xf32> to vector<1xf32>
          %parallel_loop3A_1194 = vector.extract %parallel_loop3A_1193[0] : f32 from vector<1xf32>
          %parallel_loop3A_1195 = arith.constant 35 : i32
          %parallel_loop3A_1196 = arith.addi %parallel_loop3A_256, %parallel_loop3A_1195 : i32
          %parallel_loop3A_1197 = arith.constant 1 : i32
          %parallel_loop3A_1198 = arith.index_cast %parallel_loop3A_1197 : i32 to index
          %parallel_loop3A_1199 = arith.index_cast %parallel_loop3A_238 : i32 to index
          %parallel_loop3A_1200 = arith.index_cast %parallel_loop3A_1196 : i32 to index
          %parallel_loop3A_1201 = arith.constant 0 : index
          %parallel_loop3A_1202 = tpu.vector_load %arg8[%parallel_loop3A_1198, %parallel_loop3A_1199, %parallel_loop3A_1200, %parallel_loop3A_1201] {strides = array<i32>} : memref<2x4x128x64xf32, #tpu.memory_space<vmem>>, vector<1x1x1x16xf32>,
          %parallel_loop3A_1203 = vector.shape_cast %parallel_loop3A_1202 : vector<1x1x1x16xf32> to vector<16xf32>
          %parallel_loop3A_1204 = vector.broadcast %parallel_loop3A_1194 : f32 to vector<16xf32>
          %parallel_loop3A_1205 = arith.mulf %parallel_loop3A_1204, %parallel_loop3A_1203 : vector<16xf32>
          %parallel_loop3A_1206 = arith.addf %parallel_loop3A_1094, %parallel_loop3A_1205 : vector<16xf32>
          %parallel_loop3A_1207 = arith.constant 35 : i32
          %parallel_loop3A_1208 = arith.addi %parallel_loop3A_256, %parallel_loop3A_1207 : i32
          %parallel_loop3A_1209 = arith.constant 1 : i32
          %parallel_loop3A_1210 = arith.index_cast %parallel_loop3A_1209 : i32 to index
          %parallel_loop3A_1211 = arith.index_cast %parallel_loop3A_238 : i32 to index
          %parallel_loop3A_1212 = arith.index_cast %parallel_loop3A_1208 : i32 to index
          %parallel_loop3A_1213 = arith.constant 16 : index
          %parallel_loop3A_1214 = tpu.vector_load %arg8[%parallel_loop3A_1210, %parallel_loop3A_1211, %parallel_loop3A_1212, %parallel_loop3A_1213] {strides = array<i32>} : memref<2x4x128x64xf32, #tpu.memory_space<vmem>>, vector<1x1x1x16xf32>,
          %parallel_loop3A_1215 = vector.shape_cast %parallel_loop3A_1214 : vector<1x1x1x16xf32> to vector<16xf32>
          %parallel_loop3A_1216 = vector.broadcast %parallel_loop3A_1194 : f32 to vector<16xf32>
          %parallel_loop3A_1217 = arith.mulf %parallel_loop3A_1216, %parallel_loop3A_1215 : vector<16xf32>
          %parallel_loop3A_1218 = arith.addf %parallel_loop3A_1106, %parallel_loop3A_1217 : vector<16xf32>
          %parallel_loop3A_1219 = vector.extract_strided_slice %parallel_loop3A_1114 {offsets = [4], sizes = [1], strides = [1]} : vector<16xf32> to vector<1xf32>
          %parallel_loop3A_1220 = vector.extract %parallel_loop3A_1219[0] : f32 from vector<1xf32>
          %parallel_loop3A_1221 = arith.constant 36 : i32
          %parallel_loop3A_1222 = arith.addi %parallel_loop3A_256, %parallel_loop3A_1221 : i32
          %parallel_loop3A_1223 = arith.constant 1 : i32
          %parallel_loop3A_1224 = arith.index_cast %parallel_loop3A_1223 : i32 to index
          %parallel_loop3A_1225 = arith.index_cast %parallel_loop3A_238 : i32 to index
          %parallel_loop3A_1226 = arith.index_cast %parallel_loop3A_1222 : i32 to index
          %parallel_loop3A_1227 = arith.constant 0 : index
          %parallel_loop3A_1228 = tpu.vector_load %arg8[%parallel_loop3A_1224, %parallel_loop3A_1225, %parallel_loop3A_1226, %parallel_loop3A_1227] {strides = array<i32>} : memref<2x4x128x64xf32, #tpu.memory_space<vmem>>, vector<1x1x1x16xf32>,
          %parallel_loop3A_1229 = vector.shape_cast %parallel_loop3A_1228 : vector<1x1x1x16xf32> to vector<16xf32>
          %parallel_loop3A_1230 = vector.broadcast %parallel_loop3A_1220 : f32 to vector<16xf32>
          %parallel_loop3A_1231 = arith.mulf %parallel_loop3A_1230, %parallel_loop3A_1229 : vector<16xf32>
          %parallel_loop3A_1232 = arith.addf %parallel_loop3A_1128, %parallel_loop3A_1231 : vector<16xf32>
          %parallel_loop3A_1233 = arith.constant 36 : i32
          %parallel_loop3A_1234 = arith.addi %parallel_loop3A_256, %parallel_loop3A_1233 : i32
          %parallel_loop3A_1235 = arith.constant 1 : i32
          %parallel_loop3A_1236 = arith.index_cast %parallel_loop3A_1235 : i32 to index
          %parallel_loop3A_1237 = arith.index_cast %parallel_loop3A_238 : i32 to index
          %parallel_loop3A_1238 = arith.index_cast %parallel_loop3A_1234 : i32 to index
          %parallel_loop3A_1239 = arith.constant 16 : index
          %parallel_loop3A_1240 = tpu.vector_load %arg8[%parallel_loop3A_1236, %parallel_loop3A_1237, %parallel_loop3A_1238, %parallel_loop3A_1239] {strides = array<i32>} : memref<2x4x128x64xf32, #tpu.memory_space<vmem>>, vector<1x1x1x16xf32>,
          %parallel_loop3A_1241 = vector.shape_cast %parallel_loop3A_1240 : vector<1x1x1x16xf32> to vector<16xf32>
          %parallel_loop3A_1242 = vector.broadcast %parallel_loop3A_1220 : f32 to vector<16xf32>
          %parallel_loop3A_1243 = arith.mulf %parallel_loop3A_1242, %parallel_loop3A_1241 : vector<16xf32>
          %parallel_loop3A_1244 = arith.addf %parallel_loop3A_1140, %parallel_loop3A_1243 : vector<16xf32>
          %parallel_loop3A_1245 = vector.extract_strided_slice %parallel_loop3A_1114 {offsets = [5], sizes = [1], strides = [1]} : vector<16xf32> to vector<1xf32>
          %parallel_loop3A_1246 = vector.extract %parallel_loop3A_1245[0] : f32 from vector<1xf32>
          %parallel_loop3A_1247 = arith.constant 37 : i32
          %parallel_loop3A_1248 = arith.addi %parallel_loop3A_256, %parallel_loop3A_1247 : i32
          %parallel_loop3A_1249 = arith.constant 1 : i32
          %parallel_loop3A_1250 = arith.index_cast %parallel_loop3A_1249 : i32 to index
          %parallel_loop3A_1251 = arith.index_cast %parallel_loop3A_238 : i32 to index
          %parallel_loop3A_1252 = arith.index_cast %parallel_loop3A_1248 : i32 to index
          %parallel_loop3A_1253 = arith.constant 0 : index
          %parallel_loop3A_1254 = tpu.vector_load %arg8[%parallel_loop3A_1250, %parallel_loop3A_1251, %parallel_loop3A_1252, %parallel_loop3A_1253] {strides = array<i32>} : memref<2x4x128x64xf32, #tpu.memory_space<vmem>>, vector<1x1x1x16xf32>,
          %parallel_loop3A_1255 = vector.shape_cast %parallel_loop3A_1254 : vector<1x1x1x16xf32> to vector<16xf32>
          %parallel_loop3A_1256 = vector.broadcast %parallel_loop3A_1246 : f32 to vector<16xf32>
          %parallel_loop3A_1257 = arith.mulf %parallel_loop3A_1256, %parallel_loop3A_1255 : vector<16xf32>
          %parallel_loop3A_1258 = arith.addf %parallel_loop3A_1154, %parallel_loop3A_1257 : vector<16xf32>
          %parallel_loop3A_1259 = arith.constant 37 : i32
          %parallel_loop3A_1260 = arith.addi %parallel_loop3A_256, %parallel_loop3A_1259 : i32
          %parallel_loop3A_1261 = arith.constant 1 : i32
          %parallel_loop3A_1262 = arith.index_cast %parallel_loop3A_1261 : i32 to index
          %parallel_loop3A_1263 = arith.index_cast %parallel_loop3A_238 : i32 to index
          %parallel_loop3A_1264 = arith.index_cast %parallel_loop3A_1260 : i32 to index
          %parallel_loop3A_1265 = arith.constant 16 : index
          %parallel_loop3A_1266 = tpu.vector_load %arg8[%parallel_loop3A_1262, %parallel_loop3A_1263, %parallel_loop3A_1264, %parallel_loop3A_1265] {strides = array<i32>} : memref<2x4x128x64xf32, #tpu.memory_space<vmem>>, vector<1x1x1x16xf32>,
          %parallel_loop3A_1267 = vector.shape_cast %parallel_loop3A_1266 : vector<1x1x1x16xf32> to vector<16xf32>
          %parallel_loop3A_1268 = vector.broadcast %parallel_loop3A_1246 : f32 to vector<16xf32>
          %parallel_loop3A_1269 = arith.mulf %parallel_loop3A_1268, %parallel_loop3A_1267 : vector<16xf32>
          %parallel_loop3A_1270 = arith.addf %parallel_loop3A_1166, %parallel_loop3A_1269 : vector<16xf32>
          %parallel_loop3A_1271 = vector.extract_strided_slice %parallel_loop3A_1114 {offsets = [6], sizes = [1], strides = [1]} : vector<16xf32> to vector<1xf32>
          %parallel_loop3A_1272 = vector.extract %parallel_loop3A_1271[0] : f32 from vector<1xf32>
          %parallel_loop3A_1273 = arith.constant 38 : i32
          %parallel_loop3A_1274 = arith.addi %parallel_loop3A_256, %parallel_loop3A_1273 : i32
          %parallel_loop3A_1275 = arith.constant 1 : i32
          %parallel_loop3A_1276 = arith.index_cast %parallel_loop3A_1275 : i32 to index
          %parallel_loop3A_1277 = arith.index_cast %parallel_loop3A_238 : i32 to index
          %parallel_loop3A_1278 = arith.index_cast %parallel_loop3A_1274 : i32 to index
          %parallel_loop3A_1279 = arith.constant 0 : index
          %parallel_loop3A_1280 = tpu.vector_load %arg8[%parallel_loop3A_1276, %parallel_loop3A_1277, %parallel_loop3A_1278, %parallel_loop3A_1279] {strides = array<i32>} : memref<2x4x128x64xf32, #tpu.memory_space<vmem>>, vector<1x1x1x16xf32>,
          %parallel_loop3A_1281 = vector.shape_cast %parallel_loop3A_1280 : vector<1x1x1x16xf32> to vector<16xf32>
          %parallel_loop3A_1282 = vector.broadcast %parallel_loop3A_1272 : f32 to vector<16xf32>
          %parallel_loop3A_1283 = arith.mulf %parallel_loop3A_1282, %parallel_loop3A_1281 : vector<16xf32>
          %parallel_loop3A_1284 = arith.addf %parallel_loop3A_1180, %parallel_loop3A_1283 : vector<16xf32>
          %parallel_loop3A_1285 = arith.constant 38 : i32
          %parallel_loop3A_1286 = arith.addi %parallel_loop3A_256, %parallel_loop3A_1285 : i32
          %parallel_loop3A_1287 = arith.constant 1 : i32
          %parallel_loop3A_1288 = arith.index_cast %parallel_loop3A_1287 : i32 to index
          %parallel_loop3A_1289 = arith.index_cast %parallel_loop3A_238 : i32 to index
          %parallel_loop3A_1290 = arith.index_cast %parallel_loop3A_1286 : i32 to index
          %parallel_loop3A_1291 = arith.constant 16 : index
          %parallel_loop3A_1292 = tpu.vector_load %arg8[%parallel_loop3A_1288, %parallel_loop3A_1289, %parallel_loop3A_1290, %parallel_loop3A_1291] {strides = array<i32>} : memref<2x4x128x64xf32, #tpu.memory_space<vmem>>, vector<1x1x1x16xf32>,
          %parallel_loop3A_1293 = vector.shape_cast %parallel_loop3A_1292 : vector<1x1x1x16xf32> to vector<16xf32>
          %parallel_loop3A_1294 = vector.broadcast %parallel_loop3A_1272 : f32 to vector<16xf32>
          %parallel_loop3A_1295 = arith.mulf %parallel_loop3A_1294, %parallel_loop3A_1293 : vector<16xf32>
          %parallel_loop3A_1296 = arith.addf %parallel_loop3A_1192, %parallel_loop3A_1295 : vector<16xf32>
          %parallel_loop3A_1297 = vector.extract_strided_slice %parallel_loop3A_1114 {offsets = [7], sizes = [1], strides = [1]} : vector<16xf32> to vector<1xf32>
          %parallel_loop3A_1298 = vector.extract %parallel_loop3A_1297[0] : f32 from vector<1xf32>
          %parallel_loop3A_1299 = arith.constant 39 : i32
          %parallel_loop3A_1300 = arith.addi %parallel_loop3A_256, %parallel_loop3A_1299 : i32
          %parallel_loop3A_1301 = arith.constant 1 : i32
          %parallel_loop3A_1302 = arith.index_cast %parallel_loop3A_1301 : i32 to index
          %parallel_loop3A_1303 = arith.index_cast %parallel_loop3A_238 : i32 to index
          %parallel_loop3A_1304 = arith.index_cast %parallel_loop3A_1300 : i32 to index
          %parallel_loop3A_1305 = arith.constant 0 : index
          %parallel_loop3A_1306 = tpu.vector_load %arg8[%parallel_loop3A_1302, %parallel_loop3A_1303, %parallel_loop3A_1304, %parallel_loop3A_1305] {strides = array<i32>} : memref<2x4x128x64xf32, #tpu.memory_space<vmem>>, vector<1x1x1x16xf32>,
          %parallel_loop3A_1307 = vector.shape_cast %parallel_loop3A_1306 : vector<1x1x1x16xf32> to vector<16xf32>
          %parallel_loop3A_1308 = vector.broadcast %parallel_loop3A_1298 : f32 to vector<16xf32>
          %parallel_loop3A_1309 = arith.mulf %parallel_loop3A_1308, %parallel_loop3A_1307 : vector<16xf32>
          %parallel_loop3A_1310 = arith.addf %parallel_loop3A_1206, %parallel_loop3A_1309 : vector<16xf32>
          %parallel_loop3A_1311 = arith.constant 39 : i32
          %parallel_loop3A_1312 = arith.addi %parallel_loop3A_256, %parallel_loop3A_1311 : i32
          %parallel_loop3A_1313 = arith.constant 1 : i32
          %parallel_loop3A_1314 = arith.index_cast %parallel_loop3A_1313 : i32 to index
          %parallel_loop3A_1315 = arith.index_cast %parallel_loop3A_238 : i32 to index
          %parallel_loop3A_1316 = arith.index_cast %parallel_loop3A_1312 : i32 to index
          %parallel_loop3A_1317 = arith.constant 16 : index
          %parallel_loop3A_1318 = tpu.vector_load %arg8[%parallel_loop3A_1314, %parallel_loop3A_1315, %parallel_loop3A_1316, %parallel_loop3A_1317] {strides = array<i32>} : memref<2x4x128x64xf32, #tpu.memory_space<vmem>>, vector<1x1x1x16xf32>,
          %parallel_loop3A_1319 = vector.shape_cast %parallel_loop3A_1318 : vector<1x1x1x16xf32> to vector<16xf32>
          %parallel_loop3A_1320 = vector.broadcast %parallel_loop3A_1298 : f32 to vector<16xf32>
          %parallel_loop3A_1321 = arith.mulf %parallel_loop3A_1320, %parallel_loop3A_1319 : vector<16xf32>
          %parallel_loop3A_1322 = arith.addf %parallel_loop3A_1218, %parallel_loop3A_1321 : vector<16xf32>
          %parallel_loop3A_1323 = vector.extract_strided_slice %parallel_loop3A_1114 {offsets = [8], sizes = [1], strides = [1]} : vector<16xf32> to vector<1xf32>
          %parallel_loop3A_1324 = vector.extract %parallel_loop3A_1323[0] : f32 from vector<1xf32>
          %parallel_loop3A_1325 = arith.constant 40 : i32
          %parallel_loop3A_1326 = arith.addi %parallel_loop3A_256, %parallel_loop3A_1325 : i32
          %parallel_loop3A_1327 = arith.constant 1 : i32
          %parallel_loop3A_1328 = arith.index_cast %parallel_loop3A_1327 : i32 to index
          %parallel_loop3A_1329 = arith.index_cast %parallel_loop3A_238 : i32 to index
          %parallel_loop3A_1330 = arith.index_cast %parallel_loop3A_1326 : i32 to index
          %parallel_loop3A_1331 = arith.constant 0 : index
          %parallel_loop3A_1332 = tpu.vector_load %arg8[%parallel_loop3A_1328, %parallel_loop3A_1329, %parallel_loop3A_1330, %parallel_loop3A_1331] {strides = array<i32>} : memref<2x4x128x64xf32, #tpu.memory_space<vmem>>, vector<1x1x1x16xf32>,
          %parallel_loop3A_1333 = vector.shape_cast %parallel_loop3A_1332 : vector<1x1x1x16xf32> to vector<16xf32>
          %parallel_loop3A_1334 = vector.broadcast %parallel_loop3A_1324 : f32 to vector<16xf32>
          %parallel_loop3A_1335 = arith.mulf %parallel_loop3A_1334, %parallel_loop3A_1333 : vector<16xf32>
          %parallel_loop3A_1336 = arith.addf %parallel_loop3A_1232, %parallel_loop3A_1335 : vector<16xf32>
          %parallel_loop3A_1337 = arith.constant 40 : i32
          %parallel_loop3A_1338 = arith.addi %parallel_loop3A_256, %parallel_loop3A_1337 : i32
          %parallel_loop3A_1339 = arith.constant 1 : i32
          %parallel_loop3A_1340 = arith.index_cast %parallel_loop3A_1339 : i32 to index
          %parallel_loop3A_1341 = arith.index_cast %parallel_loop3A_238 : i32 to index
          %parallel_loop3A_1342 = arith.index_cast %parallel_loop3A_1338 : i32 to index
          %parallel_loop3A_1343 = arith.constant 16 : index
          %parallel_loop3A_1344 = tpu.vector_load %arg8[%parallel_loop3A_1340, %parallel_loop3A_1341, %parallel_loop3A_1342, %parallel_loop3A_1343] {strides = array<i32>} : memref<2x4x128x64xf32, #tpu.memory_space<vmem>>, vector<1x1x1x16xf32>,
          %parallel_loop3A_1345 = vector.shape_cast %parallel_loop3A_1344 : vector<1x1x1x16xf32> to vector<16xf32>
          %parallel_loop3A_1346 = vector.broadcast %parallel_loop3A_1324 : f32 to vector<16xf32>
          %parallel_loop3A_1347 = arith.mulf %parallel_loop3A_1346, %parallel_loop3A_1345 : vector<16xf32>
          %parallel_loop3A_1348 = arith.addf %parallel_loop3A_1244, %parallel_loop3A_1347 : vector<16xf32>
          %parallel_loop3A_1349 = vector.extract_strided_slice %parallel_loop3A_1114 {offsets = [9], sizes = [1], strides = [1]} : vector<16xf32> to vector<1xf32>
          %parallel_loop3A_1350 = vector.extract %parallel_loop3A_1349[0] : f32 from vector<1xf32>
          %parallel_loop3A_1351 = arith.constant 41 : i32
          %parallel_loop3A_1352 = arith.addi %parallel_loop3A_256, %parallel_loop3A_1351 : i32
          %parallel_loop3A_1353 = arith.constant 1 : i32
          %parallel_loop3A_1354 = arith.index_cast %parallel_loop3A_1353 : i32 to index
          %parallel_loop3A_1355 = arith.index_cast %parallel_loop3A_238 : i32 to index
          %parallel_loop3A_1356 = arith.index_cast %parallel_loop3A_1352 : i32 to index
          %parallel_loop3A_1357 = arith.constant 0 : index
          %parallel_loop3A_1358 = tpu.vector_load %arg8[%parallel_loop3A_1354, %parallel_loop3A_1355, %parallel_loop3A_1356, %parallel_loop3A_1357] {strides = array<i32>} : memref<2x4x128x64xf32, #tpu.memory_space<vmem>>, vector<1x1x1x16xf32>,
          %parallel_loop3A_1359 = vector.shape_cast %parallel_loop3A_1358 : vector<1x1x1x16xf32> to vector<16xf32>
          %parallel_loop3A_1360 = vector.broadcast %parallel_loop3A_1350 : f32 to vector<16xf32>
          %parallel_loop3A_1361 = arith.mulf %parallel_loop3A_1360, %parallel_loop3A_1359 : vector<16xf32>
          %parallel_loop3A_1362 = arith.addf %parallel_loop3A_1258, %parallel_loop3A_1361 : vector<16xf32>
          %parallel_loop3A_1363 = arith.constant 41 : i32
          %parallel_loop3A_1364 = arith.addi %parallel_loop3A_256, %parallel_loop3A_1363 : i32
          %parallel_loop3A_1365 = arith.constant 1 : i32
          %parallel_loop3A_1366 = arith.index_cast %parallel_loop3A_1365 : i32 to index
          %parallel_loop3A_1367 = arith.index_cast %parallel_loop3A_238 : i32 to index
          %parallel_loop3A_1368 = arith.index_cast %parallel_loop3A_1364 : i32 to index
          %parallel_loop3A_1369 = arith.constant 16 : index
          %parallel_loop3A_1370 = tpu.vector_load %arg8[%parallel_loop3A_1366, %parallel_loop3A_1367, %parallel_loop3A_1368, %parallel_loop3A_1369] {strides = array<i32>} : memref<2x4x128x64xf32, #tpu.memory_space<vmem>>, vector<1x1x1x16xf32>,
          %parallel_loop3A_1371 = vector.shape_cast %parallel_loop3A_1370 : vector<1x1x1x16xf32> to vector<16xf32>
          %parallel_loop3A_1372 = vector.broadcast %parallel_loop3A_1350 : f32 to vector<16xf32>
          %parallel_loop3A_1373 = arith.mulf %parallel_loop3A_1372, %parallel_loop3A_1371 : vector<16xf32>
          %parallel_loop3A_1374 = arith.addf %parallel_loop3A_1270, %parallel_loop3A_1373 : vector<16xf32>
          %parallel_loop3A_1375 = vector.extract_strided_slice %parallel_loop3A_1114 {offsets = [10], sizes = [1], strides = [1]} : vector<16xf32> to vector<1xf32>
          %parallel_loop3A_1376 = vector.extract %parallel_loop3A_1375[0] : f32 from vector<1xf32>
          %parallel_loop3A_1377 = arith.constant 42 : i32
          %parallel_loop3A_1378 = arith.addi %parallel_loop3A_256, %parallel_loop3A_1377 : i32
          %parallel_loop3A_1379 = arith.constant 1 : i32
          %parallel_loop3A_1380 = arith.index_cast %parallel_loop3A_1379 : i32 to index
          %parallel_loop3A_1381 = arith.index_cast %parallel_loop3A_238 : i32 to index
          %parallel_loop3A_1382 = arith.index_cast %parallel_loop3A_1378 : i32 to index
          %parallel_loop3A_1383 = arith.constant 0 : index
          %parallel_loop3A_1384 = tpu.vector_load %arg8[%parallel_loop3A_1380, %parallel_loop3A_1381, %parallel_loop3A_1382, %parallel_loop3A_1383] {strides = array<i32>} : memref<2x4x128x64xf32, #tpu.memory_space<vmem>>, vector<1x1x1x16xf32>,
          %parallel_loop3A_1385 = vector.shape_cast %parallel_loop3A_1384 : vector<1x1x1x16xf32> to vector<16xf32>
          %parallel_loop3A_1386 = vector.broadcast %parallel_loop3A_1376 : f32 to vector<16xf32>
          %parallel_loop3A_1387 = arith.mulf %parallel_loop3A_1386, %parallel_loop3A_1385 : vector<16xf32>
          %parallel_loop3A_1388 = arith.addf %parallel_loop3A_1284, %parallel_loop3A_1387 : vector<16xf32>
          %parallel_loop3A_1389 = arith.constant 42 : i32
          %parallel_loop3A_1390 = arith.addi %parallel_loop3A_256, %parallel_loop3A_1389 : i32
          %parallel_loop3A_1391 = arith.constant 1 : i32
          %parallel_loop3A_1392 = arith.index_cast %parallel_loop3A_1391 : i32 to index
          %parallel_loop3A_1393 = arith.index_cast %parallel_loop3A_238 : i32 to index
          %parallel_loop3A_1394 = arith.index_cast %parallel_loop3A_1390 : i32 to index
          %parallel_loop3A_1395 = arith.constant 16 : index
          %parallel_loop3A_1396 = tpu.vector_load %arg8[%parallel_loop3A_1392, %parallel_loop3A_1393, %parallel_loop3A_1394, %parallel_loop3A_1395] {strides = array<i32>} : memref<2x4x128x64xf32, #tpu.memory_space<vmem>>, vector<1x1x1x16xf32>,
          %parallel_loop3A_1397 = vector.shape_cast %parallel_loop3A_1396 : vector<1x1x1x16xf32> to vector<16xf32>
          %parallel_loop3A_1398 = vector.broadcast %parallel_loop3A_1376 : f32 to vector<16xf32>
          %parallel_loop3A_1399 = arith.mulf %parallel_loop3A_1398, %parallel_loop3A_1397 : vector<16xf32>
          %parallel_loop3A_1400 = arith.addf %parallel_loop3A_1296, %parallel_loop3A_1399 : vector<16xf32>
          %parallel_loop3A_1401 = vector.extract_strided_slice %parallel_loop3A_1114 {offsets = [11], sizes = [1], strides = [1]} : vector<16xf32> to vector<1xf32>
          %parallel_loop3A_1402 = vector.extract %parallel_loop3A_1401[0] : f32 from vector<1xf32>
          %parallel_loop3A_1403 = arith.constant 43 : i32
          %parallel_loop3A_1404 = arith.addi %parallel_loop3A_256, %parallel_loop3A_1403 : i32
          %parallel_loop3A_1405 = arith.constant 1 : i32
          %parallel_loop3A_1406 = arith.index_cast %parallel_loop3A_1405 : i32 to index
          %parallel_loop3A_1407 = arith.index_cast %parallel_loop3A_238 : i32 to index
          %parallel_loop3A_1408 = arith.index_cast %parallel_loop3A_1404 : i32 to index
          %parallel_loop3A_1409 = arith.constant 0 : index
          %parallel_loop3A_1410 = tpu.vector_load %arg8[%parallel_loop3A_1406, %parallel_loop3A_1407, %parallel_loop3A_1408, %parallel_loop3A_1409] {strides = array<i32>} : memref<2x4x128x64xf32, #tpu.memory_space<vmem>>, vector<1x1x1x16xf32>,
          %parallel_loop3A_1411 = vector.shape_cast %parallel_loop3A_1410 : vector<1x1x1x16xf32> to vector<16xf32>
          %parallel_loop3A_1412 = vector.broadcast %parallel_loop3A_1402 : f32 to vector<16xf32>
          %parallel_loop3A_1413 = arith.mulf %parallel_loop3A_1412, %parallel_loop3A_1411 : vector<16xf32>
          %parallel_loop3A_1414 = arith.addf %parallel_loop3A_1310, %parallel_loop3A_1413 : vector<16xf32>
          %parallel_loop3A_1415 = arith.constant 43 : i32
          %parallel_loop3A_1416 = arith.addi %parallel_loop3A_256, %parallel_loop3A_1415 : i32
          %parallel_loop3A_1417 = arith.constant 1 : i32
          %parallel_loop3A_1418 = arith.index_cast %parallel_loop3A_1417 : i32 to index
          %parallel_loop3A_1419 = arith.index_cast %parallel_loop3A_238 : i32 to index
          %parallel_loop3A_1420 = arith.index_cast %parallel_loop3A_1416 : i32 to index
          %parallel_loop3A_1421 = arith.constant 16 : index
          %parallel_loop3A_1422 = tpu.vector_load %arg8[%parallel_loop3A_1418, %parallel_loop3A_1419, %parallel_loop3A_1420, %parallel_loop3A_1421] {strides = array<i32>} : memref<2x4x128x64xf32, #tpu.memory_space<vmem>>, vector<1x1x1x16xf32>,
          %parallel_loop3A_1423 = vector.shape_cast %parallel_loop3A_1422 : vector<1x1x1x16xf32> to vector<16xf32>
          %parallel_loop3A_1424 = vector.broadcast %parallel_loop3A_1402 : f32 to vector<16xf32>
          %parallel_loop3A_1425 = arith.mulf %parallel_loop3A_1424, %parallel_loop3A_1423 : vector<16xf32>
          %parallel_loop3A_1426 = arith.addf %parallel_loop3A_1322, %parallel_loop3A_1425 : vector<16xf32>
          %parallel_loop3A_1427 = vector.extract_strided_slice %parallel_loop3A_1114 {offsets = [12], sizes = [1], strides = [1]} : vector<16xf32> to vector<1xf32>
          %parallel_loop3A_1428 = vector.extract %parallel_loop3A_1427[0] : f32 from vector<1xf32>
          %parallel_loop3A_1429 = arith.constant 44 : i32
          %parallel_loop3A_1430 = arith.addi %parallel_loop3A_256, %parallel_loop3A_1429 : i32
          %parallel_loop3A_1431 = arith.constant 1 : i32
          %parallel_loop3A_1432 = arith.index_cast %parallel_loop3A_1431 : i32 to index
          %parallel_loop3A_1433 = arith.index_cast %parallel_loop3A_238 : i32 to index
          %parallel_loop3A_1434 = arith.index_cast %parallel_loop3A_1430 : i32 to index
          %parallel_loop3A_1435 = arith.constant 0 : index
          %parallel_loop3A_1436 = tpu.vector_load %arg8[%parallel_loop3A_1432, %parallel_loop3A_1433, %parallel_loop3A_1434, %parallel_loop3A_1435] {strides = array<i32>} : memref<2x4x128x64xf32, #tpu.memory_space<vmem>>, vector<1x1x1x16xf32>,
          %parallel_loop3A_1437 = vector.shape_cast %parallel_loop3A_1436 : vector<1x1x1x16xf32> to vector<16xf32>
          %parallel_loop3A_1438 = vector.broadcast %parallel_loop3A_1428 : f32 to vector<16xf32>
          %parallel_loop3A_1439 = arith.mulf %parallel_loop3A_1438, %parallel_loop3A_1437 : vector<16xf32>
          %parallel_loop3A_1440 = arith.addf %parallel_loop3A_1336, %parallel_loop3A_1439 : vector<16xf32>
          %parallel_loop3A_1441 = arith.constant 44 : i32
          %parallel_loop3A_1442 = arith.addi %parallel_loop3A_256, %parallel_loop3A_1441 : i32
          %parallel_loop3A_1443 = arith.constant 1 : i32
          %parallel_loop3A_1444 = arith.index_cast %parallel_loop3A_1443 : i32 to index
          %parallel_loop3A_1445 = arith.index_cast %parallel_loop3A_238 : i32 to index
          %parallel_loop3A_1446 = arith.index_cast %parallel_loop3A_1442 : i32 to index
          %parallel_loop3A_1447 = arith.constant 16 : index
          %parallel_loop3A_1448 = tpu.vector_load %arg8[%parallel_loop3A_1444, %parallel_loop3A_1445, %parallel_loop3A_1446, %parallel_loop3A_1447] {strides = array<i32>} : memref<2x4x128x64xf32, #tpu.memory_space<vmem>>, vector<1x1x1x16xf32>,
          %parallel_loop3A_1449 = vector.shape_cast %parallel_loop3A_1448 : vector<1x1x1x16xf32> to vector<16xf32>
          %parallel_loop3A_1450 = vector.broadcast %parallel_loop3A_1428 : f32 to vector<16xf32>
          %parallel_loop3A_1451 = arith.mulf %parallel_loop3A_1450, %parallel_loop3A_1449 : vector<16xf32>
          %parallel_loop3A_1452 = arith.addf %parallel_loop3A_1348, %parallel_loop3A_1451 : vector<16xf32>
          %parallel_loop3A_1453 = vector.extract_strided_slice %parallel_loop3A_1114 {offsets = [13], sizes = [1], strides = [1]} : vector<16xf32> to vector<1xf32>
          %parallel_loop3A_1454 = vector.extract %parallel_loop3A_1453[0] : f32 from vector<1xf32>
          %parallel_loop3A_1455 = arith.constant 45 : i32
          %parallel_loop3A_1456 = arith.addi %parallel_loop3A_256, %parallel_loop3A_1455 : i32
          %parallel_loop3A_1457 = arith.constant 1 : i32
          %parallel_loop3A_1458 = arith.index_cast %parallel_loop3A_1457 : i32 to index
          %parallel_loop3A_1459 = arith.index_cast %parallel_loop3A_238 : i32 to index
          %parallel_loop3A_1460 = arith.index_cast %parallel_loop3A_1456 : i32 to index
          %parallel_loop3A_1461 = arith.constant 0 : index
          %parallel_loop3A_1462 = tpu.vector_load %arg8[%parallel_loop3A_1458, %parallel_loop3A_1459, %parallel_loop3A_1460, %parallel_loop3A_1461] {strides = array<i32>} : memref<2x4x128x64xf32, #tpu.memory_space<vmem>>, vector<1x1x1x16xf32>,
          %parallel_loop3A_1463 = vector.shape_cast %parallel_loop3A_1462 : vector<1x1x1x16xf32> to vector<16xf32>
          %parallel_loop3A_1464 = vector.broadcast %parallel_loop3A_1454 : f32 to vector<16xf32>
          %parallel_loop3A_1465 = arith.mulf %parallel_loop3A_1464, %parallel_loop3A_1463 : vector<16xf32>
          %parallel_loop3A_1466 = arith.addf %parallel_loop3A_1362, %parallel_loop3A_1465 : vector<16xf32>
          %parallel_loop3A_1467 = arith.constant 45 : i32
          %parallel_loop3A_1468 = arith.addi %parallel_loop3A_256, %parallel_loop3A_1467 : i32
          %parallel_loop3A_1469 = arith.constant 1 : i32
          %parallel_loop3A_1470 = arith.index_cast %parallel_loop3A_1469 : i32 to index
          %parallel_loop3A_1471 = arith.index_cast %parallel_loop3A_238 : i32 to index
          %parallel_loop3A_1472 = arith.index_cast %parallel_loop3A_1468 : i32 to index
          %parallel_loop3A_1473 = arith.constant 16 : index
          %parallel_loop3A_1474 = tpu.vector_load %arg8[%parallel_loop3A_1470, %parallel_loop3A_1471, %parallel_loop3A_1472, %parallel_loop3A_1473] {strides = array<i32>} : memref<2x4x128x64xf32, #tpu.memory_space<vmem>>, vector<1x1x1x16xf32>,
          %parallel_loop3A_1475 = vector.shape_cast %parallel_loop3A_1474 : vector<1x1x1x16xf32> to vector<16xf32>
          %parallel_loop3A_1476 = vector.broadcast %parallel_loop3A_1454 : f32 to vector<16xf32>
          %parallel_loop3A_1477 = arith.mulf %parallel_loop3A_1476, %parallel_loop3A_1475 : vector<16xf32>
          %parallel_loop3A_1478 = arith.addf %parallel_loop3A_1374, %parallel_loop3A_1477 : vector<16xf32>
          %parallel_loop3A_1479 = vector.extract_strided_slice %parallel_loop3A_1114 {offsets = [14], sizes = [1], strides = [1]} : vector<16xf32> to vector<1xf32>
          %parallel_loop3A_1480 = vector.extract %parallel_loop3A_1479[0] : f32 from vector<1xf32>
          %parallel_loop3A_1481 = arith.constant 46 : i32
          %parallel_loop3A_1482 = arith.addi %parallel_loop3A_256, %parallel_loop3A_1481 : i32
          %parallel_loop3A_1483 = arith.constant 1 : i32
          %parallel_loop3A_1484 = arith.index_cast %parallel_loop3A_1483 : i32 to index
          %parallel_loop3A_1485 = arith.index_cast %parallel_loop3A_238 : i32 to index
          %parallel_loop3A_1486 = arith.index_cast %parallel_loop3A_1482 : i32 to index
          %parallel_loop3A_1487 = arith.constant 0 : index
          %parallel_loop3A_1488 = tpu.vector_load %arg8[%parallel_loop3A_1484, %parallel_loop3A_1485, %parallel_loop3A_1486, %parallel_loop3A_1487] {strides = array<i32>} : memref<2x4x128x64xf32, #tpu.memory_space<vmem>>, vector<1x1x1x16xf32>,
          %parallel_loop3A_1489 = vector.shape_cast %parallel_loop3A_1488 : vector<1x1x1x16xf32> to vector<16xf32>
          %parallel_loop3A_1490 = vector.broadcast %parallel_loop3A_1480 : f32 to vector<16xf32>
          %parallel_loop3A_1491 = arith.mulf %parallel_loop3A_1490, %parallel_loop3A_1489 : vector<16xf32>
          %parallel_loop3A_1492 = arith.addf %parallel_loop3A_1388, %parallel_loop3A_1491 : vector<16xf32>
          %parallel_loop3A_1493 = arith.constant 46 : i32
          %parallel_loop3A_1494 = arith.addi %parallel_loop3A_256, %parallel_loop3A_1493 : i32
          %parallel_loop3A_1495 = arith.constant 1 : i32
          %parallel_loop3A_1496 = arith.index_cast %parallel_loop3A_1495 : i32 to index
          %parallel_loop3A_1497 = arith.index_cast %parallel_loop3A_238 : i32 to index
          %parallel_loop3A_1498 = arith.index_cast %parallel_loop3A_1494 : i32 to index
          %parallel_loop3A_1499 = arith.constant 16 : index
          %parallel_loop3A_1500 = tpu.vector_load %arg8[%parallel_loop3A_1496, %parallel_loop3A_1497, %parallel_loop3A_1498, %parallel_loop3A_1499] {strides = array<i32>} : memref<2x4x128x64xf32, #tpu.memory_space<vmem>>, vector<1x1x1x16xf32>,
          %parallel_loop3A_1501 = vector.shape_cast %parallel_loop3A_1500 : vector<1x1x1x16xf32> to vector<16xf32>
          %parallel_loop3A_1502 = vector.broadcast %parallel_loop3A_1480 : f32 to vector<16xf32>
          %parallel_loop3A_1503 = arith.mulf %parallel_loop3A_1502, %parallel_loop3A_1501 : vector<16xf32>
          %parallel_loop3A_1504 = arith.addf %parallel_loop3A_1400, %parallel_loop3A_1503 : vector<16xf32>
          %parallel_loop3A_1505 = vector.extract_strided_slice %parallel_loop3A_1114 {offsets = [15], sizes = [1], strides = [1]} : vector<16xf32> to vector<1xf32>
          %parallel_loop3A_1506 = vector.extract %parallel_loop3A_1505[0] : f32 from vector<1xf32>
          %parallel_loop3A_1507 = arith.constant 47 : i32
          %parallel_loop3A_1508 = arith.addi %parallel_loop3A_256, %parallel_loop3A_1507 : i32
          %parallel_loop3A_1509 = arith.constant 1 : i32
          %parallel_loop3A_1510 = arith.index_cast %parallel_loop3A_1509 : i32 to index
          %parallel_loop3A_1511 = arith.index_cast %parallel_loop3A_238 : i32 to index
          %parallel_loop3A_1512 = arith.index_cast %parallel_loop3A_1508 : i32 to index
          %parallel_loop3A_1513 = arith.constant 0 : index
          %parallel_loop3A_1514 = tpu.vector_load %arg8[%parallel_loop3A_1510, %parallel_loop3A_1511, %parallel_loop3A_1512, %parallel_loop3A_1513] {strides = array<i32>} : memref<2x4x128x64xf32, #tpu.memory_space<vmem>>, vector<1x1x1x16xf32>,
          %parallel_loop3A_1515 = vector.shape_cast %parallel_loop3A_1514 : vector<1x1x1x16xf32> to vector<16xf32>
          %parallel_loop3A_1516 = vector.broadcast %parallel_loop3A_1506 : f32 to vector<16xf32>
          %parallel_loop3A_1517 = arith.mulf %parallel_loop3A_1516, %parallel_loop3A_1515 : vector<16xf32>
          %parallel_loop3A_1518 = arith.addf %parallel_loop3A_1414, %parallel_loop3A_1517 : vector<16xf32>
          %parallel_loop3A_1519 = arith.constant 47 : i32
          %parallel_loop3A_1520 = arith.addi %parallel_loop3A_256, %parallel_loop3A_1519 : i32
          %parallel_loop3A_1521 = arith.constant 1 : i32
          %parallel_loop3A_1522 = arith.index_cast %parallel_loop3A_1521 : i32 to index
          %parallel_loop3A_1523 = arith.index_cast %parallel_loop3A_238 : i32 to index
          %parallel_loop3A_1524 = arith.index_cast %parallel_loop3A_1520 : i32 to index
          %parallel_loop3A_1525 = arith.constant 16 : index
          %parallel_loop3A_1526 = tpu.vector_load %arg8[%parallel_loop3A_1522, %parallel_loop3A_1523, %parallel_loop3A_1524, %parallel_loop3A_1525] {strides = array<i32>} : memref<2x4x128x64xf32, #tpu.memory_space<vmem>>, vector<1x1x1x16xf32>,
          %parallel_loop3A_1527 = vector.shape_cast %parallel_loop3A_1526 : vector<1x1x1x16xf32> to vector<16xf32>
          %parallel_loop3A_1528 = vector.broadcast %parallel_loop3A_1506 : f32 to vector<16xf32>
          %parallel_loop3A_1529 = arith.mulf %parallel_loop3A_1528, %parallel_loop3A_1527 : vector<16xf32>
          %parallel_loop3A_1530 = arith.addf %parallel_loop3A_1426, %parallel_loop3A_1529 : vector<16xf32>
          %parallel_loop3A_1531 = arith.constant 48 : i32
          %parallel_loop3A_1532 = arith.addi %parallel_loop3A_256, %parallel_loop3A_1531 : i32
          %parallel_loop3A_1533 = arith.constant 1 : i32
          %parallel_loop3A_1534 = arith.index_cast %parallel_loop3A_1533 : i32 to index
          %parallel_loop3A_1535 = arith.index_cast %parallel_loop3A_238 : i32 to index
          %parallel_loop3A_1536 = arith.index_cast %parallel_loop3A_1532 : i32 to index
          %parallel_loop3A_1537 = tpu.vector_load %arg7[%parallel_loop3A_1534, %parallel_loop3A_1535, %parallel_loop3A_1536] {strides = array<i32>} : memref<2x8x128xf32, #tpu.memory_space<vmem>>, vector<1x1x16xf32>,
          %parallel_loop3A_1538 = vector.shape_cast %parallel_loop3A_1537 : vector<1x1x16xf32> to vector<16xf32>
          %parallel_loop3A_1539 = vector.extract_strided_slice %parallel_loop3A_1538 {offsets = [0], sizes = [1], strides = [1]} : vector<16xf32> to vector<1xf32>
          %parallel_loop3A_1540 = vector.extract %parallel_loop3A_1539[0] : f32 from vector<1xf32>
          %parallel_loop3A_1541 = arith.constant 48 : i32
          %parallel_loop3A_1542 = arith.addi %parallel_loop3A_256, %parallel_loop3A_1541 : i32
          %parallel_loop3A_1543 = arith.constant 1 : i32
          %parallel_loop3A_1544 = arith.index_cast %parallel_loop3A_1543 : i32 to index
          %parallel_loop3A_1545 = arith.index_cast %parallel_loop3A_238 : i32 to index
          %parallel_loop3A_1546 = arith.index_cast %parallel_loop3A_1542 : i32 to index
          %parallel_loop3A_1547 = arith.constant 0 : index
          %parallel_loop3A_1548 = tpu.vector_load %arg8[%parallel_loop3A_1544, %parallel_loop3A_1545, %parallel_loop3A_1546, %parallel_loop3A_1547] {strides = array<i32>} : memref<2x4x128x64xf32, #tpu.memory_space<vmem>>, vector<1x1x1x16xf32>,
          %parallel_loop3A_1549 = vector.shape_cast %parallel_loop3A_1548 : vector<1x1x1x16xf32> to vector<16xf32>
          %parallel_loop3A_1550 = vector.broadcast %parallel_loop3A_1540 : f32 to vector<16xf32>
          %parallel_loop3A_1551 = arith.mulf %parallel_loop3A_1550, %parallel_loop3A_1549 : vector<16xf32>
          %parallel_loop3A_1552 = arith.addf %parallel_loop3A_1440, %parallel_loop3A_1551 : vector<16xf32>
          %parallel_loop3A_1553 = arith.constant 48 : i32
          %parallel_loop3A_1554 = arith.addi %parallel_loop3A_256, %parallel_loop3A_1553 : i32
          %parallel_loop3A_1555 = arith.constant 1 : i32
          %parallel_loop3A_1556 = arith.index_cast %parallel_loop3A_1555 : i32 to index
          %parallel_loop3A_1557 = arith.index_cast %parallel_loop3A_238 : i32 to index
          %parallel_loop3A_1558 = arith.index_cast %parallel_loop3A_1554 : i32 to index
          %parallel_loop3A_1559 = arith.constant 16 : index
          %parallel_loop3A_1560 = tpu.vector_load %arg8[%parallel_loop3A_1556, %parallel_loop3A_1557, %parallel_loop3A_1558, %parallel_loop3A_1559] {strides = array<i32>} : memref<2x4x128x64xf32, #tpu.memory_space<vmem>>, vector<1x1x1x16xf32>,
          %parallel_loop3A_1561 = vector.shape_cast %parallel_loop3A_1560 : vector<1x1x1x16xf32> to vector<16xf32>
          %parallel_loop3A_1562 = vector.broadcast %parallel_loop3A_1540 : f32 to vector<16xf32>
          %parallel_loop3A_1563 = arith.mulf %parallel_loop3A_1562, %parallel_loop3A_1561 : vector<16xf32>
          %parallel_loop3A_1564 = arith.addf %parallel_loop3A_1452, %parallel_loop3A_1563 : vector<16xf32>
          %parallel_loop3A_1565 = vector.extract_strided_slice %parallel_loop3A_1538 {offsets = [1], sizes = [1], strides = [1]} : vector<16xf32> to vector<1xf32>
          %parallel_loop3A_1566 = vector.extract %parallel_loop3A_1565[0] : f32 from vector<1xf32>
          %parallel_loop3A_1567 = arith.constant 49 : i32
          %parallel_loop3A_1568 = arith.addi %parallel_loop3A_256, %parallel_loop3A_1567 : i32
          %parallel_loop3A_1569 = arith.constant 1 : i32
          %parallel_loop3A_1570 = arith.index_cast %parallel_loop3A_1569 : i32 to index
          %parallel_loop3A_1571 = arith.index_cast %parallel_loop3A_238 : i32 to index
          %parallel_loop3A_1572 = arith.index_cast %parallel_loop3A_1568 : i32 to index
          %parallel_loop3A_1573 = arith.constant 0 : index
          %parallel_loop3A_1574 = tpu.vector_load %arg8[%parallel_loop3A_1570, %parallel_loop3A_1571, %parallel_loop3A_1572, %parallel_loop3A_1573] {strides = array<i32>} : memref<2x4x128x64xf32, #tpu.memory_space<vmem>>, vector<1x1x1x16xf32>,
          %parallel_loop3A_1575 = vector.shape_cast %parallel_loop3A_1574 : vector<1x1x1x16xf32> to vector<16xf32>
          %parallel_loop3A_1576 = vector.broadcast %parallel_loop3A_1566 : f32 to vector<16xf32>
          %parallel_loop3A_1577 = arith.mulf %parallel_loop3A_1576, %parallel_loop3A_1575 : vector<16xf32>
          %parallel_loop3A_1578 = arith.addf %parallel_loop3A_1466, %parallel_loop3A_1577 : vector<16xf32>
          %parallel_loop3A_1579 = arith.constant 49 : i32
          %parallel_loop3A_1580 = arith.addi %parallel_loop3A_256, %parallel_loop3A_1579 : i32
          %parallel_loop3A_1581 = arith.constant 1 : i32
          %parallel_loop3A_1582 = arith.index_cast %parallel_loop3A_1581 : i32 to index
          %parallel_loop3A_1583 = arith.index_cast %parallel_loop3A_238 : i32 to index
          %parallel_loop3A_1584 = arith.index_cast %parallel_loop3A_1580 : i32 to index
          %parallel_loop3A_1585 = arith.constant 16 : index
          %parallel_loop3A_1586 = tpu.vector_load %arg8[%parallel_loop3A_1582, %parallel_loop3A_1583, %parallel_loop3A_1584, %parallel_loop3A_1585] {strides = array<i32>} : memref<2x4x128x64xf32, #tpu.memory_space<vmem>>, vector<1x1x1x16xf32>,
          %parallel_loop3A_1587 = vector.shape_cast %parallel_loop3A_1586 : vector<1x1x1x16xf32> to vector<16xf32>
          %parallel_loop3A_1588 = vector.broadcast %parallel_loop3A_1566 : f32 to vector<16xf32>
          %parallel_loop3A_1589 = arith.mulf %parallel_loop3A_1588, %parallel_loop3A_1587 : vector<16xf32>
          %parallel_loop3A_1590 = arith.addf %parallel_loop3A_1478, %parallel_loop3A_1589 : vector<16xf32>
          %parallel_loop3A_1591 = vector.extract_strided_slice %parallel_loop3A_1538 {offsets = [2], sizes = [1], strides = [1]} : vector<16xf32> to vector<1xf32>
          %parallel_loop3A_1592 = vector.extract %parallel_loop3A_1591[0] : f32 from vector<1xf32>
          %parallel_loop3A_1593 = arith.constant 50 : i32
          %parallel_loop3A_1594 = arith.addi %parallel_loop3A_256, %parallel_loop3A_1593 : i32
          %parallel_loop3A_1595 = arith.constant 1 : i32
          %parallel_loop3A_1596 = arith.index_cast %parallel_loop3A_1595 : i32 to index
          %parallel_loop3A_1597 = arith.index_cast %parallel_loop3A_238 : i32 to index
          %parallel_loop3A_1598 = arith.index_cast %parallel_loop3A_1594 : i32 to index
          %parallel_loop3A_1599 = arith.constant 0 : index
          %parallel_loop3A_1600 = tpu.vector_load %arg8[%parallel_loop3A_1596, %parallel_loop3A_1597, %parallel_loop3A_1598, %parallel_loop3A_1599] {strides = array<i32>} : memref<2x4x128x64xf32, #tpu.memory_space<vmem>>, vector<1x1x1x16xf32>,
          %parallel_loop3A_1601 = vector.shape_cast %parallel_loop3A_1600 : vector<1x1x1x16xf32> to vector<16xf32>
          %parallel_loop3A_1602 = vector.broadcast %parallel_loop3A_1592 : f32 to vector<16xf32>
          %parallel_loop3A_1603 = arith.mulf %parallel_loop3A_1602, %parallel_loop3A_1601 : vector<16xf32>
          %parallel_loop3A_1604 = arith.addf %parallel_loop3A_1492, %parallel_loop3A_1603 : vector<16xf32>
          %parallel_loop3A_1605 = arith.constant 50 : i32
          %parallel_loop3A_1606 = arith.addi %parallel_loop3A_256, %parallel_loop3A_1605 : i32
          %parallel_loop3A_1607 = arith.constant 1 : i32
          %parallel_loop3A_1608 = arith.index_cast %parallel_loop3A_1607 : i32 to index
          %parallel_loop3A_1609 = arith.index_cast %parallel_loop3A_238 : i32 to index
          %parallel_loop3A_1610 = arith.index_cast %parallel_loop3A_1606 : i32 to index
          %parallel_loop3A_1611 = arith.constant 16 : index
          %parallel_loop3A_1612 = tpu.vector_load %arg8[%parallel_loop3A_1608, %parallel_loop3A_1609, %parallel_loop3A_1610, %parallel_loop3A_1611] {strides = array<i32>} : memref<2x4x128x64xf32, #tpu.memory_space<vmem>>, vector<1x1x1x16xf32>,
          %parallel_loop3A_1613 = vector.shape_cast %parallel_loop3A_1612 : vector<1x1x1x16xf32> to vector<16xf32>
          %parallel_loop3A_1614 = vector.broadcast %parallel_loop3A_1592 : f32 to vector<16xf32>
          %parallel_loop3A_1615 = arith.mulf %parallel_loop3A_1614, %parallel_loop3A_1613 : vector<16xf32>
          %parallel_loop3A_1616 = arith.addf %parallel_loop3A_1504, %parallel_loop3A_1615 : vector<16xf32>
          %parallel_loop3A_1617 = vector.extract_strided_slice %parallel_loop3A_1538 {offsets = [3], sizes = [1], strides = [1]} : vector<16xf32> to vector<1xf32>
          %parallel_loop3A_1618 = vector.extract %parallel_loop3A_1617[0] : f32 from vector<1xf32>
          %parallel_loop3A_1619 = arith.constant 51 : i32
          %parallel_loop3A_1620 = arith.addi %parallel_loop3A_256, %parallel_loop3A_1619 : i32
          %parallel_loop3A_1621 = arith.constant 1 : i32
          %parallel_loop3A_1622 = arith.index_cast %parallel_loop3A_1621 : i32 to index
          %parallel_loop3A_1623 = arith.index_cast %parallel_loop3A_238 : i32 to index
          %parallel_loop3A_1624 = arith.index_cast %parallel_loop3A_1620 : i32 to index
          %parallel_loop3A_1625 = arith.constant 0 : index
          %parallel_loop3A_1626 = tpu.vector_load %arg8[%parallel_loop3A_1622, %parallel_loop3A_1623, %parallel_loop3A_1624, %parallel_loop3A_1625] {strides = array<i32>} : memref<2x4x128x64xf32, #tpu.memory_space<vmem>>, vector<1x1x1x16xf32>,
          %parallel_loop3A_1627 = vector.shape_cast %parallel_loop3A_1626 : vector<1x1x1x16xf32> to vector<16xf32>
          %parallel_loop3A_1628 = vector.broadcast %parallel_loop3A_1618 : f32 to vector<16xf32>
          %parallel_loop3A_1629 = arith.mulf %parallel_loop3A_1628, %parallel_loop3A_1627 : vector<16xf32>
          %parallel_loop3A_1630 = arith.addf %parallel_loop3A_1518, %parallel_loop3A_1629 : vector<16xf32>
          %parallel_loop3A_1631 = arith.constant 51 : i32
          %parallel_loop3A_1632 = arith.addi %parallel_loop3A_256, %parallel_loop3A_1631 : i32
          %parallel_loop3A_1633 = arith.constant 1 : i32
          %parallel_loop3A_1634 = arith.index_cast %parallel_loop3A_1633 : i32 to index
          %parallel_loop3A_1635 = arith.index_cast %parallel_loop3A_238 : i32 to index
          %parallel_loop3A_1636 = arith.index_cast %parallel_loop3A_1632 : i32 to index
          %parallel_loop3A_1637 = arith.constant 16 : index
          %parallel_loop3A_1638 = tpu.vector_load %arg8[%parallel_loop3A_1634, %parallel_loop3A_1635, %parallel_loop3A_1636, %parallel_loop3A_1637] {strides = array<i32>} : memref<2x4x128x64xf32, #tpu.memory_space<vmem>>, vector<1x1x1x16xf32>,
          %parallel_loop3A_1639 = vector.shape_cast %parallel_loop3A_1638 : vector<1x1x1x16xf32> to vector<16xf32>
          %parallel_loop3A_1640 = vector.broadcast %parallel_loop3A_1618 : f32 to vector<16xf32>
          %parallel_loop3A_1641 = arith.mulf %parallel_loop3A_1640, %parallel_loop3A_1639 : vector<16xf32>
          %parallel_loop3A_1642 = arith.addf %parallel_loop3A_1530, %parallel_loop3A_1641 : vector<16xf32>
          %parallel_loop3A_1643 = vector.extract_strided_slice %parallel_loop3A_1538 {offsets = [4], sizes = [1], strides = [1]} : vector<16xf32> to vector<1xf32>
          %parallel_loop3A_1644 = vector.extract %parallel_loop3A_1643[0] : f32 from vector<1xf32>
          %parallel_loop3A_1645 = arith.constant 52 : i32
          %parallel_loop3A_1646 = arith.addi %parallel_loop3A_256, %parallel_loop3A_1645 : i32
          %parallel_loop3A_1647 = arith.constant 1 : i32
          %parallel_loop3A_1648 = arith.index_cast %parallel_loop3A_1647 : i32 to index
          %parallel_loop3A_1649 = arith.index_cast %parallel_loop3A_238 : i32 to index
          %parallel_loop3A_1650 = arith.index_cast %parallel_loop3A_1646 : i32 to index
          %parallel_loop3A_1651 = arith.constant 0 : index
          %parallel_loop3A_1652 = tpu.vector_load %arg8[%parallel_loop3A_1648, %parallel_loop3A_1649, %parallel_loop3A_1650, %parallel_loop3A_1651] {strides = array<i32>} : memref<2x4x128x64xf32, #tpu.memory_space<vmem>>, vector<1x1x1x16xf32>,
          %parallel_loop3A_1653 = vector.shape_cast %parallel_loop3A_1652 : vector<1x1x1x16xf32> to vector<16xf32>
          %parallel_loop3A_1654 = vector.broadcast %parallel_loop3A_1644 : f32 to vector<16xf32>
          %parallel_loop3A_1655 = arith.mulf %parallel_loop3A_1654, %parallel_loop3A_1653 : vector<16xf32>
          %parallel_loop3A_1656 = arith.addf %parallel_loop3A_1552, %parallel_loop3A_1655 : vector<16xf32>
          %parallel_loop3A_1657 = arith.constant 52 : i32
          %parallel_loop3A_1658 = arith.addi %parallel_loop3A_256, %parallel_loop3A_1657 : i32
          %parallel_loop3A_1659 = arith.constant 1 : i32
          %parallel_loop3A_1660 = arith.index_cast %parallel_loop3A_1659 : i32 to index
          %parallel_loop3A_1661 = arith.index_cast %parallel_loop3A_238 : i32 to index
          %parallel_loop3A_1662 = arith.index_cast %parallel_loop3A_1658 : i32 to index
          %parallel_loop3A_1663 = arith.constant 16 : index
          %parallel_loop3A_1664 = tpu.vector_load %arg8[%parallel_loop3A_1660, %parallel_loop3A_1661, %parallel_loop3A_1662, %parallel_loop3A_1663] {strides = array<i32>} : memref<2x4x128x64xf32, #tpu.memory_space<vmem>>, vector<1x1x1x16xf32>,
          %parallel_loop3A_1665 = vector.shape_cast %parallel_loop3A_1664 : vector<1x1x1x16xf32> to vector<16xf32>
          %parallel_loop3A_1666 = vector.broadcast %parallel_loop3A_1644 : f32 to vector<16xf32>
          %parallel_loop3A_1667 = arith.mulf %parallel_loop3A_1666, %parallel_loop3A_1665 : vector<16xf32>
          %parallel_loop3A_1668 = arith.addf %parallel_loop3A_1564, %parallel_loop3A_1667 : vector<16xf32>
          %parallel_loop3A_1669 = vector.extract_strided_slice %parallel_loop3A_1538 {offsets = [5], sizes = [1], strides = [1]} : vector<16xf32> to vector<1xf32>
          %parallel_loop3A_1670 = vector.extract %parallel_loop3A_1669[0] : f32 from vector<1xf32>
          %parallel_loop3A_1671 = arith.constant 53 : i32
          %parallel_loop3A_1672 = arith.addi %parallel_loop3A_256, %parallel_loop3A_1671 : i32
          %parallel_loop3A_1673 = arith.constant 1 : i32
          %parallel_loop3A_1674 = arith.index_cast %parallel_loop3A_1673 : i32 to index
          %parallel_loop3A_1675 = arith.index_cast %parallel_loop3A_238 : i32 to index
          %parallel_loop3A_1676 = arith.index_cast %parallel_loop3A_1672 : i32 to index
          %parallel_loop3A_1677 = arith.constant 0 : index
          %parallel_loop3A_1678 = tpu.vector_load %arg8[%parallel_loop3A_1674, %parallel_loop3A_1675, %parallel_loop3A_1676, %parallel_loop3A_1677] {strides = array<i32>} : memref<2x4x128x64xf32, #tpu.memory_space<vmem>>, vector<1x1x1x16xf32>,
          %parallel_loop3A_1679 = vector.shape_cast %parallel_loop3A_1678 : vector<1x1x1x16xf32> to vector<16xf32>
          %parallel_loop3A_1680 = vector.broadcast %parallel_loop3A_1670 : f32 to vector<16xf32>
          %parallel_loop3A_1681 = arith.mulf %parallel_loop3A_1680, %parallel_loop3A_1679 : vector<16xf32>
          %parallel_loop3A_1682 = arith.addf %parallel_loop3A_1578, %parallel_loop3A_1681 : vector<16xf32>
          %parallel_loop3A_1683 = arith.constant 53 : i32
          %parallel_loop3A_1684 = arith.addi %parallel_loop3A_256, %parallel_loop3A_1683 : i32
          %parallel_loop3A_1685 = arith.constant 1 : i32
          %parallel_loop3A_1686 = arith.index_cast %parallel_loop3A_1685 : i32 to index
          %parallel_loop3A_1687 = arith.index_cast %parallel_loop3A_238 : i32 to index
          %parallel_loop3A_1688 = arith.index_cast %parallel_loop3A_1684 : i32 to index
          %parallel_loop3A_1689 = arith.constant 16 : index
          %parallel_loop3A_1690 = tpu.vector_load %arg8[%parallel_loop3A_1686, %parallel_loop3A_1687, %parallel_loop3A_1688, %parallel_loop3A_1689] {strides = array<i32>} : memref<2x4x128x64xf32, #tpu.memory_space<vmem>>, vector<1x1x1x16xf32>,
          %parallel_loop3A_1691 = vector.shape_cast %parallel_loop3A_1690 : vector<1x1x1x16xf32> to vector<16xf32>
          %parallel_loop3A_1692 = vector.broadcast %parallel_loop3A_1670 : f32 to vector<16xf32>
          %parallel_loop3A_1693 = arith.mulf %parallel_loop3A_1692, %parallel_loop3A_1691 : vector<16xf32>
          %parallel_loop3A_1694 = arith.addf %parallel_loop3A_1590, %parallel_loop3A_1693 : vector<16xf32>
          %parallel_loop3A_1695 = vector.extract_strided_slice %parallel_loop3A_1538 {offsets = [6], sizes = [1], strides = [1]} : vector<16xf32> to vector<1xf32>
          %parallel_loop3A_1696 = vector.extract %parallel_loop3A_1695[0] : f32 from vector<1xf32>
          %parallel_loop3A_1697 = arith.constant 54 : i32
          %parallel_loop3A_1698 = arith.addi %parallel_loop3A_256, %parallel_loop3A_1697 : i32
          %parallel_loop3A_1699 = arith.constant 1 : i32
          %parallel_loop3A_1700 = arith.index_cast %parallel_loop3A_1699 : i32 to index
          %parallel_loop3A_1701 = arith.index_cast %parallel_loop3A_238 : i32 to index
          %parallel_loop3A_1702 = arith.index_cast %parallel_loop3A_1698 : i32 to index
          %parallel_loop3A_1703 = arith.constant 0 : index
          %parallel_loop3A_1704 = tpu.vector_load %arg8[%parallel_loop3A_1700, %parallel_loop3A_1701, %parallel_loop3A_1702, %parallel_loop3A_1703] {strides = array<i32>} : memref<2x4x128x64xf32, #tpu.memory_space<vmem>>, vector<1x1x1x16xf32>,
          %parallel_loop3A_1705 = vector.shape_cast %parallel_loop3A_1704 : vector<1x1x1x16xf32> to vector<16xf32>
          %parallel_loop3A_1706 = vector.broadcast %parallel_loop3A_1696 : f32 to vector<16xf32>
          %parallel_loop3A_1707 = arith.mulf %parallel_loop3A_1706, %parallel_loop3A_1705 : vector<16xf32>
          %parallel_loop3A_1708 = arith.addf %parallel_loop3A_1604, %parallel_loop3A_1707 : vector<16xf32>
          %parallel_loop3A_1709 = arith.constant 54 : i32
          %parallel_loop3A_1710 = arith.addi %parallel_loop3A_256, %parallel_loop3A_1709 : i32
          %parallel_loop3A_1711 = arith.constant 1 : i32
          %parallel_loop3A_1712 = arith.index_cast %parallel_loop3A_1711 : i32 to index
          %parallel_loop3A_1713 = arith.index_cast %parallel_loop3A_238 : i32 to index
          %parallel_loop3A_1714 = arith.index_cast %parallel_loop3A_1710 : i32 to index
          %parallel_loop3A_1715 = arith.constant 16 : index
          %parallel_loop3A_1716 = tpu.vector_load %arg8[%parallel_loop3A_1712, %parallel_loop3A_1713, %parallel_loop3A_1714, %parallel_loop3A_1715] {strides = array<i32>} : memref<2x4x128x64xf32, #tpu.memory_space<vmem>>, vector<1x1x1x16xf32>,
          %parallel_loop3A_1717 = vector.shape_cast %parallel_loop3A_1716 : vector<1x1x1x16xf32> to vector<16xf32>
          %parallel_loop3A_1718 = vector.broadcast %parallel_loop3A_1696 : f32 to vector<16xf32>
          %parallel_loop3A_1719 = arith.mulf %parallel_loop3A_1718, %parallel_loop3A_1717 : vector<16xf32>
          %parallel_loop3A_1720 = arith.addf %parallel_loop3A_1616, %parallel_loop3A_1719 : vector<16xf32>
          %parallel_loop3A_1721 = vector.extract_strided_slice %parallel_loop3A_1538 {offsets = [7], sizes = [1], strides = [1]} : vector<16xf32> to vector<1xf32>
          %parallel_loop3A_1722 = vector.extract %parallel_loop3A_1721[0] : f32 from vector<1xf32>
          %parallel_loop3A_1723 = arith.constant 55 : i32
          %parallel_loop3A_1724 = arith.addi %parallel_loop3A_256, %parallel_loop3A_1723 : i32
          %parallel_loop3A_1725 = arith.constant 1 : i32
          %parallel_loop3A_1726 = arith.index_cast %parallel_loop3A_1725 : i32 to index
          %parallel_loop3A_1727 = arith.index_cast %parallel_loop3A_238 : i32 to index
          %parallel_loop3A_1728 = arith.index_cast %parallel_loop3A_1724 : i32 to index
          %parallel_loop3A_1729 = arith.constant 0 : index
          %parallel_loop3A_1730 = tpu.vector_load %arg8[%parallel_loop3A_1726, %parallel_loop3A_1727, %parallel_loop3A_1728, %parallel_loop3A_1729] {strides = array<i32>} : memref<2x4x128x64xf32, #tpu.memory_space<vmem>>, vector<1x1x1x16xf32>,
          %parallel_loop3A_1731 = vector.shape_cast %parallel_loop3A_1730 : vector<1x1x1x16xf32> to vector<16xf32>
          %parallel_loop3A_1732 = vector.broadcast %parallel_loop3A_1722 : f32 to vector<16xf32>
          %parallel_loop3A_1733 = arith.mulf %parallel_loop3A_1732, %parallel_loop3A_1731 : vector<16xf32>
          %parallel_loop3A_1734 = arith.addf %parallel_loop3A_1630, %parallel_loop3A_1733 : vector<16xf32>
          %parallel_loop3A_1735 = arith.constant 55 : i32
          %parallel_loop3A_1736 = arith.addi %parallel_loop3A_256, %parallel_loop3A_1735 : i32
          %parallel_loop3A_1737 = arith.constant 1 : i32
          %parallel_loop3A_1738 = arith.index_cast %parallel_loop3A_1737 : i32 to index
          %parallel_loop3A_1739 = arith.index_cast %parallel_loop3A_238 : i32 to index
          %parallel_loop3A_1740 = arith.index_cast %parallel_loop3A_1736 : i32 to index
          %parallel_loop3A_1741 = arith.constant 16 : index
          %parallel_loop3A_1742 = tpu.vector_load %arg8[%parallel_loop3A_1738, %parallel_loop3A_1739, %parallel_loop3A_1740, %parallel_loop3A_1741] {strides = array<i32>} : memref<2x4x128x64xf32, #tpu.memory_space<vmem>>, vector<1x1x1x16xf32>,
          %parallel_loop3A_1743 = vector.shape_cast %parallel_loop3A_1742 : vector<1x1x1x16xf32> to vector<16xf32>
          %parallel_loop3A_1744 = vector.broadcast %parallel_loop3A_1722 : f32 to vector<16xf32>
          %parallel_loop3A_1745 = arith.mulf %parallel_loop3A_1744, %parallel_loop3A_1743 : vector<16xf32>
          %parallel_loop3A_1746 = arith.addf %parallel_loop3A_1642, %parallel_loop3A_1745 : vector<16xf32>
          %parallel_loop3A_1747 = vector.extract_strided_slice %parallel_loop3A_1538 {offsets = [8], sizes = [1], strides = [1]} : vector<16xf32> to vector<1xf32>
          %parallel_loop3A_1748 = vector.extract %parallel_loop3A_1747[0] : f32 from vector<1xf32>
          %parallel_loop3A_1749 = arith.constant 56 : i32
          %parallel_loop3A_1750 = arith.addi %parallel_loop3A_256, %parallel_loop3A_1749 : i32
          %parallel_loop3A_1751 = arith.constant 1 : i32
          %parallel_loop3A_1752 = arith.index_cast %parallel_loop3A_1751 : i32 to index
          %parallel_loop3A_1753 = arith.index_cast %parallel_loop3A_238 : i32 to index
          %parallel_loop3A_1754 = arith.index_cast %parallel_loop3A_1750 : i32 to index
          %parallel_loop3A_1755 = arith.constant 0 : index
          %parallel_loop3A_1756 = tpu.vector_load %arg8[%parallel_loop3A_1752, %parallel_loop3A_1753, %parallel_loop3A_1754, %parallel_loop3A_1755] {strides = array<i32>} : memref<2x4x128x64xf32, #tpu.memory_space<vmem>>, vector<1x1x1x16xf32>,
          %parallel_loop3A_1757 = vector.shape_cast %parallel_loop3A_1756 : vector<1x1x1x16xf32> to vector<16xf32>
          %parallel_loop3A_1758 = vector.broadcast %parallel_loop3A_1748 : f32 to vector<16xf32>
          %parallel_loop3A_1759 = arith.mulf %parallel_loop3A_1758, %parallel_loop3A_1757 : vector<16xf32>
          %parallel_loop3A_1760 = arith.addf %parallel_loop3A_1656, %parallel_loop3A_1759 : vector<16xf32>
          %parallel_loop3A_1761 = arith.constant 56 : i32
          %parallel_loop3A_1762 = arith.addi %parallel_loop3A_256, %parallel_loop3A_1761 : i32
          %parallel_loop3A_1763 = arith.constant 1 : i32
          %parallel_loop3A_1764 = arith.index_cast %parallel_loop3A_1763 : i32 to index
          %parallel_loop3A_1765 = arith.index_cast %parallel_loop3A_238 : i32 to index
          %parallel_loop3A_1766 = arith.index_cast %parallel_loop3A_1762 : i32 to index
          %parallel_loop3A_1767 = arith.constant 16 : index
          %parallel_loop3A_1768 = tpu.vector_load %arg8[%parallel_loop3A_1764, %parallel_loop3A_1765, %parallel_loop3A_1766, %parallel_loop3A_1767] {strides = array<i32>} : memref<2x4x128x64xf32, #tpu.memory_space<vmem>>, vector<1x1x1x16xf32>,
          %parallel_loop3A_1769 = vector.shape_cast %parallel_loop3A_1768 : vector<1x1x1x16xf32> to vector<16xf32>
          %parallel_loop3A_1770 = vector.broadcast %parallel_loop3A_1748 : f32 to vector<16xf32>
          %parallel_loop3A_1771 = arith.mulf %parallel_loop3A_1770, %parallel_loop3A_1769 : vector<16xf32>
          %parallel_loop3A_1772 = arith.addf %parallel_loop3A_1668, %parallel_loop3A_1771 : vector<16xf32>
          %parallel_loop3A_1773 = vector.extract_strided_slice %parallel_loop3A_1538 {offsets = [9], sizes = [1], strides = [1]} : vector<16xf32> to vector<1xf32>
          %parallel_loop3A_1774 = vector.extract %parallel_loop3A_1773[0] : f32 from vector<1xf32>
          %parallel_loop3A_1775 = arith.constant 57 : i32
          %parallel_loop3A_1776 = arith.addi %parallel_loop3A_256, %parallel_loop3A_1775 : i32
          %parallel_loop3A_1777 = arith.constant 1 : i32
          %parallel_loop3A_1778 = arith.index_cast %parallel_loop3A_1777 : i32 to index
          %parallel_loop3A_1779 = arith.index_cast %parallel_loop3A_238 : i32 to index
          %parallel_loop3A_1780 = arith.index_cast %parallel_loop3A_1776 : i32 to index
          %parallel_loop3A_1781 = arith.constant 0 : index
          %parallel_loop3A_1782 = tpu.vector_load %arg8[%parallel_loop3A_1778, %parallel_loop3A_1779, %parallel_loop3A_1780, %parallel_loop3A_1781] {strides = array<i32>} : memref<2x4x128x64xf32, #tpu.memory_space<vmem>>, vector<1x1x1x16xf32>,
          %parallel_loop3A_1783 = vector.shape_cast %parallel_loop3A_1782 : vector<1x1x1x16xf32> to vector<16xf32>
          %parallel_loop3A_1784 = vector.broadcast %parallel_loop3A_1774 : f32 to vector<16xf32>
          %parallel_loop3A_1785 = arith.mulf %parallel_loop3A_1784, %parallel_loop3A_1783 : vector<16xf32>
          %parallel_loop3A_1786 = arith.addf %parallel_loop3A_1682, %parallel_loop3A_1785 : vector<16xf32>
          %parallel_loop3A_1787 = arith.constant 57 : i32
          %parallel_loop3A_1788 = arith.addi %parallel_loop3A_256, %parallel_loop3A_1787 : i32
          %parallel_loop3A_1789 = arith.constant 1 : i32
          %parallel_loop3A_1790 = arith.index_cast %parallel_loop3A_1789 : i32 to index
          %parallel_loop3A_1791 = arith.index_cast %parallel_loop3A_238 : i32 to index
          %parallel_loop3A_1792 = arith.index_cast %parallel_loop3A_1788 : i32 to index
          %parallel_loop3A_1793 = arith.constant 16 : index
          %parallel_loop3A_1794 = tpu.vector_load %arg8[%parallel_loop3A_1790, %parallel_loop3A_1791, %parallel_loop3A_1792, %parallel_loop3A_1793] {strides = array<i32>} : memref<2x4x128x64xf32, #tpu.memory_space<vmem>>, vector<1x1x1x16xf32>,
          %parallel_loop3A_1795 = vector.shape_cast %parallel_loop3A_1794 : vector<1x1x1x16xf32> to vector<16xf32>
          %parallel_loop3A_1796 = vector.broadcast %parallel_loop3A_1774 : f32 to vector<16xf32>
          %parallel_loop3A_1797 = arith.mulf %parallel_loop3A_1796, %parallel_loop3A_1795 : vector<16xf32>
          %parallel_loop3A_1798 = arith.addf %parallel_loop3A_1694, %parallel_loop3A_1797 : vector<16xf32>
          %parallel_loop3A_1799 = vector.extract_strided_slice %parallel_loop3A_1538 {offsets = [10], sizes = [1], strides = [1]} : vector<16xf32> to vector<1xf32>
          %parallel_loop3A_1800 = vector.extract %parallel_loop3A_1799[0] : f32 from vector<1xf32>
          %parallel_loop3A_1801 = arith.constant 58 : i32
          %parallel_loop3A_1802 = arith.addi %parallel_loop3A_256, %parallel_loop3A_1801 : i32
          %parallel_loop3A_1803 = arith.constant 1 : i32
          %parallel_loop3A_1804 = arith.index_cast %parallel_loop3A_1803 : i32 to index
          %parallel_loop3A_1805 = arith.index_cast %parallel_loop3A_238 : i32 to index
          %parallel_loop3A_1806 = arith.index_cast %parallel_loop3A_1802 : i32 to index
          %parallel_loop3A_1807 = arith.constant 0 : index
          %parallel_loop3A_1808 = tpu.vector_load %arg8[%parallel_loop3A_1804, %parallel_loop3A_1805, %parallel_loop3A_1806, %parallel_loop3A_1807] {strides = array<i32>} : memref<2x4x128x64xf32, #tpu.memory_space<vmem>>, vector<1x1x1x16xf32>,
          %parallel_loop3A_1809 = vector.shape_cast %parallel_loop3A_1808 : vector<1x1x1x16xf32> to vector<16xf32>
          %parallel_loop3A_1810 = vector.broadcast %parallel_loop3A_1800 : f32 to vector<16xf32>
          %parallel_loop3A_1811 = arith.mulf %parallel_loop3A_1810, %parallel_loop3A_1809 : vector<16xf32>
          %parallel_loop3A_1812 = arith.addf %parallel_loop3A_1708, %parallel_loop3A_1811 : vector<16xf32>
          %parallel_loop3A_1813 = arith.constant 58 : i32
          %parallel_loop3A_1814 = arith.addi %parallel_loop3A_256, %parallel_loop3A_1813 : i32
          %parallel_loop3A_1815 = arith.constant 1 : i32
          %parallel_loop3A_1816 = arith.index_cast %parallel_loop3A_1815 : i32 to index
          %parallel_loop3A_1817 = arith.index_cast %parallel_loop3A_238 : i32 to index
          %parallel_loop3A_1818 = arith.index_cast %parallel_loop3A_1814 : i32 to index
          %parallel_loop3A_1819 = arith.constant 16 : index
          %parallel_loop3A_1820 = tpu.vector_load %arg8[%parallel_loop3A_1816, %parallel_loop3A_1817, %parallel_loop3A_1818, %parallel_loop3A_1819] {strides = array<i32>} : memref<2x4x128x64xf32, #tpu.memory_space<vmem>>, vector<1x1x1x16xf32>,
          %parallel_loop3A_1821 = vector.shape_cast %parallel_loop3A_1820 : vector<1x1x1x16xf32> to vector<16xf32>
          %parallel_loop3A_1822 = vector.broadcast %parallel_loop3A_1800 : f32 to vector<16xf32>
          %parallel_loop3A_1823 = arith.mulf %parallel_loop3A_1822, %parallel_loop3A_1821 : vector<16xf32>
          %parallel_loop3A_1824 = arith.addf %parallel_loop3A_1720, %parallel_loop3A_1823 : vector<16xf32>
          %parallel_loop3A_1825 = vector.extract_strided_slice %parallel_loop3A_1538 {offsets = [11], sizes = [1], strides = [1]} : vector<16xf32> to vector<1xf32>
          %parallel_loop3A_1826 = vector.extract %parallel_loop3A_1825[0] : f32 from vector<1xf32>
          %parallel_loop3A_1827 = arith.constant 59 : i32
          %parallel_loop3A_1828 = arith.addi %parallel_loop3A_256, %parallel_loop3A_1827 : i32
          %parallel_loop3A_1829 = arith.constant 1 : i32
          %parallel_loop3A_1830 = arith.index_cast %parallel_loop3A_1829 : i32 to index
          %parallel_loop3A_1831 = arith.index_cast %parallel_loop3A_238 : i32 to index
          %parallel_loop3A_1832 = arith.index_cast %parallel_loop3A_1828 : i32 to index
          %parallel_loop3A_1833 = arith.constant 0 : index
          %parallel_loop3A_1834 = tpu.vector_load %arg8[%parallel_loop3A_1830, %parallel_loop3A_1831, %parallel_loop3A_1832, %parallel_loop3A_1833] {strides = array<i32>} : memref<2x4x128x64xf32, #tpu.memory_space<vmem>>, vector<1x1x1x16xf32>,
          %parallel_loop3A_1835 = vector.shape_cast %parallel_loop3A_1834 : vector<1x1x1x16xf32> to vector<16xf32>
          %parallel_loop3A_1836 = vector.broadcast %parallel_loop3A_1826 : f32 to vector<16xf32>
          %parallel_loop3A_1837 = arith.mulf %parallel_loop3A_1836, %parallel_loop3A_1835 : vector<16xf32>
          %parallel_loop3A_1838 = arith.addf %parallel_loop3A_1734, %parallel_loop3A_1837 : vector<16xf32>
          %parallel_loop3A_1839 = arith.constant 59 : i32
          %parallel_loop3A_1840 = arith.addi %parallel_loop3A_256, %parallel_loop3A_1839 : i32
          %parallel_loop3A_1841 = arith.constant 1 : i32
          %parallel_loop3A_1842 = arith.index_cast %parallel_loop3A_1841 : i32 to index
          %parallel_loop3A_1843 = arith.index_cast %parallel_loop3A_238 : i32 to index
          %parallel_loop3A_1844 = arith.index_cast %parallel_loop3A_1840 : i32 to index
          %parallel_loop3A_1845 = arith.constant 16 : index
          %parallel_loop3A_1846 = tpu.vector_load %arg8[%parallel_loop3A_1842, %parallel_loop3A_1843, %parallel_loop3A_1844, %parallel_loop3A_1845] {strides = array<i32>} : memref<2x4x128x64xf32, #tpu.memory_space<vmem>>, vector<1x1x1x16xf32>,
          %parallel_loop3A_1847 = vector.shape_cast %parallel_loop3A_1846 : vector<1x1x1x16xf32> to vector<16xf32>
          %parallel_loop3A_1848 = vector.broadcast %parallel_loop3A_1826 : f32 to vector<16xf32>
          %parallel_loop3A_1849 = arith.mulf %parallel_loop3A_1848, %parallel_loop3A_1847 : vector<16xf32>
          %parallel_loop3A_1850 = arith.addf %parallel_loop3A_1746, %parallel_loop3A_1849 : vector<16xf32>
          %parallel_loop3A_1851 = vector.extract_strided_slice %parallel_loop3A_1538 {offsets = [12], sizes = [1], strides = [1]} : vector<16xf32> to vector<1xf32>
          %parallel_loop3A_1852 = vector.extract %parallel_loop3A_1851[0] : f32 from vector<1xf32>
          %parallel_loop3A_1853 = arith.constant 60 : i32
          %parallel_loop3A_1854 = arith.addi %parallel_loop3A_256, %parallel_loop3A_1853 : i32
          %parallel_loop3A_1855 = arith.constant 1 : i32
          %parallel_loop3A_1856 = arith.index_cast %parallel_loop3A_1855 : i32 to index
          %parallel_loop3A_1857 = arith.index_cast %parallel_loop3A_238 : i32 to index
          %parallel_loop3A_1858 = arith.index_cast %parallel_loop3A_1854 : i32 to index
          %parallel_loop3A_1859 = arith.constant 0 : index
          %parallel_loop3A_1860 = tpu.vector_load %arg8[%parallel_loop3A_1856, %parallel_loop3A_1857, %parallel_loop3A_1858, %parallel_loop3A_1859] {strides = array<i32>} : memref<2x4x128x64xf32, #tpu.memory_space<vmem>>, vector<1x1x1x16xf32>,
          %parallel_loop3A_1861 = vector.shape_cast %parallel_loop3A_1860 : vector<1x1x1x16xf32> to vector<16xf32>
          %parallel_loop3A_1862 = vector.broadcast %parallel_loop3A_1852 : f32 to vector<16xf32>
          %parallel_loop3A_1863 = arith.mulf %parallel_loop3A_1862, %parallel_loop3A_1861 : vector<16xf32>
          %parallel_loop3A_1864 = arith.addf %parallel_loop3A_1760, %parallel_loop3A_1863 : vector<16xf32>
          %parallel_loop3A_1865 = arith.constant 60 : i32
          %parallel_loop3A_1866 = arith.addi %parallel_loop3A_256, %parallel_loop3A_1865 : i32
          %parallel_loop3A_1867 = arith.constant 1 : i32
          %parallel_loop3A_1868 = arith.index_cast %parallel_loop3A_1867 : i32 to index
          %parallel_loop3A_1869 = arith.index_cast %parallel_loop3A_238 : i32 to index
          %parallel_loop3A_1870 = arith.index_cast %parallel_loop3A_1866 : i32 to index
          %parallel_loop3A_1871 = arith.constant 16 : index
          %parallel_loop3A_1872 = tpu.vector_load %arg8[%parallel_loop3A_1868, %parallel_loop3A_1869, %parallel_loop3A_1870, %parallel_loop3A_1871] {strides = array<i32>} : memref<2x4x128x64xf32, #tpu.memory_space<vmem>>, vector<1x1x1x16xf32>,
          %parallel_loop3A_1873 = vector.shape_cast %parallel_loop3A_1872 : vector<1x1x1x16xf32> to vector<16xf32>
          %parallel_loop3A_1874 = vector.broadcast %parallel_loop3A_1852 : f32 to vector<16xf32>
          %parallel_loop3A_1875 = arith.mulf %parallel_loop3A_1874, %parallel_loop3A_1873 : vector<16xf32>
          %parallel_loop3A_1876 = arith.addf %parallel_loop3A_1772, %parallel_loop3A_1875 : vector<16xf32>
          %parallel_loop3A_1877 = vector.extract_strided_slice %parallel_loop3A_1538 {offsets = [13], sizes = [1], strides = [1]} : vector<16xf32> to vector<1xf32>
          %parallel_loop3A_1878 = vector.extract %parallel_loop3A_1877[0] : f32 from vector<1xf32>
          %parallel_loop3A_1879 = arith.constant 61 : i32
          %parallel_loop3A_1880 = arith.addi %parallel_loop3A_256, %parallel_loop3A_1879 : i32
          %parallel_loop3A_1881 = arith.constant 1 : i32
          %parallel_loop3A_1882 = arith.index_cast %parallel_loop3A_1881 : i32 to index
          %parallel_loop3A_1883 = arith.index_cast %parallel_loop3A_238 : i32 to index
          %parallel_loop3A_1884 = arith.index_cast %parallel_loop3A_1880 : i32 to index
          %parallel_loop3A_1885 = arith.constant 0 : index
          %parallel_loop3A_1886 = tpu.vector_load %arg8[%parallel_loop3A_1882, %parallel_loop3A_1883, %parallel_loop3A_1884, %parallel_loop3A_1885] {strides = array<i32>} : memref<2x4x128x64xf32, #tpu.memory_space<vmem>>, vector<1x1x1x16xf32>,
          %parallel_loop3A_1887 = vector.shape_cast %parallel_loop3A_1886 : vector<1x1x1x16xf32> to vector<16xf32>
          %parallel_loop3A_1888 = vector.broadcast %parallel_loop3A_1878 : f32 to vector<16xf32>
          %parallel_loop3A_1889 = arith.mulf %parallel_loop3A_1888, %parallel_loop3A_1887 : vector<16xf32>
          %parallel_loop3A_1890 = arith.addf %parallel_loop3A_1786, %parallel_loop3A_1889 : vector<16xf32>
          %parallel_loop3A_1891 = arith.constant 61 : i32
          %parallel_loop3A_1892 = arith.addi %parallel_loop3A_256, %parallel_loop3A_1891 : i32
          %parallel_loop3A_1893 = arith.constant 1 : i32
          %parallel_loop3A_1894 = arith.index_cast %parallel_loop3A_1893 : i32 to index
          %parallel_loop3A_1895 = arith.index_cast %parallel_loop3A_238 : i32 to index
          %parallel_loop3A_1896 = arith.index_cast %parallel_loop3A_1892 : i32 to index
          %parallel_loop3A_1897 = arith.constant 16 : index
          %parallel_loop3A_1898 = tpu.vector_load %arg8[%parallel_loop3A_1894, %parallel_loop3A_1895, %parallel_loop3A_1896, %parallel_loop3A_1897] {strides = array<i32>} : memref<2x4x128x64xf32, #tpu.memory_space<vmem>>, vector<1x1x1x16xf32>,
          %parallel_loop3A_1899 = vector.shape_cast %parallel_loop3A_1898 : vector<1x1x1x16xf32> to vector<16xf32>
          %parallel_loop3A_1900 = vector.broadcast %parallel_loop3A_1878 : f32 to vector<16xf32>
          %parallel_loop3A_1901 = arith.mulf %parallel_loop3A_1900, %parallel_loop3A_1899 : vector<16xf32>
          %parallel_loop3A_1902 = arith.addf %parallel_loop3A_1798, %parallel_loop3A_1901 : vector<16xf32>
          %parallel_loop3A_1903 = vector.extract_strided_slice %parallel_loop3A_1538 {offsets = [14], sizes = [1], strides = [1]} : vector<16xf32> to vector<1xf32>
          %parallel_loop3A_1904 = vector.extract %parallel_loop3A_1903[0] : f32 from vector<1xf32>
          %parallel_loop3A_1905 = arith.constant 62 : i32
          %parallel_loop3A_1906 = arith.addi %parallel_loop3A_256, %parallel_loop3A_1905 : i32
          %parallel_loop3A_1907 = arith.constant 1 : i32
          %parallel_loop3A_1908 = arith.index_cast %parallel_loop3A_1907 : i32 to index
          %parallel_loop3A_1909 = arith.index_cast %parallel_loop3A_238 : i32 to index
          %parallel_loop3A_1910 = arith.index_cast %parallel_loop3A_1906 : i32 to index
          %parallel_loop3A_1911 = arith.constant 0 : index
          %parallel_loop3A_1912 = tpu.vector_load %arg8[%parallel_loop3A_1908, %parallel_loop3A_1909, %parallel_loop3A_1910, %parallel_loop3A_1911] {strides = array<i32>} : memref<2x4x128x64xf32, #tpu.memory_space<vmem>>, vector<1x1x1x16xf32>,
          %parallel_loop3A_1913 = vector.shape_cast %parallel_loop3A_1912 : vector<1x1x1x16xf32> to vector<16xf32>
          %parallel_loop3A_1914 = vector.broadcast %parallel_loop3A_1904 : f32 to vector<16xf32>
          %parallel_loop3A_1915 = arith.mulf %parallel_loop3A_1914, %parallel_loop3A_1913 : vector<16xf32>
          %parallel_loop3A_1916 = arith.addf %parallel_loop3A_1812, %parallel_loop3A_1915 : vector<16xf32>
          %parallel_loop3A_1917 = arith.constant 62 : i32
          %parallel_loop3A_1918 = arith.addi %parallel_loop3A_256, %parallel_loop3A_1917 : i32
          %parallel_loop3A_1919 = arith.constant 1 : i32
          %parallel_loop3A_1920 = arith.index_cast %parallel_loop3A_1919 : i32 to index
          %parallel_loop3A_1921 = arith.index_cast %parallel_loop3A_238 : i32 to index
          %parallel_loop3A_1922 = arith.index_cast %parallel_loop3A_1918 : i32 to index
          %parallel_loop3A_1923 = arith.constant 16 : index
          %parallel_loop3A_1924 = tpu.vector_load %arg8[%parallel_loop3A_1920, %parallel_loop3A_1921, %parallel_loop3A_1922, %parallel_loop3A_1923] {strides = array<i32>} : memref<2x4x128x64xf32, #tpu.memory_space<vmem>>, vector<1x1x1x16xf32>,
          %parallel_loop3A_1925 = vector.shape_cast %parallel_loop3A_1924 : vector<1x1x1x16xf32> to vector<16xf32>
          %parallel_loop3A_1926 = vector.broadcast %parallel_loop3A_1904 : f32 to vector<16xf32>
          %parallel_loop3A_1927 = arith.mulf %parallel_loop3A_1926, %parallel_loop3A_1925 : vector<16xf32>
          %parallel_loop3A_1928 = arith.addf %parallel_loop3A_1824, %parallel_loop3A_1927 : vector<16xf32>
          %parallel_loop3A_1929 = vector.extract_strided_slice %parallel_loop3A_1538 {offsets = [15], sizes = [1], strides = [1]} : vector<16xf32> to vector<1xf32>
          %parallel_loop3A_1930 = vector.extract %parallel_loop3A_1929[0] : f32 from vector<1xf32>
          %parallel_loop3A_1931 = arith.constant 63 : i32
          %parallel_loop3A_1932 = arith.addi %parallel_loop3A_256, %parallel_loop3A_1931 : i32
          %parallel_loop3A_1933 = arith.constant 1 : i32
          %parallel_loop3A_1934 = arith.index_cast %parallel_loop3A_1933 : i32 to index
          %parallel_loop3A_1935 = arith.index_cast %parallel_loop3A_238 : i32 to index
          %parallel_loop3A_1936 = arith.index_cast %parallel_loop3A_1932 : i32 to index
          %parallel_loop3A_1937 = arith.constant 0 : index
          %parallel_loop3A_1938 = tpu.vector_load %arg8[%parallel_loop3A_1934, %parallel_loop3A_1935, %parallel_loop3A_1936, %parallel_loop3A_1937] {strides = array<i32>} : memref<2x4x128x64xf32, #tpu.memory_space<vmem>>, vector<1x1x1x16xf32>,
          %parallel_loop3A_1939 = vector.shape_cast %parallel_loop3A_1938 : vector<1x1x1x16xf32> to vector<16xf32>
          %parallel_loop3A_1940 = vector.broadcast %parallel_loop3A_1930 : f32 to vector<16xf32>
          %parallel_loop3A_1941 = arith.mulf %parallel_loop3A_1940, %parallel_loop3A_1939 : vector<16xf32>
          %parallel_loop3A_1942 = arith.addf %parallel_loop3A_1838, %parallel_loop3A_1941 : vector<16xf32>
          %parallel_loop3A_1943 = arith.constant 63 : i32
          %parallel_loop3A_1944 = arith.addi %parallel_loop3A_256, %parallel_loop3A_1943 : i32
          %parallel_loop3A_1945 = arith.constant 1 : i32
          %parallel_loop3A_1946 = arith.index_cast %parallel_loop3A_1945 : i32 to index
          %parallel_loop3A_1947 = arith.index_cast %parallel_loop3A_238 : i32 to index
          %parallel_loop3A_1948 = arith.index_cast %parallel_loop3A_1944 : i32 to index
          %parallel_loop3A_1949 = arith.constant 16 : index
          %parallel_loop3A_1950 = tpu.vector_load %arg8[%parallel_loop3A_1946, %parallel_loop3A_1947, %parallel_loop3A_1948, %parallel_loop3A_1949] {strides = array<i32>} : memref<2x4x128x64xf32, #tpu.memory_space<vmem>>, vector<1x1x1x16xf32>,
          %parallel_loop3A_1951 = vector.shape_cast %parallel_loop3A_1950 : vector<1x1x1x16xf32> to vector<16xf32>
          %parallel_loop3A_1952 = vector.broadcast %parallel_loop3A_1930 : f32 to vector<16xf32>
          %parallel_loop3A_1953 = arith.mulf %parallel_loop3A_1952, %parallel_loop3A_1951 : vector<16xf32>
          %parallel_loop3A_1954 = arith.addf %parallel_loop3A_1850, %parallel_loop3A_1953 : vector<16xf32>
          %parallel_loop3A_1955 = arith.addf %parallel_loop3A_1864, %parallel_loop3A_1890 : vector<16xf32>
          %parallel_loop3A_1956 = arith.addf %parallel_loop3A_1916, %parallel_loop3A_1942 : vector<16xf32>
          %parallel_loop3A_1957 = arith.addf %parallel_loop3A_1955, %parallel_loop3A_1956 : vector<16xf32>
          %parallel_loop3A_1958 = arith.index_cast %parallel_loop3A_214 : i32 to index
          %parallel_loop3A_1959 = arith.constant 0 : index
          %parallel_loop3A_1960 = tpu.vector_load %arg9[%parallel_loop3A_1958, %parallel_loop3A_1959] {strides = array<i32>} : memref<16x32xf32, #tpu.memory_space<vmem>>, vector<1x16xf32>,
          %parallel_loop3A_1961 = vector.shape_cast %parallel_loop3A_1960 : vector<1x16xf32> to vector<16xf32>
          %parallel_loop3A_1962 = vector.shape_cast %parallel_loop3A_1957 : vector<16xf32> to vector<1x16xf32>
          tpu.vector_store %arg9[%parallel_loop3A_1958, %parallel_loop3A_1959], %parallel_loop3A_1962 {strides = array<i32>} : memref<16x32xf32, #tpu.memory_space<vmem>>, vector<1x16xf32>,
          %parallel_loop3A_1963 = arith.addf %parallel_loop3A_1876, %parallel_loop3A_1902 : vector<16xf32>
          %parallel_loop3A_1964 = arith.addf %parallel_loop3A_1928, %parallel_loop3A_1954 : vector<16xf32>
          %parallel_loop3A_1965 = arith.addf %parallel_loop3A_1963, %parallel_loop3A_1964 : vector<16xf32>
          %parallel_loop3A_1966 = arith.index_cast %parallel_loop3A_214 : i32 to index
          %parallel_loop3A_1967 = arith.constant 16 : index
          %parallel_loop3A_1968 = tpu.vector_load %arg9[%parallel_loop3A_1966, %parallel_loop3A_1967] {strides = array<i32>} : memref<16x32xf32, #tpu.memory_space<vmem>>, vector<1x16xf32>,
          %parallel_loop3A_1969 = vector.shape_cast %parallel_loop3A_1968 : vector<1x16xf32> to vector<16xf32>
          %parallel_loop3A_1970 = vector.shape_cast %parallel_loop3A_1965 : vector<16xf32> to vector<1x16xf32>
          tpu.vector_store %arg9[%parallel_loop3A_1966, %parallel_loop3A_1967], %parallel_loop3A_1970 {strides = array<i32>} : memref<16x32xf32, #tpu.memory_space<vmem>>, vector<1x16xf32>,
        } {sc.loop_unroll_factor = 2 : i64, sc.parallel_access}
        %mul3A_212 = arith.constant 16 : i32
        %mul3A_213 = arith.muli %add3A_208, %mul3A_212 : i32
        "tpu.region"() ({
          %run_scoped3A_214 = tpu.sem_alloc : memref<!tpu.dma_semaphore, #tpu.memory_space<semaphore_mem>>
          %dma_start3A_215 = arith.constant 0 : i32
          %dma_start3A_216 = tpu.memref_slice %arg5[%mul3A_213, %dma_start3A_215] : memref<87040x32xf32, #tpu.memory_space<hbm>> -> memref<16x32xf32, #tpu.memory_space<hbm>>
          %dma_start3A_217 = arith.constant 0 : i32
          %dma_start3A_218 = tpu.memref_slice %arg5[%mul3A_213, %dma_start3A_217] : memref<87040x32xf32, #tpu.memory_space<hbm>> -> memref<16x32xf32, #tpu.memory_space<hbm>>
          tpu.enqueue_dma source(%arg9 : memref<16x32xf32, #tpu.memory_space<vmem>>) target(%dma_start3A_218 : memref<16x32xf32, #tpu.memory_space<hbm>>) target_semaphore(%run_scoped3A_214 : memref<!tpu.dma_semaphore, #tpu.memory_space<semaphore_mem>>)
          %dma_wait3A_219 = arith.constant 0 : i32
          %dma_wait3A_220 = tpu.memref_slice %arg5[%mul3A_213, %dma_wait3A_219] : memref<87040x32xf32, #tpu.memory_space<hbm>> -> memref<16x32xf32, #tpu.memory_space<hbm>>
          %dma_wait3A_221 = arith.constant 0 : i32
          %dma_wait3A_222 = tpu.memref_slice %arg5[%mul3A_213, %dma_wait3A_221] : memref<87040x32xf32, #tpu.memory_space<hbm>> -> memref<16x32xf32, #tpu.memory_space<hbm>>
          tpu.wait_dma2 semaphore(%run_scoped3A_214 : memref<!tpu.dma_semaphore, #tpu.memory_space<semaphore_mem>>) src(%arg9 : memref<16x32xf32, #tpu.memory_space<vmem>>) dst(%dma_wait3A_222 : memref<16x32xf32, #tpu.memory_space<hbm>>)
          tpu.yield
        }) : () -> ()
      } else {
      }
    }
    %scan3A_63 = arith.constant 85 : i32
    return
  }
}

module attributes {stable_mosaic.version = 14 : i64} {
  func.func @_samp_body(%arg0: i32, %arg1: memref<544x256xf32, #tpu.memory_space<vmem>>, %arg2: memref<544x128xf32, #tpu.memory_space<vmem>>, %arg3: memref<544x128xf32, #tpu.memory_space<vmem>>, %arg4: memref<256x384xf32, #tpu.memory_space<vmem>>, %arg5: memref<1x384xf32, #tpu.memory_space<vmem>>, %arg6: memref<128x128xf32, #tpu.memory_space<vmem>>, %arg7: memref<1x128xf32, #tpu.memory_space<vmem>>, %arg8: memref<1x128xi32, #tpu.memory_space<vmem>>, %arg9: memref<1x128xi32, #tpu.memory_space<vmem>>, %arg10: memref<1x128xi32, #tpu.memory_space<vmem>>, %arg11: memref<544x512xi32, #tpu.memory_space<vmem>>, %arg12: memref<544x512xf32, #tpu.memory_space<vmem>>) attributes {dimension_semantics = [#tpu.dimension_semantics<arbitrary>], iteration_bounds = array<i64: 20>, scalar_prefetch = 0 : i64, scratch_operands = 0 : i64, tpu.core_type = #tpu.core_type<tc>, window_params = [{transform_indices = @transform_0, window_bounds = array<i64: 544, 256>}, {transform_indices = @transform_1, window_bounds = array<i64: 544, 128>}, {transform_indices = @transform_2, window_bounds = array<i64: 544, 128>}, {pipeline_mode = #tpu.pipeline_mode<synchronous>, transform_indices = @transform_3, window_bounds = array<i64: 256, 384>}, {pipeline_mode = #tpu.pipeline_mode<synchronous>, transform_indices = @transform_4, window_bounds = array<i64: 1, 384>}, {pipeline_mode = #tpu.pipeline_mode<synchronous>, transform_indices = @transform_5, window_bounds = array<i64: 128, 128>}, {pipeline_mode = #tpu.pipeline_mode<synchronous>, transform_indices = @transform_6, window_bounds = array<i64: 1, 128>}, {pipeline_mode = #tpu.pipeline_mode<synchronous>, transform_indices = @transform_7, window_bounds = array<i64: 1, 128>}, {pipeline_mode = #tpu.pipeline_mode<synchronous>, transform_indices = @transform_8, window_bounds = array<i64: 1, 128>}, {pipeline_mode = #tpu.pipeline_mode<synchronous>, transform_indices = @transform_9, window_bounds = array<i64: 1, 128>}, {transform_indices = @transform_10, window_bounds = array<i64: 544, 512>}, {transform_indices = @transform_11, window_bounds = array<i64: 544, 512>}]} {
    %jit3A = arith.constant 10 : i32
    %div3A = arith.divsi %arg0, %jit3A : i32
    %sign3A = arith.constant 0 : i32
    %sign3A_0 = arith.cmpi sgt, %arg0, %sign3A : i32
    %sign3A_1 = arith.extui %sign3A_0 : i1 to i32
    %sign3A_2 = arith.constant 0 : i32
    %sign3A_3 = arith.cmpi slt, %arg0, %sign3A_2 : i32
    %sign3A_4 = arith.extui %sign3A_3 : i1 to i32
    %sign3A_5 = arith.subi %sign3A_1, %sign3A_4 : i32
    %sign3A_6 = arith.constant 0 : i32
    %sign3A_7 = arith.cmpi sgt, %jit3A, %sign3A_6 : i32
    %sign3A_8 = arith.extui %sign3A_7 : i1 to i32
    %sign3A_9 = arith.constant 0 : i32
    %sign3A_10 = arith.cmpi slt, %jit3A, %sign3A_9 : i32
    %sign3A_11 = arith.extui %sign3A_10 : i1 to i32
    %sign3A_12 = arith.subi %sign3A_8, %sign3A_11 : i32
    %ne3A = arith.cmpi ne, %sign3A_5, %sign3A_12 : i32
    %rem3A = arith.remsi %arg0, %jit3A : i32
    %ne3A_13 = arith.constant 0 : i32
    %ne3A_14 = arith.cmpi ne, %rem3A, %ne3A_13 : i32
    %and3A = arith.andi %ne3A, %ne3A_14 : i1
    %sub3A = arith.constant 1 : i32
    %sub3A_15 = arith.subi %div3A, %sub3A : i32
    %select_n3A = arith.select %and3A, %sub3A_15, %div3A : i32
    %get3A = arith.constant 0 : index
    %get3A_16 = arith.constant 0 : index
    %get3A_17 = vector.load %arg1[%get3A, %get3A_16] : memref<544x256xf32, #tpu.memory_space<vmem>>, vector<544x256xf32>
    %get3A_18 = arith.constant 0 : index
    %get3A_19 = arith.constant 0 : index
    %get3A_20 = vector.load %arg4[%get3A_18, %get3A_19] : memref<256x384xf32, #tpu.memory_space<vmem>>, vector<256x384xf32>
    %dot_general3A = arith.constant dense<0.000000e+00> : vector<544x384xf32>
    %dot_general3A_21 = tpu.matmul %get3A_17, %get3A_20, %dot_general3A {dimension_numbers = #tpu.dot_dimension_numbers<[1], [0], [0], [1], [0, 0, 1, 1], [], []>, transpose_lhs_hint = false} : vector<544x256xf32>, vector<256x384xf32>, vector<544x384xf32> -> vector<544x384xf32>
    %get3A_22 = arith.constant 0 : index
    %get3A_23 = arith.constant 0 : index
    %get3A_24 = vector.load %arg5[%get3A_22, %get3A_23] : memref<1x384xf32, #tpu.memory_space<vmem>>, vector<1x384xf32>
    %add3A = vector.broadcast %get3A_24 : vector<1x384xf32> to vector<544x384xf32>
    %add3A_25 = arith.addf %dot_general3A_21, %add3A : vector<544x384xf32>
    %slice3A = vector.extract_strided_slice %add3A_25 {offsets = [0, 0], sizes = [544, 128], strides = [1, 1]} : vector<544x384xf32> to vector<544x128xf32>
    %slice3A_26 = vector.extract_strided_slice %add3A_25 {offsets = [0, 128], sizes = [544, 128], strides = [1, 1]} : vector<544x384xf32> to vector<544x128xf32>
    %slice3A_27 = vector.extract_strided_slice %add3A_25 {offsets = [0, 256], sizes = [544, 128], strides = [1, 1]} : vector<544x384xf32> to vector<544x128xf32>
    %exp3A = math.exp %slice3A_27 : vector<544x128xf32>
    %get3A_28 = arith.constant 0 : index
    %get3A_29 = arith.constant 0 : index
    %get3A_30 = vector.load %arg6[%get3A_28, %get3A_29] : memref<128x128xf32, #tpu.memory_space<vmem>>, vector<128x128xf32>
    %dot_general3A_31 = arith.constant dense<0.000000e+00> : vector<544x128xf32>
    %dot_general3A_32 = tpu.matmul %exp3A, %get3A_30, %dot_general3A_31 {dimension_numbers = #tpu.dot_dimension_numbers<[1], [0], [0], [1], [0, 0, 1, 1], [], []>, transpose_lhs_hint = false} : vector<544x128xf32>, vector<128x128xf32>, vector<544x128xf32> -> vector<544x128xf32>
    %div3A_33 = arith.divf %exp3A, %dot_general3A_32 : vector<544x128xf32>
    %get3A_34 = arith.constant 0 : index
    %get3A_35 = arith.constant 0 : index
    %get3A_36 = vector.load %arg7[%get3A_34, %get3A_35] : memref<1x128xf32, #tpu.memory_space<vmem>>, vector<1x128xf32>
    %get3A_37 = arith.constant 0 : index
    %get3A_38 = arith.constant 0 : index
    %get3A_39 = vector.load %arg8[%get3A_37, %get3A_38] : memref<1x128xi32, #tpu.memory_space<vmem>>, vector<1x128xi32>
    %get3A_40 = arith.constant 0 : index
    %get3A_41 = arith.constant 0 : index
    %get3A_42 = vector.load %arg9[%get3A_40, %get3A_41] : memref<1x128xi32, #tpu.memory_space<vmem>>, vector<1x128xi32>
    %get3A_43 = arith.constant 0 : index
    %get3A_44 = arith.constant 0 : index
    %get3A_45 = vector.load %arg10[%get3A_43, %get3A_44] : memref<1x128xi32, #tpu.memory_space<vmem>>, vector<1x128xi32>
    %get3A_46 = arith.constant 0 : index
    %get3A_47 = arith.constant 0 : index
    %get3A_48 = vector.load %arg2[%get3A_46, %get3A_47] : memref<544x128xf32, #tpu.memory_space<vmem>>, vector<544x128xf32>
    %add3A_49 = arith.addf %get3A_48, %slice3A : vector<544x128xf32>
    %jit3A_50 = arith.constant 0.000000e+00 : f32
    %jit3A_51 = arith.constant 1.000000e+00 : f32
    %max3A = vector.broadcast %jit3A_50 : f32 to vector<544x128xf32>
    %max3A_52 = arith.maximumf %max3A, %add3A_49 : vector<544x128xf32>
    %min3A = vector.broadcast %jit3A_51 : f32 to vector<544x128xf32>
    %min3A_53 = arith.minimumf %min3A, %max3A_52 : vector<544x128xf32>
    %mul3A = vector.broadcast %get3A_36 : vector<1x128xf32> to vector<544x128xf32>
    %mul3A_54 = arith.mulf %min3A_53, %mul3A : vector<544x128xf32>
    %sub3A_55 = arith.constant 5.000000e-01 : f32
    %sub3A_56 = vector.broadcast %sub3A_55 : f32 to vector<544x128xf32>
    %sub3A_57 = arith.subf %mul3A_54, %sub3A_56 : vector<544x128xf32>
    %get3A_58 = arith.constant 0 : index
    %get3A_59 = arith.constant 0 : index
    %get3A_60 = vector.load %arg3[%get3A_58, %get3A_59] : memref<544x128xf32, #tpu.memory_space<vmem>>, vector<544x128xf32>
    %add3A_61 = arith.addf %get3A_60, %slice3A_26 : vector<544x128xf32>
    %jit3A_62 = arith.constant 0.000000e+00 : f32
    %jit3A_63 = arith.constant 1.000000e+00 : f32
    %max3A_64 = vector.broadcast %jit3A_62 : f32 to vector<544x128xf32>
    %max3A_65 = arith.maximumf %max3A_64, %add3A_61 : vector<544x128xf32>
    %min3A_66 = vector.broadcast %jit3A_63 : f32 to vector<544x128xf32>
    %min3A_67 = arith.minimumf %min3A_66, %max3A_65 : vector<544x128xf32>
    %mul3A_68 = vector.broadcast %get3A_36 : vector<1x128xf32> to vector<544x128xf32>
    %mul3A_69 = arith.mulf %min3A_67, %mul3A_68 : vector<544x128xf32>
    %sub3A_70 = arith.constant 5.000000e-01 : f32
    %sub3A_71 = vector.broadcast %sub3A_70 : f32 to vector<544x128xf32>
    %sub3A_72 = arith.subf %mul3A_69, %sub3A_71 : vector<544x128xf32>
    %floor3A = math.floor %sub3A_57 : vector<544x128xf32>
    %convert_element_type3A = arith.fptosi %floor3A : vector<544x128xf32> to vector<544x128xi32>
    %floor3A_73 = math.floor %sub3A_72 : vector<544x128xf32>
    %convert_element_type3A_74 = arith.fptosi %floor3A_73 : vector<544x128xf32> to vector<544x128xi32>
    %jit3A_75 = arith.constant 0 : i32
    %max3A_76 = vector.broadcast %jit3A_75 : i32 to vector<544x128xi32>
    %max3A_77 = arith.maxsi %max3A_76, %convert_element_type3A : vector<544x128xi32>
    %min3A_78 = vector.broadcast %get3A_39 : vector<1x128xi32> to vector<544x128xi32>
    %min3A_79 = arith.minsi %min3A_78, %max3A_77 : vector<544x128xi32>
    %add3A_80 = arith.constant 1 : i32
    %add3A_81 = vector.broadcast %add3A_80 : i32 to vector<544x128xi32>
    %add3A_82 = arith.addi %convert_element_type3A, %add3A_81 : vector<544x128xi32>
    %jit3A_83 = arith.constant 0 : i32
    %max3A_84 = vector.broadcast %jit3A_83 : i32 to vector<544x128xi32>
    %max3A_85 = arith.maxsi %max3A_84, %add3A_82 : vector<544x128xi32>
    %min3A_86 = vector.broadcast %get3A_39 : vector<1x128xi32> to vector<544x128xi32>
    %min3A_87 = arith.minsi %min3A_86, %max3A_85 : vector<544x128xi32>
    %jit3A_88 = arith.constant 0 : i32
    %max3A_89 = vector.broadcast %jit3A_88 : i32 to vector<544x128xi32>
    %max3A_90 = arith.maxsi %max3A_89, %convert_element_type3A_74 : vector<544x128xi32>
    %min3A_91 = vector.broadcast %get3A_39 : vector<1x128xi32> to vector<544x128xi32>
    %min3A_92 = arith.minsi %min3A_91, %max3A_90 : vector<544x128xi32>
    %add3A_93 = arith.constant 1 : i32
    %add3A_94 = vector.broadcast %add3A_93 : i32 to vector<544x128xi32>
    %add3A_95 = arith.addi %convert_element_type3A_74, %add3A_94 : vector<544x128xi32>
    %jit3A_96 = arith.constant 0 : i32
    %max3A_97 = vector.broadcast %jit3A_96 : i32 to vector<544x128xi32>
    %max3A_98 = arith.maxsi %max3A_97, %add3A_95 : vector<544x128xi32>
    %min3A_99 = vector.broadcast %get3A_39 : vector<1x128xi32> to vector<544x128xi32>
    %min3A_100 = arith.minsi %min3A_99, %max3A_98 : vector<544x128xi32>
    %convert_element_type3A_101 = arith.sitofp %min3A_79 : vector<544x128xi32> to vector<544x128xf32>
    %convert_element_type3A_102 = arith.sitofp %min3A_87 : vector<544x128xi32> to vector<544x128xf32>
    %convert_element_type3A_103 = arith.sitofp %min3A_92 : vector<544x128xi32> to vector<544x128xf32>
    %convert_element_type3A_104 = arith.sitofp %min3A_100 : vector<544x128xi32> to vector<544x128xf32>
    %sub3A_105 = arith.subf %convert_element_type3A_102, %sub3A_57 : vector<544x128xf32>
    %sub3A_106 = arith.subf %convert_element_type3A_104, %sub3A_72 : vector<544x128xf32>
    %mul3A_107 = arith.mulf %sub3A_105, %sub3A_106 : vector<544x128xf32>
    %mul3A_108 = arith.mulf %mul3A_107, %div3A_33 : vector<544x128xf32>
    %sub3A_109 = arith.subf %convert_element_type3A_102, %sub3A_57 : vector<544x128xf32>
    %sub3A_110 = arith.subf %sub3A_72, %convert_element_type3A_103 : vector<544x128xf32>
    %mul3A_111 = arith.mulf %sub3A_109, %sub3A_110 : vector<544x128xf32>
    %mul3A_112 = arith.mulf %mul3A_111, %div3A_33 : vector<544x128xf32>
    %sub3A_113 = arith.subf %sub3A_57, %convert_element_type3A_101 : vector<544x128xf32>
    %sub3A_114 = arith.subf %convert_element_type3A_104, %sub3A_72 : vector<544x128xf32>
    %mul3A_115 = arith.mulf %sub3A_113, %sub3A_114 : vector<544x128xf32>
    %mul3A_116 = arith.mulf %mul3A_115, %div3A_33 : vector<544x128xf32>
    %sub3A_117 = arith.subf %sub3A_57, %convert_element_type3A_101 : vector<544x128xf32>
    %sub3A_118 = arith.subf %sub3A_72, %convert_element_type3A_103 : vector<544x128xf32>
    %mul3A_119 = arith.mulf %sub3A_117, %sub3A_118 : vector<544x128xf32>
    %mul3A_120 = arith.mulf %mul3A_119, %div3A_33 : vector<544x128xf32>
    %add3A_121 = arith.constant 1 : i32
    %add3A_122 = vector.broadcast %add3A_121 : i32 to vector<1x128xi32>
    %add3A_123 = arith.addi %get3A_39, %add3A_122 : vector<1x128xi32>
    %mul3A_124 = arith.constant 43520 : i32
    %mul3A_125 = arith.muli %select_n3A, %mul3A_124 : i32
    %mul3A_126 = vector.broadcast %add3A_123 : vector<1x128xi32> to vector<544x128xi32>
    %mul3A_127 = arith.muli %min3A_92, %mul3A_126 : vector<544x128xi32>
    %add3A_128 = vector.broadcast %get3A_42 : vector<1x128xi32> to vector<544x128xi32>
    %add3A_129 = arith.addi %add3A_128, %mul3A_127 : vector<544x128xi32>
    %add3A_130 = arith.addi %add3A_129, %min3A_79 : vector<544x128xi32>
    %mul3A_131 = arith.constant 8 : i32
    %mul3A_132 = vector.broadcast %mul3A_131 : i32 to vector<544x128xi32>
    %mul3A_133 = arith.muli %add3A_130, %mul3A_132 : vector<544x128xi32>
    %add3A_134 = vector.broadcast %get3A_45 : vector<1x128xi32> to vector<544x128xi32>
    %add3A_135 = arith.addi %mul3A_133, %add3A_134 : vector<544x128xi32>
    %add3A_136 = vector.broadcast %mul3A_125 : i32 to vector<544x128xi32>
    %add3A_137 = arith.addi %add3A_135, %add3A_136 : vector<544x128xi32>
    %mul3A_138 = vector.broadcast %add3A_123 : vector<1x128xi32> to vector<544x128xi32>
    %mul3A_139 = arith.muli %min3A_100, %mul3A_138 : vector<544x128xi32>
    %add3A_140 = vector.broadcast %get3A_42 : vector<1x128xi32> to vector<544x128xi32>
    %add3A_141 = arith.addi %add3A_140, %mul3A_139 : vector<544x128xi32>
    %add3A_142 = arith.addi %add3A_141, %min3A_79 : vector<544x128xi32>
    %mul3A_143 = arith.constant 8 : i32
    %mul3A_144 = vector.broadcast %mul3A_143 : i32 to vector<544x128xi32>
    %mul3A_145 = arith.muli %add3A_142, %mul3A_144 : vector<544x128xi32>
    %add3A_146 = vector.broadcast %get3A_45 : vector<1x128xi32> to vector<544x128xi32>
    %add3A_147 = arith.addi %mul3A_145, %add3A_146 : vector<544x128xi32>
    %add3A_148 = vector.broadcast %mul3A_125 : i32 to vector<544x128xi32>
    %add3A_149 = arith.addi %add3A_147, %add3A_148 : vector<544x128xi32>
    %mul3A_150 = vector.broadcast %add3A_123 : vector<1x128xi32> to vector<544x128xi32>
    %mul3A_151 = arith.muli %min3A_92, %mul3A_150 : vector<544x128xi32>
    %add3A_152 = vector.broadcast %get3A_42 : vector<1x128xi32> to vector<544x128xi32>
    %add3A_153 = arith.addi %add3A_152, %mul3A_151 : vector<544x128xi32>
    %add3A_154 = arith.addi %add3A_153, %min3A_87 : vector<544x128xi32>
    %mul3A_155 = arith.constant 8 : i32
    %mul3A_156 = vector.broadcast %mul3A_155 : i32 to vector<544x128xi32>
    %mul3A_157 = arith.muli %add3A_154, %mul3A_156 : vector<544x128xi32>
    %add3A_158 = vector.broadcast %get3A_45 : vector<1x128xi32> to vector<544x128xi32>
    %add3A_159 = arith.addi %mul3A_157, %add3A_158 : vector<544x128xi32>
    %add3A_160 = vector.broadcast %mul3A_125 : i32 to vector<544x128xi32>
    %add3A_161 = arith.addi %add3A_159, %add3A_160 : vector<544x128xi32>
    %mul3A_162 = vector.broadcast %add3A_123 : vector<1x128xi32> to vector<544x128xi32>
    %mul3A_163 = arith.muli %min3A_100, %mul3A_162 : vector<544x128xi32>
    %add3A_164 = vector.broadcast %get3A_42 : vector<1x128xi32> to vector<544x128xi32>
    %add3A_165 = arith.addi %add3A_164, %mul3A_163 : vector<544x128xi32>
    %add3A_166 = arith.addi %add3A_165, %min3A_87 : vector<544x128xi32>
    %mul3A_167 = arith.constant 8 : i32
    %mul3A_168 = vector.broadcast %mul3A_167 : i32 to vector<544x128xi32>
    %mul3A_169 = arith.muli %add3A_166, %mul3A_168 : vector<544x128xi32>
    %add3A_170 = vector.broadcast %get3A_45 : vector<1x128xi32> to vector<544x128xi32>
    %add3A_171 = arith.addi %mul3A_169, %add3A_170 : vector<544x128xi32>
    %add3A_172 = vector.broadcast %mul3A_125 : i32 to vector<544x128xi32>
    %add3A_173 = arith.addi %add3A_171, %add3A_172 : vector<544x128xi32>
    %concatenate3A = tpu.concatenate %add3A_137, %add3A_149, %add3A_161, %add3A_173 in 1 : vector<544x128xi32>, vector<544x128xi32>, vector<544x128xi32>, vector<544x128xi32> -> vector<544x512xi32>
    %swap3A = arith.constant 0 : index
    %swap3A_174 = arith.constant 0 : index
    %swap3A_175 = vector.load %arg11[%swap3A, %swap3A_174] : memref<544x512xi32, #tpu.memory_space<vmem>>, vector<544x512xi32>
    tpu.vector_store %arg11[%swap3A, %swap3A_174], %concatenate3A {strides = array<i32>} : memref<544x512xi32, #tpu.memory_space<vmem>>, vector<544x512xi32>,
    %concatenate3A_176 = tpu.concatenate %mul3A_108, %mul3A_112, %mul3A_116, %mul3A_120 in 1 : vector<544x128xf32>, vector<544x128xf32>, vector<544x128xf32>, vector<544x128xf32> -> vector<544x512xf32>
    %swap3A_177 = arith.constant 0 : index
    %swap3A_178 = arith.constant 0 : index
    %swap3A_179 = vector.load %arg12[%swap3A_177, %swap3A_178] : memref<544x512xf32, #tpu.memory_space<vmem>>, vector<544x512xf32>
    tpu.vector_store %arg12[%swap3A_177, %swap3A_178], %concatenate3A_176 {strides = array<i32>} : memref<544x512xf32, #tpu.memory_space<vmem>>, vector<544x512xf32>,
    return
  }
  func.func @transform_0(%arg0: i32) -> (i32, i32) {
    %c0_i32 = arith.constant 0 : i32
    %c0_i32_0 = arith.constant 0 : i32
    return %arg0, %c0_i32 : i32, i32
  }
  func.func @transform_1(%arg0: i32) -> (i32, i32) {
    %c0_i32 = arith.constant 0 : i32
    %c0_i32_0 = arith.constant 0 : i32
    return %arg0, %c0_i32 : i32, i32
  }
  func.func @transform_2(%arg0: i32) -> (i32, i32) {
    %c0_i32 = arith.constant 0 : i32
    %c0_i32_0 = arith.constant 0 : i32
    return %arg0, %c0_i32 : i32, i32
  }
  func.func @transform_3(%arg0: i32) -> (i32, i32) {
    %c0_i32 = arith.constant 0 : i32
    %c0_i32_0 = arith.constant 0 : i32
    %c0_i32_1 = arith.constant 0 : i32
    return %c0_i32, %c0_i32_0 : i32, i32
  }
  func.func @transform_4(%arg0: i32) -> (i32, i32) {
    %c0_i32 = arith.constant 0 : i32
    %c0_i32_0 = arith.constant 0 : i32
    %c0_i32_1 = arith.constant 0 : i32
    return %c0_i32, %c0_i32_0 : i32, i32
  }
  func.func @transform_5(%arg0: i32) -> (i32, i32) {
    %c0_i32 = arith.constant 0 : i32
    %c0_i32_0 = arith.constant 0 : i32
    %c0_i32_1 = arith.constant 0 : i32
    return %c0_i32, %c0_i32_0 : i32, i32
  }
  func.func @transform_6(%arg0: i32) -> (i32, i32) {
    %c0_i32 = arith.constant 0 : i32
    %c0_i32_0 = arith.constant 0 : i32
    %c0_i32_1 = arith.constant 0 : i32
    return %c0_i32, %c0_i32_0 : i32, i32
  }
  func.func @transform_7(%arg0: i32) -> (i32, i32) {
    %c0_i32 = arith.constant 0 : i32
    %c0_i32_0 = arith.constant 0 : i32
    %c0_i32_1 = arith.constant 0 : i32
    return %c0_i32, %c0_i32_0 : i32, i32
  }
  func.func @transform_8(%arg0: i32) -> (i32, i32) {
    %c0_i32 = arith.constant 0 : i32
    %c0_i32_0 = arith.constant 0 : i32
    %c0_i32_1 = arith.constant 0 : i32
    return %c0_i32, %c0_i32_0 : i32, i32
  }
  func.func @transform_9(%arg0: i32) -> (i32, i32) {
    %c0_i32 = arith.constant 0 : i32
    %c0_i32_0 = arith.constant 0 : i32
    %c0_i32_1 = arith.constant 0 : i32
    return %c0_i32, %c0_i32_0 : i32, i32
  }
  func.func @transform_10(%arg0: i32) -> (i32, i32) {
    %c0_i32 = arith.constant 0 : i32
    %c0_i32_0 = arith.constant 0 : i32
    return %arg0, %c0_i32 : i32, i32
  }
  func.func @transform_11(%arg0: i32) -> (i32, i32) {
    %c0_i32 = arith.constant 0 : i32
    %c0_i32_0 = arith.constant 0 : i32
    return %arg0, %c0_i32 : i32, i32
  }
}

module attributes {stable_mosaic.version = 14 : i64} {
  func.func @_mm_body(%arg0: i32, %arg1: memref<544x256xf32, #tpu.memory_space<vmem>>, %arg2: memref<256x256xf32, #tpu.memory_space<vmem>>, %arg3: memref<1x256xf32, #tpu.memory_space<vmem>>, %arg4: memref<544x256xf32, #tpu.memory_space<vmem>>) attributes {dimension_semantics = [#tpu.dimension_semantics<arbitrary>], iteration_bounds = array<i64: 20>, scalar_prefetch = 0 : i64, scratch_operands = 0 : i64, tpu.core_type = #tpu.core_type<tc>, window_params = [{transform_indices = @transform_0, window_bounds = array<i64: 544, 256>}, {pipeline_mode = #tpu.pipeline_mode<synchronous>, transform_indices = @transform_1, window_bounds = array<i64: 256, 256>}, {pipeline_mode = #tpu.pipeline_mode<synchronous>, transform_indices = @transform_2, window_bounds = array<i64: 1, 256>}, {transform_indices = @transform_3, window_bounds = array<i64: 544, 256>}]} {
    %get3A = arith.constant 0 : index
    %get3A_0 = arith.constant 0 : index
    %get3A_1 = vector.load %arg1[%get3A, %get3A_0] : memref<544x256xf32, #tpu.memory_space<vmem>>, vector<544x256xf32>
    %get3A_2 = arith.constant 0 : index
    %get3A_3 = arith.constant 0 : index
    %get3A_4 = vector.load %arg2[%get3A_2, %get3A_3] : memref<256x256xf32, #tpu.memory_space<vmem>>, vector<256x256xf32>
    %dot_general3A = arith.constant dense<0.000000e+00> : vector<544x256xf32>
    %dot_general3A_5 = tpu.matmul %get3A_1, %get3A_4, %dot_general3A {dimension_numbers = #tpu.dot_dimension_numbers<[1], [0], [0], [1], [0, 0, 1, 1], [], []>, transpose_lhs_hint = false} : vector<544x256xf32>, vector<256x256xf32>, vector<544x256xf32> -> vector<544x256xf32>
    %get3A_6 = arith.constant 0 : index
    %get3A_7 = arith.constant 0 : index
    %get3A_8 = vector.load %arg3[%get3A_6, %get3A_7] : memref<1x256xf32, #tpu.memory_space<vmem>>, vector<1x256xf32>
    %add3A = vector.broadcast %get3A_8 : vector<1x256xf32> to vector<544x256xf32>
    %add3A_9 = arith.addf %dot_general3A_5, %add3A : vector<544x256xf32>
    %swap3A = arith.constant 0 : index
    %swap3A_10 = arith.constant 0 : index
    %swap3A_11 = vector.load %arg4[%swap3A, %swap3A_10] : memref<544x256xf32, #tpu.memory_space<vmem>>, vector<544x256xf32>
    tpu.vector_store %arg4[%swap3A, %swap3A_10], %add3A_9 {strides = array<i32>} : memref<544x256xf32, #tpu.memory_space<vmem>>, vector<544x256xf32>,
    return
  }
  func.func @transform_0(%arg0: i32) -> (i32, i32) {
    %c0_i32 = arith.constant 0 : i32
    %c0_i32_0 = arith.constant 0 : i32
    return %arg0, %c0_i32 : i32, i32
  }
  func.func @transform_1(%arg0: i32) -> (i32, i32) {
    %c0_i32 = arith.constant 0 : i32
    %c0_i32_0 = arith.constant 0 : i32
    %c0_i32_1 = arith.constant 0 : i32
    return %c0_i32, %c0_i32_0 : i32, i32
  }
  func.func @transform_2(%arg0: i32) -> (i32, i32) {
    %c0_i32 = arith.constant 0 : i32
    %c0_i32_0 = arith.constant 0 : i32
    %c0_i32_1 = arith.constant 0 : i32
    return %c0_i32, %c0_i32_0 : i32, i32
  }
  func.func @transform_3(%arg0: i32) -> (i32, i32) {
    %c0_i32 = arith.constant 0 : i32
    %c0_i32_0 = arith.constant 0 : i32
    return %arg0, %c0_i32 : i32, i32
  }
}

module attributes {stable_mosaic.version = 14 : i64} {
  func.func @_mm_body(%arg0: i32, %arg1: memref<544x256xf32, #tpu.memory_space<vmem>>, %arg2: memref<256x256xf32, #tpu.memory_space<vmem>>, %arg3: memref<1x256xf32, #tpu.memory_space<vmem>>, %arg4: memref<544x256xf32, #tpu.memory_space<vmem>>) attributes {dimension_semantics = [#tpu.dimension_semantics<arbitrary>], iteration_bounds = array<i64: 20>, scalar_prefetch = 0 : i64, scratch_operands = 0 : i64, tpu.core_type = #tpu.core_type<tc>, window_params = [{transform_indices = @transform_0, window_bounds = array<i64: 544, 256>}, {pipeline_mode = #tpu.pipeline_mode<synchronous>, transform_indices = @transform_1, window_bounds = array<i64: 256, 256>}, {pipeline_mode = #tpu.pipeline_mode<synchronous>, transform_indices = @transform_2, window_bounds = array<i64: 1, 256>}, {transform_indices = @transform_3, window_bounds = array<i64: 544, 256>}]} {
    %get3A = arith.constant 0 : index
    %get3A_0 = arith.constant 0 : index
    %get3A_1 = vector.load %arg1[%get3A, %get3A_0] : memref<544x256xf32, #tpu.memory_space<vmem>>, vector<544x256xf32>
    %get3A_2 = arith.constant 0 : index
    %get3A_3 = arith.constant 0 : index
    %get3A_4 = vector.load %arg2[%get3A_2, %get3A_3] : memref<256x256xf32, #tpu.memory_space<vmem>>, vector<256x256xf32>
    %dot_general3A = arith.constant dense<0.000000e+00> : vector<544x256xf32>
    %dot_general3A_5 = tpu.matmul %get3A_1, %get3A_4, %dot_general3A {dimension_numbers = #tpu.dot_dimension_numbers<[1], [0], [0], [1], [0, 0, 1, 1], [], []>, transpose_lhs_hint = false} : vector<544x256xf32>, vector<256x256xf32>, vector<544x256xf32> -> vector<544x256xf32>
    %get3A_6 = arith.constant 0 : index
    %get3A_7 = arith.constant 0 : index
    %get3A_8 = vector.load %arg3[%get3A_6, %get3A_7] : memref<1x256xf32, #tpu.memory_space<vmem>>, vector<1x256xf32>
    %add3A = vector.broadcast %get3A_8 : vector<1x256xf32> to vector<544x256xf32>
    %add3A_9 = arith.addf %dot_general3A_5, %add3A : vector<544x256xf32>
    %swap3A = arith.constant 0 : index
    %swap3A_10 = arith.constant 0 : index
    %swap3A_11 = vector.load %arg4[%swap3A, %swap3A_10] : memref<544x256xf32, #tpu.memory_space<vmem>>, vector<544x256xf32>
    tpu.vector_store %arg4[%swap3A, %swap3A_10], %add3A_9 {strides = array<i32>} : memref<544x256xf32, #tpu.memory_space<vmem>>, vector<544x256xf32>,
    return
  }
  func.func @transform_0(%arg0: i32) -> (i32, i32) {
    %c0_i32 = arith.constant 0 : i32
    %c0_i32_0 = arith.constant 0 : i32
    return %arg0, %c0_i32 : i32, i32
  }
  func.func @transform_1(%arg0: i32) -> (i32, i32) {
    %c0_i32 = arith.constant 0 : i32
    %c0_i32_0 = arith.constant 0 : i32
    %c0_i32_1 = arith.constant 0 : i32
    return %c0_i32, %c0_i32_0 : i32, i32
  }
  func.func @transform_2(%arg0: i32) -> (i32, i32) {
    %c0_i32 = arith.constant 0 : i32
    %c0_i32_0 = arith.constant 0 : i32
    %c0_i32_1 = arith.constant 0 : i32
    return %c0_i32, %c0_i32_0 : i32, i32
  }
  func.func @transform_3(%arg0: i32) -> (i32, i32) {
    %c0_i32 = arith.constant 0 : i32
    %c0_i32_0 = arith.constant 0 : i32
    return %arg0, %c0_i32 : i32, i32
  }
}

</mosaic_0001>

<sc_bundles>
// kernel: kernel.6.cloned.1.call-start
scs
__scs_entry_jumppad:
0x0: {  	(pc) =	sbr.rel $0x88, $3  }
0x1: {  	(tag) =	ssettag $0x0;
	lr =	simm.s32 $0x1  }
0x2: {  	[smem:$0x3F96] =	sst lr;
	_ =	strace $0xD0000000  }
0x3: {  	_ = 	snop  }
0x4: {  	_ = 	snop  }
0x5: {  	_ = 	snop  }
0x6: {  	_ = 	snop  }
0x7: {  	_ = 	snop  }
__scs_overlays_trampoline_lowered:
0x8: {  	[smem:$0x3FA5] =	sst s0  }
0x9: {  	[smem:$0x3FA6] =	sst s1  }
0xa: {  	[smem:$0x3FA7] =	sst s2  }
0xb: {  	[smem:$0x3FA8] =	sst s3  }
0xc: {  	[smem:$0x3FA9] =	sst s4  }
0xd: {  	[smem:$0x3FAA] =	sst s5  }
0xe: {  	[smem:$0x3FAB] =	sst s6  }
0xf: {  	[smem:$0x3FAC] =	sst s7  }
0x10: {  	[smem:$0x3FAD] =	sst s8  }
0x11: {  	[smem:$0x3FAE] =	sst s9;
	s0 =	simm.s32 @!p0 $0x0  }
0x12: {  	s1 =	sld [smem:$0x3F94];
	s0 =	simm.s32 @p0 $0x1  }
0x13: {  	[smem:$0x3FAF] =	sst s0;
	s0 =	simm.s32 @!p1 $0x0  }
0x14: {  	s2 =	sld [smem:$0x3F93];
	s0 =	simm.s32 @p1 $0x1  }
0x15: {  	[smem:$0x3FB0] =	sst s0;
	s0 =	simm.s32 @!p2 $0x0  }
0x16: {  	s3 =	sld [smem:$0x3FDB];
	s0 =	simm.s32 @p2 $0x1  }
0x17: {  	s4 =	simm.s32 $0x1BF5;
	[smem:$0x3FB2] =	sst s0  }
0x18: {  	s0 =	sld [smem:$0x3F95];
	_ =	swait.ge [sflag:s4], $0x0  }
0x19: {  	s7 =	sld [smem:$0x3F96]  }
0x1a: {  	s8 =	sadd.s32 $0xFFFFE003, lr  }
0x1b: {  	s9 =	sadd.s32 $0xFFFFFEF7, lr;
	s5 =	simm.s32 $0xFFFFFFFF;
	p2 =	slt.u32 s8, $0xFFFFF086  }
0x1c: {  	p1 =	slt.u32 s9, $0xF7A;
	s5 =	simm.s32 @!p2 $0x0  }
0x1d: {  	s5 =	simm.s32 @p1 $0x1;
	p0 =	seq.s32 s7, s2  }
0x1e: {  	s7 =	smul.u32 @!p0 $0xF7A, s2;
	p2 =	seq.s32 @!p0 s5, $0x0  }
0x1f: {  	s9 =	smul.u32 $0xF7A, s1;
	s8 =	simm.s32 @!p0 $0x1BF5;
	p2 =	por !p2, p0  }
0x20: {  	[sflag:s8] =	ssyncset.s32 @!p0 $0xFFFFF086;
	s6 =	sadd.s32 @!p0 s3, s7;
	s7 =	simm.s32 @!p0 $0x108  }
0x21: {  	s3 =	sadd.s32 s3, s9;
	s6 =	sadd.s32 @!p0 $0x88, s6;
	s7 =	simm.s32 @p2 $0x1082  }
0x22: {  	[simem:s7], [sflag:s8] =	dma.local @!p0 [hbm:s6], $0xF7A  }
0x23: {  	s9 =	sor.u32 $0xD0000000, s2;
	s6 =	simm.s32 $0x108;
	_ =	swait.ge @!p0 [sflag:s8], $0x0  }
0x24: {  	s3 =	sadd.s32 $0x88, s3;
	s6 =	simm.s32 @!p1 $0x1082;
	[sflag:s4] =	ssyncset.s32 $0xFFFFF086  }
0x25: {  	[simem:s6], [sflag:s4] =	dma.local [hbm:s3], $0xF7A  }
0x26: {  	[smem:$0x3F96] =	sst s1;
	(tag) =	ssettag s2;
	_ =	strace s9  }
0x27: {  	s1 =	sld [smem:$0x3FA6]  }
0x28: {  	s2 =	sld [smem:$0x3FA7]  }
0x29: {  	s4 =	sld [smem:$0x3FA9]  }
0x2a: {  	p0 =	seq.s32 s5, $0x0;
	s5 =	sld [smem:$0x3FAA]  }
0x2b: {  	s6 =	sld [smem:$0x3FAB]  }
0x2c: {  	s7 =	sld [smem:$0x3FAC]  }
0x2d: {  	s3 =	simm.s32 $0x108;
	s8 =	sld [smem:$0x3FAD]  }
0x2e: {  	s3 =	simm.s32 @!p0 $0x1082;
	s9 =	sld [smem:$0x3FAE]  }
0x2f: {  	lr =	sadd.s32 s0, s3;
	s0 =	sld [smem:$0x3FA5]  }
0x30: {  	s3 =	sld [smem:$0x3FA8]  }
0x31: {  	[smem:$0x3FB1] =	sst s10  }
0x32: {  	s10 =	sld [smem:$0x3FAF];
	_ =	sdelay $0x3  }
0x33: {  	p0 =	seq.s32 s10, $0x1;
	s10 =	sld [smem:$0x3FB1];
	_ =	sdelay $0x3  }
0x34: {  	[smem:$0x3FB1] =	sst s10  }
0x35: {  	s10 =	sld [smem:$0x3FB0];
	_ =	sdelay $0x3  }
0x36: {  	p1 =	seq.s32 s10, $0x1;
	s10 =	sld [smem:$0x3FB1];
	_ =	sdelay $0x3  }
0x37: {  	[smem:$0x3FB1] =	sst s10  }
0x38: {  	s10 =	sld [smem:$0x3FB2]  }
0x39: {  	_ = 	snop;
	(pc) =	sbr.ind lr, $3  }
0x3a: {  	_ = 	snop  }
0x3b: {  	_ = 	snop  }
0x3c: {  	p2 =	seq.s32 s10, $0x1;
	s10 =	sld [smem:$0x3FB1]  }
0x3d: {  	_ =	shalt  }
0x3e: {  	_ =	shalt  }
0x3f: {  	_ =	shalt  }
0x40: {  	_ =	shalt  }
0x41: {  	_ =	shalt  }
0x42: {  	_ =	shalt  }
0x43: {  	_ =	shalt  }
0x44: {  	_ =	shalt  }
0x45: {  	_ =	shalt  }
0x46: {  	_ =	shalt  }
0x47: {  	_ =	shalt  }
0x48: {  	_ =	shalt  }
0x49: {  	_ =	shalt  }
0x4a: {  	_ =	shalt  }
0x4b: {  	_ =	shalt  }
0x4c: {  	_ =	shalt  }
0x4d: {  	_ =	shalt  }
0x4e: {  	_ =	shalt  }
0x4f: {  	_ =	shalt  }
0x50: {  	_ =	shalt  }
0x51: {  	_ =	shalt  }
0x52: {  	_ =	shalt  }
0x53: {  	_ =	shalt  }
0x54: {  	_ =	shalt  }
0x55: {  	_ =	shalt  }
0x56: {  	_ =	shalt  }
0x57: {  	_ =	shalt  }
0x58: {  	_ =	shalt  }
0x59: {  	_ =	shalt  }
0x5a: {  	_ =	shalt  }
0x5b: {  	_ =	shalt  }
0x5c: {  	_ =	shalt  }
0x5d: {  	_ =	shalt  }
0x5e: {  	_ =	shalt  }
0x5f: {  	_ =	shalt  }
0x60: {  	_ =	shalt  }
0x61: {  	_ =	shalt  }
0x62: {  	_ =	shalt  }
0x63: {  	_ =	shalt  }
0x64: {  	_ =	shalt  }
0x65: {  	_ =	shalt  }
0x66: {  	_ =	shalt  }
0x67: {  	_ =	shalt  }
0x68: {  	_ =	shalt  }
0x69: {  	_ =	shalt  }
0x6a: {  	_ =	shalt  }
0x6b: {  	_ =	shalt  }
0x6c: {  	_ =	shalt  }
0x6d: {  	_ =	shalt  }
0x6e: {  	_ =	shalt  }
0x6f: {  	_ =	shalt  }
0x70: {  	_ =	shalt  }
0x71: {  	_ =	shalt  }
0x72: {  	_ =	shalt  }
0x73: {  	_ =	shalt  }
0x74: {  	_ =	shalt  }
0x75: {  	_ =	shalt  }
0x76: {  	_ =	shalt  }
0x77: {  	_ =	shalt  }
0x78: {  	_ =	shalt  }
0x79: {  	_ =	shalt  }
0x7a: {  	_ =	shalt  }
0x7b: {  	_ =	shalt  }
0x7c: {  	_ =	shalt  }
0x7d: {  	_ =	shalt  }
0x7e: {  	_ =	shalt  }
0x7f: {  	_ =	shalt  }
0x80: {  	_ =	shalt  }
0x81: {  	_ =	shalt  }
0x82: {  	_ =	shalt  }
0x83: {  	_ =	shalt  }
0x84: {  	_ =	shalt  }
0x85: {  	_ =	shalt  }
0x86: {  	_ =	shalt  }
0x87: {  	_ =	shalt  }
.Lfunc_end0:
.L_simem_size_0:
called_computation_lowered:
.L_overlay_start_0:
0x88: {  	s2 =	sld [smem:$0x3FD9]  }
0x89: {  	s3 =	sld [smem:$0x3FFE];
	_ =	sdelay $0x1  }
0x8a: {  	s1 =	srdreg.scid  }
0x8b: {  	s0 =	sand.u32 $0x1, s1  }
0x8c: {  	s17 =	sshll.u32 s0, $0xA;
	s2 =	sadd.s32 s3, s2  }
0x8d: {  	s2 =	sadd.s32 s2, s17  }
0x8e: {  	[smem:$0x3FBD] =	sst s2  }
0x8f: {  	_ = 	snop  }
0x90: {  	s2 =	sld [smem:$0x3FD0];
	(tm) =	ssettm $0x1  }
0x91: {  	s18 =	sld [smem:$0x3FFB];
	_ =	sdelay $0x3  }
0x92: {  	_ =	strace s18  }
0x93: {  	s3 =	sld [smem:$0x3FFC];
	_ =	sdelay $0x3  }
0x94: {  	_ =	strace s3  }
0x95: {  	s3 =	sld [smem:$0x3FFD];
	_ =	sdelay $0x3  }
0x96: {  	_ =	strace s3  }
0x97: {  	_ =	strace $0x8FFFFFFF  }
0x98: {  	s19 =	sld [smem:$0x3FDB];
	_ =	sdelay $0x1  }
0x99: {  	s4 =	simm.s32 $_scs_section_size  }
0x9a: {  	s5 =	simm.s32 $_size__tile_overlayer_lowered;
	s6 =	simm.s32 $_tile_overlayer_lowered  }
0x9b: {  	s22 =	simm.s32 $0x1BFF;
	s21 =	sshll.u32 s6, $0x1;
	s3 =	sadd.s32 s4, s19  }
0x9c: {  	s7 =	simm.s32 $0x0;
	s20 =	sshll.u32 s5, $0x1;
	s5 =	sadd.s32 s21, s3  }
0x9d: {  	[timem:s7], [sflag:s22] =	dma.local [hbm:s5], s20  }
0x9e: {  	_ =	swait.ge [sflag:s22], s20  }
0x9f: {  	s4 =	ssub.s32 $0x0, s20;
	[sflag:s22] =	ssyncset.done $0x0  }
0xa0: {  	[sflag:s22] =	ssyncadd.s32 s4;
	_ =	sdelay $0x1  }
0xa1: {  	s23 =	simm.s32 $0x1B8B  }
0xa2: {  	_ =	swait.ge [sflag:s23], $0x1  }
0xa3: {  	[sflag:s23] =	ssyncset.done $0x0  }
0xa4: {  	s25 =	simm.s32 $0x1B8E;
	s24 =	sld [smem:$0x3FFE];
	[sflag:s23] =	ssyncadd.s32 $0xFFFFFFFF  }
0xa5: {  	s26 =	simm.s32 $execute0_lowered;
	[smem:$0x3FD2] =	sst s25  }
0xa6: {  	s5 =	sshll.u32 s26, $0x1;
	_ =	strace $0x80000046;
	[dreg:$0x1] =	wrdreg $0xFFFFFFFF  }
0xa7: {  	s28 =	simm.s32 $_size_execute0_lowered;
	s3 =	sadd.s32 s3, s5;
	[dreg:$0x0] =	wrdreg $0x0  }
0xa8: {  	s5 =	sshll.u32 s28, $0x1;
	[dreg:$0x2] =	wrdreg s3  }
0xa9: {  	[dreg:$0x3] =	wrdreg s5  }
0xaa: {  	[dreg:$0x4] =	wrdreg $0xC0  }
0xab: {  	_ =	task [dreg:s7], $0x5FFFF  }
0xac: {  	[dreg:$0x1] =	wrdreg $0xFFFFFFFF  }
0xad: {  	[dreg:$0x0] =	wrdreg $0x60  }
0xae: {  	[dreg:$0x2] =	wrdreg s2  }
0xaf: {  	[dreg:$0x3] =	wrdreg s24  }
0xb0: {  	[dreg:$0x4] =	wrdreg $0x9  }
0xb1: {  	_ =	task.clear_ibuf [dreg:s7], $0x5FFFF;
	_ =	strace $0x90000046  }
0xb2: {  	s29 =	simm.s32 $0x9;
	_ =	strace $0x80000048  }
0xb3: {  	_ =	swait.ge [sflag:s29], $0x1  }
0xb4: {  	[sflag:s29] =	ssyncadd.s32 $0xFFFFFFFF  }
0xb5: {  	_ =	strace $0x90000048  }
0xb6: {  	_ =	sfence  }
0xb7: {  	s30 =	sld [smem:$0x0];
	_ =	sdelay $0x2  }
0xb8: {  	s31 =	sshll.u32 s1, $0xD;
	s1 =	sshrl.u32 s1, $0x2  }
0xb9: {  	s3 =	sand.u32 $0x4000, s31;
	s1 =	sadd.s32 s1, s30  }
0xba: {  	s0 =	sor.u32 s3, s0;
	s1 =	sshll.u32 s1, $0x11  }
0xbb: {  	s0 =	sor.u32 s1, s0  }
0xbc: {  	s0 =	sadd.s32 $0x8F2B, s0  }
0xbd: {  	[sflag:s0] =	ssyncadd.remote.s32 $0x1  }
0xbe: {  	_ =	sfence.sel $0xFFFF  }
0xbf: {  	[dreg:$0x0] =	wrdreg $0xFFFFFFFF;
	(pc) =	sbr.abs _section_cstart, $3  }
0xc0: {  	[dreg:$0x1] =	wrdreg $0xFFFFFFFF  }
0xc1: {  	_ =	task.clear_ibuf [dreg:s7], $0x2FFFF;
	_ =	strace $0x9FFFFFFF  }
0xc2: {  	(tm) =	ssettm $0x7FFFFFFF  }
0xc3: {  	_ =	shalt  }
tec
execute0_lowered:
.L_overlay_start_1:
0x0: {  	(tag) =	ssettag $0x1  }
0x1: {  	s1 =	rddreg [dreg:$0x0]  }
0x2: {  	s4 =	rddreg [dreg:$0x1]  }
0x3: {  	s3 =	simm.s32 $0x0;
	s0 =	stileid.u32;
	s5 =	srdreg.scid  }
0x4: {  	s14 =	simm.s32 $0x3000;
	s16 =	simm.s32 $0xC00;
	s15 =	simm.s32 $0x100  }
0x5: {  	s17 =	simm.s32 $0x9000;
	s18 =	simm.s32 $0x480;
	s19 =	simm.s32 $0xB000  }
0x6: {  	s20 =	simm.s32 $0x500;
	s21 =	simm.s32 $0xD000;
	s31 =	simm.s32 $0x580  }
0x7: {  	s22 =	simm.s32 $0x1;
	s23 =	simm.s32 $0x11000;
	s24 =	simm.s32 $0x2  }
0x8: {  	[smem:$0x7FF] =	sst s3;
	s7 =	sand.u32 $0x1, s5;
	s25 =	sshll.u32 s0, $0x1  }
0x9: {  	s8 =	sadd.s32 $0x3800, s4;
	_ =	strace $0x80000047;
	[dreg:$0x3] =	wrdreg s16  }
0xa: {  	s6 =	smul.u32 $0x5500, s0;
	s9 =	sadd.s32 $0x5FD800, s4;
	[dreg:$0x4] =	wrdreg s17  }
0xb: {  	s29 =	smul.u32 $0xAA00, s0;
	s5 =	sor.u32 s7, s25;
	[dreg:$0x5] =	wrdreg s18  }
0xc: {  	s10 =	ssub.s32 $0x2, s7;
	s12 =	smul.u32 $0x2A80, s7;
	[dreg:$0x6] =	wrdreg s19  }
0xd: {  	s13 =	smul.u32 $0x5500, s7;
	s16 =	simm.s32 $0x5000;
	[dreg:$0x7] =	wrdreg s20  }
0xe: {  	s17 =	simm.s32 $0x180;
	s18 =	simm.s32 $0x7000;
	[dreg:$0x8] =	wrdreg s21  }
0xf: {  	s19 =	simm.s32 $0x400;
	s20 =	simm.s32 $0x4;
	[dreg:$0x9] =	wrdreg s31  }
0x10: {  	s21 =	simm.s32 $0xF000;
	s25 =	simm.s32 $0x0;
	s26 =	sshrl.u32 s10, $0x1  }
0x11: {  	s5 =	smul.u32 $0x5500, s5;
	s11 =	sadd.s32 s6, s4;
	s28 =	ssub.s32 s10, s26  }
0x12: {  	s30 =	sadd.s32 s12, s11;
	s10 =	simm.s32 $0x3;
	s12 =	simm.s32 $0x80  }
0x13: {  	s4 =	sadd.s32 s8, s5;
	s5 =	sadd.s32 s9, s5;
	s6 =	smax.u32 s28, $0x1  }
0x14: {  	s8 =	sadd.s32 s29, s8;
	s9 =	sadd.s32 s29, s9;
	s7 =	sadd.s32 $0xAD800, s30  }
0x15: {  	s8 =	sadd.s32 s13, s8;
	s9 =	sadd.s32 s13, s9;
	s13 =	simm.s32 $0x1000  }
.LBB2_1:
0x16: {  	[tilespmem:s3], [sflag:$0x3] =	stream.linear.gather [hbm4b:s4+s3], $0x400, $0x38;
	[tilespmem:$0x11200] =	vst v63  }
0x17: {  	_ =	swait.ge [sflag:s10], $0x400  }
0x18: {  	[sflag:s10] =	ssyncset.done $0x0  }
0x19: {  	s0 =	simm.s32 $0x800;
	[sflag:s10] =	ssyncadd.s32 $0xFFFFFC00  }
0x1a: {  	[tilespmem:s0], [sflag:$0x3] =	stream.linear.gather [hbm4b:s5+s3], $0x400, $0x38;
	[tilespmem:$0x11200] =	vst v63  }
0x1b: {  	_ =	swait.ge [sflag:s10], $0x400  }
0x1c: {  	[sflag:s10] =	ssyncset.done $0x0  }
0x1d: {  	[sflag:s10] =	ssyncadd.s32 $0xFFFFFC00  }
0x1e: {  	[tilespmem:s13], [sflag:$0x1] =	stream.indirect.gather [hbm4b:s1+s12], $0x40, s3, s12, $0xb8;
	[tilespmem:$0x11200] =	vst v63  }
0x1f: {  	_ = 	snop  }
0x20: {  	[tilespmem:s14], [sflag:$0x1] =	stream.indirect.gather [hbm4b:s1+s12], $0x40, s12, s12, $0xb8;
	[tilespmem:$0x11200] =	vst v63  }
0x21: {  	_ = 	snop  }
0x22: {  	[tilespmem:s16], [sflag:$0x1] =	stream.indirect.gather [hbm4b:s1+s12], $0x40, s15, s12, $0xb8;
	[tilespmem:$0x11200] =	vst v63  }
0x23: {  	s26 =	sadd.s32 $0x0, s8  }
0x24: {  	[tilespmem:s18], [sflag:$0x1] =	stream.indirect.gather [hbm4b:s1+s12], $0x40, s17, s12, $0xb8;
	[tilespmem:$0x11200] =	vst v63  }
0x25: {  	s26 =	sadd.s32 $0x80, s26  }
0x26: {  	[tilespmem:s19], [sflag:$0x4] =	stream.linear.gather [hbm4b:s26+s3], $0x400, $0x38;
	[tilespmem:$0x11200] =	vst v63  }
0x27: {  	_ =	swait.ge [sflag:s20], $0x400  }
0x28: {  	s28 =	sadd.s32 $0x0, s9;
	[sflag:s20] =	ssyncset.done $0x0  }
0x29: {  	s28 =	sadd.s32 $0x80, s28;
	s2 =	rddreg [dreg:$0x3];
	[sflag:s20] =	ssyncadd.s32 $0xFFFFFC00  }
0x2a: {  	[tilespmem:s2], [sflag:$0x4] =	stream.linear.gather [hbm4b:s28+s3], $0x400, $0x38;
	[tilespmem:$0x11200] =	vst v63  }
0x2b: {  	_ =	swait.ge [sflag:s20], $0x400  }
0x2c: {  	s11 =	rddreg [dreg:$0x5]  }
0x2d: {  	s28 =	rddreg [dreg:$0x4];
	[sflag:s20] =	ssyncset.done $0x0  }
0x2e: {  	s29 =	rddreg [dreg:$0x8];
	[sflag:s20] =	ssyncadd.s32 $0xFFFFFC00  }
0x2f: {  	[tilespmem:s28], [sflag:$0x2] =	stream.indirect.gather [hbm4b:s1+s12], $0x40, s19, s12, $0xb8;
	[tilespmem:$0x11200] =	vst v63  }
0x30: {  	s30 =	rddreg [dreg:$0x6]  }
0x31: {  	[tilespmem:s30], [sflag:$0x2] =	stream.indirect.gather [hbm4b:s1+s12], $0x40, s11, s12, $0xb8;
	[tilespmem:$0x11200] =	vst v63  }
0x32: {  	s28 =	rddreg [dreg:$0x7]  }
0x33: {  	[tilespmem:s29], [sflag:$0x2] =	stream.indirect.gather [hbm4b:s1+s12], $0x40, s28, s12, $0xb8;
	[tilespmem:$0x11200] =	vst v63  }
0x34: {  	s30 =	rddreg [dreg:$0x9]  }
0x35: {  	[tilespmem:s21], [sflag:$0x2] =	stream.indirect.gather [hbm4b:s1+s12], $0x40, s30, s12, $0xb8;
	[tilespmem:$0x11200] =	vst v63  }
0x36: {  	_ =	swait.ge [sflag:s22], $0x2000  }
0x37: {  	[sflag:s22] =	ssyncset.done $0x0  }
0x38: {  	[sflag:s22] =	ssyncadd.s32 $0xFFFFE000  }
0x39: {  	_ =	swait.ge [sflag:s22], $0x2000  }
0x3a: {  	[sflag:s22] =	ssyncset.done $0x0  }
0x3b: {  	[sflag:s22] =	ssyncadd.s32 $0xFFFFE000  }
0x3c: {  	_ =	swait.ge [sflag:s22], $0x2000  }
0x3d: {  	[sflag:s22] =	ssyncset.done $0x0  }
0x3e: {  	[sflag:s22] =	ssyncadd.s32 $0xFFFFE000  }
0x3f: {  	_ =	swait.ge [sflag:s22], $0x2000  }
0x40: {  	[sflag:s22] =	ssyncset.done $0x0  }
0x41: {  	p0 =	por $0x0, $0x0;
	[sflag:s22] =	ssyncadd.s32 $0xFFFFE000  }
0x42: {  	[hbm4b:s7+s3] =	stream.linear.scatter [tilespmem:s23], [sflag:$0x4], $0x200, $0x38;
	[tilespmem:$0x11200] =	vst v63  }
0x43: {  	s26 =	sadd.s32 @!p0 $0x0, s8;
	_ =	swait.ge [sflag:s20], $0x200  }
0x44: {  	s26 =	sadd.s32 @!p0 $0x100, s26;
	[sflag:s20] =	ssyncset.done $0x0  }
0x45: {  	s28 =	simm.s32 @!p0 $0x0;
	s29 =	simm.s32 @!p0 $0x4;
	[sflag:s20] =	ssyncadd.s32 $0xFFFFFE00  }
0x46: {  	[tilespmem:s28], [sflag:$0x4] =	stream.linear.gather @!p0 [hbm4b:s26+s28], $0x400, $0x38;
	[tilespmem:$0x11200] =	vst v63  }
0x47: {  	_ =	swait.ge @!p0 [sflag:s29], $0x400  }
0x48: {  	s26 =	sadd.s32 @!p0 $0x0, s9;
	[sflag:s29] =	ssyncset.done @!p0 $0x0  }
0x49: {  	s30 =	simm.s32 @!p0 $0x800;
	s26 =	sadd.s32 @!p0 $0x100, s26;
	[sflag:s29] =	ssyncadd.s32 @!p0 $0xFFFFFC00  }
0x4a: {  	[tilespmem:s30], [sflag:$0x4] =	stream.linear.gather @!p0 [hbm4b:s26+s28], $0x400, $0x38;
	[tilespmem:$0x11200] =	vst v63  }
0x4b: {  	_ =	swait.ge @!p0 [sflag:s29], $0x400  }
0x4c: {  	[sflag:s29] =	ssyncset.done @!p0 $0x0  }
0x4d: {  	s26 =	simm.s32 @!p0 $0x80;
	[sflag:s29] =	ssyncadd.s32 @!p0 $0xFFFFFC00;
	s29 =	simm.s32 @!p0 $0x1000  }
0x4e: {  	[tilespmem:s29], [sflag:$0x1] =	stream.indirect.gather @!p0 [hbm4b:s1+s26], $0x40, s28, s26, $0xb8;
	[tilespmem:$0x11200] =	vst v63  }
0x4f: {  	s28 =	simm.s32 @!p0 $0x3000  }
0x50: {  	[tilespmem:s28], [sflag:$0x1] =	stream.indirect.gather @!p0 [hbm4b:s1+s26], $0x40, s26, s26, $0xb8;
	[tilespmem:$0x11200] =	vst v63  }
0x51: {  	s29 =	simm.s32 @!p0 $0x5000;
	s28 =	simm.s32 @!p0 $0x100  }
0x52: {  	[tilespmem:s29], [sflag:$0x1] =	stream.indirect.gather @!p0 [hbm4b:s1+s26], $0x40, s28, s26, $0xb8;
	[tilespmem:$0x11200] =	vst v63  }
0x53: {  	s28 =	simm.s32 @!p0 $0x180;
	s29 =	simm.s32 @!p0 $0x7000  }
0x54: {  	[tilespmem:s29], [sflag:$0x1] =	stream.indirect.gather @!p0 [hbm4b:s1+s26], $0x40, s28, s26, $0xb8;
	[tilespmem:$0x11200] =	vst v63  }
0x55: {  	_ =	swait.ge [sflag:s24], $0x2000  }
0x56: {  	[sflag:s24] =	ssyncset.done $0x0  }
0x57: {  	[sflag:s24] =	ssyncadd.s32 $0xFFFFE000  }
0x58: {  	_ =	swait.ge [sflag:s24], $0x2000  }
0x59: {  	[sflag:s24] =	ssyncset.done $0x0  }
0x5a: {  	[sflag:s24] =	ssyncadd.s32 $0xFFFFE000  }
0x5b: {  	_ =	swait.ge [sflag:s24], $0x2000  }
0x5c: {  	[sflag:s24] =	ssyncset.done $0x0  }
0x5d: {  	[sflag:s24] =	ssyncadd.s32 $0xFFFFE000  }
0x5e: {  	_ =	swait.ge [sflag:s24], $0x2000  }
0x5f: {  	s31 =	sadd.s32 $0x40, s7;
	s28 =	simm.s32 $0x100;
	[sflag:s24] =	ssyncset.done $0x0  }
0x60: {  	s29 =	simm.s32 $0x200;
	s26 =	sadd.s32 $0x80, s7;
	[sflag:s24] =	ssyncadd.s32 $0xFFFFE000  }
0x61: {  	[hbm4b:s31+s3] =	stream.linear.scatter [tilespmem:s23], [sflag:$0x3], $0x200, $0x38;
	[tilespmem:$0x11200] =	vst v63  }
.LBB2_2:
0x62: {  	_ =	swait.ge [sflag:s10], $0x200  }
0x63: {  	s31 =	sadd.s32 s28, s8;
	[sflag:s10] =	ssyncset.done $0x0  }
0x64: {  	s31 =	sadd.s32 $0x80, s31;
	[sflag:s10] =	ssyncadd.s32 $0xFFFFFE00  }
0x65: {  	[tilespmem:s19], [sflag:$0x4] =	stream.linear.gather [hbm4b:s31+s3], $0x400, $0x38;
	[tilespmem:$0x11200] =	vst v63  }
0x66: {  	_ =	swait.ge [sflag:s20], $0x400  }
0x67: {  	s0 =	sadd.s32 s28, s9;
	[sflag:s20] =	ssyncset.done $0x0  }
0x68: {  	s0 =	sadd.s32 $0x80, s0;
	s2 =	rddreg [dreg:$0x3];
	[sflag:s20] =	ssyncadd.s32 $0xFFFFFC00  }
0x69: {  	[tilespmem:s2], [sflag:$0x4] =	stream.linear.gather [hbm4b:s0+s3], $0x400, $0x38;
	[tilespmem:$0x11200] =	vst v63  }
0x6a: {  	_ =	swait.ge [sflag:s20], $0x400  }
0x6b: {  	s0 =	rddreg [dreg:$0x5]  }
0x6c: {  	[sflag:s20] =	ssyncset.done $0x0;
	s31 =	rddreg [dreg:$0x4]  }
0x6d: {  	s2 =	rddreg [dreg:$0x8];
	[sflag:s20] =	ssyncadd.s32 $0xFFFFFC00  }
0x6e: {  	[tilespmem:s31], [sflag:$0x2] =	stream.indirect.gather [hbm4b:s1+s12], $0x40, s19, s12, $0xb8;
	[tilespmem:$0x11200] =	vst v63  }
0x6f: {  	s11 =	rddreg [dreg:$0x6]  }
0x70: {  	[tilespmem:s11], [sflag:$0x2] =	stream.indirect.gather [hbm4b:s1+s12], $0x40, s0, s12, $0xb8;
	[tilespmem:$0x11200] =	vst v63  }
0x71: {  	s31 =	rddreg [dreg:$0x7]  }
0x72: {  	[tilespmem:s2], [sflag:$0x2] =	stream.indirect.gather [hbm4b:s1+s12], $0x40, s31, s12, $0xb8;
	[tilespmem:$0x11200] =	vst v63  }
0x73: {  	s11 =	rddreg [dreg:$0x9]  }
0x74: {  	[tilespmem:s21], [sflag:$0x2] =	stream.indirect.gather [hbm4b:s1+s12], $0x40, s11, s12, $0xb8;
	[tilespmem:$0x11200] =	vst v63  }
0x75: {  	_ =	swait.ge [sflag:s22], $0x2000  }
0x76: {  	[sflag:s22] =	ssyncset.done $0x0  }
0x77: {  	[sflag:s22] =	ssyncadd.s32 $0xFFFFE000  }
0x78: {  	_ =	swait.ge [sflag:s22], $0x2000  }
0x79: {  	[sflag:s22] =	ssyncset.done $0x0  }
0x7a: {  	[sflag:s22] =	ssyncadd.s32 $0xFFFFE000  }
0x7b: {  	_ =	swait.ge [sflag:s22], $0x2000  }
0x7c: {  	[sflag:s22] =	ssyncset.done $0x0  }
0x7d: {  	[sflag:s22] =	ssyncadd.s32 $0xFFFFE000  }
0x7e: {  	_ =	swait.ge [sflag:s22], $0x2000  }
0x7f: {  	[sflag:s22] =	ssyncset.done $0x0  }
0x80: {  	p1 =	seq.s32 s28, $0x5400;
	[sflag:s22] =	ssyncadd.s32 $0xFFFFE000  }
0x81: {  	[hbm4b:s26+s3] =	stream.linear.scatter [tilespmem:s23], [sflag:$0x4], $0x200, $0x38;
	[tilespmem:$0x11200] =	vst v63  }
0x82: {  	s0 =	sadd.s32 @!p1 s28, s8;
	_ =	swait.ge [sflag:s20], $0x200  }
0x83: {  	s0 =	sadd.s32 @!p1 $0x100, s0;
	[sflag:s20] =	ssyncset.done $0x0  }
0x84: {  	s31 =	simm.s32 @!p1 $0x4;
	s11 =	simm.s32 @!p1 $0x0;
	[sflag:s20] =	ssyncadd.s32 $0xFFFFFE00  }
0x85: {  	[tilespmem:s11], [sflag:$0x4] =	stream.linear.gather @!p1 [hbm4b:s0+s11], $0x400, $0x38;
	[tilespmem:$0x11200] =	vst v63  }
0x86: {  	_ =	swait.ge @!p1 [sflag:s31], $0x400  }
0x87: {  	s2 =	sadd.s32 @!p1 s28, s9;
	[sflag:s31] =	ssyncset.done @!p1 $0x0  }
0x88: {  	s2 =	sadd.s32 @!p1 $0x100, s2;
	s0 =	simm.s32 @!p1 $0x800;
	[sflag:s31] =	ssyncadd.s32 @!p1 $0xFFFFFC00  }
0x89: {  	[tilespmem:s0], [sflag:$0x4] =	stream.linear.gather @!p1 [hbm4b:s2+s11], $0x400, $0x38;
	[tilespmem:$0x11200] =	vst v63  }
0x8a: {  	_ =	swait.ge @!p1 [sflag:s31], $0x400  }
0x8b: {  	s30 =	smov.u32 s29;
	[sflag:s31] =	ssyncset.done @!p1 $0x0  }
0x8c: {  	s0 =	simm.s32 @!p1 $0x80;
	s2 =	simm.s32 @!p1 $0x1000;
	[sflag:s31] =	ssyncadd.s32 @!p1 $0xFFFFFC00  }
0x8d: {  	[tilespmem:s2], [sflag:$0x1] =	stream.indirect.gather @!p1 [hbm4b:s1+s0], $0x40, s11, s0, $0xb8;
	[tilespmem:$0x11200] =	vst v63  }
0x8e: {  	s28 =	smov.u32 s30;
	s30 =	simm.s32 @!p1 $0x3000  }
0x8f: {  	[tilespmem:s30], [sflag:$0x1] =	stream.indirect.gather @!p1 [hbm4b:s1+s0], $0x40, s0, s0, $0xb8;
	[tilespmem:$0x11200] =	vst v63  }
0x90: {  	s2 =	simm.s32 @!p1 $0x100;
	s11 =	simm.s32 @!p1 $0x5000  }
0x91: {  	[tilespmem:s11], [sflag:$0x1] =	stream.indirect.gather @!p1 [hbm4b:s1+s0], $0x40, s2, s0, $0xb8;
	[tilespmem:$0x11200] =	vst v63  }
0x92: {  	s31 =	simm.s32 @!p1 $0x7000;
	s30 =	simm.s32 @!p1 $0x180  }
0x93: {  	[tilespmem:s31], [sflag:$0x1] =	stream.indirect.gather @!p1 [hbm4b:s1+s0], $0x40, s30, s0, $0xb8;
	[tilespmem:$0x11200] =	vst v63  }
0x94: {  	_ =	swait.ge [sflag:s24], $0x2000  }
0x95: {  	[sflag:s24] =	ssyncset.done $0x0  }
0x96: {  	[sflag:s24] =	ssyncadd.s32 $0xFFFFE000  }
0x97: {  	_ =	swait.ge [sflag:s24], $0x2000  }
0x98: {  	[sflag:s24] =	ssyncset.done $0x0  }
0x99: {  	[sflag:s24] =	ssyncadd.s32 $0xFFFFE000  }
0x9a: {  	s29 =	sadd.s32 $0x100, s29;
	_ =	swait.ge [sflag:s24], $0x2000  }
0x9b: {  	p0 =	sne.s32 s29, $0x5500;
	[sflag:s24] =	ssyncset.done $0x0  }
.Ltmp0:
0x9c: {  	[sflag:s24] =	ssyncadd.s32 $0xFFFFE000;
	(pc) =	sbr.rel @p0 .LBB2_2-.Ltmp0, $4  }
0x9d: {  	_ =	swait.ge [sflag:s24], $0x2000  }
0x9e: {  	[sflag:s24] =	ssyncset.done $0x0  }
0x9f: {  	s31 =	sadd.s32 $0x40, s26;
	s26 =	sadd.s32 $0x80, s26;
	[sflag:s24] =	ssyncadd.s32 $0xFFFFE000  }
0xa0: {  	[hbm4b:s31+s3] =	stream.linear.scatter [tilespmem:s23], [sflag:$0x3], $0x200, $0x38;
	[tilespmem:$0x11200] =	vst v63  }
0xa1: {  	_ =	swait.ge [sflag:s10], $0x200  }
0xa2: {  	s0 =	sadd.s32 s28, s8;
	[sflag:s10] =	ssyncset.done $0x0  }
0xa3: {  	s0 =	sadd.s32 $0x80, s0;
	[sflag:s10] =	ssyncadd.s32 $0xFFFFFE00  }
0xa4: {  	[tilespmem:s19], [sflag:$0x4] =	stream.linear.gather [hbm4b:s0+s3], $0x400, $0x38;
	[tilespmem:$0x11200] =	vst v63  }
0xa5: {  	_ =	swait.ge [sflag:s20], $0x400  }
0xa6: {  	s2 =	sadd.s32 s28, s9;
	[sflag:s20] =	ssyncset.done $0x0  }
0xa7: {  	s2 =	sadd.s32 $0x80, s2;
	s29 =	rddreg [dreg:$0x3];
	[sflag:s20] =	ssyncadd.s32 $0xFFFFFC00  }
0xa8: {  	[tilespmem:s29], [sflag:$0x4] =	stream.linear.gather [hbm4b:s2+s3], $0x400, $0x38;
	[tilespmem:$0x11200] =	vst v63  }
0xa9: {  	_ =	swait.ge [sflag:s20], $0x400  }
0xaa: {  	s0 =	rddreg [dreg:$0x5]  }
0xab: {  	s30 =	rddreg [dreg:$0x4];
	[sflag:s20] =	ssyncset.done $0x0  }
0xac: {  	s11 =	rddreg [dreg:$0x8];
	[sflag:s20] =	ssyncadd.s32 $0xFFFFFC00  }
0xad: {  	[tilespmem:s30], [sflag:$0x2] =	stream.indirect.gather [hbm4b:s1+s12], $0x40, s19, s12, $0xb8;
	[tilespmem:$0x11200] =	vst v63  }
0xae: {  	s29 =	rddreg [dreg:$0x6]  }
0xaf: {  	[tilespmem:s29], [sflag:$0x2] =	stream.indirect.gather [hbm4b:s1+s12], $0x40, s0, s12, $0xb8;
	[tilespmem:$0x11200] =	vst v63  }
0xb0: {  	s31 =	rddreg [dreg:$0x7]  }
0xb1: {  	[tilespmem:s11], [sflag:$0x2] =	stream.indirect.gather [hbm4b:s1+s12], $0x40, s31, s12, $0xb8;
	[tilespmem:$0x11200] =	vst v63  }
0xb2: {  	s30 =	rddreg [dreg:$0x9]  }
0xb3: {  	[tilespmem:s21], [sflag:$0x2] =	stream.indirect.gather [hbm4b:s1+s12], $0x40, s30, s12, $0xb8;
	[tilespmem:$0x11200] =	vst v63  }
0xb4: {  	_ =	swait.ge [sflag:s22], $0x2000  }
0xb5: {  	[sflag:s22] =	ssyncset.done $0x0  }
0xb6: {  	[sflag:s22] =	ssyncadd.s32 $0xFFFFE000  }
0xb7: {  	_ =	swait.ge [sflag:s22], $0x2000  }
0xb8: {  	[sflag:s22] =	ssyncset.done $0x0  }
0xb9: {  	[sflag:s22] =	ssyncadd.s32 $0xFFFFE000  }
0xba: {  	_ =	swait.ge [sflag:s22], $0x2000  }
0xbb: {  	[sflag:s22] =	ssyncset.done $0x0  }
0xbc: {  	[sflag:s22] =	ssyncadd.s32 $0xFFFFE000  }
0xbd: {  	_ =	swait.ge [sflag:s22], $0x2000  }
0xbe: {  	[sflag:s22] =	ssyncset.done $0x0  }
0xbf: {  	[sflag:s22] =	ssyncadd.s32 $0xFFFFE000  }
0xc0: {  	[hbm4b:s26+s3] =	stream.linear.scatter [tilespmem:s23], [sflag:$0x4], $0x200, $0x38;
	[tilespmem:$0x11200] =	vst v63  }
0xc1: {  	p0 =	seq.s32 s28, $0x5400;
	_ =	swait.ge [sflag:s20], $0x200  }
0xc2: {  	s2 =	simm.s32 @!p0 $0x0;
	s0 =	sadd.s32 @!p0 s28, s8;
	[sflag:s20] =	ssyncset.done $0x0  }
0xc3: {  	s0 =	sadd.s32 @!p0 $0x100, s0;
	s11 =	simm.s32 @!p0 $0x4;
	[sflag:s20] =	ssyncadd.s32 $0xFFFFFE00  }
0xc4: {  	[tilespmem:s2], [sflag:$0x4] =	stream.linear.gather @!p0 [hbm4b:s0+s2], $0x400, $0x38;
	[tilespmem:$0x11200] =	vst v63  }
0xc5: {  	_ =	swait.ge @!p0 [sflag:s11], $0x400  }
0xc6: {  	s0 =	sadd.s32 @!p0 s28, s9;
	[sflag:s11] =	ssyncset.done @!p0 $0x0  }
0xc7: {  	s28 =	simm.s32 @!p0 $0x800;
	s0 =	sadd.s32 @!p0 $0x100, s0;
	[sflag:s11] =	ssyncadd.s32 @!p0 $0xFFFFFC00  }
0xc8: {  	[tilespmem:s28], [sflag:$0x4] =	stream.linear.gather @!p0 [hbm4b:s0+s2], $0x400, $0x38;
	[tilespmem:$0x11200] =	vst v63  }
0xc9: {  	_ =	swait.ge @!p0 [sflag:s11], $0x400  }
0xca: {  	[sflag:s11] =	ssyncset.done @!p0 $0x0  }
0xcb: {  	s0 =	simm.s32 @!p0 $0x80;
	s28 =	simm.s32 @!p0 $0x1000;
	[sflag:s11] =	ssyncadd.s32 @!p0 $0xFFFFFC00  }
0xcc: {  	[tilespmem:s28], [sflag:$0x1] =	stream.indirect.gather @!p0 [hbm4b:s1+s0], $0x40, s2, s0, $0xb8;
	[tilespmem:$0x11200] =	vst v63  }
0xcd: {  	s2 =	simm.s32 @!p0 $0x3000  }
0xce: {  	[tilespmem:s2], [sflag:$0x1] =	stream.indirect.gather @!p0 [hbm4b:s1+s0], $0x40, s0, s0, $0xb8;
	[tilespmem:$0x11200] =	vst v63  }
0xcf: {  	s11 =	simm.s32 @!p0 $0x5000;
	s2 =	simm.s32 @!p0 $0x100  }
0xd0: {  	[tilespmem:s11], [sflag:$0x1] =	stream.indirect.gather @!p0 [hbm4b:s1+s0], $0x40, s2, s0, $0xb8;
	[tilespmem:$0x11200] =	vst v63  }
0xd1: {  	s2 =	simm.s32 @!p0 $0x180;
	s11 =	simm.s32 @!p0 $0x7000  }
0xd2: {  	[tilespmem:s11], [sflag:$0x1] =	stream.indirect.gather @!p0 [hbm4b:s1+s0], $0x40, s2, s0, $0xb8;
	[tilespmem:$0x11200] =	vst v63  }
0xd3: {  	_ =	swait.ge [sflag:s24], $0x2000  }
0xd4: {  	[sflag:s24] =	ssyncset.done $0x0  }
0xd5: {  	[sflag:s24] =	ssyncadd.s32 $0xFFFFE000  }
0xd6: {  	_ =	swait.ge [sflag:s24], $0x2000  }
0xd7: {  	[sflag:s24] =	ssyncset.done $0x0  }
0xd8: {  	[sflag:s24] =	ssyncadd.s32 $0xFFFFE000  }
0xd9: {  	_ =	swait.ge [sflag:s24], $0x2000  }
0xda: {  	[sflag:s24] =	ssyncset.done $0x0  }
0xdb: {  	[sflag:s24] =	ssyncadd.s32 $0xFFFFE000  }
0xdc: {  	s25 =	sadd.s32 $0x1, s25;
	_ =	swait.ge [sflag:s24], $0x2000  }
0xdd: {  	p0 =	sne.s32 s25, s6;
	[sflag:s24] =	ssyncset.done $0x0  }
.Ltmp1:
0xde: {  	s31 =	sadd.s32 $0x40, s26;
	[sflag:s24] =	ssyncadd.s32 $0xFFFFE000;
	(pc) =	sbr.rel @p0 .LBB2_1-.Ltmp1, $4  }
0xdf: {  	[hbm4b:s31+s3] =	stream.linear.scatter [tilespmem:s23], [sflag:$0x3], $0x200, $0x38;
	[tilespmem:$0x11200] =	vst v63  }
0xe0: {  	_ =	swait.ge [sflag:s10], $0x200  }
0xe1: {  	[sflag:s10] =	ssyncset.done $0x0  }
0xe2: {  	[sflag:s10] =	ssyncadd.s32 $0xFFFFFE00  }
0xe3: {  	_ =	sfence.sel $0x180000  }
0xe4: {  	[bflag:$0x0] =	sbarrier.arrive $0xFFFF  }
0xe5: {  	_ =	strace $0x90000047  }
0xe6: {  	s0 =	stileid.u32;
	[bflag:$0x2] =	sbarrier.arrive $0xFFFF  }
0xe7: {  	p0 =	sne.s32 s0, $0x0;
	s0 =	rddreg [dreg:$0x2]  }
0xe8: {  	s0 =	sadd.s32 @!p0 $0x100000, s0  }
0xe9: {  	[sflag:s0] =	ssyncadd.tile.s32 @!p0 $0x1;
	_ =	shalt  }
.Lfunc_end2:
_tile_overlayer_lowered:
.L_overlay_start_2:
0xea: {  	(tag) =	ssettag $0x2  }
0xeb: {  	s0 =	rddreg [dreg:$0x0];
	s2 =	stileid.u32  }
0xec: {  	s1 =	rddreg [dreg:$0x1];
	p0 =	sne.s32 s2, $0x0  }
0xed: {  	s3 =	rddreg [dreg:$0x2];
	[bflag:$0x3] =	sbarrier.arrive $0xFFFF;
	s2 =	simm.s32 @!p0 $0x1C03  }
0xee: {  	[timem:s3], [sflag:s2] =	dma.local @!p0 [hbm:s0], s1  }
0xef: {  	s0 =	simm.s32 @!p0 $0x3  }
0xf0: {  	_ =	swait.ge @!p0 [sflag:s0], s1  }
0xf1: {  	s1 =	ssub.s32 @!p0 $0x0, s1;
	[sflag:s0] =	ssyncset.done @!p0 $0x0  }
0xf2: {  	[sflag:s0] =	ssyncadd.s32 @!p0 s1  }
0xf3: {  	[bflag:$0x3] =	sbarrier.arrive $0xFFFF  }
0xf4: {  	_ =	shalt  }

</sc_bundles>
